<compile_context>
chip_gen: v7x
topology: tpu7x:2x2x1
jax: 0.10.2.dev20260603
libtpu: 0.0.44.dev20260713+nightly
codegen_flags: <defaults>
</compile_context>

<pallas_src>
import functools

import jax
import jax.numpy as jnp
from jax import lax
from jax.experimental import pallas as pl
from jax.experimental.pallas import tpu as pltpu
from jax.experimental.pallas import tpu_sc as plsc

NUM_CORES = 2
NUM_SUBCORES = 16
NUM_WORKERS = NUM_CORES * NUM_SUBCORES

LANES = 16
TILE_I = 128
TILE_K = 8
NJ = 8


def _emb_kernel(n_it, s, v, d, table_hbm, x_hbm, out_hbm,
                table_v, idx_v, to_v, sem):
    cid = lax.axis_index("c")
    sid = lax.axis_index("s")
    wid = sid * NUM_CORES + cid
    chunk_words = TILE_I * s

    pltpu.sync_copy(table_hbm, table_v)

    il_vecs = [(jnp.arange(LANES, dtype=jnp.int32) + v8 * LANES) * s
               for v8 in range(TILE_I // LANES)]

    def chunk_body(c, carry):
        iti = wid * n_it + c
        base = pl.multiple_of(iti * chunk_words, 8)
        pltpu.sync_copy(x_hbm.at[pl.ds(base, chunk_words)], idx_v)

        last_v8 = TILE_I // LANES - 1

        def j_body(jj, carry2):
            j = jj * 2
            j_l = lax.rem(j, NJ)
            g = lax.div(j, NJ)
            buf = lax.rem(g, 2)

            @pl.when(jnp.logical_and(j_l == 0, g >= 2))
            def _():
                pltpu.make_async_copy(
                    to_v.at[0],
                    out_hbm.at[pl.ds(0, NJ), :, 0],
                    sem,
                ).wait()

            def store_one(jlv, v8, k, val):
                to_v[buf, jlv, k // TILE_K, k % TILE_K,
                     pl.ds(v8 * LANES, LANES)] = val

            def process(jv, jlv, prev_vals, prev_jl):
                xvds = [plsc.load_gather(idx_v, [il_vecs[v8] + jv]) * d
                        for v8 in range(TILE_I // LANES)]
                vals = []
                for k in range(d):
                    vals.append(plsc.load_gather(table_v, [xvds[0] + k]))
                    if prev_vals is not None:
                        store_one(prev_jl, last_v8, k, prev_vals[k])
                for v8 in range(1, TILE_I // LANES):
                    nxt = []
                    for k in range(d):
                        nxt.append(
                            plsc.load_gather(table_v, [xvds[v8] + k]))
                        store_one(jlv, v8 - 1, k, vals[k])
                    vals = nxt
                return vals

            vals0 = process(j, j_l, None, None)
            vals1 = process(j + 1, j_l + 1, vals0, j_l)
            for k in range(d):
                store_one(j_l + 1, last_v8, k, vals1[k])

            @pl.when(j_l == NJ - 2)
            def _():
                j0 = pl.multiple_of(j - (NJ - 2), NJ)
                pltpu.async_copy(
                    to_v.at[buf],
                    out_hbm.at[pl.ds(j0, NJ), :, iti],
                    sem,
                )
            return carry2

        lax.fori_loop(0, s // 2, j_body, 0)

        for _ in range(2):
            pltpu.make_async_copy(
                to_v.at[0],
                out_hbm.at[pl.ds(0, NJ), :, 0],
                sem,
            ).wait()
        return carry

    lax.fori_loop(0, n_it, chunk_body, 0)


def kernel(x, blosum):
    b0, s = x.shape
    v, d = blosum.shape
    assert b0 % (NUM_WORKERS * TILE_I) == 0
    assert d % TILE_K == 0 and s % NJ == 0
    n_it = b0 // (NUM_WORKERS * TILE_I)
    kt_n = d // TILE_K

    idx = x.reshape(b0 * s).astype(jnp.int32)
    table = blosum.reshape(v * d)

    mesh = plsc.VectorSubcoreMesh(
        core_axis_name="c", subcore_axis_name="s",
        num_cores=NUM_CORES, num_subcores=NUM_SUBCORES,
    )
    emb = pl.kernel(
        functools.partial(_emb_kernel, n_it, s, v, d),
        out_type=jax.ShapeDtypeStruct(
            (s, kt_n, b0 // TILE_I, TILE_K, TILE_I), jnp.float32),
        mesh=mesh,
        scratch_types=[
            pltpu.VMEM((v * d,), jnp.float32),
            pltpu.VMEM((TILE_I * s,), jnp.int32),
            pltpu.VMEM((2, NJ, kt_n, TILE_K, TILE_I), jnp.float32),
            pltpu.SemaphoreType.DMA,
        ],
        compiler_params=pltpu.CompilerParams(
            use_tc_tiling_on_sc=False, needs_layout_passes=False),
    )
    out5 = emb(table, idx)
    return out5.transpose(2, 4, 0, 1, 3).reshape(b0, s, d)

# --- scband reference (transcript-rebuilt; emitter-appended) ---
"""Pipeline reference for scband-blosum-embedding-46420006535512 (READ-ONLY COPY).

The authoritative reference and input builder live on the scoring server;
editing this copy changes nothing except your own understanding.
"""

import jax, jax.numpy as jnp
import numpy as np

VOCAB = 24
EMBED_DIM = 24

def setup_inputs(seed: int = 0) -> dict:
    key = jax.random.key(seed)
    k1, k2 = jax.random.split(key)
    # Stand-in for the pretrained BLOSUM50 substitution matrix (24 amino-acid symbols x 24 scores).
    blosum = jax.random.normal(k1, (VOCAB, EMBED_DIM), dtype=jnp.float32)
    x = jax.random.randint(k2, (16384, 200), 0, VOCAB, dtype=jnp.int64)
    return {"x": x, "blosum": blosum}

def reference(x, blosum):
    # nn.Embedding.from_pretrained(blosum50)(x) -> row gather
    return jnp.take(blosum, x, axis=0)

if __name__ == "__main__":
    import jax
    _d = setup_inputs()
    print(jax.jit(kernel)(*tuple(_d.values())))

</pallas_src>

<mosaic_0001>
#map = affine_map<(d0, d1) -> (0)>
#map1 = affine_map<(d0, d1) -> (0, 0, 0, 0, 0)>
module attributes {stable_mosaic.version = 14 : i64} {
  func.func @_emb_kernel(%arg0: i32, %arg1: i32, %arg2: memref<576xf32, #tpu.memory_space<hbm>>, %arg3: memref<3276800xi32, #tpu.memory_space<hbm>>, %arg4: memref<200x3x128x8x128xf32, #tpu.memory_space<hbm>>, %arg5: memref<576xf32, #tpu.memory_space<vmem>>, %arg6: memref<25600xi32, #tpu.memory_space<vmem>>, %arg7: memref<2x8x3x8x128xf32, #tpu.memory_space<vmem>>, %arg8: memref<!tpu.dma_semaphore, #tpu.memory_space<semaphore_mem>>) attributes {dimension_semantics = [#tpu.dimension_semantics<core_parallel>, #tpu.dimension_semantics<subcore_parallel>], iteration_bounds = array<i64: 2, 16>, scalar_prefetch = 0 : i64, scratch_operands = 4 : i64, tpu.core_type = #tpu.core_type<sc_vector_subcore>, window_params = [{transform_indices = #map}, {transform_indices = #map}, {transform_indices = #map1}]} {
    %mul3A = arith.constant 2 : i32
    %mul3A_0 = arith.muli %arg1, %mul3A : i32
    %add3A = arith.addi %mul3A_0, %arg0 : i32
    "tpu.region"() ({
      %run_scoped3A = tpu.sem_alloc : memref<!tpu.dma_semaphore, #tpu.memory_space<semaphore_mem>>
      tpu.enqueue_dma source(%arg2 : memref<576xf32, #tpu.memory_space<hbm>>) target(%arg5 : memref<576xf32, #tpu.memory_space<vmem>>) target_semaphore(%run_scoped3A : memref<!tpu.dma_semaphore, #tpu.memory_space<semaphore_mem>>)
      tpu.wait_dma2 semaphore(%run_scoped3A : memref<!tpu.dma_semaphore, #tpu.memory_space<semaphore_mem>>) src(%arg2 : memref<576xf32, #tpu.memory_space<hbm>>) dst(%arg5 : memref<576xf32, #tpu.memory_space<vmem>>)
      tpu.yield
    }) : () -> ()
    %iota3A = tpu.iota {dimensions = array<i32: 0>} : vector<16xi32>
    %add3A_1 = arith.constant 0 : i32
    %add3A_2 = vector.broadcast %add3A_1 : i32 to vector<16xi32>
    %add3A_3 = arith.addi %iota3A, %add3A_2 : vector<16xi32>
    %mul3A_4 = arith.constant 200 : i32
    %mul3A_5 = vector.broadcast %mul3A_4 : i32 to vector<16xi32>
    %mul3A_6 = arith.muli %add3A_3, %mul3A_5 : vector<16xi32>
    %iota3A_7 = tpu.iota {dimensions = array<i32: 0>} : vector<16xi32>
    %add3A_8 = arith.constant 16 : i32
    %add3A_9 = vector.broadcast %add3A_8 : i32 to vector<16xi32>
    %add3A_10 = arith.addi %iota3A_7, %add3A_9 : vector<16xi32>
    %mul3A_11 = arith.constant 200 : i32
    %mul3A_12 = vector.broadcast %mul3A_11 : i32 to vector<16xi32>
    %mul3A_13 = arith.muli %add3A_10, %mul3A_12 : vector<16xi32>
    %iota3A_14 = tpu.iota {dimensions = array<i32: 0>} : vector<16xi32>
    %add3A_15 = arith.constant 32 : i32
    %add3A_16 = vector.broadcast %add3A_15 : i32 to vector<16xi32>
    %add3A_17 = arith.addi %iota3A_14, %add3A_16 : vector<16xi32>
    %mul3A_18 = arith.constant 200 : i32
    %mul3A_19 = vector.broadcast %mul3A_18 : i32 to vector<16xi32>
    %mul3A_20 = arith.muli %add3A_17, %mul3A_19 : vector<16xi32>
    %iota3A_21 = tpu.iota {dimensions = array<i32: 0>} : vector<16xi32>
    %add3A_22 = arith.constant 48 : i32
    %add3A_23 = vector.broadcast %add3A_22 : i32 to vector<16xi32>
    %add3A_24 = arith.addi %iota3A_21, %add3A_23 : vector<16xi32>
    %mul3A_25 = arith.constant 200 : i32
    %mul3A_26 = vector.broadcast %mul3A_25 : i32 to vector<16xi32>
    %mul3A_27 = arith.muli %add3A_24, %mul3A_26 : vector<16xi32>
    %iota3A_28 = tpu.iota {dimensions = array<i32: 0>} : vector<16xi32>
    %add3A_29 = arith.constant 64 : i32
    %add3A_30 = vector.broadcast %add3A_29 : i32 to vector<16xi32>
    %add3A_31 = arith.addi %iota3A_28, %add3A_30 : vector<16xi32>
    %mul3A_32 = arith.constant 200 : i32
    %mul3A_33 = vector.broadcast %mul3A_32 : i32 to vector<16xi32>
    %mul3A_34 = arith.muli %add3A_31, %mul3A_33 : vector<16xi32>
    %iota3A_35 = tpu.iota {dimensions = array<i32: 0>} : vector<16xi32>
    %add3A_36 = arith.constant 80 : i32
    %add3A_37 = vector.broadcast %add3A_36 : i32 to vector<16xi32>
    %add3A_38 = arith.addi %iota3A_35, %add3A_37 : vector<16xi32>
    %mul3A_39 = arith.constant 200 : i32
    %mul3A_40 = vector.broadcast %mul3A_39 : i32 to vector<16xi32>
    %mul3A_41 = arith.muli %add3A_38, %mul3A_40 : vector<16xi32>
    %iota3A_42 = tpu.iota {dimensions = array<i32: 0>} : vector<16xi32>
    %add3A_43 = arith.constant 96 : i32
    %add3A_44 = vector.broadcast %add3A_43 : i32 to vector<16xi32>
    %add3A_45 = arith.addi %iota3A_42, %add3A_44 : vector<16xi32>
    %mul3A_46 = arith.constant 200 : i32
    %mul3A_47 = vector.broadcast %mul3A_46 : i32 to vector<16xi32>
    %mul3A_48 = arith.muli %add3A_45, %mul3A_47 : vector<16xi32>
    %iota3A_49 = tpu.iota {dimensions = array<i32: 0>} : vector<16xi32>
    %add3A_50 = arith.constant 112 : i32
    %add3A_51 = vector.broadcast %add3A_50 : i32 to vector<16xi32>
    %add3A_52 = arith.addi %iota3A_49, %add3A_51 : vector<16xi32>
    %mul3A_53 = arith.constant 200 : i32
    %mul3A_54 = vector.broadcast %mul3A_53 : i32 to vector<16xi32>
    %mul3A_55 = arith.muli %add3A_52, %mul3A_54 : vector<16xi32>
    %scan3A = arith.constant 0 : i32
    %scan3A_56 = arith.constant 0 : i32
    %scan3A_57 = arith.constant 4 : i32
    %scan3A_58 = arith.addi %scan3A_56, %scan3A_57 : i32
    %scan3A_59 = arith.constant 1 : i32
    scf.for %scan3A_61 = %scan3A_56 to %scan3A_58 step %scan3A_59  : i32 {
      %mul3A_62 = arith.constant 4 : i32
      %mul3A_63 = arith.muli %add3A, %mul3A_62 : i32
      %add3A_64 = arith.addi %mul3A_63, %scan3A_61 : i32
      %mul3A_65 = arith.constant 25600 : i32
      %mul3A_66 = arith.muli %add3A_64, %mul3A_65 : i32
      %multiple_of3A = tpu.assume_multiple %mul3A_66, 8 : i32
      "tpu.region"() ({
        %run_scoped3A = tpu.sem_alloc : memref<!tpu.dma_semaphore, #tpu.memory_space<semaphore_mem>>
        %dma_start3A = tpu.memref_slice %arg3[%multiple_of3A] : memref<3276800xi32, #tpu.memory_space<hbm>> -> memref<25600xi32, #tpu.memory_space<hbm>>
        %dma_start3A_124 = tpu.memref_slice %arg3[%multiple_of3A] : memref<3276800xi32, #tpu.memory_space<hbm>> -> memref<25600xi32, #tpu.memory_space<hbm>>
        tpu.enqueue_dma source(%dma_start3A_124 : memref<25600xi32, #tpu.memory_space<hbm>>) target(%arg6 : memref<25600xi32, #tpu.memory_space<vmem>>) target_semaphore(%run_scoped3A : memref<!tpu.dma_semaphore, #tpu.memory_space<semaphore_mem>>)
        %dma_wait3A_125 = tpu.memref_slice %arg3[%multiple_of3A] : memref<3276800xi32, #tpu.memory_space<hbm>> -> memref<25600xi32, #tpu.memory_space<hbm>>
        %dma_wait3A_126 = tpu.memref_slice %arg3[%multiple_of3A] : memref<3276800xi32, #tpu.memory_space<hbm>> -> memref<25600xi32, #tpu.memory_space<hbm>>
        tpu.wait_dma2 semaphore(%run_scoped3A : memref<!tpu.dma_semaphore, #tpu.memory_space<semaphore_mem>>) src(%dma_wait3A_126 : memref<25600xi32, #tpu.memory_space<hbm>>) dst(%arg6 : memref<25600xi32, #tpu.memory_space<vmem>>)
        tpu.yield
      }) : () -> ()
      %scan3A_67 = arith.constant 0 : i32
      %scan3A_68 = arith.constant 0 : i32
      %scan3A_69 = arith.constant 100 : i32
      %scan3A_70 = arith.addi %scan3A_68, %scan3A_69 : i32
      %scan3A_71 = arith.constant 1 : i32
      scf.for %scan3A_124 = %scan3A_68 to %scan3A_70 step %scan3A_71  : i32 {
        %mul3A_125 = arith.constant 2 : i32
        %mul3A_126 = arith.muli %scan3A_124, %mul3A_125 : i32
        %rem3A = arith.constant 8 : i32
        %rem3A_127 = arith.remsi %mul3A_126, %rem3A : i32
        %div3A = arith.constant 8 : i32
        %div3A_128 = arith.divsi %mul3A_126, %div3A : i32
        %rem3A_129 = arith.constant 2 : i32
        %rem3A_130 = arith.remsi %div3A_128, %rem3A_129 : i32
        %eq3A = arith.constant 0 : i32
        %eq3A_131 = arith.cmpi eq, %rem3A_127, %eq3A : i32
        %ge3A = arith.constant 2 : i32
        %ge3A_132 = arith.cmpi sge, %div3A_128, %ge3A : i32
        %and3A = arith.andi %eq3A_131, %ge3A_132 : i1
        %convert_element_type3A = arith.extui %and3A : i1 to i32
        %cond3A = arith.constant 0 : i32
        %cond3A_133 = arith.cmpi ne, %convert_element_type3A, %cond3A : i32
        scf.if %cond3A_133 {
          %dma_wait3A_4893 = arith.constant 0 : i32
          %dma_wait3A_4894 = arith.constant 0 : i32
          %dma_wait3A_4895 = arith.constant 0 : i32
          %dma_wait3A_4896 = arith.constant 0 : i32
          %dma_wait3A_4897 = arith.constant 0 : i32
          %dma_wait3A_4898 = arith.constant 0 : i32
          %dma_wait3A_4899 = tpu.memref_slice %arg7[%dma_wait3A_4893, %dma_wait3A_4895, %dma_wait3A_4896, %dma_wait3A_4897, %dma_wait3A_4898] : memref<2x8x3x8x128xf32, #tpu.memory_space<vmem>> -> memref<1x8x3x8x128xf32, #tpu.memory_space<vmem>>
          %dma_wait3A_4900 = tpu.memref_squeeze %dma_wait3A_4899 : memref<1x8x3x8x128xf32, #tpu.memory_space<vmem>> -> memref<8x3x8x128xf32, #tpu.memory_space<vmem>>
          %dma_wait3A_4901 = arith.constant 0 : i32
          %dma_wait3A_4902 = arith.constant 0 : i32
          %dma_wait3A_4903 = arith.constant 0 : i32
          %dma_wait3A_4904 = arith.constant 0 : i32
          %dma_wait3A_4905 = tpu.memref_slice %arg4[%dma_wait3A_4901, %dma_wait3A_4902, %dma_wait3A_4894, %dma_wait3A_4903, %dma_wait3A_4904] : memref<200x3x128x8x128xf32, #tpu.memory_space<hbm>> -> memref<8x3x1x8x128xf32, #tpu.memory_space<hbm>>
          %dma_wait3A_4906 = tpu.memref_squeeze %dma_wait3A_4905 : memref<8x3x1x8x128xf32, #tpu.memory_space<hbm>> -> memref<8x3x8x128xf32, #tpu.memory_space<hbm>>
          %dma_wait3A_4907 = arith.constant 0 : i32
          %dma_wait3A_4908 = arith.constant 0 : i32
          %dma_wait3A_4909 = arith.constant 0 : i32
          %dma_wait3A_4910 = arith.constant 0 : i32
          %dma_wait3A_4911 = tpu.memref_slice %arg4[%dma_wait3A_4907, %dma_wait3A_4908, %dma_wait3A_4894, %dma_wait3A_4909, %dma_wait3A_4910] : memref<200x3x128x8x128xf32, #tpu.memory_space<hbm>> -> memref<8x3x1x8x128xf32, #tpu.memory_space<hbm>>
          %dma_wait3A_4912 = tpu.memref_squeeze %dma_wait3A_4911 : memref<8x3x1x8x128xf32, #tpu.memory_space<hbm>> -> memref<8x3x8x128xf32, #tpu.memory_space<hbm>>
          %dma_wait3A_4913 = arith.constant 0 : i32
          %dma_wait3A_4914 = arith.constant 0 : i32
          %dma_wait3A_4915 = arith.constant 0 : i32
          %dma_wait3A_4916 = arith.constant 0 : i32
          %dma_wait3A_4917 = tpu.memref_slice %arg7[%dma_wait3A_4893, %dma_wait3A_4913, %dma_wait3A_4914, %dma_wait3A_4915, %dma_wait3A_4916] : memref<2x8x3x8x128xf32, #tpu.memory_space<vmem>> -> memref<1x8x3x8x128xf32, #tpu.memory_space<vmem>>
          %dma_wait3A_4918 = tpu.memref_squeeze %dma_wait3A_4917 : memref<1x8x3x8x128xf32, #tpu.memory_space<vmem>> -> memref<8x3x8x128xf32, #tpu.memory_space<vmem>>
          tpu.wait_dma2 semaphore(%arg8 : memref<!tpu.dma_semaphore, #tpu.memory_space<semaphore_mem>>) src(%dma_wait3A_4918 : memref<8x3x8x128xf32, #tpu.memory_space<vmem>>) dst(%dma_wait3A_4912 : memref<8x3x8x128xf32, #tpu.memory_space<hbm>>)
        } else {
        }
        %add3A_134 = vector.broadcast %mul3A_126 : i32 to vector<16xi32>
        %add3A_135 = arith.addi %mul3A_6, %add3A_134 : vector<16xi32>
        %gather3A = tpu.vector_load_idx %arg6[%add3A_135] : memref<25600xi32, #tpu.memory_space<vmem>>[vector<16xi32>], vector<16xi32>,
        %mul3A_136 = arith.constant 24 : i32
        %mul3A_137 = vector.broadcast %mul3A_136 : i32 to vector<16xi32>
        %mul3A_138 = arith.muli %gather3A, %mul3A_137 : vector<16xi32>
        %add3A_139 = vector.broadcast %mul3A_126 : i32 to vector<16xi32>
        %add3A_140 = arith.addi %mul3A_13, %add3A_139 : vector<16xi32>
        %gather3A_141 = tpu.vector_load_idx %arg6[%add3A_140] : memref<25600xi32, #tpu.memory_space<vmem>>[vector<16xi32>], vector<16xi32>,
        %mul3A_142 = arith.constant 24 : i32
        %mul3A_143 = vector.broadcast %mul3A_142 : i32 to vector<16xi32>
        %mul3A_144 = arith.muli %gather3A_141, %mul3A_143 : vector<16xi32>
        %add3A_145 = vector.broadcast %mul3A_126 : i32 to vector<16xi32>
        %add3A_146 = arith.addi %mul3A_20, %add3A_145 : vector<16xi32>
        %gather3A_147 = tpu.vector_load_idx %arg6[%add3A_146] : memref<25600xi32, #tpu.memory_space<vmem>>[vector<16xi32>], vector<16xi32>,
        %mul3A_148 = arith.constant 24 : i32
        %mul3A_149 = vector.broadcast %mul3A_148 : i32 to vector<16xi32>
        %mul3A_150 = arith.muli %gather3A_147, %mul3A_149 : vector<16xi32>
        %add3A_151 = vector.broadcast %mul3A_126 : i32 to vector<16xi32>
        %add3A_152 = arith.addi %mul3A_27, %add3A_151 : vector<16xi32>
        %gather3A_153 = tpu.vector_load_idx %arg6[%add3A_152] : memref<25600xi32, #tpu.memory_space<vmem>>[vector<16xi32>], vector<16xi32>,
        %mul3A_154 = arith.constant 24 : i32
        %mul3A_155 = vector.broadcast %mul3A_154 : i32 to vector<16xi32>
        %mul3A_156 = arith.muli %gather3A_153, %mul3A_155 : vector<16xi32>
        %add3A_157 = vector.broadcast %mul3A_126 : i32 to vector<16xi32>
        %add3A_158 = arith.addi %mul3A_34, %add3A_157 : vector<16xi32>
        %gather3A_159 = tpu.vector_load_idx %arg6[%add3A_158] : memref<25600xi32, #tpu.memory_space<vmem>>[vector<16xi32>], vector<16xi32>,
        %mul3A_160 = arith.constant 24 : i32
        %mul3A_161 = vector.broadcast %mul3A_160 : i32 to vector<16xi32>
        %mul3A_162 = arith.muli %gather3A_159, %mul3A_161 : vector<16xi32>
        %add3A_163 = vector.broadcast %mul3A_126 : i32 to vector<16xi32>
        %add3A_164 = arith.addi %mul3A_41, %add3A_163 : vector<16xi32>
        %gather3A_165 = tpu.vector_load_idx %arg6[%add3A_164] : memref<25600xi32, #tpu.memory_space<vmem>>[vector<16xi32>], vector<16xi32>,
        %mul3A_166 = arith.constant 24 : i32
        %mul3A_167 = vector.broadcast %mul3A_166 : i32 to vector<16xi32>
        %mul3A_168 = arith.muli %gather3A_165, %mul3A_167 : vector<16xi32>
        %add3A_169 = vector.broadcast %mul3A_126 : i32 to vector<16xi32>
        %add3A_170 = arith.addi %mul3A_48, %add3A_169 : vector<16xi32>
        %gather3A_171 = tpu.vector_load_idx %arg6[%add3A_170] : memref<25600xi32, #tpu.memory_space<vmem>>[vector<16xi32>], vector<16xi32>,
        %mul3A_172 = arith.constant 24 : i32
        %mul3A_173 = vector.broadcast %mul3A_172 : i32 to vector<16xi32>
        %mul3A_174 = arith.muli %gather3A_171, %mul3A_173 : vector<16xi32>
        %add3A_175 = vector.broadcast %mul3A_126 : i32 to vector<16xi32>
        %add3A_176 = arith.addi %mul3A_55, %add3A_175 : vector<16xi32>
        %gather3A_177 = tpu.vector_load_idx %arg6[%add3A_176] : memref<25600xi32, #tpu.memory_space<vmem>>[vector<16xi32>], vector<16xi32>,
        %mul3A_178 = arith.constant 24 : i32
        %mul3A_179 = vector.broadcast %mul3A_178 : i32 to vector<16xi32>
        %mul3A_180 = arith.muli %gather3A_177, %mul3A_179 : vector<16xi32>
        %add3A_181 = arith.constant 0 : i32
        %add3A_182 = vector.broadcast %add3A_181 : i32 to vector<16xi32>
        %add3A_183 = arith.addi %mul3A_138, %add3A_182 : vector<16xi32>
        %gather3A_184 = tpu.vector_load_idx %arg5[%add3A_183] : memref<576xf32, #tpu.memory_space<vmem>>[vector<16xi32>], vector<16xf32>,
        %add3A_185 = arith.constant 1 : i32
        %add3A_186 = vector.broadcast %add3A_185 : i32 to vector<16xi32>
        %add3A_187 = arith.addi %mul3A_138, %add3A_186 : vector<16xi32>
        %gather3A_188 = tpu.vector_load_idx %arg5[%add3A_187] : memref<576xf32, #tpu.memory_space<vmem>>[vector<16xi32>], vector<16xf32>,
        %add3A_189 = arith.constant 2 : i32
        %add3A_190 = vector.broadcast %add3A_189 : i32 to vector<16xi32>
        %add3A_191 = arith.addi %mul3A_138, %add3A_190 : vector<16xi32>
        %gather3A_192 = tpu.vector_load_idx %arg5[%add3A_191] : memref<576xf32, #tpu.memory_space<vmem>>[vector<16xi32>], vector<16xf32>,
        %add3A_193 = arith.constant 3 : i32
        %add3A_194 = vector.broadcast %add3A_193 : i32 to vector<16xi32>
        %add3A_195 = arith.addi %mul3A_138, %add3A_194 : vector<16xi32>
        %gather3A_196 = tpu.vector_load_idx %arg5[%add3A_195] : memref<576xf32, #tpu.memory_space<vmem>>[vector<16xi32>], vector<16xf32>,
        %add3A_197 = arith.constant 4 : i32
        %add3A_198 = vector.broadcast %add3A_197 : i32 to vector<16xi32>
        %add3A_199 = arith.addi %mul3A_138, %add3A_198 : vector<16xi32>
        %gather3A_200 = tpu.vector_load_idx %arg5[%add3A_199] : memref<576xf32, #tpu.memory_space<vmem>>[vector<16xi32>], vector<16xf32>,
        %add3A_201 = arith.constant 5 : i32
        %add3A_202 = vector.broadcast %add3A_201 : i32 to vector<16xi32>
        %add3A_203 = arith.addi %mul3A_138, %add3A_202 : vector<16xi32>
        %gather3A_204 = tpu.vector_load_idx %arg5[%add3A_203] : memref<576xf32, #tpu.memory_space<vmem>>[vector<16xi32>], vector<16xf32>,
        %add3A_205 = arith.constant 6 : i32
        %add3A_206 = vector.broadcast %add3A_205 : i32 to vector<16xi32>
        %add3A_207 = arith.addi %mul3A_138, %add3A_206 : vector<16xi32>
        %gather3A_208 = tpu.vector_load_idx %arg5[%add3A_207] : memref<576xf32, #tpu.memory_space<vmem>>[vector<16xi32>], vector<16xf32>,
        %add3A_209 = arith.constant 7 : i32
        %add3A_210 = vector.broadcast %add3A_209 : i32 to vector<16xi32>
        %add3A_211 = arith.addi %mul3A_138, %add3A_210 : vector<16xi32>
        %gather3A_212 = tpu.vector_load_idx %arg5[%add3A_211] : memref<576xf32, #tpu.memory_space<vmem>>[vector<16xi32>], vector<16xf32>,
        %add3A_213 = arith.constant 8 : i32
        %add3A_214 = vector.broadcast %add3A_213 : i32 to vector<16xi32>
        %add3A_215 = arith.addi %mul3A_138, %add3A_214 : vector<16xi32>
        %gather3A_216 = tpu.vector_load_idx %arg5[%add3A_215] : memref<576xf32, #tpu.memory_space<vmem>>[vector<16xi32>], vector<16xf32>,
        %add3A_217 = arith.constant 9 : i32
        %add3A_218 = vector.broadcast %add3A_217 : i32 to vector<16xi32>
        %add3A_219 = arith.addi %mul3A_138, %add3A_218 : vector<16xi32>
        %gather3A_220 = tpu.vector_load_idx %arg5[%add3A_219] : memref<576xf32, #tpu.memory_space<vmem>>[vector<16xi32>], vector<16xf32>,
        %add3A_221 = arith.constant 10 : i32
        %add3A_222 = vector.broadcast %add3A_221 : i32 to vector<16xi32>
        %add3A_223 = arith.addi %mul3A_138, %add3A_222 : vector<16xi32>
        %gather3A_224 = tpu.vector_load_idx %arg5[%add3A_223] : memref<576xf32, #tpu.memory_space<vmem>>[vector<16xi32>], vector<16xf32>,
        %add3A_225 = arith.constant 11 : i32
        %add3A_226 = vector.broadcast %add3A_225 : i32 to vector<16xi32>
        %add3A_227 = arith.addi %mul3A_138, %add3A_226 : vector<16xi32>
        %gather3A_228 = tpu.vector_load_idx %arg5[%add3A_227] : memref<576xf32, #tpu.memory_space<vmem>>[vector<16xi32>], vector<16xf32>,
        %add3A_229 = arith.constant 12 : i32
        %add3A_230 = vector.broadcast %add3A_229 : i32 to vector<16xi32>
        %add3A_231 = arith.addi %mul3A_138, %add3A_230 : vector<16xi32>
        %gather3A_232 = tpu.vector_load_idx %arg5[%add3A_231] : memref<576xf32, #tpu.memory_space<vmem>>[vector<16xi32>], vector<16xf32>,
        %add3A_233 = arith.constant 13 : i32
        %add3A_234 = vector.broadcast %add3A_233 : i32 to vector<16xi32>
        %add3A_235 = arith.addi %mul3A_138, %add3A_234 : vector<16xi32>
        %gather3A_236 = tpu.vector_load_idx %arg5[%add3A_235] : memref<576xf32, #tpu.memory_space<vmem>>[vector<16xi32>], vector<16xf32>,
        %add3A_237 = arith.constant 14 : i32
        %add3A_238 = vector.broadcast %add3A_237 : i32 to vector<16xi32>
        %add3A_239 = arith.addi %mul3A_138, %add3A_238 : vector<16xi32>
        %gather3A_240 = tpu.vector_load_idx %arg5[%add3A_239] : memref<576xf32, #tpu.memory_space<vmem>>[vector<16xi32>], vector<16xf32>,
        %add3A_241 = arith.constant 15 : i32
        %add3A_242 = vector.broadcast %add3A_241 : i32 to vector<16xi32>
        %add3A_243 = arith.addi %mul3A_138, %add3A_242 : vector<16xi32>
        %gather3A_244 = tpu.vector_load_idx %arg5[%add3A_243] : memref<576xf32, #tpu.memory_space<vmem>>[vector<16xi32>], vector<16xf32>,
        %add3A_245 = arith.constant 16 : i32
        %add3A_246 = vector.broadcast %add3A_245 : i32 to vector<16xi32>
        %add3A_247 = arith.addi %mul3A_138, %add3A_246 : vector<16xi32>
        %gather3A_248 = tpu.vector_load_idx %arg5[%add3A_247] : memref<576xf32, #tpu.memory_space<vmem>>[vector<16xi32>], vector<16xf32>,
        %add3A_249 = arith.constant 17 : i32
        %add3A_250 = vector.broadcast %add3A_249 : i32 to vector<16xi32>
        %add3A_251 = arith.addi %mul3A_138, %add3A_250 : vector<16xi32>
        %gather3A_252 = tpu.vector_load_idx %arg5[%add3A_251] : memref<576xf32, #tpu.memory_space<vmem>>[vector<16xi32>], vector<16xf32>,
        %add3A_253 = arith.constant 18 : i32
        %add3A_254 = vector.broadcast %add3A_253 : i32 to vector<16xi32>
        %add3A_255 = arith.addi %mul3A_138, %add3A_254 : vector<16xi32>
        %gather3A_256 = tpu.vector_load_idx %arg5[%add3A_255] : memref<576xf32, #tpu.memory_space<vmem>>[vector<16xi32>], vector<16xf32>,
        %add3A_257 = arith.constant 19 : i32
        %add3A_258 = vector.broadcast %add3A_257 : i32 to vector<16xi32>
        %add3A_259 = arith.addi %mul3A_138, %add3A_258 : vector<16xi32>
        %gather3A_260 = tpu.vector_load_idx %arg5[%add3A_259] : memref<576xf32, #tpu.memory_space<vmem>>[vector<16xi32>], vector<16xf32>,
        %add3A_261 = arith.constant 20 : i32
        %add3A_262 = vector.broadcast %add3A_261 : i32 to vector<16xi32>
        %add3A_263 = arith.addi %mul3A_138, %add3A_262 : vector<16xi32>
        %gather3A_264 = tpu.vector_load_idx %arg5[%add3A_263] : memref<576xf32, #tpu.memory_space<vmem>>[vector<16xi32>], vector<16xf32>,
        %add3A_265 = arith.constant 21 : i32
        %add3A_266 = vector.broadcast %add3A_265 : i32 to vector<16xi32>
        %add3A_267 = arith.addi %mul3A_138, %add3A_266 : vector<16xi32>
        %gather3A_268 = tpu.vector_load_idx %arg5[%add3A_267] : memref<576xf32, #tpu.memory_space<vmem>>[vector<16xi32>], vector<16xf32>,
        %add3A_269 = arith.constant 22 : i32
        %add3A_270 = vector.broadcast %add3A_269 : i32 to vector<16xi32>
        %add3A_271 = arith.addi %mul3A_138, %add3A_270 : vector<16xi32>
        %gather3A_272 = tpu.vector_load_idx %arg5[%add3A_271] : memref<576xf32, #tpu.memory_space<vmem>>[vector<16xi32>], vector<16xf32>,
        %add3A_273 = arith.constant 23 : i32
        %add3A_274 = vector.broadcast %add3A_273 : i32 to vector<16xi32>
        %add3A_275 = arith.addi %mul3A_138, %add3A_274 : vector<16xi32>
        %gather3A_276 = tpu.vector_load_idx %arg5[%add3A_275] : memref<576xf32, #tpu.memory_space<vmem>>[vector<16xi32>], vector<16xf32>,
        %add3A_277 = arith.constant 0 : i32
        %add3A_278 = vector.broadcast %add3A_277 : i32 to vector<16xi32>
        %add3A_279 = arith.addi %mul3A_144, %add3A_278 : vector<16xi32>
        %gather3A_280 = tpu.vector_load_idx %arg5[%add3A_279] : memref<576xf32, #tpu.memory_space<vmem>>[vector<16xi32>], vector<16xf32>,
        %swap3A = arith.constant 0 : i32
        %swap3A_281 = arith.constant 0 : i32
        %swap3A_282 = arith.index_cast %rem3A_130 : i32 to index
        %swap3A_283 = arith.index_cast %rem3A_127 : i32 to index
        %swap3A_284 = arith.index_cast %swap3A : i32 to index
        %swap3A_285 = arith.index_cast %swap3A_281 : i32 to index
        %swap3A_286 = arith.constant 0 : index
        %swap3A_287 = tpu.vector_load %arg7[%swap3A_282, %swap3A_283, %swap3A_284, %swap3A_285, %swap3A_286] {strides = array<i32>} : memref<2x8x3x8x128xf32, #tpu.memory_space<vmem>>, vector<16xf32>,
        tpu.vector_store %arg7[%swap3A_282, %swap3A_283, %swap3A_284, %swap3A_285, %swap3A_286], %gather3A_184 {strides = array<i32>} : memref<2x8x3x8x128xf32, #tpu.memory_space<vmem>>, vector<16xf32>,
        %add3A_288 = arith.constant 1 : i32
        %add3A_289 = vector.broadcast %add3A_288 : i32 to vector<16xi32>
        %add3A_290 = arith.addi %mul3A_144, %add3A_289 : vector<16xi32>
        %gather3A_291 = tpu.vector_load_idx %arg5[%add3A_290] : memref<576xf32, #tpu.memory_space<vmem>>[vector<16xi32>], vector<16xf32>,
        %swap3A_292 = arith.constant 0 : i32
        %swap3A_293 = arith.constant 1 : i32
        %swap3A_294 = arith.index_cast %rem3A_130 : i32 to index
        %swap3A_295 = arith.index_cast %rem3A_127 : i32 to index
        %swap3A_296 = arith.index_cast %swap3A_292 : i32 to index
        %swap3A_297 = arith.index_cast %swap3A_293 : i32 to index
        %swap3A_298 = arith.constant 0 : index
        %swap3A_299 = tpu.vector_load %arg7[%swap3A_294, %swap3A_295, %swap3A_296, %swap3A_297, %swap3A_298] {strides = array<i32>} : memref<2x8x3x8x128xf32, #tpu.memory_space<vmem>>, vector<16xf32>,
        tpu.vector_store %arg7[%swap3A_294, %swap3A_295, %swap3A_296, %swap3A_297, %swap3A_298], %gather3A_188 {strides = array<i32>} : memref<2x8x3x8x128xf32, #tpu.memory_space<vmem>>, vector<16xf32>,
        %add3A_300 = arith.constant 2 : i32
        %add3A_301 = vector.broadcast %add3A_300 : i32 to vector<16xi32>
        %add3A_302 = arith.addi %mul3A_144, %add3A_301 : vector<16xi32>
        %gather3A_303 = tpu.vector_load_idx %arg5[%add3A_302] : memref<576xf32, #tpu.memory_space<vmem>>[vector<16xi32>], vector<16xf32>,
        %swap3A_304 = arith.constant 0 : i32
        %swap3A_305 = arith.constant 2 : i32
        %swap3A_306 = arith.index_cast %rem3A_130 : i32 to index
        %swap3A_307 = arith.index_cast %rem3A_127 : i32 to index
        %swap3A_308 = arith.index_cast %swap3A_304 : i32 to index
        %swap3A_309 = arith.index_cast %swap3A_305 : i32 to index
        %swap3A_310 = arith.constant 0 : index
        %swap3A_311 = tpu.vector_load %arg7[%swap3A_306, %swap3A_307, %swap3A_308, %swap3A_309, %swap3A_310] {strides = array<i32>} : memref<2x8x3x8x128xf32, #tpu.memory_space<vmem>>, vector<16xf32>,
        tpu.vector_store %arg7[%swap3A_306, %swap3A_307, %swap3A_308, %swap3A_309, %swap3A_310], %gather3A_192 {strides = array<i32>} : memref<2x8x3x8x128xf32, #tpu.memory_space<vmem>>, vector<16xf32>,
        %add3A_312 = arith.constant 3 : i32
        %add3A_313 = vector.broadcast %add3A_312 : i32 to vector<16xi32>
        %add3A_314 = arith.addi %mul3A_144, %add3A_313 : vector<16xi32>
        %gather3A_315 = tpu.vector_load_idx %arg5[%add3A_314] : memref<576xf32, #tpu.memory_space<vmem>>[vector<16xi32>], vector<16xf32>,
        %swap3A_316 = arith.constant 0 : i32
        %swap3A_317 = arith.constant 3 : i32
        %swap3A_318 = arith.index_cast %rem3A_130 : i32 to index
        %swap3A_319 = arith.index_cast %rem3A_127 : i32 to index
        %swap3A_320 = arith.index_cast %swap3A_316 : i32 to index
        %swap3A_321 = arith.index_cast %swap3A_317 : i32 to index
        %swap3A_322 = arith.constant 0 : index
        %swap3A_323 = tpu.vector_load %arg7[%swap3A_318, %swap3A_319, %swap3A_320, %swap3A_321, %swap3A_322] {strides = array<i32>} : memref<2x8x3x8x128xf32, #tpu.memory_space<vmem>>, vector<16xf32>,
        tpu.vector_store %arg7[%swap3A_318, %swap3A_319, %swap3A_320, %swap3A_321, %swap3A_322], %gather3A_196 {strides = array<i32>} : memref<2x8x3x8x128xf32, #tpu.memory_space<vmem>>, vector<16xf32>,
        %add3A_324 = arith.constant 4 : i32
        %add3A_325 = vector.broadcast %add3A_324 : i32 to vector<16xi32>
        %add3A_326 = arith.addi %mul3A_144, %add3A_325 : vector<16xi32>
        %gather3A_327 = tpu.vector_load_idx %arg5[%add3A_326] : memref<576xf32, #tpu.memory_space<vmem>>[vector<16xi32>], vector<16xf32>,
        %swap3A_328 = arith.constant 0 : i32
        %swap3A_329 = arith.constant 4 : i32
        %swap3A_330 = arith.index_cast %rem3A_130 : i32 to index
        %swap3A_331 = arith.index_cast %rem3A_127 : i32 to index
        %swap3A_332 = arith.index_cast %swap3A_328 : i32 to index
        %swap3A_333 = arith.index_cast %swap3A_329 : i32 to index
        %swap3A_334 = arith.constant 0 : index
        %swap3A_335 = tpu.vector_load %arg7[%swap3A_330, %swap3A_331, %swap3A_332, %swap3A_333, %swap3A_334] {strides = array<i32>} : memref<2x8x3x8x128xf32, #tpu.memory_space<vmem>>, vector<16xf32>,
        tpu.vector_store %arg7[%swap3A_330, %swap3A_331, %swap3A_332, %swap3A_333, %swap3A_334], %gather3A_200 {strides = array<i32>} : memref<2x8x3x8x128xf32, #tpu.memory_space<vmem>>, vector<16xf32>,
        %add3A_336 = arith.constant 5 : i32
        %add3A_337 = vector.broadcast %add3A_336 : i32 to vector<16xi32>
        %add3A_338 = arith.addi %mul3A_144, %add3A_337 : vector<16xi32>
        %gather3A_339 = tpu.vector_load_idx %arg5[%add3A_338] : memref<576xf32, #tpu.memory_space<vmem>>[vector<16xi32>], vector<16xf32>,
        %swap3A_340 = arith.constant 0 : i32
        %swap3A_341 = arith.constant 5 : i32
        %swap3A_342 = arith.index_cast %rem3A_130 : i32 to index
        %swap3A_343 = arith.index_cast %rem3A_127 : i32 to index
        %swap3A_344 = arith.index_cast %swap3A_340 : i32 to index
        %swap3A_345 = arith.index_cast %swap3A_341 : i32 to index
        %swap3A_346 = arith.constant 0 : index
        %swap3A_347 = tpu.vector_load %arg7[%swap3A_342, %swap3A_343, %swap3A_344, %swap3A_345, %swap3A_346] {strides = array<i32>} : memref<2x8x3x8x128xf32, #tpu.memory_space<vmem>>, vector<16xf32>,
        tpu.vector_store %arg7[%swap3A_342, %swap3A_343, %swap3A_344, %swap3A_345, %swap3A_346], %gather3A_204 {strides = array<i32>} : memref<2x8x3x8x128xf32, #tpu.memory_space<vmem>>, vector<16xf32>,
        %add3A_348 = arith.constant 6 : i32
        %add3A_349 = vector.broadcast %add3A_348 : i32 to vector<16xi32>
        %add3A_350 = arith.addi %mul3A_144, %add3A_349 : vector<16xi32>
        %gather3A_351 = tpu.vector_load_idx %arg5[%add3A_350] : memref<576xf32, #tpu.memory_space<vmem>>[vector<16xi32>], vector<16xf32>,
        %swap3A_352 = arith.constant 0 : i32
        %swap3A_353 = arith.constant 6 : i32
        %swap3A_354 = arith.index_cast %rem3A_130 : i32 to index
        %swap3A_355 = arith.index_cast %rem3A_127 : i32 to index
        %swap3A_356 = arith.index_cast %swap3A_352 : i32 to index
        %swap3A_357 = arith.index_cast %swap3A_353 : i32 to index
        %swap3A_358 = arith.constant 0 : index
        %swap3A_359 = tpu.vector_load %arg7[%swap3A_354, %swap3A_355, %swap3A_356, %swap3A_357, %swap3A_358] {strides = array<i32>} : memref<2x8x3x8x128xf32, #tpu.memory_space<vmem>>, vector<16xf32>,
        tpu.vector_store %arg7[%swap3A_354, %swap3A_355, %swap3A_356, %swap3A_357, %swap3A_358], %gather3A_208 {strides = array<i32>} : memref<2x8x3x8x128xf32, #tpu.memory_space<vmem>>, vector<16xf32>,
        %add3A_360 = arith.constant 7 : i32
        %add3A_361 = vector.broadcast %add3A_360 : i32 to vector<16xi32>
        %add3A_362 = arith.addi %mul3A_144, %add3A_361 : vector<16xi32>
        %gather3A_363 = tpu.vector_load_idx %arg5[%add3A_362] : memref<576xf32, #tpu.memory_space<vmem>>[vector<16xi32>], vector<16xf32>,
        %swap3A_364 = arith.constant 0 : i32
        %swap3A_365 = arith.constant 7 : i32
        %swap3A_366 = arith.index_cast %rem3A_130 : i32 to index
        %swap3A_367 = arith.index_cast %rem3A_127 : i32 to index
        %swap3A_368 = arith.index_cast %swap3A_364 : i32 to index
        %swap3A_369 = arith.index_cast %swap3A_365 : i32 to index
        %swap3A_370 = arith.constant 0 : index
        %swap3A_371 = tpu.vector_load %arg7[%swap3A_366, %swap3A_367, %swap3A_368, %swap3A_369, %swap3A_370] {strides = array<i32>} : memref<2x8x3x8x128xf32, #tpu.memory_space<vmem>>, vector<16xf32>,
        tpu.vector_store %arg7[%swap3A_366, %swap3A_367, %swap3A_368, %swap3A_369, %swap3A_370], %gather3A_212 {strides = array<i32>} : memref<2x8x3x8x128xf32, #tpu.memory_space<vmem>>, vector<16xf32>,
        %add3A_372 = arith.constant 8 : i32
        %add3A_373 = vector.broadcast %add3A_372 : i32 to vector<16xi32>
        %add3A_374 = arith.addi %mul3A_144, %add3A_373 : vector<16xi32>
        %gather3A_375 = tpu.vector_load_idx %arg5[%add3A_374] : memref<576xf32, #tpu.memory_space<vmem>>[vector<16xi32>], vector<16xf32>,
        %swap3A_376 = arith.constant 1 : i32
        %swap3A_377 = arith.constant 0 : i32
        %swap3A_378 = arith.index_cast %rem3A_130 : i32 to index
        %swap3A_379 = arith.index_cast %rem3A_127 : i32 to index
        %swap3A_380 = arith.index_cast %swap3A_376 : i32 to index
        %swap3A_381 = arith.index_cast %swap3A_377 : i32 to index
        %swap3A_382 = arith.constant 0 : index
        %swap3A_383 = tpu.vector_load %arg7[%swap3A_378, %swap3A_379, %swap3A_380, %swap3A_381, %swap3A_382] {strides = array<i32>} : memref<2x8x3x8x128xf32, #tpu.memory_space<vmem>>, vector<16xf32>,
        tpu.vector_store %arg7[%swap3A_378, %swap3A_379, %swap3A_380, %swap3A_381, %swap3A_382], %gather3A_216 {strides = array<i32>} : memref<2x8x3x8x128xf32, #tpu.memory_space<vmem>>, vector<16xf32>,
        %add3A_384 = arith.constant 9 : i32
        %add3A_385 = vector.broadcast %add3A_384 : i32 to vector<16xi32>
        %add3A_386 = arith.addi %mul3A_144, %add3A_385 : vector<16xi32>
        %gather3A_387 = tpu.vector_load_idx %arg5[%add3A_386] : memref<576xf32, #tpu.memory_space<vmem>>[vector<16xi32>], vector<16xf32>,
        %swap3A_388 = arith.constant 1 : i32
        %swap3A_389 = arith.constant 1 : i32
        %swap3A_390 = arith.index_cast %rem3A_130 : i32 to index
        %swap3A_391 = arith.index_cast %rem3A_127 : i32 to index
        %swap3A_392 = arith.index_cast %swap3A_388 : i32 to index
        %swap3A_393 = arith.index_cast %swap3A_389 : i32 to index
        %swap3A_394 = arith.constant 0 : index
        %swap3A_395 = tpu.vector_load %arg7[%swap3A_390, %swap3A_391, %swap3A_392, %swap3A_393, %swap3A_394] {strides = array<i32>} : memref<2x8x3x8x128xf32, #tpu.memory_space<vmem>>, vector<16xf32>,
        tpu.vector_store %arg7[%swap3A_390, %swap3A_391, %swap3A_392, %swap3A_393, %swap3A_394], %gather3A_220 {strides = array<i32>} : memref<2x8x3x8x128xf32, #tpu.memory_space<vmem>>, vector<16xf32>,
        %add3A_396 = arith.constant 10 : i32
        %add3A_397 = vector.broadcast %add3A_396 : i32 to vector<16xi32>
        %add3A_398 = arith.addi %mul3A_144, %add3A_397 : vector<16xi32>
        %gather3A_399 = tpu.vector_load_idx %arg5[%add3A_398] : memref<576xf32, #tpu.memory_space<vmem>>[vector<16xi32>], vector<16xf32>,
        %swap3A_400 = arith.constant 1 : i32
        %swap3A_401 = arith.constant 2 : i32
        %swap3A_402 = arith.index_cast %rem3A_130 : i32 to index
        %swap3A_403 = arith.index_cast %rem3A_127 : i32 to index
        %swap3A_404 = arith.index_cast %swap3A_400 : i32 to index
        %swap3A_405 = arith.index_cast %swap3A_401 : i32 to index
        %swap3A_406 = arith.constant 0 : index
        %swap3A_407 = tpu.vector_load %arg7[%swap3A_402, %swap3A_403, %swap3A_404, %swap3A_405, %swap3A_406] {strides = array<i32>} : memref<2x8x3x8x128xf32, #tpu.memory_space<vmem>>, vector<16xf32>,
        tpu.vector_store %arg7[%swap3A_402, %swap3A_403, %swap3A_404, %swap3A_405, %swap3A_406], %gather3A_224 {strides = array<i32>} : memref<2x8x3x8x128xf32, #tpu.memory_space<vmem>>, vector<16xf32>,
        %add3A_408 = arith.constant 11 : i32
        %add3A_409 = vector.broadcast %add3A_408 : i32 to vector<16xi32>
        %add3A_410 = arith.addi %mul3A_144, %add3A_409 : vector<16xi32>
        %gather3A_411 = tpu.vector_load_idx %arg5[%add3A_410] : memref<576xf32, #tpu.memory_space<vmem>>[vector<16xi32>], vector<16xf32>,
        %swap3A_412 = arith.constant 1 : i32
        %swap3A_413 = arith.constant 3 : i32
        %swap3A_414 = arith.index_cast %rem3A_130 : i32 to index
        %swap3A_415 = arith.index_cast %rem3A_127 : i32 to index
        %swap3A_416 = arith.index_cast %swap3A_412 : i32 to index
        %swap3A_417 = arith.index_cast %swap3A_413 : i32 to index
        %swap3A_418 = arith.constant 0 : index
        %swap3A_419 = tpu.vector_load %arg7[%swap3A_414, %swap3A_415, %swap3A_416, %swap3A_417, %swap3A_418] {strides = array<i32>} : memref<2x8x3x8x128xf32, #tpu.memory_space<vmem>>, vector<16xf32>,
        tpu.vector_store %arg7[%swap3A_414, %swap3A_415, %swap3A_416, %swap3A_417, %swap3A_418], %gather3A_228 {strides = array<i32>} : memref<2x8x3x8x128xf32, #tpu.memory_space<vmem>>, vector<16xf32>,
        %add3A_420 = arith.constant 12 : i32
        %add3A_421 = vector.broadcast %add3A_420 : i32 to vector<16xi32>
        %add3A_422 = arith.addi %mul3A_144, %add3A_421 : vector<16xi32>
        %gather3A_423 = tpu.vector_load_idx %arg5[%add3A_422] : memref<576xf32, #tpu.memory_space<vmem>>[vector<16xi32>], vector<16xf32>,
        %swap3A_424 = arith.constant 1 : i32
        %swap3A_425 = arith.constant 4 : i32
        %swap3A_426 = arith.index_cast %rem3A_130 : i32 to index
        %swap3A_427 = arith.index_cast %rem3A_127 : i32 to index
        %swap3A_428 = arith.index_cast %swap3A_424 : i32 to index
        %swap3A_429 = arith.index_cast %swap3A_425 : i32 to index
        %swap3A_430 = arith.constant 0 : index
        %swap3A_431 = tpu.vector_load %arg7[%swap3A_426, %swap3A_427, %swap3A_428, %swap3A_429, %swap3A_430] {strides = array<i32>} : memref<2x8x3x8x128xf32, #tpu.memory_space<vmem>>, vector<16xf32>,
        tpu.vector_store %arg7[%swap3A_426, %swap3A_427, %swap3A_428, %swap3A_429, %swap3A_430], %gather3A_232 {strides = array<i32>} : memref<2x8x3x8x128xf32, #tpu.memory_space<vmem>>, vector<16xf32>,
        %add3A_432 = arith.constant 13 : i32
        %add3A_433 = vector.broadcast %add3A_432 : i32 to vector<16xi32>
        %add3A_434 = arith.addi %mul3A_144, %add3A_433 : vector<16xi32>
        %gather3A_435 = tpu.vector_load_idx %arg5[%add3A_434] : memref<576xf32, #tpu.memory_space<vmem>>[vector<16xi32>], vector<16xf32>,
        %swap3A_436 = arith.constant 1 : i32
        %swap3A_437 = arith.constant 5 : i32
        %swap3A_438 = arith.index_cast %rem3A_130 : i32 to index
        %swap3A_439 = arith.index_cast %rem3A_127 : i32 to index
        %swap3A_440 = arith.index_cast %swap3A_436 : i32 to index
        %swap3A_441 = arith.index_cast %swap3A_437 : i32 to index
        %swap3A_442 = arith.constant 0 : index
        %swap3A_443 = tpu.vector_load %arg7[%swap3A_438, %swap3A_439, %swap3A_440, %swap3A_441, %swap3A_442] {strides = array<i32>} : memref<2x8x3x8x128xf32, #tpu.memory_space<vmem>>, vector<16xf32>,
        tpu.vector_store %arg7[%swap3A_438, %swap3A_439, %swap3A_440, %swap3A_441, %swap3A_442], %gather3A_236 {strides = array<i32>} : memref<2x8x3x8x128xf32, #tpu.memory_space<vmem>>, vector<16xf32>,
        %add3A_444 = arith.constant 14 : i32
        %add3A_445 = vector.broadcast %add3A_444 : i32 to vector<16xi32>
        %add3A_446 = arith.addi %mul3A_144, %add3A_445 : vector<16xi32>
        %gather3A_447 = tpu.vector_load_idx %arg5[%add3A_446] : memref<576xf32, #tpu.memory_space<vmem>>[vector<16xi32>], vector<16xf32>,
        %swap3A_448 = arith.constant 1 : i32
        %swap3A_449 = arith.constant 6 : i32
        %swap3A_450 = arith.index_cast %rem3A_130 : i32 to index
        %swap3A_451 = arith.index_cast %rem3A_127 : i32 to index
        %swap3A_452 = arith.index_cast %swap3A_448 : i32 to index
        %swap3A_453 = arith.index_cast %swap3A_449 : i32 to index
        %swap3A_454 = arith.constant 0 : index
        %swap3A_455 = tpu.vector_load %arg7[%swap3A_450, %swap3A_451, %swap3A_452, %swap3A_453, %swap3A_454] {strides = array<i32>} : memref<2x8x3x8x128xf32, #tpu.memory_space<vmem>>, vector<16xf32>,
        tpu.vector_store %arg7[%swap3A_450, %swap3A_451, %swap3A_452, %swap3A_453, %swap3A_454], %gather3A_240 {strides = array<i32>} : memref<2x8x3x8x128xf32, #tpu.memory_space<vmem>>, vector<16xf32>,
        %add3A_456 = arith.constant 15 : i32
        %add3A_457 = vector.broadcast %add3A_456 : i32 to vector<16xi32>
        %add3A_458 = arith.addi %mul3A_144, %add3A_457 : vector<16xi32>
        %gather3A_459 = tpu.vector_load_idx %arg5[%add3A_458] : memref<576xf32, #tpu.memory_space<vmem>>[vector<16xi32>], vector<16xf32>,
        %swap3A_460 = arith.constant 1 : i32
        %swap3A_461 = arith.constant 7 : i32
        %swap3A_462 = arith.index_cast %rem3A_130 : i32 to index
        %swap3A_463 = arith.index_cast %rem3A_127 : i32 to index
        %swap3A_464 = arith.index_cast %swap3A_460 : i32 to index
        %swap3A_465 = arith.index_cast %swap3A_461 : i32 to index
        %swap3A_466 = arith.constant 0 : index
        %swap3A_467 = tpu.vector_load %arg7[%swap3A_462, %swap3A_463, %swap3A_464, %swap3A_465, %swap3A_466] {strides = array<i32>} : memref<2x8x3x8x128xf32, #tpu.memory_space<vmem>>, vector<16xf32>,
        tpu.vector_store %arg7[%swap3A_462, %swap3A_463, %swap3A_464, %swap3A_465, %swap3A_466], %gather3A_244 {strides = array<i32>} : memref<2x8x3x8x128xf32, #tpu.memory_space<vmem>>, vector<16xf32>,
        %add3A_468 = arith.constant 16 : i32
        %add3A_469 = vector.broadcast %add3A_468 : i32 to vector<16xi32>
        %add3A_470 = arith.addi %mul3A_144, %add3A_469 : vector<16xi32>
        %gather3A_471 = tpu.vector_load_idx %arg5[%add3A_470] : memref<576xf32, #tpu.memory_space<vmem>>[vector<16xi32>], vector<16xf32>,
        %swap3A_472 = arith.constant 2 : i32
        %swap3A_473 = arith.constant 0 : i32
        %swap3A_474 = arith.index_cast %rem3A_130 : i32 to index
        %swap3A_475 = arith.index_cast %rem3A_127 : i32 to index
        %swap3A_476 = arith.index_cast %swap3A_472 : i32 to index
        %swap3A_477 = arith.index_cast %swap3A_473 : i32 to index
        %swap3A_478 = arith.constant 0 : index
        %swap3A_479 = tpu.vector_load %arg7[%swap3A_474, %swap3A_475, %swap3A_476, %swap3A_477, %swap3A_478] {strides = array<i32>} : memref<2x8x3x8x128xf32, #tpu.memory_space<vmem>>, vector<16xf32>,
        tpu.vector_store %arg7[%swap3A_474, %swap3A_475, %swap3A_476, %swap3A_477, %swap3A_478], %gather3A_248 {strides = array<i32>} : memref<2x8x3x8x128xf32, #tpu.memory_space<vmem>>, vector<16xf32>,
        %add3A_480 = arith.constant 17 : i32
        %add3A_481 = vector.broadcast %add3A_480 : i32 to vector<16xi32>
        %add3A_482 = arith.addi %mul3A_144, %add3A_481 : vector<16xi32>
        %gather3A_483 = tpu.vector_load_idx %arg5[%add3A_482] : memref<576xf32, #tpu.memory_space<vmem>>[vector<16xi32>], vector<16xf32>,
        %swap3A_484 = arith.constant 2 : i32
        %swap3A_485 = arith.constant 1 : i32
        %swap3A_486 = arith.index_cast %rem3A_130 : i32 to index
        %swap3A_487 = arith.index_cast %rem3A_127 : i32 to index
        %swap3A_488 = arith.index_cast %swap3A_484 : i32 to index
        %swap3A_489 = arith.index_cast %swap3A_485 : i32 to index
        %swap3A_490 = arith.constant 0 : index
        %swap3A_491 = tpu.vector_load %arg7[%swap3A_486, %swap3A_487, %swap3A_488, %swap3A_489, %swap3A_490] {strides = array<i32>} : memref<2x8x3x8x128xf32, #tpu.memory_space<vmem>>, vector<16xf32>,
        tpu.vector_store %arg7[%swap3A_486, %swap3A_487, %swap3A_488, %swap3A_489, %swap3A_490], %gather3A_252 {strides = array<i32>} : memref<2x8x3x8x128xf32, #tpu.memory_space<vmem>>, vector<16xf32>,
        %add3A_492 = arith.constant 18 : i32
        %add3A_493 = vector.broadcast %add3A_492 : i32 to vector<16xi32>
        %add3A_494 = arith.addi %mul3A_144, %add3A_493 : vector<16xi32>
        %gather3A_495 = tpu.vector_load_idx %arg5[%add3A_494] : memref<576xf32, #tpu.memory_space<vmem>>[vector<16xi32>], vector<16xf32>,
        %swap3A_496 = arith.constant 2 : i32
        %swap3A_497 = arith.constant 2 : i32
        %swap3A_498 = arith.index_cast %rem3A_130 : i32 to index
        %swap3A_499 = arith.index_cast %rem3A_127 : i32 to index
        %swap3A_500 = arith.index_cast %swap3A_496 : i32 to index
        %swap3A_501 = arith.index_cast %swap3A_497 : i32 to index
        %swap3A_502 = arith.constant 0 : index
        %swap3A_503 = tpu.vector_load %arg7[%swap3A_498, %swap3A_499, %swap3A_500, %swap3A_501, %swap3A_502] {strides = array<i32>} : memref<2x8x3x8x128xf32, #tpu.memory_space<vmem>>, vector<16xf32>,
        tpu.vector_store %arg7[%swap3A_498, %swap3A_499, %swap3A_500, %swap3A_501, %swap3A_502], %gather3A_256 {strides = array<i32>} : memref<2x8x3x8x128xf32, #tpu.memory_space<vmem>>, vector<16xf32>,
        %add3A_504 = arith.constant 19 : i32
        %add3A_505 = vector.broadcast %add3A_504 : i32 to vector<16xi32>
        %add3A_506 = arith.addi %mul3A_144, %add3A_505 : vector<16xi32>
        %gather3A_507 = tpu.vector_load_idx %arg5[%add3A_506] : memref<576xf32, #tpu.memory_space<vmem>>[vector<16xi32>], vector<16xf32>,
        %swap3A_508 = arith.constant 2 : i32
        %swap3A_509 = arith.constant 3 : i32
        %swap3A_510 = arith.index_cast %rem3A_130 : i32 to index
        %swap3A_511 = arith.index_cast %rem3A_127 : i32 to index
        %swap3A_512 = arith.index_cast %swap3A_508 : i32 to index
        %swap3A_513 = arith.index_cast %swap3A_509 : i32 to index
        %swap3A_514 = arith.constant 0 : index
        %swap3A_515 = tpu.vector_load %arg7[%swap3A_510, %swap3A_511, %swap3A_512, %swap3A_513, %swap3A_514] {strides = array<i32>} : memref<2x8x3x8x128xf32, #tpu.memory_space<vmem>>, vector<16xf32>,
        tpu.vector_store %arg7[%swap3A_510, %swap3A_511, %swap3A_512, %swap3A_513, %swap3A_514], %gather3A_260 {strides = array<i32>} : memref<2x8x3x8x128xf32, #tpu.memory_space<vmem>>, vector<16xf32>,
        %add3A_516 = arith.constant 20 : i32
        %add3A_517 = vector.broadcast %add3A_516 : i32 to vector<16xi32>
        %add3A_518 = arith.addi %mul3A_144, %add3A_517 : vector<16xi32>
        %gather3A_519 = tpu.vector_load_idx %arg5[%add3A_518] : memref<576xf32, #tpu.memory_space<vmem>>[vector<16xi32>], vector<16xf32>,
        %swap3A_520 = arith.constant 2 : i32
        %swap3A_521 = arith.constant 4 : i32
        %swap3A_522 = arith.index_cast %rem3A_130 : i32 to index
        %swap3A_523 = arith.index_cast %rem3A_127 : i32 to index
        %swap3A_524 = arith.index_cast %swap3A_520 : i32 to index
        %swap3A_525 = arith.index_cast %swap3A_521 : i32 to index
        %swap3A_526 = arith.constant 0 : index
        %swap3A_527 = tpu.vector_load %arg7[%swap3A_522, %swap3A_523, %swap3A_524, %swap3A_525, %swap3A_526] {strides = array<i32>} : memref<2x8x3x8x128xf32, #tpu.memory_space<vmem>>, vector<16xf32>,
        tpu.vector_store %arg7[%swap3A_522, %swap3A_523, %swap3A_524, %swap3A_525, %swap3A_526], %gather3A_264 {strides = array<i32>} : memref<2x8x3x8x128xf32, #tpu.memory_space<vmem>>, vector<16xf32>,
        %add3A_528 = arith.constant 21 : i32
        %add3A_529 = vector.broadcast %add3A_528 : i32 to vector<16xi32>
        %add3A_530 = arith.addi %mul3A_144, %add3A_529 : vector<16xi32>
        %gather3A_531 = tpu.vector_load_idx %arg5[%add3A_530] : memref<576xf32, #tpu.memory_space<vmem>>[vector<16xi32>], vector<16xf32>,
        %swap3A_532 = arith.constant 2 : i32
        %swap3A_533 = arith.constant 5 : i32
        %swap3A_534 = arith.index_cast %rem3A_130 : i32 to index
        %swap3A_535 = arith.index_cast %rem3A_127 : i32 to index
        %swap3A_536 = arith.index_cast %swap3A_532 : i32 to index
        %swap3A_537 = arith.index_cast %swap3A_533 : i32 to index
        %swap3A_538 = arith.constant 0 : index
        %swap3A_539 = tpu.vector_load %arg7[%swap3A_534, %swap3A_535, %swap3A_536, %swap3A_537, %swap3A_538] {strides = array<i32>} : memref<2x8x3x8x128xf32, #tpu.memory_space<vmem>>, vector<16xf32>,
        tpu.vector_store %arg7[%swap3A_534, %swap3A_535, %swap3A_536, %swap3A_537, %swap3A_538], %gather3A_268 {strides = array<i32>} : memref<2x8x3x8x128xf32, #tpu.memory_space<vmem>>, vector<16xf32>,
        %add3A_540 = arith.constant 22 : i32
        %add3A_541 = vector.broadcast %add3A_540 : i32 to vector<16xi32>
        %add3A_542 = arith.addi %mul3A_144, %add3A_541 : vector<16xi32>
        %gather3A_543 = tpu.vector_load_idx %arg5[%add3A_542] : memref<576xf32, #tpu.memory_space<vmem>>[vector<16xi32>], vector<16xf32>,
        %swap3A_544 = arith.constant 2 : i32
        %swap3A_545 = arith.constant 6 : i32
        %swap3A_546 = arith.index_cast %rem3A_130 : i32 to index
        %swap3A_547 = arith.index_cast %rem3A_127 : i32 to index
        %swap3A_548 = arith.index_cast %swap3A_544 : i32 to index
        %swap3A_549 = arith.index_cast %swap3A_545 : i32 to index
        %swap3A_550 = arith.constant 0 : index
        %swap3A_551 = tpu.vector_load %arg7[%swap3A_546, %swap3A_547, %swap3A_548, %swap3A_549, %swap3A_550] {strides = array<i32>} : memref<2x8x3x8x128xf32, #tpu.memory_space<vmem>>, vector<16xf32>,
        tpu.vector_store %arg7[%swap3A_546, %swap3A_547, %swap3A_548, %swap3A_549, %swap3A_550], %gather3A_272 {strides = array<i32>} : memref<2x8x3x8x128xf32, #tpu.memory_space<vmem>>, vector<16xf32>,
        %add3A_552 = arith.constant 23 : i32
        %add3A_553 = vector.broadcast %add3A_552 : i32 to vector<16xi32>
        %add3A_554 = arith.addi %mul3A_144, %add3A_553 : vector<16xi32>
        %gather3A_555 = tpu.vector_load_idx %arg5[%add3A_554] : memref<576xf32, #tpu.memory_space<vmem>>[vector<16xi32>], vector<16xf32>,
        %swap3A_556 = arith.constant 2 : i32
        %swap3A_557 = arith.constant 7 : i32
        %swap3A_558 = arith.index_cast %rem3A_130 : i32 to index
        %swap3A_559 = arith.index_cast %rem3A_127 : i32 to index
        %swap3A_560 = arith.index_cast %swap3A_556 : i32 to index
        %swap3A_561 = arith.index_cast %swap3A_557 : i32 to index
        %swap3A_562 = arith.constant 0 : index
        %swap3A_563 = tpu.vector_load %arg7[%swap3A_558, %swap3A_559, %swap3A_560, %swap3A_561, %swap3A_562] {strides = array<i32>} : memref<2x8x3x8x128xf32, #tpu.memory_space<vmem>>, vector<16xf32>,
        tpu.vector_store %arg7[%swap3A_558, %swap3A_559, %swap3A_560, %swap3A_561, %swap3A_562], %gather3A_276 {strides = array<i32>} : memref<2x8x3x8x128xf32, #tpu.memory_space<vmem>>, vector<16xf32>,
        %add3A_564 = arith.constant 0 : i32
        %add3A_565 = vector.broadcast %add3A_564 : i32 to vector<16xi32>
        %add3A_566 = arith.addi %mul3A_150, %add3A_565 : vector<16xi32>
        %gather3A_567 = tpu.vector_load_idx %arg5[%add3A_566] : memref<576xf32, #tpu.memory_space<vmem>>[vector<16xi32>], vector<16xf32>,
        %swap3A_568 = arith.constant 0 : i32
        %swap3A_569 = arith.constant 0 : i32
        %swap3A_570 = arith.index_cast %rem3A_130 : i32 to index
        %swap3A_571 = arith.index_cast %rem3A_127 : i32 to index
        %swap3A_572 = arith.index_cast %swap3A_568 : i32 to index
        %swap3A_573 = arith.index_cast %swap3A_569 : i32 to index
        %swap3A_574 = arith.constant 16 : index
        %swap3A_575 = tpu.vector_load %arg7[%swap3A_570, %swap3A_571, %swap3A_572, %swap3A_573, %swap3A_574] {strides = array<i32>} : memref<2x8x3x8x128xf32, #tpu.memory_space<vmem>>, vector<16xf32>,
        tpu.vector_store %arg7[%swap3A_570, %swap3A_571, %swap3A_572, %swap3A_573, %swap3A_574], %gather3A_280 {strides = array<i32>} : memref<2x8x3x8x128xf32, #tpu.memory_space<vmem>>, vector<16xf32>,
        %add3A_576 = arith.constant 1 : i32
        %add3A_577 = vector.broadcast %add3A_576 : i32 to vector<16xi32>
        %add3A_578 = arith.addi %mul3A_150, %add3A_577 : vector<16xi32>
        %gather3A_579 = tpu.vector_load_idx %arg5[%add3A_578] : memref<576xf32, #tpu.memory_space<vmem>>[vector<16xi32>], vector<16xf32>,
        %swap3A_580 = arith.constant 0 : i32
        %swap3A_581 = arith.constant 1 : i32
        %swap3A_582 = arith.index_cast %rem3A_130 : i32 to index
        %swap3A_583 = arith.index_cast %rem3A_127 : i32 to index
        %swap3A_584 = arith.index_cast %swap3A_580 : i32 to index
        %swap3A_585 = arith.index_cast %swap3A_581 : i32 to index
        %swap3A_586 = arith.constant 16 : index
        %swap3A_587 = tpu.vector_load %arg7[%swap3A_582, %swap3A_583, %swap3A_584, %swap3A_585, %swap3A_586] {strides = array<i32>} : memref<2x8x3x8x128xf32, #tpu.memory_space<vmem>>, vector<16xf32>,
        tpu.vector_store %arg7[%swap3A_582, %swap3A_583, %swap3A_584, %swap3A_585, %swap3A_586], %gather3A_291 {strides = array<i32>} : memref<2x8x3x8x128xf32, #tpu.memory_space<vmem>>, vector<16xf32>,
        %add3A_588 = arith.constant 2 : i32
        %add3A_589 = vector.broadcast %add3A_588 : i32 to vector<16xi32>
        %add3A_590 = arith.addi %mul3A_150, %add3A_589 : vector<16xi32>
        %gather3A_591 = tpu.vector_load_idx %arg5[%add3A_590] : memref<576xf32, #tpu.memory_space<vmem>>[vector<16xi32>], vector<16xf32>,
        %swap3A_592 = arith.constant 0 : i32
        %swap3A_593 = arith.constant 2 : i32
        %swap3A_594 = arith.index_cast %rem3A_130 : i32 to index
        %swap3A_595 = arith.index_cast %rem3A_127 : i32 to index
        %swap3A_596 = arith.index_cast %swap3A_592 : i32 to index
        %swap3A_597 = arith.index_cast %swap3A_593 : i32 to index
        %swap3A_598 = arith.constant 16 : index
        %swap3A_599 = tpu.vector_load %arg7[%swap3A_594, %swap3A_595, %swap3A_596, %swap3A_597, %swap3A_598] {strides = array<i32>} : memref<2x8x3x8x128xf32, #tpu.memory_space<vmem>>, vector<16xf32>,
        tpu.vector_store %arg7[%swap3A_594, %swap3A_595, %swap3A_596, %swap3A_597, %swap3A_598], %gather3A_303 {strides = array<i32>} : memref<2x8x3x8x128xf32, #tpu.memory_space<vmem>>, vector<16xf32>,
        %add3A_600 = arith.constant 3 : i32
        %add3A_601 = vector.broadcast %add3A_600 : i32 to vector<16xi32>
        %add3A_602 = arith.addi %mul3A_150, %add3A_601 : vector<16xi32>
        %gather3A_603 = tpu.vector_load_idx %arg5[%add3A_602] : memref<576xf32, #tpu.memory_space<vmem>>[vector<16xi32>], vector<16xf32>,
        %swap3A_604 = arith.constant 0 : i32
        %swap3A_605 = arith.constant 3 : i32
        %swap3A_606 = arith.index_cast %rem3A_130 : i32 to index
        %swap3A_607 = arith.index_cast %rem3A_127 : i32 to index
        %swap3A_608 = arith.index_cast %swap3A_604 : i32 to index
        %swap3A_609 = arith.index_cast %swap3A_605 : i32 to index
        %swap3A_610 = arith.constant 16 : index
        %swap3A_611 = tpu.vector_load %arg7[%swap3A_606, %swap3A_607, %swap3A_608, %swap3A_609, %swap3A_610] {strides = array<i32>} : memref<2x8x3x8x128xf32, #tpu.memory_space<vmem>>, vector<16xf32>,
        tpu.vector_store %arg7[%swap3A_606, %swap3A_607, %swap3A_608, %swap3A_609, %swap3A_610], %gather3A_315 {strides = array<i32>} : memref<2x8x3x8x128xf32, #tpu.memory_space<vmem>>, vector<16xf32>,
        %add3A_612 = arith.constant 4 : i32
        %add3A_613 = vector.broadcast %add3A_612 : i32 to vector<16xi32>
        %add3A_614 = arith.addi %mul3A_150, %add3A_613 : vector<16xi32>
        %gather3A_615 = tpu.vector_load_idx %arg5[%add3A_614] : memref<576xf32, #tpu.memory_space<vmem>>[vector<16xi32>], vector<16xf32>,
        %swap3A_616 = arith.constant 0 : i32
        %swap3A_617 = arith.constant 4 : i32
        %swap3A_618 = arith.index_cast %rem3A_130 : i32 to index
        %swap3A_619 = arith.index_cast %rem3A_127 : i32 to index
        %swap3A_620 = arith.index_cast %swap3A_616 : i32 to index
        %swap3A_621 = arith.index_cast %swap3A_617 : i32 to index
        %swap3A_622 = arith.constant 16 : index
        %swap3A_623 = tpu.vector_load %arg7[%swap3A_618, %swap3A_619, %swap3A_620, %swap3A_621, %swap3A_622] {strides = array<i32>} : memref<2x8x3x8x128xf32, #tpu.memory_space<vmem>>, vector<16xf32>,
        tpu.vector_store %arg7[%swap3A_618, %swap3A_619, %swap3A_620, %swap3A_621, %swap3A_622], %gather3A_327 {strides = array<i32>} : memref<2x8x3x8x128xf32, #tpu.memory_space<vmem>>, vector<16xf32>,
        %add3A_624 = arith.constant 5 : i32
        %add3A_625 = vector.broadcast %add3A_624 : i32 to vector<16xi32>
        %add3A_626 = arith.addi %mul3A_150, %add3A_625 : vector<16xi32>
        %gather3A_627 = tpu.vector_load_idx %arg5[%add3A_626] : memref<576xf32, #tpu.memory_space<vmem>>[vector<16xi32>], vector<16xf32>,
        %swap3A_628 = arith.constant 0 : i32
        %swap3A_629 = arith.constant 5 : i32
        %swap3A_630 = arith.index_cast %rem3A_130 : i32 to index
        %swap3A_631 = arith.index_cast %rem3A_127 : i32 to index
        %swap3A_632 = arith.index_cast %swap3A_628 : i32 to index
        %swap3A_633 = arith.index_cast %swap3A_629 : i32 to index
        %swap3A_634 = arith.constant 16 : index
        %swap3A_635 = tpu.vector_load %arg7[%swap3A_630, %swap3A_631, %swap3A_632, %swap3A_633, %swap3A_634] {strides = array<i32>} : memref<2x8x3x8x128xf32, #tpu.memory_space<vmem>>, vector<16xf32>,
        tpu.vector_store %arg7[%swap3A_630, %swap3A_631, %swap3A_632, %swap3A_633, %swap3A_634], %gather3A_339 {strides = array<i32>} : memref<2x8x3x8x128xf32, #tpu.memory_space<vmem>>, vector<16xf32>,
        %add3A_636 = arith.constant 6 : i32
        %add3A_637 = vector.broadcast %add3A_636 : i32 to vector<16xi32>
        %add3A_638 = arith.addi %mul3A_150, %add3A_637 : vector<16xi32>
        %gather3A_639 = tpu.vector_load_idx %arg5[%add3A_638] : memref<576xf32, #tpu.memory_space<vmem>>[vector<16xi32>], vector<16xf32>,
        %swap3A_640 = arith.constant 0 : i32
        %swap3A_641 = arith.constant 6 : i32
        %swap3A_642 = arith.index_cast %rem3A_130 : i32 to index
        %swap3A_643 = arith.index_cast %rem3A_127 : i32 to index
        %swap3A_644 = arith.index_cast %swap3A_640 : i32 to index
        %swap3A_645 = arith.index_cast %swap3A_641 : i32 to index
        %swap3A_646 = arith.constant 16 : index
        %swap3A_647 = tpu.vector_load %arg7[%swap3A_642, %swap3A_643, %swap3A_644, %swap3A_645, %swap3A_646] {strides = array<i32>} : memref<2x8x3x8x128xf32, #tpu.memory_space<vmem>>, vector<16xf32>,
        tpu.vector_store %arg7[%swap3A_642, %swap3A_643, %swap3A_644, %swap3A_645, %swap3A_646], %gather3A_351 {strides = array<i32>} : memref<2x8x3x8x128xf32, #tpu.memory_space<vmem>>, vector<16xf32>,
        %add3A_648 = arith.constant 7 : i32
        %add3A_649 = vector.broadcast %add3A_648 : i32 to vector<16xi32>
        %add3A_650 = arith.addi %mul3A_150, %add3A_649 : vector<16xi32>
        %gather3A_651 = tpu.vector_load_idx %arg5[%add3A_650] : memref<576xf32, #tpu.memory_space<vmem>>[vector<16xi32>], vector<16xf32>,
        %swap3A_652 = arith.constant 0 : i32
        %swap3A_653 = arith.constant 7 : i32
        %swap3A_654 = arith.index_cast %rem3A_130 : i32 to index
        %swap3A_655 = arith.index_cast %rem3A_127 : i32 to index
        %swap3A_656 = arith.index_cast %swap3A_652 : i32 to index
        %swap3A_657 = arith.index_cast %swap3A_653 : i32 to index
        %swap3A_658 = arith.constant 16 : index
        %swap3A_659 = tpu.vector_load %arg7[%swap3A_654, %swap3A_655, %swap3A_656, %swap3A_657, %swap3A_658] {strides = array<i32>} : memref<2x8x3x8x128xf32, #tpu.memory_space<vmem>>, vector<16xf32>,
        tpu.vector_store %arg7[%swap3A_654, %swap3A_655, %swap3A_656, %swap3A_657, %swap3A_658], %gather3A_363 {strides = array<i32>} : memref<2x8x3x8x128xf32, #tpu.memory_space<vmem>>, vector<16xf32>,
        %add3A_660 = arith.constant 8 : i32
        %add3A_661 = vector.broadcast %add3A_660 : i32 to vector<16xi32>
        %add3A_662 = arith.addi %mul3A_150, %add3A_661 : vector<16xi32>
        %gather3A_663 = tpu.vector_load_idx %arg5[%add3A_662] : memref<576xf32, #tpu.memory_space<vmem>>[vector<16xi32>], vector<16xf32>,
        %swap3A_664 = arith.constant 1 : i32
        %swap3A_665 = arith.constant 0 : i32
        %swap3A_666 = arith.index_cast %rem3A_130 : i32 to index
        %swap3A_667 = arith.index_cast %rem3A_127 : i32 to index
        %swap3A_668 = arith.index_cast %swap3A_664 : i32 to index
        %swap3A_669 = arith.index_cast %swap3A_665 : i32 to index
        %swap3A_670 = arith.constant 16 : index
        %swap3A_671 = tpu.vector_load %arg7[%swap3A_666, %swap3A_667, %swap3A_668, %swap3A_669, %swap3A_670] {strides = array<i32>} : memref<2x8x3x8x128xf32, #tpu.memory_space<vmem>>, vector<16xf32>,
        tpu.vector_store %arg7[%swap3A_666, %swap3A_667, %swap3A_668, %swap3A_669, %swap3A_670], %gather3A_375 {strides = array<i32>} : memref<2x8x3x8x128xf32, #tpu.memory_space<vmem>>, vector<16xf32>,
        %add3A_672 = arith.constant 9 : i32
        %add3A_673 = vector.broadcast %add3A_672 : i32 to vector<16xi32>
        %add3A_674 = arith.addi %mul3A_150, %add3A_673 : vector<16xi32>
        %gather3A_675 = tpu.vector_load_idx %arg5[%add3A_674] : memref<576xf32, #tpu.memory_space<vmem>>[vector<16xi32>], vector<16xf32>,
        %swap3A_676 = arith.constant 1 : i32
        %swap3A_677 = arith.constant 1 : i32
        %swap3A_678 = arith.index_cast %rem3A_130 : i32 to index
        %swap3A_679 = arith.index_cast %rem3A_127 : i32 to index
        %swap3A_680 = arith.index_cast %swap3A_676 : i32 to index
        %swap3A_681 = arith.index_cast %swap3A_677 : i32 to index
        %swap3A_682 = arith.constant 16 : index
        %swap3A_683 = tpu.vector_load %arg7[%swap3A_678, %swap3A_679, %swap3A_680, %swap3A_681, %swap3A_682] {strides = array<i32>} : memref<2x8x3x8x128xf32, #tpu.memory_space<vmem>>, vector<16xf32>,
        tpu.vector_store %arg7[%swap3A_678, %swap3A_679, %swap3A_680, %swap3A_681, %swap3A_682], %gather3A_387 {strides = array<i32>} : memref<2x8x3x8x128xf32, #tpu.memory_space<vmem>>, vector<16xf32>,
        %add3A_684 = arith.constant 10 : i32
        %add3A_685 = vector.broadcast %add3A_684 : i32 to vector<16xi32>
        %add3A_686 = arith.addi %mul3A_150, %add3A_685 : vector<16xi32>
        %gather3A_687 = tpu.vector_load_idx %arg5[%add3A_686] : memref<576xf32, #tpu.memory_space<vmem>>[vector<16xi32>], vector<16xf32>,
        %swap3A_688 = arith.constant 1 : i32
        %swap3A_689 = arith.constant 2 : i32
        %swap3A_690 = arith.index_cast %rem3A_130 : i32 to index
        %swap3A_691 = arith.index_cast %rem3A_127 : i32 to index
        %swap3A_692 = arith.index_cast %swap3A_688 : i32 to index
        %swap3A_693 = arith.index_cast %swap3A_689 : i32 to index
        %swap3A_694 = arith.constant 16 : index
        %swap3A_695 = tpu.vector_load %arg7[%swap3A_690, %swap3A_691, %swap3A_692, %swap3A_693, %swap3A_694] {strides = array<i32>} : memref<2x8x3x8x128xf32, #tpu.memory_space<vmem>>, vector<16xf32>,
        tpu.vector_store %arg7[%swap3A_690, %swap3A_691, %swap3A_692, %swap3A_693, %swap3A_694], %gather3A_399 {strides = array<i32>} : memref<2x8x3x8x128xf32, #tpu.memory_space<vmem>>, vector<16xf32>,
        %add3A_696 = arith.constant 11 : i32
        %add3A_697 = vector.broadcast %add3A_696 : i32 to vector<16xi32>
        %add3A_698 = arith.addi %mul3A_150, %add3A_697 : vector<16xi32>
        %gather3A_699 = tpu.vector_load_idx %arg5[%add3A_698] : memref<576xf32, #tpu.memory_space<vmem>>[vector<16xi32>], vector<16xf32>,
        %swap3A_700 = arith.constant 1 : i32
        %swap3A_701 = arith.constant 3 : i32
        %swap3A_702 = arith.index_cast %rem3A_130 : i32 to index
        %swap3A_703 = arith.index_cast %rem3A_127 : i32 to index
        %swap3A_704 = arith.index_cast %swap3A_700 : i32 to index
        %swap3A_705 = arith.index_cast %swap3A_701 : i32 to index
        %swap3A_706 = arith.constant 16 : index
        %swap3A_707 = tpu.vector_load %arg7[%swap3A_702, %swap3A_703, %swap3A_704, %swap3A_705, %swap3A_706] {strides = array<i32>} : memref<2x8x3x8x128xf32, #tpu.memory_space<vmem>>, vector<16xf32>,
        tpu.vector_store %arg7[%swap3A_702, %swap3A_703, %swap3A_704, %swap3A_705, %swap3A_706], %gather3A_411 {strides = array<i32>} : memref<2x8x3x8x128xf32, #tpu.memory_space<vmem>>, vector<16xf32>,
        %add3A_708 = arith.constant 12 : i32
        %add3A_709 = vector.broadcast %add3A_708 : i32 to vector<16xi32>
        %add3A_710 = arith.addi %mul3A_150, %add3A_709 : vector<16xi32>
        %gather3A_711 = tpu.vector_load_idx %arg5[%add3A_710] : memref<576xf32, #tpu.memory_space<vmem>>[vector<16xi32>], vector<16xf32>,
        %swap3A_712 = arith.constant 1 : i32
        %swap3A_713 = arith.constant 4 : i32
        %swap3A_714 = arith.index_cast %rem3A_130 : i32 to index
        %swap3A_715 = arith.index_cast %rem3A_127 : i32 to index
        %swap3A_716 = arith.index_cast %swap3A_712 : i32 to index
        %swap3A_717 = arith.index_cast %swap3A_713 : i32 to index
        %swap3A_718 = arith.constant 16 : index
        %swap3A_719 = tpu.vector_load %arg7[%swap3A_714, %swap3A_715, %swap3A_716, %swap3A_717, %swap3A_718] {strides = array<i32>} : memref<2x8x3x8x128xf32, #tpu.memory_space<vmem>>, vector<16xf32>,
        tpu.vector_store %arg7[%swap3A_714, %swap3A_715, %swap3A_716, %swap3A_717, %swap3A_718], %gather3A_423 {strides = array<i32>} : memref<2x8x3x8x128xf32, #tpu.memory_space<vmem>>, vector<16xf32>,
        %add3A_720 = arith.constant 13 : i32
        %add3A_721 = vector.broadcast %add3A_720 : i32 to vector<16xi32>
        %add3A_722 = arith.addi %mul3A_150, %add3A_721 : vector<16xi32>
        %gather3A_723 = tpu.vector_load_idx %arg5[%add3A_722] : memref<576xf32, #tpu.memory_space<vmem>>[vector<16xi32>], vector<16xf32>,
        %swap3A_724 = arith.constant 1 : i32
        %swap3A_725 = arith.constant 5 : i32
        %swap3A_726 = arith.index_cast %rem3A_130 : i32 to index
        %swap3A_727 = arith.index_cast %rem3A_127 : i32 to index
        %swap3A_728 = arith.index_cast %swap3A_724 : i32 to index
        %swap3A_729 = arith.index_cast %swap3A_725 : i32 to index
        %swap3A_730 = arith.constant 16 : index
        %swap3A_731 = tpu.vector_load %arg7[%swap3A_726, %swap3A_727, %swap3A_728, %swap3A_729, %swap3A_730] {strides = array<i32>} : memref<2x8x3x8x128xf32, #tpu.memory_space<vmem>>, vector<16xf32>,
        tpu.vector_store %arg7[%swap3A_726, %swap3A_727, %swap3A_728, %swap3A_729, %swap3A_730], %gather3A_435 {strides = array<i32>} : memref<2x8x3x8x128xf32, #tpu.memory_space<vmem>>, vector<16xf32>,
        %add3A_732 = arith.constant 14 : i32
        %add3A_733 = vector.broadcast %add3A_732 : i32 to vector<16xi32>
        %add3A_734 = arith.addi %mul3A_150, %add3A_733 : vector<16xi32>
        %gather3A_735 = tpu.vector_load_idx %arg5[%add3A_734] : memref<576xf32, #tpu.memory_space<vmem>>[vector<16xi32>], vector<16xf32>,
        %swap3A_736 = arith.constant 1 : i32
        %swap3A_737 = arith.constant 6 : i32
        %swap3A_738 = arith.index_cast %rem3A_130 : i32 to index
        %swap3A_739 = arith.index_cast %rem3A_127 : i32 to index
        %swap3A_740 = arith.index_cast %swap3A_736 : i32 to index
        %swap3A_741 = arith.index_cast %swap3A_737 : i32 to index
        %swap3A_742 = arith.constant 16 : index
        %swap3A_743 = tpu.vector_load %arg7[%swap3A_738, %swap3A_739, %swap3A_740, %swap3A_741, %swap3A_742] {strides = array<i32>} : memref<2x8x3x8x128xf32, #tpu.memory_space<vmem>>, vector<16xf32>,
        tpu.vector_store %arg7[%swap3A_738, %swap3A_739, %swap3A_740, %swap3A_741, %swap3A_742], %gather3A_447 {strides = array<i32>} : memref<2x8x3x8x128xf32, #tpu.memory_space<vmem>>, vector<16xf32>,
        %add3A_744 = arith.constant 15 : i32
        %add3A_745 = vector.broadcast %add3A_744 : i32 to vector<16xi32>
        %add3A_746 = arith.addi %mul3A_150, %add3A_745 : vector<16xi32>
        %gather3A_747 = tpu.vector_load_idx %arg5[%add3A_746] : memref<576xf32, #tpu.memory_space<vmem>>[vector<16xi32>], vector<16xf32>,
        %swap3A_748 = arith.constant 1 : i32
        %swap3A_749 = arith.constant 7 : i32
        %swap3A_750 = arith.index_cast %rem3A_130 : i32 to index
        %swap3A_751 = arith.index_cast %rem3A_127 : i32 to index
        %swap3A_752 = arith.index_cast %swap3A_748 : i32 to index
        %swap3A_753 = arith.index_cast %swap3A_749 : i32 to index
        %swap3A_754 = arith.constant 16 : index
        %swap3A_755 = tpu.vector_load %arg7[%swap3A_750, %swap3A_751, %swap3A_752, %swap3A_753, %swap3A_754] {strides = array<i32>} : memref<2x8x3x8x128xf32, #tpu.memory_space<vmem>>, vector<16xf32>,
        tpu.vector_store %arg7[%swap3A_750, %swap3A_751, %swap3A_752, %swap3A_753, %swap3A_754], %gather3A_459 {strides = array<i32>} : memref<2x8x3x8x128xf32, #tpu.memory_space<vmem>>, vector<16xf32>,
        %add3A_756 = arith.constant 16 : i32
        %add3A_757 = vector.broadcast %add3A_756 : i32 to vector<16xi32>
        %add3A_758 = arith.addi %mul3A_150, %add3A_757 : vector<16xi32>
        %gather3A_759 = tpu.vector_load_idx %arg5[%add3A_758] : memref<576xf32, #tpu.memory_space<vmem>>[vector<16xi32>], vector<16xf32>,
        %swap3A_760 = arith.constant 2 : i32
        %swap3A_761 = arith.constant 0 : i32
        %swap3A_762 = arith.index_cast %rem3A_130 : i32 to index
        %swap3A_763 = arith.index_cast %rem3A_127 : i32 to index
        %swap3A_764 = arith.index_cast %swap3A_760 : i32 to index
        %swap3A_765 = arith.index_cast %swap3A_761 : i32 to index
        %swap3A_766 = arith.constant 16 : index
        %swap3A_767 = tpu.vector_load %arg7[%swap3A_762, %swap3A_763, %swap3A_764, %swap3A_765, %swap3A_766] {strides = array<i32>} : memref<2x8x3x8x128xf32, #tpu.memory_space<vmem>>, vector<16xf32>,
        tpu.vector_store %arg7[%swap3A_762, %swap3A_763, %swap3A_764, %swap3A_765, %swap3A_766], %gather3A_471 {strides = array<i32>} : memref<2x8x3x8x128xf32, #tpu.memory_space<vmem>>, vector<16xf32>,
        %add3A_768 = arith.constant 17 : i32
        %add3A_769 = vector.broadcast %add3A_768 : i32 to vector<16xi32>
        %add3A_770 = arith.addi %mul3A_150, %add3A_769 : vector<16xi32>
        %gather3A_771 = tpu.vector_load_idx %arg5[%add3A_770] : memref<576xf32, #tpu.memory_space<vmem>>[vector<16xi32>], vector<16xf32>,
        %swap3A_772 = arith.constant 2 : i32
        %swap3A_773 = arith.constant 1 : i32
        %swap3A_774 = arith.index_cast %rem3A_130 : i32 to index
        %swap3A_775 = arith.index_cast %rem3A_127 : i32 to index
        %swap3A_776 = arith.index_cast %swap3A_772 : i32 to index
        %swap3A_777 = arith.index_cast %swap3A_773 : i32 to index
        %swap3A_778 = arith.constant 16 : index
        %swap3A_779 = tpu.vector_load %arg7[%swap3A_774, %swap3A_775, %swap3A_776, %swap3A_777, %swap3A_778] {strides = array<i32>} : memref<2x8x3x8x128xf32, #tpu.memory_space<vmem>>, vector<16xf32>,
        tpu.vector_store %arg7[%swap3A_774, %swap3A_775, %swap3A_776, %swap3A_777, %swap3A_778], %gather3A_483 {strides = array<i32>} : memref<2x8x3x8x128xf32, #tpu.memory_space<vmem>>, vector<16xf32>,
        %add3A_780 = arith.constant 18 : i32
        %add3A_781 = vector.broadcast %add3A_780 : i32 to vector<16xi32>
        %add3A_782 = arith.addi %mul3A_150, %add3A_781 : vector<16xi32>
        %gather3A_783 = tpu.vector_load_idx %arg5[%add3A_782] : memref<576xf32, #tpu.memory_space<vmem>>[vector<16xi32>], vector<16xf32>,
        %swap3A_784 = arith.constant 2 : i32
        %swap3A_785 = arith.constant 2 : i32
        %swap3A_786 = arith.index_cast %rem3A_130 : i32 to index
        %swap3A_787 = arith.index_cast %rem3A_127 : i32 to index
        %swap3A_788 = arith.index_cast %swap3A_784 : i32 to index
        %swap3A_789 = arith.index_cast %swap3A_785 : i32 to index
        %swap3A_790 = arith.constant 16 : index
        %swap3A_791 = tpu.vector_load %arg7[%swap3A_786, %swap3A_787, %swap3A_788, %swap3A_789, %swap3A_790] {strides = array<i32>} : memref<2x8x3x8x128xf32, #tpu.memory_space<vmem>>, vector<16xf32>,
        tpu.vector_store %arg7[%swap3A_786, %swap3A_787, %swap3A_788, %swap3A_789, %swap3A_790], %gather3A_495 {strides = array<i32>} : memref<2x8x3x8x128xf32, #tpu.memory_space<vmem>>, vector<16xf32>,
        %add3A_792 = arith.constant 19 : i32
        %add3A_793 = vector.broadcast %add3A_792 : i32 to vector<16xi32>
        %add3A_794 = arith.addi %mul3A_150, %add3A_793 : vector<16xi32>
        %gather3A_795 = tpu.vector_load_idx %arg5[%add3A_794] : memref<576xf32, #tpu.memory_space<vmem>>[vector<16xi32>], vector<16xf32>,
        %swap3A_796 = arith.constant 2 : i32
        %swap3A_797 = arith.constant 3 : i32
        %swap3A_798 = arith.index_cast %rem3A_130 : i32 to index
        %swap3A_799 = arith.index_cast %rem3A_127 : i32 to index
        %swap3A_800 = arith.index_cast %swap3A_796 : i32 to index
        %swap3A_801 = arith.index_cast %swap3A_797 : i32 to index
        %swap3A_802 = arith.constant 16 : index
        %swap3A_803 = tpu.vector_load %arg7[%swap3A_798, %swap3A_799, %swap3A_800, %swap3A_801, %swap3A_802] {strides = array<i32>} : memref<2x8x3x8x128xf32, #tpu.memory_space<vmem>>, vector<16xf32>,
        tpu.vector_store %arg7[%swap3A_798, %swap3A_799, %swap3A_800, %swap3A_801, %swap3A_802], %gather3A_507 {strides = array<i32>} : memref<2x8x3x8x128xf32, #tpu.memory_space<vmem>>, vector<16xf32>,
        %add3A_804 = arith.constant 20 : i32
        %add3A_805 = vector.broadcast %add3A_804 : i32 to vector<16xi32>
        %add3A_806 = arith.addi %mul3A_150, %add3A_805 : vector<16xi32>
        %gather3A_807 = tpu.vector_load_idx %arg5[%add3A_806] : memref<576xf32, #tpu.memory_space<vmem>>[vector<16xi32>], vector<16xf32>,
        %swap3A_808 = arith.constant 2 : i32
        %swap3A_809 = arith.constant 4 : i32
        %swap3A_810 = arith.index_cast %rem3A_130 : i32 to index
        %swap3A_811 = arith.index_cast %rem3A_127 : i32 to index
        %swap3A_812 = arith.index_cast %swap3A_808 : i32 to index
        %swap3A_813 = arith.index_cast %swap3A_809 : i32 to index
        %swap3A_814 = arith.constant 16 : index
        %swap3A_815 = tpu.vector_load %arg7[%swap3A_810, %swap3A_811, %swap3A_812, %swap3A_813, %swap3A_814] {strides = array<i32>} : memref<2x8x3x8x128xf32, #tpu.memory_space<vmem>>, vector<16xf32>,
        tpu.vector_store %arg7[%swap3A_810, %swap3A_811, %swap3A_812, %swap3A_813, %swap3A_814], %gather3A_519 {strides = array<i32>} : memref<2x8x3x8x128xf32, #tpu.memory_space<vmem>>, vector<16xf32>,
        %add3A_816 = arith.constant 21 : i32
        %add3A_817 = vector.broadcast %add3A_816 : i32 to vector<16xi32>
        %add3A_818 = arith.addi %mul3A_150, %add3A_817 : vector<16xi32>
        %gather3A_819 = tpu.vector_load_idx %arg5[%add3A_818] : memref<576xf32, #tpu.memory_space<vmem>>[vector<16xi32>], vector<16xf32>,
        %swap3A_820 = arith.constant 2 : i32
        %swap3A_821 = arith.constant 5 : i32
        %swap3A_822 = arith.index_cast %rem3A_130 : i32 to index
        %swap3A_823 = arith.index_cast %rem3A_127 : i32 to index
        %swap3A_824 = arith.index_cast %swap3A_820 : i32 to index
        %swap3A_825 = arith.index_cast %swap3A_821 : i32 to index
        %swap3A_826 = arith.constant 16 : index
        %swap3A_827 = tpu.vector_load %arg7[%swap3A_822, %swap3A_823, %swap3A_824, %swap3A_825, %swap3A_826] {strides = array<i32>} : memref<2x8x3x8x128xf32, #tpu.memory_space<vmem>>, vector<16xf32>,
        tpu.vector_store %arg7[%swap3A_822, %swap3A_823, %swap3A_824, %swap3A_825, %swap3A_826], %gather3A_531 {strides = array<i32>} : memref<2x8x3x8x128xf32, #tpu.memory_space<vmem>>, vector<16xf32>,
        %add3A_828 = arith.constant 22 : i32
        %add3A_829 = vector.broadcast %add3A_828 : i32 to vector<16xi32>
        %add3A_830 = arith.addi %mul3A_150, %add3A_829 : vector<16xi32>
        %gather3A_831 = tpu.vector_load_idx %arg5[%add3A_830] : memref<576xf32, #tpu.memory_space<vmem>>[vector<16xi32>], vector<16xf32>,
        %swap3A_832 = arith.constant 2 : i32
        %swap3A_833 = arith.constant 6 : i32
        %swap3A_834 = arith.index_cast %rem3A_130 : i32 to index
        %swap3A_835 = arith.index_cast %rem3A_127 : i32 to index
        %swap3A_836 = arith.index_cast %swap3A_832 : i32 to index
        %swap3A_837 = arith.index_cast %swap3A_833 : i32 to index
        %swap3A_838 = arith.constant 16 : index
        %swap3A_839 = tpu.vector_load %arg7[%swap3A_834, %swap3A_835, %swap3A_836, %swap3A_837, %swap3A_838] {strides = array<i32>} : memref<2x8x3x8x128xf32, #tpu.memory_space<vmem>>, vector<16xf32>,
        tpu.vector_store %arg7[%swap3A_834, %swap3A_835, %swap3A_836, %swap3A_837, %swap3A_838], %gather3A_543 {strides = array<i32>} : memref<2x8x3x8x128xf32, #tpu.memory_space<vmem>>, vector<16xf32>,
        %add3A_840 = arith.constant 23 : i32
        %add3A_841 = vector.broadcast %add3A_840 : i32 to vector<16xi32>
        %add3A_842 = arith.addi %mul3A_150, %add3A_841 : vector<16xi32>
        %gather3A_843 = tpu.vector_load_idx %arg5[%add3A_842] : memref<576xf32, #tpu.memory_space<vmem>>[vector<16xi32>], vector<16xf32>,
        %swap3A_844 = arith.constant 2 : i32
        %swap3A_845 = arith.constant 7 : i32
        %swap3A_846 = arith.index_cast %rem3A_130 : i32 to index
        %swap3A_847 = arith.index_cast %rem3A_127 : i32 to index
        %swap3A_848 = arith.index_cast %swap3A_844 : i32 to index
        %swap3A_849 = arith.index_cast %swap3A_845 : i32 to index
        %swap3A_850 = arith.constant 16 : index
        %swap3A_851 = tpu.vector_load %arg7[%swap3A_846, %swap3A_847, %swap3A_848, %swap3A_849, %swap3A_850] {strides = array<i32>} : memref<2x8x3x8x128xf32, #tpu.memory_space<vmem>>, vector<16xf32>,
        tpu.vector_store %arg7[%swap3A_846, %swap3A_847, %swap3A_848, %swap3A_849, %swap3A_850], %gather3A_555 {strides = array<i32>} : memref<2x8x3x8x128xf32, #tpu.memory_space<vmem>>, vector<16xf32>,
        %add3A_852 = arith.constant 0 : i32
        %add3A_853 = vector.broadcast %add3A_852 : i32 to vector<16xi32>
        %add3A_854 = arith.addi %mul3A_156, %add3A_853 : vector<16xi32>
        %gather3A_855 = tpu.vector_load_idx %arg5[%add3A_854] : memref<576xf32, #tpu.memory_space<vmem>>[vector<16xi32>], vector<16xf32>,
        %swap3A_856 = arith.constant 0 : i32
        %swap3A_857 = arith.constant 0 : i32
        %swap3A_858 = arith.index_cast %rem3A_130 : i32 to index
        %swap3A_859 = arith.index_cast %rem3A_127 : i32 to index
        %swap3A_860 = arith.index_cast %swap3A_856 : i32 to index
        %swap3A_861 = arith.index_cast %swap3A_857 : i32 to index
        %swap3A_862 = arith.constant 32 : index
        %swap3A_863 = tpu.vector_load %arg7[%swap3A_858, %swap3A_859, %swap3A_860, %swap3A_861, %swap3A_862] {strides = array<i32>} : memref<2x8x3x8x128xf32, #tpu.memory_space<vmem>>, vector<16xf32>,
        tpu.vector_store %arg7[%swap3A_858, %swap3A_859, %swap3A_860, %swap3A_861, %swap3A_862], %gather3A_567 {strides = array<i32>} : memref<2x8x3x8x128xf32, #tpu.memory_space<vmem>>, vector<16xf32>,
        %add3A_864 = arith.constant 1 : i32
        %add3A_865 = vector.broadcast %add3A_864 : i32 to vector<16xi32>
        %add3A_866 = arith.addi %mul3A_156, %add3A_865 : vector<16xi32>
        %gather3A_867 = tpu.vector_load_idx %arg5[%add3A_866] : memref<576xf32, #tpu.memory_space<vmem>>[vector<16xi32>], vector<16xf32>,
        %swap3A_868 = arith.constant 0 : i32
        %swap3A_869 = arith.constant 1 : i32
        %swap3A_870 = arith.index_cast %rem3A_130 : i32 to index
        %swap3A_871 = arith.index_cast %rem3A_127 : i32 to index
        %swap3A_872 = arith.index_cast %swap3A_868 : i32 to index
        %swap3A_873 = arith.index_cast %swap3A_869 : i32 to index
        %swap3A_874 = arith.constant 32 : index
        %swap3A_875 = tpu.vector_load %arg7[%swap3A_870, %swap3A_871, %swap3A_872, %swap3A_873, %swap3A_874] {strides = array<i32>} : memref<2x8x3x8x128xf32, #tpu.memory_space<vmem>>, vector<16xf32>,
        tpu.vector_store %arg7[%swap3A_870, %swap3A_871, %swap3A_872, %swap3A_873, %swap3A_874], %gather3A_579 {strides = array<i32>} : memref<2x8x3x8x128xf32, #tpu.memory_space<vmem>>, vector<16xf32>,
        %add3A_876 = arith.constant 2 : i32
        %add3A_877 = vector.broadcast %add3A_876 : i32 to vector<16xi32>
        %add3A_878 = arith.addi %mul3A_156, %add3A_877 : vector<16xi32>
        %gather3A_879 = tpu.vector_load_idx %arg5[%add3A_878] : memref<576xf32, #tpu.memory_space<vmem>>[vector<16xi32>], vector<16xf32>,
        %swap3A_880 = arith.constant 0 : i32
        %swap3A_881 = arith.constant 2 : i32
        %swap3A_882 = arith.index_cast %rem3A_130 : i32 to index
        %swap3A_883 = arith.index_cast %rem3A_127 : i32 to index
        %swap3A_884 = arith.index_cast %swap3A_880 : i32 to index
        %swap3A_885 = arith.index_cast %swap3A_881 : i32 to index
        %swap3A_886 = arith.constant 32 : index
        %swap3A_887 = tpu.vector_load %arg7[%swap3A_882, %swap3A_883, %swap3A_884, %swap3A_885, %swap3A_886] {strides = array<i32>} : memref<2x8x3x8x128xf32, #tpu.memory_space<vmem>>, vector<16xf32>,
        tpu.vector_store %arg7[%swap3A_882, %swap3A_883, %swap3A_884, %swap3A_885, %swap3A_886], %gather3A_591 {strides = array<i32>} : memref<2x8x3x8x128xf32, #tpu.memory_space<vmem>>, vector<16xf32>,
        %add3A_888 = arith.constant 3 : i32
        %add3A_889 = vector.broadcast %add3A_888 : i32 to vector<16xi32>
        %add3A_890 = arith.addi %mul3A_156, %add3A_889 : vector<16xi32>
        %gather3A_891 = tpu.vector_load_idx %arg5[%add3A_890] : memref<576xf32, #tpu.memory_space<vmem>>[vector<16xi32>], vector<16xf32>,
        %swap3A_892 = arith.constant 0 : i32
        %swap3A_893 = arith.constant 3 : i32
        %swap3A_894 = arith.index_cast %rem3A_130 : i32 to index
        %swap3A_895 = arith.index_cast %rem3A_127 : i32 to index
        %swap3A_896 = arith.index_cast %swap3A_892 : i32 to index
        %swap3A_897 = arith.index_cast %swap3A_893 : i32 to index
        %swap3A_898 = arith.constant 32 : index
        %swap3A_899 = tpu.vector_load %arg7[%swap3A_894, %swap3A_895, %swap3A_896, %swap3A_897, %swap3A_898] {strides = array<i32>} : memref<2x8x3x8x128xf32, #tpu.memory_space<vmem>>, vector<16xf32>,
        tpu.vector_store %arg7[%swap3A_894, %swap3A_895, %swap3A_896, %swap3A_897, %swap3A_898], %gather3A_603 {strides = array<i32>} : memref<2x8x3x8x128xf32, #tpu.memory_space<vmem>>, vector<16xf32>,
        %add3A_900 = arith.constant 4 : i32
        %add3A_901 = vector.broadcast %add3A_900 : i32 to vector<16xi32>
        %add3A_902 = arith.addi %mul3A_156, %add3A_901 : vector<16xi32>
        %gather3A_903 = tpu.vector_load_idx %arg5[%add3A_902] : memref<576xf32, #tpu.memory_space<vmem>>[vector<16xi32>], vector<16xf32>,
        %swap3A_904 = arith.constant 0 : i32
        %swap3A_905 = arith.constant 4 : i32
        %swap3A_906 = arith.index_cast %rem3A_130 : i32 to index
        %swap3A_907 = arith.index_cast %rem3A_127 : i32 to index
        %swap3A_908 = arith.index_cast %swap3A_904 : i32 to index
        %swap3A_909 = arith.index_cast %swap3A_905 : i32 to index
        %swap3A_910 = arith.constant 32 : index
        %swap3A_911 = tpu.vector_load %arg7[%swap3A_906, %swap3A_907, %swap3A_908, %swap3A_909, %swap3A_910] {strides = array<i32>} : memref<2x8x3x8x128xf32, #tpu.memory_space<vmem>>, vector<16xf32>,
        tpu.vector_store %arg7[%swap3A_906, %swap3A_907, %swap3A_908, %swap3A_909, %swap3A_910], %gather3A_615 {strides = array<i32>} : memref<2x8x3x8x128xf32, #tpu.memory_space<vmem>>, vector<16xf32>,
        %add3A_912 = arith.constant 5 : i32
        %add3A_913 = vector.broadcast %add3A_912 : i32 to vector<16xi32>
        %add3A_914 = arith.addi %mul3A_156, %add3A_913 : vector<16xi32>
        %gather3A_915 = tpu.vector_load_idx %arg5[%add3A_914] : memref<576xf32, #tpu.memory_space<vmem>>[vector<16xi32>], vector<16xf32>,
        %swap3A_916 = arith.constant 0 : i32
        %swap3A_917 = arith.constant 5 : i32
        %swap3A_918 = arith.index_cast %rem3A_130 : i32 to index
        %swap3A_919 = arith.index_cast %rem3A_127 : i32 to index
        %swap3A_920 = arith.index_cast %swap3A_916 : i32 to index
        %swap3A_921 = arith.index_cast %swap3A_917 : i32 to index
        %swap3A_922 = arith.constant 32 : index
        %swap3A_923 = tpu.vector_load %arg7[%swap3A_918, %swap3A_919, %swap3A_920, %swap3A_921, %swap3A_922] {strides = array<i32>} : memref<2x8x3x8x128xf32, #tpu.memory_space<vmem>>, vector<16xf32>,
        tpu.vector_store %arg7[%swap3A_918, %swap3A_919, %swap3A_920, %swap3A_921, %swap3A_922], %gather3A_627 {strides = array<i32>} : memref<2x8x3x8x128xf32, #tpu.memory_space<vmem>>, vector<16xf32>,
        %add3A_924 = arith.constant 6 : i32
        %add3A_925 = vector.broadcast %add3A_924 : i32 to vector<16xi32>
        %add3A_926 = arith.addi %mul3A_156, %add3A_925 : vector<16xi32>
        %gather3A_927 = tpu.vector_load_idx %arg5[%add3A_926] : memref<576xf32, #tpu.memory_space<vmem>>[vector<16xi32>], vector<16xf32>,
        %swap3A_928 = arith.constant 0 : i32
        %swap3A_929 = arith.constant 6 : i32
        %swap3A_930 = arith.index_cast %rem3A_130 : i32 to index
        %swap3A_931 = arith.index_cast %rem3A_127 : i32 to index
        %swap3A_932 = arith.index_cast %swap3A_928 : i32 to index
        %swap3A_933 = arith.index_cast %swap3A_929 : i32 to index
        %swap3A_934 = arith.constant 32 : index
        %swap3A_935 = tpu.vector_load %arg7[%swap3A_930, %swap3A_931, %swap3A_932, %swap3A_933, %swap3A_934] {strides = array<i32>} : memref<2x8x3x8x128xf32, #tpu.memory_space<vmem>>, vector<16xf32>,
        tpu.vector_store %arg7[%swap3A_930, %swap3A_931, %swap3A_932, %swap3A_933, %swap3A_934], %gather3A_639 {strides = array<i32>} : memref<2x8x3x8x128xf32, #tpu.memory_space<vmem>>, vector<16xf32>,
        %add3A_936 = arith.constant 7 : i32
        %add3A_937 = vector.broadcast %add3A_936 : i32 to vector<16xi32>
        %add3A_938 = arith.addi %mul3A_156, %add3A_937 : vector<16xi32>
        %gather3A_939 = tpu.vector_load_idx %arg5[%add3A_938] : memref<576xf32, #tpu.memory_space<vmem>>[vector<16xi32>], vector<16xf32>,
        %swap3A_940 = arith.constant 0 : i32
        %swap3A_941 = arith.constant 7 : i32
        %swap3A_942 = arith.index_cast %rem3A_130 : i32 to index
        %swap3A_943 = arith.index_cast %rem3A_127 : i32 to index
        %swap3A_944 = arith.index_cast %swap3A_940 : i32 to index
        %swap3A_945 = arith.index_cast %swap3A_941 : i32 to index
        %swap3A_946 = arith.constant 32 : index
        %swap3A_947 = tpu.vector_load %arg7[%swap3A_942, %swap3A_943, %swap3A_944, %swap3A_945, %swap3A_946] {strides = array<i32>} : memref<2x8x3x8x128xf32, #tpu.memory_space<vmem>>, vector<16xf32>,
        tpu.vector_store %arg7[%swap3A_942, %swap3A_943, %swap3A_944, %swap3A_945, %swap3A_946], %gather3A_651 {strides = array<i32>} : memref<2x8x3x8x128xf32, #tpu.memory_space<vmem>>, vector<16xf32>,
        %add3A_948 = arith.constant 8 : i32
        %add3A_949 = vector.broadcast %add3A_948 : i32 to vector<16xi32>
        %add3A_950 = arith.addi %mul3A_156, %add3A_949 : vector<16xi32>
        %gather3A_951 = tpu.vector_load_idx %arg5[%add3A_950] : memref<576xf32, #tpu.memory_space<vmem>>[vector<16xi32>], vector<16xf32>,
        %swap3A_952 = arith.constant 1 : i32
        %swap3A_953 = arith.constant 0 : i32
        %swap3A_954 = arith.index_cast %rem3A_130 : i32 to index
        %swap3A_955 = arith.index_cast %rem3A_127 : i32 to index
        %swap3A_956 = arith.index_cast %swap3A_952 : i32 to index
        %swap3A_957 = arith.index_cast %swap3A_953 : i32 to index
        %swap3A_958 = arith.constant 32 : index
        %swap3A_959 = tpu.vector_load %arg7[%swap3A_954, %swap3A_955, %swap3A_956, %swap3A_957, %swap3A_958] {strides = array<i32>} : memref<2x8x3x8x128xf32, #tpu.memory_space<vmem>>, vector<16xf32>,
        tpu.vector_store %arg7[%swap3A_954, %swap3A_955, %swap3A_956, %swap3A_957, %swap3A_958], %gather3A_663 {strides = array<i32>} : memref<2x8x3x8x128xf32, #tpu.memory_space<vmem>>, vector<16xf32>,
        %add3A_960 = arith.constant 9 : i32
        %add3A_961 = vector.broadcast %add3A_960 : i32 to vector<16xi32>
        %add3A_962 = arith.addi %mul3A_156, %add3A_961 : vector<16xi32>
        %gather3A_963 = tpu.vector_load_idx %arg5[%add3A_962] : memref<576xf32, #tpu.memory_space<vmem>>[vector<16xi32>], vector<16xf32>,
        %swap3A_964 = arith.constant 1 : i32
        %swap3A_965 = arith.constant 1 : i32
        %swap3A_966 = arith.index_cast %rem3A_130 : i32 to index
        %swap3A_967 = arith.index_cast %rem3A_127 : i32 to index
        %swap3A_968 = arith.index_cast %swap3A_964 : i32 to index
        %swap3A_969 = arith.index_cast %swap3A_965 : i32 to index
        %swap3A_970 = arith.constant 32 : index
        %swap3A_971 = tpu.vector_load %arg7[%swap3A_966, %swap3A_967, %swap3A_968, %swap3A_969, %swap3A_970] {strides = array<i32>} : memref<2x8x3x8x128xf32, #tpu.memory_space<vmem>>, vector<16xf32>,
        tpu.vector_store %arg7[%swap3A_966, %swap3A_967, %swap3A_968, %swap3A_969, %swap3A_970], %gather3A_675 {strides = array<i32>} : memref<2x8x3x8x128xf32, #tpu.memory_space<vmem>>, vector<16xf32>,
        %add3A_972 = arith.constant 10 : i32
        %add3A_973 = vector.broadcast %add3A_972 : i32 to vector<16xi32>
        %add3A_974 = arith.addi %mul3A_156, %add3A_973 : vector<16xi32>
        %gather3A_975 = tpu.vector_load_idx %arg5[%add3A_974] : memref<576xf32, #tpu.memory_space<vmem>>[vector<16xi32>], vector<16xf32>,
        %swap3A_976 = arith.constant 1 : i32
        %swap3A_977 = arith.constant 2 : i32
        %swap3A_978 = arith.index_cast %rem3A_130 : i32 to index
        %swap3A_979 = arith.index_cast %rem3A_127 : i32 to index
        %swap3A_980 = arith.index_cast %swap3A_976 : i32 to index
        %swap3A_981 = arith.index_cast %swap3A_977 : i32 to index
        %swap3A_982 = arith.constant 32 : index
        %swap3A_983 = tpu.vector_load %arg7[%swap3A_978, %swap3A_979, %swap3A_980, %swap3A_981, %swap3A_982] {strides = array<i32>} : memref<2x8x3x8x128xf32, #tpu.memory_space<vmem>>, vector<16xf32>,
        tpu.vector_store %arg7[%swap3A_978, %swap3A_979, %swap3A_980, %swap3A_981, %swap3A_982], %gather3A_687 {strides = array<i32>} : memref<2x8x3x8x128xf32, #tpu.memory_space<vmem>>, vector<16xf32>,
        %add3A_984 = arith.constant 11 : i32
        %add3A_985 = vector.broadcast %add3A_984 : i32 to vector<16xi32>
        %add3A_986 = arith.addi %mul3A_156, %add3A_985 : vector<16xi32>
        %gather3A_987 = tpu.vector_load_idx %arg5[%add3A_986] : memref<576xf32, #tpu.memory_space<vmem>>[vector<16xi32>], vector<16xf32>,
        %swap3A_988 = arith.constant 1 : i32
        %swap3A_989 = arith.constant 3 : i32
        %swap3A_990 = arith.index_cast %rem3A_130 : i32 to index
        %swap3A_991 = arith.index_cast %rem3A_127 : i32 to index
        %swap3A_992 = arith.index_cast %swap3A_988 : i32 to index
        %swap3A_993 = arith.index_cast %swap3A_989 : i32 to index
        %swap3A_994 = arith.constant 32 : index
        %swap3A_995 = tpu.vector_load %arg7[%swap3A_990, %swap3A_991, %swap3A_992, %swap3A_993, %swap3A_994] {strides = array<i32>} : memref<2x8x3x8x128xf32, #tpu.memory_space<vmem>>, vector<16xf32>,
        tpu.vector_store %arg7[%swap3A_990, %swap3A_991, %swap3A_992, %swap3A_993, %swap3A_994], %gather3A_699 {strides = array<i32>} : memref<2x8x3x8x128xf32, #tpu.memory_space<vmem>>, vector<16xf32>,
        %add3A_996 = arith.constant 12 : i32
        %add3A_997 = vector.broadcast %add3A_996 : i32 to vector<16xi32>
        %add3A_998 = arith.addi %mul3A_156, %add3A_997 : vector<16xi32>
        %gather3A_999 = tpu.vector_load_idx %arg5[%add3A_998] : memref<576xf32, #tpu.memory_space<vmem>>[vector<16xi32>], vector<16xf32>,
        %swap3A_1000 = arith.constant 1 : i32
        %swap3A_1001 = arith.constant 4 : i32
        %swap3A_1002 = arith.index_cast %rem3A_130 : i32 to index
        %swap3A_1003 = arith.index_cast %rem3A_127 : i32 to index
        %swap3A_1004 = arith.index_cast %swap3A_1000 : i32 to index
        %swap3A_1005 = arith.index_cast %swap3A_1001 : i32 to index
        %swap3A_1006 = arith.constant 32 : index
        %swap3A_1007 = tpu.vector_load %arg7[%swap3A_1002, %swap3A_1003, %swap3A_1004, %swap3A_1005, %swap3A_1006] {strides = array<i32>} : memref<2x8x3x8x128xf32, #tpu.memory_space<vmem>>, vector<16xf32>,
        tpu.vector_store %arg7[%swap3A_1002, %swap3A_1003, %swap3A_1004, %swap3A_1005, %swap3A_1006], %gather3A_711 {strides = array<i32>} : memref<2x8x3x8x128xf32, #tpu.memory_space<vmem>>, vector<16xf32>,
        %add3A_1008 = arith.constant 13 : i32
        %add3A_1009 = vector.broadcast %add3A_1008 : i32 to vector<16xi32>
        %add3A_1010 = arith.addi %mul3A_156, %add3A_1009 : vector<16xi32>
        %gather3A_1011 = tpu.vector_load_idx %arg5[%add3A_1010] : memref<576xf32, #tpu.memory_space<vmem>>[vector<16xi32>], vector<16xf32>,
        %swap3A_1012 = arith.constant 1 : i32
        %swap3A_1013 = arith.constant 5 : i32
        %swap3A_1014 = arith.index_cast %rem3A_130 : i32 to index
        %swap3A_1015 = arith.index_cast %rem3A_127 : i32 to index
        %swap3A_1016 = arith.index_cast %swap3A_1012 : i32 to index
        %swap3A_1017 = arith.index_cast %swap3A_1013 : i32 to index
        %swap3A_1018 = arith.constant 32 : index
        %swap3A_1019 = tpu.vector_load %arg7[%swap3A_1014, %swap3A_1015, %swap3A_1016, %swap3A_1017, %swap3A_1018] {strides = array<i32>} : memref<2x8x3x8x128xf32, #tpu.memory_space<vmem>>, vector<16xf32>,
        tpu.vector_store %arg7[%swap3A_1014, %swap3A_1015, %swap3A_1016, %swap3A_1017, %swap3A_1018], %gather3A_723 {strides = array<i32>} : memref<2x8x3x8x128xf32, #tpu.memory_space<vmem>>, vector<16xf32>,
        %add3A_1020 = arith.constant 14 : i32
        %add3A_1021 = vector.broadcast %add3A_1020 : i32 to vector<16xi32>
        %add3A_1022 = arith.addi %mul3A_156, %add3A_1021 : vector<16xi32>
        %gather3A_1023 = tpu.vector_load_idx %arg5[%add3A_1022] : memref<576xf32, #tpu.memory_space<vmem>>[vector<16xi32>], vector<16xf32>,
        %swap3A_1024 = arith.constant 1 : i32
        %swap3A_1025 = arith.constant 6 : i32
        %swap3A_1026 = arith.index_cast %rem3A_130 : i32 to index
        %swap3A_1027 = arith.index_cast %rem3A_127 : i32 to index
        %swap3A_1028 = arith.index_cast %swap3A_1024 : i32 to index
        %swap3A_1029 = arith.index_cast %swap3A_1025 : i32 to index
        %swap3A_1030 = arith.constant 32 : index
        %swap3A_1031 = tpu.vector_load %arg7[%swap3A_1026, %swap3A_1027, %swap3A_1028, %swap3A_1029, %swap3A_1030] {strides = array<i32>} : memref<2x8x3x8x128xf32, #tpu.memory_space<vmem>>, vector<16xf32>,
        tpu.vector_store %arg7[%swap3A_1026, %swap3A_1027, %swap3A_1028, %swap3A_1029, %swap3A_1030], %gather3A_735 {strides = array<i32>} : memref<2x8x3x8x128xf32, #tpu.memory_space<vmem>>, vector<16xf32>,
        %add3A_1032 = arith.constant 15 : i32
        %add3A_1033 = vector.broadcast %add3A_1032 : i32 to vector<16xi32>
        %add3A_1034 = arith.addi %mul3A_156, %add3A_1033 : vector<16xi32>
        %gather3A_1035 = tpu.vector_load_idx %arg5[%add3A_1034] : memref<576xf32, #tpu.memory_space<vmem>>[vector<16xi32>], vector<16xf32>,
        %swap3A_1036 = arith.constant 1 : i32
        %swap3A_1037 = arith.constant 7 : i32
        %swap3A_1038 = arith.index_cast %rem3A_130 : i32 to index
        %swap3A_1039 = arith.index_cast %rem3A_127 : i32 to index
        %swap3A_1040 = arith.index_cast %swap3A_1036 : i32 to index
        %swap3A_1041 = arith.index_cast %swap3A_1037 : i32 to index
        %swap3A_1042 = arith.constant 32 : index
        %swap3A_1043 = tpu.vector_load %arg7[%swap3A_1038, %swap3A_1039, %swap3A_1040, %swap3A_1041, %swap3A_1042] {strides = array<i32>} : memref<2x8x3x8x128xf32, #tpu.memory_space<vmem>>, vector<16xf32>,
        tpu.vector_store %arg7[%swap3A_1038, %swap3A_1039, %swap3A_1040, %swap3A_1041, %swap3A_1042], %gather3A_747 {strides = array<i32>} : memref<2x8x3x8x128xf32, #tpu.memory_space<vmem>>, vector<16xf32>,
        %add3A_1044 = arith.constant 16 : i32
        %add3A_1045 = vector.broadcast %add3A_1044 : i32 to vector<16xi32>
        %add3A_1046 = arith.addi %mul3A_156, %add3A_1045 : vector<16xi32>
        %gather3A_1047 = tpu.vector_load_idx %arg5[%add3A_1046] : memref<576xf32, #tpu.memory_space<vmem>>[vector<16xi32>], vector<16xf32>,
        %swap3A_1048 = arith.constant 2 : i32
        %swap3A_1049 = arith.constant 0 : i32
        %swap3A_1050 = arith.index_cast %rem3A_130 : i32 to index
        %swap3A_1051 = arith.index_cast %rem3A_127 : i32 to index
        %swap3A_1052 = arith.index_cast %swap3A_1048 : i32 to index
        %swap3A_1053 = arith.index_cast %swap3A_1049 : i32 to index
        %swap3A_1054 = arith.constant 32 : index
        %swap3A_1055 = tpu.vector_load %arg7[%swap3A_1050, %swap3A_1051, %swap3A_1052, %swap3A_1053, %swap3A_1054] {strides = array<i32>} : memref<2x8x3x8x128xf32, #tpu.memory_space<vmem>>, vector<16xf32>,
        tpu.vector_store %arg7[%swap3A_1050, %swap3A_1051, %swap3A_1052, %swap3A_1053, %swap3A_1054], %gather3A_759 {strides = array<i32>} : memref<2x8x3x8x128xf32, #tpu.memory_space<vmem>>, vector<16xf32>,
        %add3A_1056 = arith.constant 17 : i32
        %add3A_1057 = vector.broadcast %add3A_1056 : i32 to vector<16xi32>
        %add3A_1058 = arith.addi %mul3A_156, %add3A_1057 : vector<16xi32>
        %gather3A_1059 = tpu.vector_load_idx %arg5[%add3A_1058] : memref<576xf32, #tpu.memory_space<vmem>>[vector<16xi32>], vector<16xf32>,
        %swap3A_1060 = arith.constant 2 : i32
        %swap3A_1061 = arith.constant 1 : i32
        %swap3A_1062 = arith.index_cast %rem3A_130 : i32 to index
        %swap3A_1063 = arith.index_cast %rem3A_127 : i32 to index
        %swap3A_1064 = arith.index_cast %swap3A_1060 : i32 to index
        %swap3A_1065 = arith.index_cast %swap3A_1061 : i32 to index
        %swap3A_1066 = arith.constant 32 : index
        %swap3A_1067 = tpu.vector_load %arg7[%swap3A_1062, %swap3A_1063, %swap3A_1064, %swap3A_1065, %swap3A_1066] {strides = array<i32>} : memref<2x8x3x8x128xf32, #tpu.memory_space<vmem>>, vector<16xf32>,
        tpu.vector_store %arg7[%swap3A_1062, %swap3A_1063, %swap3A_1064, %swap3A_1065, %swap3A_1066], %gather3A_771 {strides = array<i32>} : memref<2x8x3x8x128xf32, #tpu.memory_space<vmem>>, vector<16xf32>,
        %add3A_1068 = arith.constant 18 : i32
        %add3A_1069 = vector.broadcast %add3A_1068 : i32 to vector<16xi32>
        %add3A_1070 = arith.addi %mul3A_156, %add3A_1069 : vector<16xi32>
        %gather3A_1071 = tpu.vector_load_idx %arg5[%add3A_1070] : memref<576xf32, #tpu.memory_space<vmem>>[vector<16xi32>], vector<16xf32>,
        %swap3A_1072 = arith.constant 2 : i32
        %swap3A_1073 = arith.constant 2 : i32
        %swap3A_1074 = arith.index_cast %rem3A_130 : i32 to index
        %swap3A_1075 = arith.index_cast %rem3A_127 : i32 to index
        %swap3A_1076 = arith.index_cast %swap3A_1072 : i32 to index
        %swap3A_1077 = arith.index_cast %swap3A_1073 : i32 to index
        %swap3A_1078 = arith.constant 32 : index
        %swap3A_1079 = tpu.vector_load %arg7[%swap3A_1074, %swap3A_1075, %swap3A_1076, %swap3A_1077, %swap3A_1078] {strides = array<i32>} : memref<2x8x3x8x128xf32, #tpu.memory_space<vmem>>, vector<16xf32>,
        tpu.vector_store %arg7[%swap3A_1074, %swap3A_1075, %swap3A_1076, %swap3A_1077, %swap3A_1078], %gather3A_783 {strides = array<i32>} : memref<2x8x3x8x128xf32, #tpu.memory_space<vmem>>, vector<16xf32>,
        %add3A_1080 = arith.constant 19 : i32
        %add3A_1081 = vector.broadcast %add3A_1080 : i32 to vector<16xi32>
        %add3A_1082 = arith.addi %mul3A_156, %add3A_1081 : vector<16xi32>
        %gather3A_1083 = tpu.vector_load_idx %arg5[%add3A_1082] : memref<576xf32, #tpu.memory_space<vmem>>[vector<16xi32>], vector<16xf32>,
        %swap3A_1084 = arith.constant 2 : i32
        %swap3A_1085 = arith.constant 3 : i32
        %swap3A_1086 = arith.index_cast %rem3A_130 : i32 to index
        %swap3A_1087 = arith.index_cast %rem3A_127 : i32 to index
        %swap3A_1088 = arith.index_cast %swap3A_1084 : i32 to index
        %swap3A_1089 = arith.index_cast %swap3A_1085 : i32 to index
        %swap3A_1090 = arith.constant 32 : index
        %swap3A_1091 = tpu.vector_load %arg7[%swap3A_1086, %swap3A_1087, %swap3A_1088, %swap3A_1089, %swap3A_1090] {strides = array<i32>} : memref<2x8x3x8x128xf32, #tpu.memory_space<vmem>>, vector<16xf32>,
        tpu.vector_store %arg7[%swap3A_1086, %swap3A_1087, %swap3A_1088, %swap3A_1089, %swap3A_1090], %gather3A_795 {strides = array<i32>} : memref<2x8x3x8x128xf32, #tpu.memory_space<vmem>>, vector<16xf32>,
        %add3A_1092 = arith.constant 20 : i32
        %add3A_1093 = vector.broadcast %add3A_1092 : i32 to vector<16xi32>
        %add3A_1094 = arith.addi %mul3A_156, %add3A_1093 : vector<16xi32>
        %gather3A_1095 = tpu.vector_load_idx %arg5[%add3A_1094] : memref<576xf32, #tpu.memory_space<vmem>>[vector<16xi32>], vector<16xf32>,
        %swap3A_1096 = arith.constant 2 : i32
        %swap3A_1097 = arith.constant 4 : i32
        %swap3A_1098 = arith.index_cast %rem3A_130 : i32 to index
        %swap3A_1099 = arith.index_cast %rem3A_127 : i32 to index
        %swap3A_1100 = arith.index_cast %swap3A_1096 : i32 to index
        %swap3A_1101 = arith.index_cast %swap3A_1097 : i32 to index
        %swap3A_1102 = arith.constant 32 : index
        %swap3A_1103 = tpu.vector_load %arg7[%swap3A_1098, %swap3A_1099, %swap3A_1100, %swap3A_1101, %swap3A_1102] {strides = array<i32>} : memref<2x8x3x8x128xf32, #tpu.memory_space<vmem>>, vector<16xf32>,
        tpu.vector_store %arg7[%swap3A_1098, %swap3A_1099, %swap3A_1100, %swap3A_1101, %swap3A_1102], %gather3A_807 {strides = array<i32>} : memref<2x8x3x8x128xf32, #tpu.memory_space<vmem>>, vector<16xf32>,
        %add3A_1104 = arith.constant 21 : i32
        %add3A_1105 = vector.broadcast %add3A_1104 : i32 to vector<16xi32>
        %add3A_1106 = arith.addi %mul3A_156, %add3A_1105 : vector<16xi32>
        %gather3A_1107 = tpu.vector_load_idx %arg5[%add3A_1106] : memref<576xf32, #tpu.memory_space<vmem>>[vector<16xi32>], vector<16xf32>,
        %swap3A_1108 = arith.constant 2 : i32
        %swap3A_1109 = arith.constant 5 : i32
        %swap3A_1110 = arith.index_cast %rem3A_130 : i32 to index
        %swap3A_1111 = arith.index_cast %rem3A_127 : i32 to index
        %swap3A_1112 = arith.index_cast %swap3A_1108 : i32 to index
        %swap3A_1113 = arith.index_cast %swap3A_1109 : i32 to index
        %swap3A_1114 = arith.constant 32 : index
        %swap3A_1115 = tpu.vector_load %arg7[%swap3A_1110, %swap3A_1111, %swap3A_1112, %swap3A_1113, %swap3A_1114] {strides = array<i32>} : memref<2x8x3x8x128xf32, #tpu.memory_space<vmem>>, vector<16xf32>,
        tpu.vector_store %arg7[%swap3A_1110, %swap3A_1111, %swap3A_1112, %swap3A_1113, %swap3A_1114], %gather3A_819 {strides = array<i32>} : memref<2x8x3x8x128xf32, #tpu.memory_space<vmem>>, vector<16xf32>,
        %add3A_1116 = arith.constant 22 : i32
        %add3A_1117 = vector.broadcast %add3A_1116 : i32 to vector<16xi32>
        %add3A_1118 = arith.addi %mul3A_156, %add3A_1117 : vector<16xi32>
        %gather3A_1119 = tpu.vector_load_idx %arg5[%add3A_1118] : memref<576xf32, #tpu.memory_space<vmem>>[vector<16xi32>], vector<16xf32>,
        %swap3A_1120 = arith.constant 2 : i32
        %swap3A_1121 = arith.constant 6 : i32
        %swap3A_1122 = arith.index_cast %rem3A_130 : i32 to index
        %swap3A_1123 = arith.index_cast %rem3A_127 : i32 to index
        %swap3A_1124 = arith.index_cast %swap3A_1120 : i32 to index
        %swap3A_1125 = arith.index_cast %swap3A_1121 : i32 to index
        %swap3A_1126 = arith.constant 32 : index
        %swap3A_1127 = tpu.vector_load %arg7[%swap3A_1122, %swap3A_1123, %swap3A_1124, %swap3A_1125, %swap3A_1126] {strides = array<i32>} : memref<2x8x3x8x128xf32, #tpu.memory_space<vmem>>, vector<16xf32>,
        tpu.vector_store %arg7[%swap3A_1122, %swap3A_1123, %swap3A_1124, %swap3A_1125, %swap3A_1126], %gather3A_831 {strides = array<i32>} : memref<2x8x3x8x128xf32, #tpu.memory_space<vmem>>, vector<16xf32>,
        %add3A_1128 = arith.constant 23 : i32
        %add3A_1129 = vector.broadcast %add3A_1128 : i32 to vector<16xi32>
        %add3A_1130 = arith.addi %mul3A_156, %add3A_1129 : vector<16xi32>
        %gather3A_1131 = tpu.vector_load_idx %arg5[%add3A_1130] : memref<576xf32, #tpu.memory_space<vmem>>[vector<16xi32>], vector<16xf32>,
        %swap3A_1132 = arith.constant 2 : i32
        %swap3A_1133 = arith.constant 7 : i32
        %swap3A_1134 = arith.index_cast %rem3A_130 : i32 to index
        %swap3A_1135 = arith.index_cast %rem3A_127 : i32 to index
        %swap3A_1136 = arith.index_cast %swap3A_1132 : i32 to index
        %swap3A_1137 = arith.index_cast %swap3A_1133 : i32 to index
        %swap3A_1138 = arith.constant 32 : index
        %swap3A_1139 = tpu.vector_load %arg7[%swap3A_1134, %swap3A_1135, %swap3A_1136, %swap3A_1137, %swap3A_1138] {strides = array<i32>} : memref<2x8x3x8x128xf32, #tpu.memory_space<vmem>>, vector<16xf32>,
        tpu.vector_store %arg7[%swap3A_1134, %swap3A_1135, %swap3A_1136, %swap3A_1137, %swap3A_1138], %gather3A_843 {strides = array<i32>} : memref<2x8x3x8x128xf32, #tpu.memory_space<vmem>>, vector<16xf32>,
        %add3A_1140 = arith.constant 0 : i32
        %add3A_1141 = vector.broadcast %add3A_1140 : i32 to vector<16xi32>
        %add3A_1142 = arith.addi %mul3A_162, %add3A_1141 : vector<16xi32>
        %gather3A_1143 = tpu.vector_load_idx %arg5[%add3A_1142] : memref<576xf32, #tpu.memory_space<vmem>>[vector<16xi32>], vector<16xf32>,
        %swap3A_1144 = arith.constant 0 : i32
        %swap3A_1145 = arith.constant 0 : i32
        %swap3A_1146 = arith.index_cast %rem3A_130 : i32 to index
        %swap3A_1147 = arith.index_cast %rem3A_127 : i32 to index
        %swap3A_1148 = arith.index_cast %swap3A_1144 : i32 to index
        %swap3A_1149 = arith.index_cast %swap3A_1145 : i32 to index
        %swap3A_1150 = arith.constant 48 : index
        %swap3A_1151 = tpu.vector_load %arg7[%swap3A_1146, %swap3A_1147, %swap3A_1148, %swap3A_1149, %swap3A_1150] {strides = array<i32>} : memref<2x8x3x8x128xf32, #tpu.memory_space<vmem>>, vector<16xf32>,
        tpu.vector_store %arg7[%swap3A_1146, %swap3A_1147, %swap3A_1148, %swap3A_1149, %swap3A_1150], %gather3A_855 {strides = array<i32>} : memref<2x8x3x8x128xf32, #tpu.memory_space<vmem>>, vector<16xf32>,
        %add3A_1152 = arith.constant 1 : i32
        %add3A_1153 = vector.broadcast %add3A_1152 : i32 to vector<16xi32>
        %add3A_1154 = arith.addi %mul3A_162, %add3A_1153 : vector<16xi32>
        %gather3A_1155 = tpu.vector_load_idx %arg5[%add3A_1154] : memref<576xf32, #tpu.memory_space<vmem>>[vector<16xi32>], vector<16xf32>,
        %swap3A_1156 = arith.constant 0 : i32
        %swap3A_1157 = arith.constant 1 : i32
        %swap3A_1158 = arith.index_cast %rem3A_130 : i32 to index
        %swap3A_1159 = arith.index_cast %rem3A_127 : i32 to index
        %swap3A_1160 = arith.index_cast %swap3A_1156 : i32 to index
        %swap3A_1161 = arith.index_cast %swap3A_1157 : i32 to index
        %swap3A_1162 = arith.constant 48 : index
        %swap3A_1163 = tpu.vector_load %arg7[%swap3A_1158, %swap3A_1159, %swap3A_1160, %swap3A_1161, %swap3A_1162] {strides = array<i32>} : memref<2x8x3x8x128xf32, #tpu.memory_space<vmem>>, vector<16xf32>,
        tpu.vector_store %arg7[%swap3A_1158, %swap3A_1159, %swap3A_1160, %swap3A_1161, %swap3A_1162], %gather3A_867 {strides = array<i32>} : memref<2x8x3x8x128xf32, #tpu.memory_space<vmem>>, vector<16xf32>,
        %add3A_1164 = arith.constant 2 : i32
        %add3A_1165 = vector.broadcast %add3A_1164 : i32 to vector<16xi32>
        %add3A_1166 = arith.addi %mul3A_162, %add3A_1165 : vector<16xi32>
        %gather3A_1167 = tpu.vector_load_idx %arg5[%add3A_1166] : memref<576xf32, #tpu.memory_space<vmem>>[vector<16xi32>], vector<16xf32>,
        %swap3A_1168 = arith.constant 0 : i32
        %swap3A_1169 = arith.constant 2 : i32
        %swap3A_1170 = arith.index_cast %rem3A_130 : i32 to index
        %swap3A_1171 = arith.index_cast %rem3A_127 : i32 to index
        %swap3A_1172 = arith.index_cast %swap3A_1168 : i32 to index
        %swap3A_1173 = arith.index_cast %swap3A_1169 : i32 to index
        %swap3A_1174 = arith.constant 48 : index
        %swap3A_1175 = tpu.vector_load %arg7[%swap3A_1170, %swap3A_1171, %swap3A_1172, %swap3A_1173, %swap3A_1174] {strides = array<i32>} : memref<2x8x3x8x128xf32, #tpu.memory_space<vmem>>, vector<16xf32>,
        tpu.vector_store %arg7[%swap3A_1170, %swap3A_1171, %swap3A_1172, %swap3A_1173, %swap3A_1174], %gather3A_879 {strides = array<i32>} : memref<2x8x3x8x128xf32, #tpu.memory_space<vmem>>, vector<16xf32>,
        %add3A_1176 = arith.constant 3 : i32
        %add3A_1177 = vector.broadcast %add3A_1176 : i32 to vector<16xi32>
        %add3A_1178 = arith.addi %mul3A_162, %add3A_1177 : vector<16xi32>
        %gather3A_1179 = tpu.vector_load_idx %arg5[%add3A_1178] : memref<576xf32, #tpu.memory_space<vmem>>[vector<16xi32>], vector<16xf32>,
        %swap3A_1180 = arith.constant 0 : i32
        %swap3A_1181 = arith.constant 3 : i32
        %swap3A_1182 = arith.index_cast %rem3A_130 : i32 to index
        %swap3A_1183 = arith.index_cast %rem3A_127 : i32 to index
        %swap3A_1184 = arith.index_cast %swap3A_1180 : i32 to index
        %swap3A_1185 = arith.index_cast %swap3A_1181 : i32 to index
        %swap3A_1186 = arith.constant 48 : index
        %swap3A_1187 = tpu.vector_load %arg7[%swap3A_1182, %swap3A_1183, %swap3A_1184, %swap3A_1185, %swap3A_1186] {strides = array<i32>} : memref<2x8x3x8x128xf32, #tpu.memory_space<vmem>>, vector<16xf32>,
        tpu.vector_store %arg7[%swap3A_1182, %swap3A_1183, %swap3A_1184, %swap3A_1185, %swap3A_1186], %gather3A_891 {strides = array<i32>} : memref<2x8x3x8x128xf32, #tpu.memory_space<vmem>>, vector<16xf32>,
        %add3A_1188 = arith.constant 4 : i32
        %add3A_1189 = vector.broadcast %add3A_1188 : i32 to vector<16xi32>
        %add3A_1190 = arith.addi %mul3A_162, %add3A_1189 : vector<16xi32>
        %gather3A_1191 = tpu.vector_load_idx %arg5[%add3A_1190] : memref<576xf32, #tpu.memory_space<vmem>>[vector<16xi32>], vector<16xf32>,
        %swap3A_1192 = arith.constant 0 : i32
        %swap3A_1193 = arith.constant 4 : i32
        %swap3A_1194 = arith.index_cast %rem3A_130 : i32 to index
        %swap3A_1195 = arith.index_cast %rem3A_127 : i32 to index
        %swap3A_1196 = arith.index_cast %swap3A_1192 : i32 to index
        %swap3A_1197 = arith.index_cast %swap3A_1193 : i32 to index
        %swap3A_1198 = arith.constant 48 : index
        %swap3A_1199 = tpu.vector_load %arg7[%swap3A_1194, %swap3A_1195, %swap3A_1196, %swap3A_1197, %swap3A_1198] {strides = array<i32>} : memref<2x8x3x8x128xf32, #tpu.memory_space<vmem>>, vector<16xf32>,
        tpu.vector_store %arg7[%swap3A_1194, %swap3A_1195, %swap3A_1196, %swap3A_1197, %swap3A_1198], %gather3A_903 {strides = array<i32>} : memref<2x8x3x8x128xf32, #tpu.memory_space<vmem>>, vector<16xf32>,
        %add3A_1200 = arith.constant 5 : i32
        %add3A_1201 = vector.broadcast %add3A_1200 : i32 to vector<16xi32>
        %add3A_1202 = arith.addi %mul3A_162, %add3A_1201 : vector<16xi32>
        %gather3A_1203 = tpu.vector_load_idx %arg5[%add3A_1202] : memref<576xf32, #tpu.memory_space<vmem>>[vector<16xi32>], vector<16xf32>,
        %swap3A_1204 = arith.constant 0 : i32
        %swap3A_1205 = arith.constant 5 : i32
        %swap3A_1206 = arith.index_cast %rem3A_130 : i32 to index
        %swap3A_1207 = arith.index_cast %rem3A_127 : i32 to index
        %swap3A_1208 = arith.index_cast %swap3A_1204 : i32 to index
        %swap3A_1209 = arith.index_cast %swap3A_1205 : i32 to index
        %swap3A_1210 = arith.constant 48 : index
        %swap3A_1211 = tpu.vector_load %arg7[%swap3A_1206, %swap3A_1207, %swap3A_1208, %swap3A_1209, %swap3A_1210] {strides = array<i32>} : memref<2x8x3x8x128xf32, #tpu.memory_space<vmem>>, vector<16xf32>,
        tpu.vector_store %arg7[%swap3A_1206, %swap3A_1207, %swap3A_1208, %swap3A_1209, %swap3A_1210], %gather3A_915 {strides = array<i32>} : memref<2x8x3x8x128xf32, #tpu.memory_space<vmem>>, vector<16xf32>,
        %add3A_1212 = arith.constant 6 : i32
        %add3A_1213 = vector.broadcast %add3A_1212 : i32 to vector<16xi32>
        %add3A_1214 = arith.addi %mul3A_162, %add3A_1213 : vector<16xi32>
        %gather3A_1215 = tpu.vector_load_idx %arg5[%add3A_1214] : memref<576xf32, #tpu.memory_space<vmem>>[vector<16xi32>], vector<16xf32>,
        %swap3A_1216 = arith.constant 0 : i32
        %swap3A_1217 = arith.constant 6 : i32
        %swap3A_1218 = arith.index_cast %rem3A_130 : i32 to index
        %swap3A_1219 = arith.index_cast %rem3A_127 : i32 to index
        %swap3A_1220 = arith.index_cast %swap3A_1216 : i32 to index
        %swap3A_1221 = arith.index_cast %swap3A_1217 : i32 to index
        %swap3A_1222 = arith.constant 48 : index
        %swap3A_1223 = tpu.vector_load %arg7[%swap3A_1218, %swap3A_1219, %swap3A_1220, %swap3A_1221, %swap3A_1222] {strides = array<i32>} : memref<2x8x3x8x128xf32, #tpu.memory_space<vmem>>, vector<16xf32>,
        tpu.vector_store %arg7[%swap3A_1218, %swap3A_1219, %swap3A_1220, %swap3A_1221, %swap3A_1222], %gather3A_927 {strides = array<i32>} : memref<2x8x3x8x128xf32, #tpu.memory_space<vmem>>, vector<16xf32>,
        %add3A_1224 = arith.constant 7 : i32
        %add3A_1225 = vector.broadcast %add3A_1224 : i32 to vector<16xi32>
        %add3A_1226 = arith.addi %mul3A_162, %add3A_1225 : vector<16xi32>
        %gather3A_1227 = tpu.vector_load_idx %arg5[%add3A_1226] : memref<576xf32, #tpu.memory_space<vmem>>[vector<16xi32>], vector<16xf32>,
        %swap3A_1228 = arith.constant 0 : i32
        %swap3A_1229 = arith.constant 7 : i32
        %swap3A_1230 = arith.index_cast %rem3A_130 : i32 to index
        %swap3A_1231 = arith.index_cast %rem3A_127 : i32 to index
        %swap3A_1232 = arith.index_cast %swap3A_1228 : i32 to index
        %swap3A_1233 = arith.index_cast %swap3A_1229 : i32 to index
        %swap3A_1234 = arith.constant 48 : index
        %swap3A_1235 = tpu.vector_load %arg7[%swap3A_1230, %swap3A_1231, %swap3A_1232, %swap3A_1233, %swap3A_1234] {strides = array<i32>} : memref<2x8x3x8x128xf32, #tpu.memory_space<vmem>>, vector<16xf32>,
        tpu.vector_store %arg7[%swap3A_1230, %swap3A_1231, %swap3A_1232, %swap3A_1233, %swap3A_1234], %gather3A_939 {strides = array<i32>} : memref<2x8x3x8x128xf32, #tpu.memory_space<vmem>>, vector<16xf32>,
        %add3A_1236 = arith.constant 8 : i32
        %add3A_1237 = vector.broadcast %add3A_1236 : i32 to vector<16xi32>
        %add3A_1238 = arith.addi %mul3A_162, %add3A_1237 : vector<16xi32>
        %gather3A_1239 = tpu.vector_load_idx %arg5[%add3A_1238] : memref<576xf32, #tpu.memory_space<vmem>>[vector<16xi32>], vector<16xf32>,
        %swap3A_1240 = arith.constant 1 : i32
        %swap3A_1241 = arith.constant 0 : i32
        %swap3A_1242 = arith.index_cast %rem3A_130 : i32 to index
        %swap3A_1243 = arith.index_cast %rem3A_127 : i32 to index
        %swap3A_1244 = arith.index_cast %swap3A_1240 : i32 to index
        %swap3A_1245 = arith.index_cast %swap3A_1241 : i32 to index
        %swap3A_1246 = arith.constant 48 : index
        %swap3A_1247 = tpu.vector_load %arg7[%swap3A_1242, %swap3A_1243, %swap3A_1244, %swap3A_1245, %swap3A_1246] {strides = array<i32>} : memref<2x8x3x8x128xf32, #tpu.memory_space<vmem>>, vector<16xf32>,
        tpu.vector_store %arg7[%swap3A_1242, %swap3A_1243, %swap3A_1244, %swap3A_1245, %swap3A_1246], %gather3A_951 {strides = array<i32>} : memref<2x8x3x8x128xf32, #tpu.memory_space<vmem>>, vector<16xf32>,
        %add3A_1248 = arith.constant 9 : i32
        %add3A_1249 = vector.broadcast %add3A_1248 : i32 to vector<16xi32>
        %add3A_1250 = arith.addi %mul3A_162, %add3A_1249 : vector<16xi32>
        %gather3A_1251 = tpu.vector_load_idx %arg5[%add3A_1250] : memref<576xf32, #tpu.memory_space<vmem>>[vector<16xi32>], vector<16xf32>,
        %swap3A_1252 = arith.constant 1 : i32
        %swap3A_1253 = arith.constant 1 : i32
        %swap3A_1254 = arith.index_cast %rem3A_130 : i32 to index
        %swap3A_1255 = arith.index_cast %rem3A_127 : i32 to index
        %swap3A_1256 = arith.index_cast %swap3A_1252 : i32 to index
        %swap3A_1257 = arith.index_cast %swap3A_1253 : i32 to index
        %swap3A_1258 = arith.constant 48 : index
        %swap3A_1259 = tpu.vector_load %arg7[%swap3A_1254, %swap3A_1255, %swap3A_1256, %swap3A_1257, %swap3A_1258] {strides = array<i32>} : memref<2x8x3x8x128xf32, #tpu.memory_space<vmem>>, vector<16xf32>,
        tpu.vector_store %arg7[%swap3A_1254, %swap3A_1255, %swap3A_1256, %swap3A_1257, %swap3A_1258], %gather3A_963 {strides = array<i32>} : memref<2x8x3x8x128xf32, #tpu.memory_space<vmem>>, vector<16xf32>,
        %add3A_1260 = arith.constant 10 : i32
        %add3A_1261 = vector.broadcast %add3A_1260 : i32 to vector<16xi32>
        %add3A_1262 = arith.addi %mul3A_162, %add3A_1261 : vector<16xi32>
        %gather3A_1263 = tpu.vector_load_idx %arg5[%add3A_1262] : memref<576xf32, #tpu.memory_space<vmem>>[vector<16xi32>], vector<16xf32>,
        %swap3A_1264 = arith.constant 1 : i32
        %swap3A_1265 = arith.constant 2 : i32
        %swap3A_1266 = arith.index_cast %rem3A_130 : i32 to index
        %swap3A_1267 = arith.index_cast %rem3A_127 : i32 to index
        %swap3A_1268 = arith.index_cast %swap3A_1264 : i32 to index
        %swap3A_1269 = arith.index_cast %swap3A_1265 : i32 to index
        %swap3A_1270 = arith.constant 48 : index
        %swap3A_1271 = tpu.vector_load %arg7[%swap3A_1266, %swap3A_1267, %swap3A_1268, %swap3A_1269, %swap3A_1270] {strides = array<i32>} : memref<2x8x3x8x128xf32, #tpu.memory_space<vmem>>, vector<16xf32>,
        tpu.vector_store %arg7[%swap3A_1266, %swap3A_1267, %swap3A_1268, %swap3A_1269, %swap3A_1270], %gather3A_975 {strides = array<i32>} : memref<2x8x3x8x128xf32, #tpu.memory_space<vmem>>, vector<16xf32>,
        %add3A_1272 = arith.constant 11 : i32
        %add3A_1273 = vector.broadcast %add3A_1272 : i32 to vector<16xi32>
        %add3A_1274 = arith.addi %mul3A_162, %add3A_1273 : vector<16xi32>
        %gather3A_1275 = tpu.vector_load_idx %arg5[%add3A_1274] : memref<576xf32, #tpu.memory_space<vmem>>[vector<16xi32>], vector<16xf32>,
        %swap3A_1276 = arith.constant 1 : i32
        %swap3A_1277 = arith.constant 3 : i32
        %swap3A_1278 = arith.index_cast %rem3A_130 : i32 to index
        %swap3A_1279 = arith.index_cast %rem3A_127 : i32 to index
        %swap3A_1280 = arith.index_cast %swap3A_1276 : i32 to index
        %swap3A_1281 = arith.index_cast %swap3A_1277 : i32 to index
        %swap3A_1282 = arith.constant 48 : index
        %swap3A_1283 = tpu.vector_load %arg7[%swap3A_1278, %swap3A_1279, %swap3A_1280, %swap3A_1281, %swap3A_1282] {strides = array<i32>} : memref<2x8x3x8x128xf32, #tpu.memory_space<vmem>>, vector<16xf32>,
        tpu.vector_store %arg7[%swap3A_1278, %swap3A_1279, %swap3A_1280, %swap3A_1281, %swap3A_1282], %gather3A_987 {strides = array<i32>} : memref<2x8x3x8x128xf32, #tpu.memory_space<vmem>>, vector<16xf32>,
        %add3A_1284 = arith.constant 12 : i32
        %add3A_1285 = vector.broadcast %add3A_1284 : i32 to vector<16xi32>
        %add3A_1286 = arith.addi %mul3A_162, %add3A_1285 : vector<16xi32>
        %gather3A_1287 = tpu.vector_load_idx %arg5[%add3A_1286] : memref<576xf32, #tpu.memory_space<vmem>>[vector<16xi32>], vector<16xf32>,
        %swap3A_1288 = arith.constant 1 : i32
        %swap3A_1289 = arith.constant 4 : i32
        %swap3A_1290 = arith.index_cast %rem3A_130 : i32 to index
        %swap3A_1291 = arith.index_cast %rem3A_127 : i32 to index
        %swap3A_1292 = arith.index_cast %swap3A_1288 : i32 to index
        %swap3A_1293 = arith.index_cast %swap3A_1289 : i32 to index
        %swap3A_1294 = arith.constant 48 : index
        %swap3A_1295 = tpu.vector_load %arg7[%swap3A_1290, %swap3A_1291, %swap3A_1292, %swap3A_1293, %swap3A_1294] {strides = array<i32>} : memref<2x8x3x8x128xf32, #tpu.memory_space<vmem>>, vector<16xf32>,
        tpu.vector_store %arg7[%swap3A_1290, %swap3A_1291, %swap3A_1292, %swap3A_1293, %swap3A_1294], %gather3A_999 {strides = array<i32>} : memref<2x8x3x8x128xf32, #tpu.memory_space<vmem>>, vector<16xf32>,
        %add3A_1296 = arith.constant 13 : i32
        %add3A_1297 = vector.broadcast %add3A_1296 : i32 to vector<16xi32>
        %add3A_1298 = arith.addi %mul3A_162, %add3A_1297 : vector<16xi32>
        %gather3A_1299 = tpu.vector_load_idx %arg5[%add3A_1298] : memref<576xf32, #tpu.memory_space<vmem>>[vector<16xi32>], vector<16xf32>,
        %swap3A_1300 = arith.constant 1 : i32
        %swap3A_1301 = arith.constant 5 : i32
        %swap3A_1302 = arith.index_cast %rem3A_130 : i32 to index
        %swap3A_1303 = arith.index_cast %rem3A_127 : i32 to index
        %swap3A_1304 = arith.index_cast %swap3A_1300 : i32 to index
        %swap3A_1305 = arith.index_cast %swap3A_1301 : i32 to index
        %swap3A_1306 = arith.constant 48 : index
        %swap3A_1307 = tpu.vector_load %arg7[%swap3A_1302, %swap3A_1303, %swap3A_1304, %swap3A_1305, %swap3A_1306] {strides = array<i32>} : memref<2x8x3x8x128xf32, #tpu.memory_space<vmem>>, vector<16xf32>,
        tpu.vector_store %arg7[%swap3A_1302, %swap3A_1303, %swap3A_1304, %swap3A_1305, %swap3A_1306], %gather3A_1011 {strides = array<i32>} : memref<2x8x3x8x128xf32, #tpu.memory_space<vmem>>, vector<16xf32>,
        %add3A_1308 = arith.constant 14 : i32
        %add3A_1309 = vector.broadcast %add3A_1308 : i32 to vector<16xi32>
        %add3A_1310 = arith.addi %mul3A_162, %add3A_1309 : vector<16xi32>
        %gather3A_1311 = tpu.vector_load_idx %arg5[%add3A_1310] : memref<576xf32, #tpu.memory_space<vmem>>[vector<16xi32>], vector<16xf32>,
        %swap3A_1312 = arith.constant 1 : i32
        %swap3A_1313 = arith.constant 6 : i32
        %swap3A_1314 = arith.index_cast %rem3A_130 : i32 to index
        %swap3A_1315 = arith.index_cast %rem3A_127 : i32 to index
        %swap3A_1316 = arith.index_cast %swap3A_1312 : i32 to index
        %swap3A_1317 = arith.index_cast %swap3A_1313 : i32 to index
        %swap3A_1318 = arith.constant 48 : index
        %swap3A_1319 = tpu.vector_load %arg7[%swap3A_1314, %swap3A_1315, %swap3A_1316, %swap3A_1317, %swap3A_1318] {strides = array<i32>} : memref<2x8x3x8x128xf32, #tpu.memory_space<vmem>>, vector<16xf32>,
        tpu.vector_store %arg7[%swap3A_1314, %swap3A_1315, %swap3A_1316, %swap3A_1317, %swap3A_1318], %gather3A_1023 {strides = array<i32>} : memref<2x8x3x8x128xf32, #tpu.memory_space<vmem>>, vector<16xf32>,
        %add3A_1320 = arith.constant 15 : i32
        %add3A_1321 = vector.broadcast %add3A_1320 : i32 to vector<16xi32>
        %add3A_1322 = arith.addi %mul3A_162, %add3A_1321 : vector<16xi32>
        %gather3A_1323 = tpu.vector_load_idx %arg5[%add3A_1322] : memref<576xf32, #tpu.memory_space<vmem>>[vector<16xi32>], vector<16xf32>,
        %swap3A_1324 = arith.constant 1 : i32
        %swap3A_1325 = arith.constant 7 : i32
        %swap3A_1326 = arith.index_cast %rem3A_130 : i32 to index
        %swap3A_1327 = arith.index_cast %rem3A_127 : i32 to index
        %swap3A_1328 = arith.index_cast %swap3A_1324 : i32 to index
        %swap3A_1329 = arith.index_cast %swap3A_1325 : i32 to index
        %swap3A_1330 = arith.constant 48 : index
        %swap3A_1331 = tpu.vector_load %arg7[%swap3A_1326, %swap3A_1327, %swap3A_1328, %swap3A_1329, %swap3A_1330] {strides = array<i32>} : memref<2x8x3x8x128xf32, #tpu.memory_space<vmem>>, vector<16xf32>,
        tpu.vector_store %arg7[%swap3A_1326, %swap3A_1327, %swap3A_1328, %swap3A_1329, %swap3A_1330], %gather3A_1035 {strides = array<i32>} : memref<2x8x3x8x128xf32, #tpu.memory_space<vmem>>, vector<16xf32>,
        %add3A_1332 = arith.constant 16 : i32
        %add3A_1333 = vector.broadcast %add3A_1332 : i32 to vector<16xi32>
        %add3A_1334 = arith.addi %mul3A_162, %add3A_1333 : vector<16xi32>
        %gather3A_1335 = tpu.vector_load_idx %arg5[%add3A_1334] : memref<576xf32, #tpu.memory_space<vmem>>[vector<16xi32>], vector<16xf32>,
        %swap3A_1336 = arith.constant 2 : i32
        %swap3A_1337 = arith.constant 0 : i32
        %swap3A_1338 = arith.index_cast %rem3A_130 : i32 to index
        %swap3A_1339 = arith.index_cast %rem3A_127 : i32 to index
        %swap3A_1340 = arith.index_cast %swap3A_1336 : i32 to index
        %swap3A_1341 = arith.index_cast %swap3A_1337 : i32 to index
        %swap3A_1342 = arith.constant 48 : index
        %swap3A_1343 = tpu.vector_load %arg7[%swap3A_1338, %swap3A_1339, %swap3A_1340, %swap3A_1341, %swap3A_1342] {strides = array<i32>} : memref<2x8x3x8x128xf32, #tpu.memory_space<vmem>>, vector<16xf32>,
        tpu.vector_store %arg7[%swap3A_1338, %swap3A_1339, %swap3A_1340, %swap3A_1341, %swap3A_1342], %gather3A_1047 {strides = array<i32>} : memref<2x8x3x8x128xf32, #tpu.memory_space<vmem>>, vector<16xf32>,
        %add3A_1344 = arith.constant 17 : i32
        %add3A_1345 = vector.broadcast %add3A_1344 : i32 to vector<16xi32>
        %add3A_1346 = arith.addi %mul3A_162, %add3A_1345 : vector<16xi32>
        %gather3A_1347 = tpu.vector_load_idx %arg5[%add3A_1346] : memref<576xf32, #tpu.memory_space<vmem>>[vector<16xi32>], vector<16xf32>,
        %swap3A_1348 = arith.constant 2 : i32
        %swap3A_1349 = arith.constant 1 : i32
        %swap3A_1350 = arith.index_cast %rem3A_130 : i32 to index
        %swap3A_1351 = arith.index_cast %rem3A_127 : i32 to index
        %swap3A_1352 = arith.index_cast %swap3A_1348 : i32 to index
        %swap3A_1353 = arith.index_cast %swap3A_1349 : i32 to index
        %swap3A_1354 = arith.constant 48 : index
        %swap3A_1355 = tpu.vector_load %arg7[%swap3A_1350, %swap3A_1351, %swap3A_1352, %swap3A_1353, %swap3A_1354] {strides = array<i32>} : memref<2x8x3x8x128xf32, #tpu.memory_space<vmem>>, vector<16xf32>,
        tpu.vector_store %arg7[%swap3A_1350, %swap3A_1351, %swap3A_1352, %swap3A_1353, %swap3A_1354], %gather3A_1059 {strides = array<i32>} : memref<2x8x3x8x128xf32, #tpu.memory_space<vmem>>, vector<16xf32>,
        %add3A_1356 = arith.constant 18 : i32
        %add3A_1357 = vector.broadcast %add3A_1356 : i32 to vector<16xi32>
        %add3A_1358 = arith.addi %mul3A_162, %add3A_1357 : vector<16xi32>
        %gather3A_1359 = tpu.vector_load_idx %arg5[%add3A_1358] : memref<576xf32, #tpu.memory_space<vmem>>[vector<16xi32>], vector<16xf32>,
        %swap3A_1360 = arith.constant 2 : i32
        %swap3A_1361 = arith.constant 2 : i32
        %swap3A_1362 = arith.index_cast %rem3A_130 : i32 to index
        %swap3A_1363 = arith.index_cast %rem3A_127 : i32 to index
        %swap3A_1364 = arith.index_cast %swap3A_1360 : i32 to index
        %swap3A_1365 = arith.index_cast %swap3A_1361 : i32 to index
        %swap3A_1366 = arith.constant 48 : index
        %swap3A_1367 = tpu.vector_load %arg7[%swap3A_1362, %swap3A_1363, %swap3A_1364, %swap3A_1365, %swap3A_1366] {strides = array<i32>} : memref<2x8x3x8x128xf32, #tpu.memory_space<vmem>>, vector<16xf32>,
        tpu.vector_store %arg7[%swap3A_1362, %swap3A_1363, %swap3A_1364, %swap3A_1365, %swap3A_1366], %gather3A_1071 {strides = array<i32>} : memref<2x8x3x8x128xf32, #tpu.memory_space<vmem>>, vector<16xf32>,
        %add3A_1368 = arith.constant 19 : i32
        %add3A_1369 = vector.broadcast %add3A_1368 : i32 to vector<16xi32>
        %add3A_1370 = arith.addi %mul3A_162, %add3A_1369 : vector<16xi32>
        %gather3A_1371 = tpu.vector_load_idx %arg5[%add3A_1370] : memref<576xf32, #tpu.memory_space<vmem>>[vector<16xi32>], vector<16xf32>,
        %swap3A_1372 = arith.constant 2 : i32
        %swap3A_1373 = arith.constant 3 : i32
        %swap3A_1374 = arith.index_cast %rem3A_130 : i32 to index
        %swap3A_1375 = arith.index_cast %rem3A_127 : i32 to index
        %swap3A_1376 = arith.index_cast %swap3A_1372 : i32 to index
        %swap3A_1377 = arith.index_cast %swap3A_1373 : i32 to index
        %swap3A_1378 = arith.constant 48 : index
        %swap3A_1379 = tpu.vector_load %arg7[%swap3A_1374, %swap3A_1375, %swap3A_1376, %swap3A_1377, %swap3A_1378] {strides = array<i32>} : memref<2x8x3x8x128xf32, #tpu.memory_space<vmem>>, vector<16xf32>,
        tpu.vector_store %arg7[%swap3A_1374, %swap3A_1375, %swap3A_1376, %swap3A_1377, %swap3A_1378], %gather3A_1083 {strides = array<i32>} : memref<2x8x3x8x128xf32, #tpu.memory_space<vmem>>, vector<16xf32>,
        %add3A_1380 = arith.constant 20 : i32
        %add3A_1381 = vector.broadcast %add3A_1380 : i32 to vector<16xi32>
        %add3A_1382 = arith.addi %mul3A_162, %add3A_1381 : vector<16xi32>
        %gather3A_1383 = tpu.vector_load_idx %arg5[%add3A_1382] : memref<576xf32, #tpu.memory_space<vmem>>[vector<16xi32>], vector<16xf32>,
        %swap3A_1384 = arith.constant 2 : i32
        %swap3A_1385 = arith.constant 4 : i32
        %swap3A_1386 = arith.index_cast %rem3A_130 : i32 to index
        %swap3A_1387 = arith.index_cast %rem3A_127 : i32 to index
        %swap3A_1388 = arith.index_cast %swap3A_1384 : i32 to index
        %swap3A_1389 = arith.index_cast %swap3A_1385 : i32 to index
        %swap3A_1390 = arith.constant 48 : index
        %swap3A_1391 = tpu.vector_load %arg7[%swap3A_1386, %swap3A_1387, %swap3A_1388, %swap3A_1389, %swap3A_1390] {strides = array<i32>} : memref<2x8x3x8x128xf32, #tpu.memory_space<vmem>>, vector<16xf32>,
        tpu.vector_store %arg7[%swap3A_1386, %swap3A_1387, %swap3A_1388, %swap3A_1389, %swap3A_1390], %gather3A_1095 {strides = array<i32>} : memref<2x8x3x8x128xf32, #tpu.memory_space<vmem>>, vector<16xf32>,
        %add3A_1392 = arith.constant 21 : i32
        %add3A_1393 = vector.broadcast %add3A_1392 : i32 to vector<16xi32>
        %add3A_1394 = arith.addi %mul3A_162, %add3A_1393 : vector<16xi32>
        %gather3A_1395 = tpu.vector_load_idx %arg5[%add3A_1394] : memref<576xf32, #tpu.memory_space<vmem>>[vector<16xi32>], vector<16xf32>,
        %swap3A_1396 = arith.constant 2 : i32
        %swap3A_1397 = arith.constant 5 : i32
        %swap3A_1398 = arith.index_cast %rem3A_130 : i32 to index
        %swap3A_1399 = arith.index_cast %rem3A_127 : i32 to index
        %swap3A_1400 = arith.index_cast %swap3A_1396 : i32 to index
        %swap3A_1401 = arith.index_cast %swap3A_1397 : i32 to index
        %swap3A_1402 = arith.constant 48 : index
        %swap3A_1403 = tpu.vector_load %arg7[%swap3A_1398, %swap3A_1399, %swap3A_1400, %swap3A_1401, %swap3A_1402] {strides = array<i32>} : memref<2x8x3x8x128xf32, #tpu.memory_space<vmem>>, vector<16xf32>,
        tpu.vector_store %arg7[%swap3A_1398, %swap3A_1399, %swap3A_1400, %swap3A_1401, %swap3A_1402], %gather3A_1107 {strides = array<i32>} : memref<2x8x3x8x128xf32, #tpu.memory_space<vmem>>, vector<16xf32>,
        %add3A_1404 = arith.constant 22 : i32
        %add3A_1405 = vector.broadcast %add3A_1404 : i32 to vector<16xi32>
        %add3A_1406 = arith.addi %mul3A_162, %add3A_1405 : vector<16xi32>
        %gather3A_1407 = tpu.vector_load_idx %arg5[%add3A_1406] : memref<576xf32, #tpu.memory_space<vmem>>[vector<16xi32>], vector<16xf32>,
        %swap3A_1408 = arith.constant 2 : i32
        %swap3A_1409 = arith.constant 6 : i32
        %swap3A_1410 = arith.index_cast %rem3A_130 : i32 to index
        %swap3A_1411 = arith.index_cast %rem3A_127 : i32 to index
        %swap3A_1412 = arith.index_cast %swap3A_1408 : i32 to index
        %swap3A_1413 = arith.index_cast %swap3A_1409 : i32 to index
        %swap3A_1414 = arith.constant 48 : index
        %swap3A_1415 = tpu.vector_load %arg7[%swap3A_1410, %swap3A_1411, %swap3A_1412, %swap3A_1413, %swap3A_1414] {strides = array<i32>} : memref<2x8x3x8x128xf32, #tpu.memory_space<vmem>>, vector<16xf32>,
        tpu.vector_store %arg7[%swap3A_1410, %swap3A_1411, %swap3A_1412, %swap3A_1413, %swap3A_1414], %gather3A_1119 {strides = array<i32>} : memref<2x8x3x8x128xf32, #tpu.memory_space<vmem>>, vector<16xf32>,
        %add3A_1416 = arith.constant 23 : i32
        %add3A_1417 = vector.broadcast %add3A_1416 : i32 to vector<16xi32>
        %add3A_1418 = arith.addi %mul3A_162, %add3A_1417 : vector<16xi32>
        %gather3A_1419 = tpu.vector_load_idx %arg5[%add3A_1418] : memref<576xf32, #tpu.memory_space<vmem>>[vector<16xi32>], vector<16xf32>,
        %swap3A_1420 = arith.constant 2 : i32
        %swap3A_1421 = arith.constant 7 : i32
        %swap3A_1422 = arith.index_cast %rem3A_130 : i32 to index
        %swap3A_1423 = arith.index_cast %rem3A_127 : i32 to index
        %swap3A_1424 = arith.index_cast %swap3A_1420 : i32 to index
        %swap3A_1425 = arith.index_cast %swap3A_1421 : i32 to index
        %swap3A_1426 = arith.constant 48 : index
        %swap3A_1427 = tpu.vector_load %arg7[%swap3A_1422, %swap3A_1423, %swap3A_1424, %swap3A_1425, %swap3A_1426] {strides = array<i32>} : memref<2x8x3x8x128xf32, #tpu.memory_space<vmem>>, vector<16xf32>,
        tpu.vector_store %arg7[%swap3A_1422, %swap3A_1423, %swap3A_1424, %swap3A_1425, %swap3A_1426], %gather3A_1131 {strides = array<i32>} : memref<2x8x3x8x128xf32, #tpu.memory_space<vmem>>, vector<16xf32>,
        %add3A_1428 = arith.constant 0 : i32
        %add3A_1429 = vector.broadcast %add3A_1428 : i32 to vector<16xi32>
        %add3A_1430 = arith.addi %mul3A_168, %add3A_1429 : vector<16xi32>
        %gather3A_1431 = tpu.vector_load_idx %arg5[%add3A_1430] : memref<576xf32, #tpu.memory_space<vmem>>[vector<16xi32>], vector<16xf32>,
        %swap3A_1432 = arith.constant 0 : i32
        %swap3A_1433 = arith.constant 0 : i32
        %swap3A_1434 = arith.index_cast %rem3A_130 : i32 to index
        %swap3A_1435 = arith.index_cast %rem3A_127 : i32 to index
        %swap3A_1436 = arith.index_cast %swap3A_1432 : i32 to index
        %swap3A_1437 = arith.index_cast %swap3A_1433 : i32 to index
        %swap3A_1438 = arith.constant 64 : index
        %swap3A_1439 = tpu.vector_load %arg7[%swap3A_1434, %swap3A_1435, %swap3A_1436, %swap3A_1437, %swap3A_1438] {strides = array<i32>} : memref<2x8x3x8x128xf32, #tpu.memory_space<vmem>>, vector<16xf32>,
        tpu.vector_store %arg7[%swap3A_1434, %swap3A_1435, %swap3A_1436, %swap3A_1437, %swap3A_1438], %gather3A_1143 {strides = array<i32>} : memref<2x8x3x8x128xf32, #tpu.memory_space<vmem>>, vector<16xf32>,
        %add3A_1440 = arith.constant 1 : i32
        %add3A_1441 = vector.broadcast %add3A_1440 : i32 to vector<16xi32>
        %add3A_1442 = arith.addi %mul3A_168, %add3A_1441 : vector<16xi32>
        %gather3A_1443 = tpu.vector_load_idx %arg5[%add3A_1442] : memref<576xf32, #tpu.memory_space<vmem>>[vector<16xi32>], vector<16xf32>,
        %swap3A_1444 = arith.constant 0 : i32
        %swap3A_1445 = arith.constant 1 : i32
        %swap3A_1446 = arith.index_cast %rem3A_130 : i32 to index
        %swap3A_1447 = arith.index_cast %rem3A_127 : i32 to index
        %swap3A_1448 = arith.index_cast %swap3A_1444 : i32 to index
        %swap3A_1449 = arith.index_cast %swap3A_1445 : i32 to index
        %swap3A_1450 = arith.constant 64 : index
        %swap3A_1451 = tpu.vector_load %arg7[%swap3A_1446, %swap3A_1447, %swap3A_1448, %swap3A_1449, %swap3A_1450] {strides = array<i32>} : memref<2x8x3x8x128xf32, #tpu.memory_space<vmem>>, vector<16xf32>,
        tpu.vector_store %arg7[%swap3A_1446, %swap3A_1447, %swap3A_1448, %swap3A_1449, %swap3A_1450], %gather3A_1155 {strides = array<i32>} : memref<2x8x3x8x128xf32, #tpu.memory_space<vmem>>, vector<16xf32>,
        %add3A_1452 = arith.constant 2 : i32
        %add3A_1453 = vector.broadcast %add3A_1452 : i32 to vector<16xi32>
        %add3A_1454 = arith.addi %mul3A_168, %add3A_1453 : vector<16xi32>
        %gather3A_1455 = tpu.vector_load_idx %arg5[%add3A_1454] : memref<576xf32, #tpu.memory_space<vmem>>[vector<16xi32>], vector<16xf32>,
        %swap3A_1456 = arith.constant 0 : i32
        %swap3A_1457 = arith.constant 2 : i32
        %swap3A_1458 = arith.index_cast %rem3A_130 : i32 to index
        %swap3A_1459 = arith.index_cast %rem3A_127 : i32 to index
        %swap3A_1460 = arith.index_cast %swap3A_1456 : i32 to index
        %swap3A_1461 = arith.index_cast %swap3A_1457 : i32 to index
        %swap3A_1462 = arith.constant 64 : index
        %swap3A_1463 = tpu.vector_load %arg7[%swap3A_1458, %swap3A_1459, %swap3A_1460, %swap3A_1461, %swap3A_1462] {strides = array<i32>} : memref<2x8x3x8x128xf32, #tpu.memory_space<vmem>>, vector<16xf32>,
        tpu.vector_store %arg7[%swap3A_1458, %swap3A_1459, %swap3A_1460, %swap3A_1461, %swap3A_1462], %gather3A_1167 {strides = array<i32>} : memref<2x8x3x8x128xf32, #tpu.memory_space<vmem>>, vector<16xf32>,
        %add3A_1464 = arith.constant 3 : i32
        %add3A_1465 = vector.broadcast %add3A_1464 : i32 to vector<16xi32>
        %add3A_1466 = arith.addi %mul3A_168, %add3A_1465 : vector<16xi32>
        %gather3A_1467 = tpu.vector_load_idx %arg5[%add3A_1466] : memref<576xf32, #tpu.memory_space<vmem>>[vector<16xi32>], vector<16xf32>,
        %swap3A_1468 = arith.constant 0 : i32
        %swap3A_1469 = arith.constant 3 : i32
        %swap3A_1470 = arith.index_cast %rem3A_130 : i32 to index
        %swap3A_1471 = arith.index_cast %rem3A_127 : i32 to index
        %swap3A_1472 = arith.index_cast %swap3A_1468 : i32 to index
        %swap3A_1473 = arith.index_cast %swap3A_1469 : i32 to index
        %swap3A_1474 = arith.constant 64 : index
        %swap3A_1475 = tpu.vector_load %arg7[%swap3A_1470, %swap3A_1471, %swap3A_1472, %swap3A_1473, %swap3A_1474] {strides = array<i32>} : memref<2x8x3x8x128xf32, #tpu.memory_space<vmem>>, vector<16xf32>,
        tpu.vector_store %arg7[%swap3A_1470, %swap3A_1471, %swap3A_1472, %swap3A_1473, %swap3A_1474], %gather3A_1179 {strides = array<i32>} : memref<2x8x3x8x128xf32, #tpu.memory_space<vmem>>, vector<16xf32>,
        %add3A_1476 = arith.constant 4 : i32
        %add3A_1477 = vector.broadcast %add3A_1476 : i32 to vector<16xi32>
        %add3A_1478 = arith.addi %mul3A_168, %add3A_1477 : vector<16xi32>
        %gather3A_1479 = tpu.vector_load_idx %arg5[%add3A_1478] : memref<576xf32, #tpu.memory_space<vmem>>[vector<16xi32>], vector<16xf32>,
        %swap3A_1480 = arith.constant 0 : i32
        %swap3A_1481 = arith.constant 4 : i32
        %swap3A_1482 = arith.index_cast %rem3A_130 : i32 to index
        %swap3A_1483 = arith.index_cast %rem3A_127 : i32 to index
        %swap3A_1484 = arith.index_cast %swap3A_1480 : i32 to index
        %swap3A_1485 = arith.index_cast %swap3A_1481 : i32 to index
        %swap3A_1486 = arith.constant 64 : index
        %swap3A_1487 = tpu.vector_load %arg7[%swap3A_1482, %swap3A_1483, %swap3A_1484, %swap3A_1485, %swap3A_1486] {strides = array<i32>} : memref<2x8x3x8x128xf32, #tpu.memory_space<vmem>>, vector<16xf32>,
        tpu.vector_store %arg7[%swap3A_1482, %swap3A_1483, %swap3A_1484, %swap3A_1485, %swap3A_1486], %gather3A_1191 {strides = array<i32>} : memref<2x8x3x8x128xf32, #tpu.memory_space<vmem>>, vector<16xf32>,
        %add3A_1488 = arith.constant 5 : i32
        %add3A_1489 = vector.broadcast %add3A_1488 : i32 to vector<16xi32>
        %add3A_1490 = arith.addi %mul3A_168, %add3A_1489 : vector<16xi32>
        %gather3A_1491 = tpu.vector_load_idx %arg5[%add3A_1490] : memref<576xf32, #tpu.memory_space<vmem>>[vector<16xi32>], vector<16xf32>,
        %swap3A_1492 = arith.constant 0 : i32
        %swap3A_1493 = arith.constant 5 : i32
        %swap3A_1494 = arith.index_cast %rem3A_130 : i32 to index
        %swap3A_1495 = arith.index_cast %rem3A_127 : i32 to index
        %swap3A_1496 = arith.index_cast %swap3A_1492 : i32 to index
        %swap3A_1497 = arith.index_cast %swap3A_1493 : i32 to index
        %swap3A_1498 = arith.constant 64 : index
        %swap3A_1499 = tpu.vector_load %arg7[%swap3A_1494, %swap3A_1495, %swap3A_1496, %swap3A_1497, %swap3A_1498] {strides = array<i32>} : memref<2x8x3x8x128xf32, #tpu.memory_space<vmem>>, vector<16xf32>,
        tpu.vector_store %arg7[%swap3A_1494, %swap3A_1495, %swap3A_1496, %swap3A_1497, %swap3A_1498], %gather3A_1203 {strides = array<i32>} : memref<2x8x3x8x128xf32, #tpu.memory_space<vmem>>, vector<16xf32>,
        %add3A_1500 = arith.constant 6 : i32
        %add3A_1501 = vector.broadcast %add3A_1500 : i32 to vector<16xi32>
        %add3A_1502 = arith.addi %mul3A_168, %add3A_1501 : vector<16xi32>
        %gather3A_1503 = tpu.vector_load_idx %arg5[%add3A_1502] : memref<576xf32, #tpu.memory_space<vmem>>[vector<16xi32>], vector<16xf32>,
        %swap3A_1504 = arith.constant 0 : i32
        %swap3A_1505 = arith.constant 6 : i32
        %swap3A_1506 = arith.index_cast %rem3A_130 : i32 to index
        %swap3A_1507 = arith.index_cast %rem3A_127 : i32 to index
        %swap3A_1508 = arith.index_cast %swap3A_1504 : i32 to index
        %swap3A_1509 = arith.index_cast %swap3A_1505 : i32 to index
        %swap3A_1510 = arith.constant 64 : index
        %swap3A_1511 = tpu.vector_load %arg7[%swap3A_1506, %swap3A_1507, %swap3A_1508, %swap3A_1509, %swap3A_1510] {strides = array<i32>} : memref<2x8x3x8x128xf32, #tpu.memory_space<vmem>>, vector<16xf32>,
        tpu.vector_store %arg7[%swap3A_1506, %swap3A_1507, %swap3A_1508, %swap3A_1509, %swap3A_1510], %gather3A_1215 {strides = array<i32>} : memref<2x8x3x8x128xf32, #tpu.memory_space<vmem>>, vector<16xf32>,
        %add3A_1512 = arith.constant 7 : i32
        %add3A_1513 = vector.broadcast %add3A_1512 : i32 to vector<16xi32>
        %add3A_1514 = arith.addi %mul3A_168, %add3A_1513 : vector<16xi32>
        %gather3A_1515 = tpu.vector_load_idx %arg5[%add3A_1514] : memref<576xf32, #tpu.memory_space<vmem>>[vector<16xi32>], vector<16xf32>,
        %swap3A_1516 = arith.constant 0 : i32
        %swap3A_1517 = arith.constant 7 : i32
        %swap3A_1518 = arith.index_cast %rem3A_130 : i32 to index
        %swap3A_1519 = arith.index_cast %rem3A_127 : i32 to index
        %swap3A_1520 = arith.index_cast %swap3A_1516 : i32 to index
        %swap3A_1521 = arith.index_cast %swap3A_1517 : i32 to index
        %swap3A_1522 = arith.constant 64 : index
        %swap3A_1523 = tpu.vector_load %arg7[%swap3A_1518, %swap3A_1519, %swap3A_1520, %swap3A_1521, %swap3A_1522] {strides = array<i32>} : memref<2x8x3x8x128xf32, #tpu.memory_space<vmem>>, vector<16xf32>,
        tpu.vector_store %arg7[%swap3A_1518, %swap3A_1519, %swap3A_1520, %swap3A_1521, %swap3A_1522], %gather3A_1227 {strides = array<i32>} : memref<2x8x3x8x128xf32, #tpu.memory_space<vmem>>, vector<16xf32>,
        %add3A_1524 = arith.constant 8 : i32
        %add3A_1525 = vector.broadcast %add3A_1524 : i32 to vector<16xi32>
        %add3A_1526 = arith.addi %mul3A_168, %add3A_1525 : vector<16xi32>
        %gather3A_1527 = tpu.vector_load_idx %arg5[%add3A_1526] : memref<576xf32, #tpu.memory_space<vmem>>[vector<16xi32>], vector<16xf32>,
        %swap3A_1528 = arith.constant 1 : i32
        %swap3A_1529 = arith.constant 0 : i32
        %swap3A_1530 = arith.index_cast %rem3A_130 : i32 to index
        %swap3A_1531 = arith.index_cast %rem3A_127 : i32 to index
        %swap3A_1532 = arith.index_cast %swap3A_1528 : i32 to index
        %swap3A_1533 = arith.index_cast %swap3A_1529 : i32 to index
        %swap3A_1534 = arith.constant 64 : index
        %swap3A_1535 = tpu.vector_load %arg7[%swap3A_1530, %swap3A_1531, %swap3A_1532, %swap3A_1533, %swap3A_1534] {strides = array<i32>} : memref<2x8x3x8x128xf32, #tpu.memory_space<vmem>>, vector<16xf32>,
        tpu.vector_store %arg7[%swap3A_1530, %swap3A_1531, %swap3A_1532, %swap3A_1533, %swap3A_1534], %gather3A_1239 {strides = array<i32>} : memref<2x8x3x8x128xf32, #tpu.memory_space<vmem>>, vector<16xf32>,
        %add3A_1536 = arith.constant 9 : i32
        %add3A_1537 = vector.broadcast %add3A_1536 : i32 to vector<16xi32>
        %add3A_1538 = arith.addi %mul3A_168, %add3A_1537 : vector<16xi32>
        %gather3A_1539 = tpu.vector_load_idx %arg5[%add3A_1538] : memref<576xf32, #tpu.memory_space<vmem>>[vector<16xi32>], vector<16xf32>,
        %swap3A_1540 = arith.constant 1 : i32
        %swap3A_1541 = arith.constant 1 : i32
        %swap3A_1542 = arith.index_cast %rem3A_130 : i32 to index
        %swap3A_1543 = arith.index_cast %rem3A_127 : i32 to index
        %swap3A_1544 = arith.index_cast %swap3A_1540 : i32 to index
        %swap3A_1545 = arith.index_cast %swap3A_1541 : i32 to index
        %swap3A_1546 = arith.constant 64 : index
        %swap3A_1547 = tpu.vector_load %arg7[%swap3A_1542, %swap3A_1543, %swap3A_1544, %swap3A_1545, %swap3A_1546] {strides = array<i32>} : memref<2x8x3x8x128xf32, #tpu.memory_space<vmem>>, vector<16xf32>,
        tpu.vector_store %arg7[%swap3A_1542, %swap3A_1543, %swap3A_1544, %swap3A_1545, %swap3A_1546], %gather3A_1251 {strides = array<i32>} : memref<2x8x3x8x128xf32, #tpu.memory_space<vmem>>, vector<16xf32>,
        %add3A_1548 = arith.constant 10 : i32
        %add3A_1549 = vector.broadcast %add3A_1548 : i32 to vector<16xi32>
        %add3A_1550 = arith.addi %mul3A_168, %add3A_1549 : vector<16xi32>
        %gather3A_1551 = tpu.vector_load_idx %arg5[%add3A_1550] : memref<576xf32, #tpu.memory_space<vmem>>[vector<16xi32>], vector<16xf32>,
        %swap3A_1552 = arith.constant 1 : i32
        %swap3A_1553 = arith.constant 2 : i32
        %swap3A_1554 = arith.index_cast %rem3A_130 : i32 to index
        %swap3A_1555 = arith.index_cast %rem3A_127 : i32 to index
        %swap3A_1556 = arith.index_cast %swap3A_1552 : i32 to index
        %swap3A_1557 = arith.index_cast %swap3A_1553 : i32 to index
        %swap3A_1558 = arith.constant 64 : index
        %swap3A_1559 = tpu.vector_load %arg7[%swap3A_1554, %swap3A_1555, %swap3A_1556, %swap3A_1557, %swap3A_1558] {strides = array<i32>} : memref<2x8x3x8x128xf32, #tpu.memory_space<vmem>>, vector<16xf32>,
        tpu.vector_store %arg7[%swap3A_1554, %swap3A_1555, %swap3A_1556, %swap3A_1557, %swap3A_1558], %gather3A_1263 {strides = array<i32>} : memref<2x8x3x8x128xf32, #tpu.memory_space<vmem>>, vector<16xf32>,
        %add3A_1560 = arith.constant 11 : i32
        %add3A_1561 = vector.broadcast %add3A_1560 : i32 to vector<16xi32>
        %add3A_1562 = arith.addi %mul3A_168, %add3A_1561 : vector<16xi32>
        %gather3A_1563 = tpu.vector_load_idx %arg5[%add3A_1562] : memref<576xf32, #tpu.memory_space<vmem>>[vector<16xi32>], vector<16xf32>,
        %swap3A_1564 = arith.constant 1 : i32
        %swap3A_1565 = arith.constant 3 : i32
        %swap3A_1566 = arith.index_cast %rem3A_130 : i32 to index
        %swap3A_1567 = arith.index_cast %rem3A_127 : i32 to index
        %swap3A_1568 = arith.index_cast %swap3A_1564 : i32 to index
        %swap3A_1569 = arith.index_cast %swap3A_1565 : i32 to index
        %swap3A_1570 = arith.constant 64 : index
        %swap3A_1571 = tpu.vector_load %arg7[%swap3A_1566, %swap3A_1567, %swap3A_1568, %swap3A_1569, %swap3A_1570] {strides = array<i32>} : memref<2x8x3x8x128xf32, #tpu.memory_space<vmem>>, vector<16xf32>,
        tpu.vector_store %arg7[%swap3A_1566, %swap3A_1567, %swap3A_1568, %swap3A_1569, %swap3A_1570], %gather3A_1275 {strides = array<i32>} : memref<2x8x3x8x128xf32, #tpu.memory_space<vmem>>, vector<16xf32>,
        %add3A_1572 = arith.constant 12 : i32
        %add3A_1573 = vector.broadcast %add3A_1572 : i32 to vector<16xi32>
        %add3A_1574 = arith.addi %mul3A_168, %add3A_1573 : vector<16xi32>
        %gather3A_1575 = tpu.vector_load_idx %arg5[%add3A_1574] : memref<576xf32, #tpu.memory_space<vmem>>[vector<16xi32>], vector<16xf32>,
        %swap3A_1576 = arith.constant 1 : i32
        %swap3A_1577 = arith.constant 4 : i32
        %swap3A_1578 = arith.index_cast %rem3A_130 : i32 to index
        %swap3A_1579 = arith.index_cast %rem3A_127 : i32 to index
        %swap3A_1580 = arith.index_cast %swap3A_1576 : i32 to index
        %swap3A_1581 = arith.index_cast %swap3A_1577 : i32 to index
        %swap3A_1582 = arith.constant 64 : index
        %swap3A_1583 = tpu.vector_load %arg7[%swap3A_1578, %swap3A_1579, %swap3A_1580, %swap3A_1581, %swap3A_1582] {strides = array<i32>} : memref<2x8x3x8x128xf32, #tpu.memory_space<vmem>>, vector<16xf32>,
        tpu.vector_store %arg7[%swap3A_1578, %swap3A_1579, %swap3A_1580, %swap3A_1581, %swap3A_1582], %gather3A_1287 {strides = array<i32>} : memref<2x8x3x8x128xf32, #tpu.memory_space<vmem>>, vector<16xf32>,
        %add3A_1584 = arith.constant 13 : i32
        %add3A_1585 = vector.broadcast %add3A_1584 : i32 to vector<16xi32>
        %add3A_1586 = arith.addi %mul3A_168, %add3A_1585 : vector<16xi32>
        %gather3A_1587 = tpu.vector_load_idx %arg5[%add3A_1586] : memref<576xf32, #tpu.memory_space<vmem>>[vector<16xi32>], vector<16xf32>,
        %swap3A_1588 = arith.constant 1 : i32
        %swap3A_1589 = arith.constant 5 : i32
        %swap3A_1590 = arith.index_cast %rem3A_130 : i32 to index
        %swap3A_1591 = arith.index_cast %rem3A_127 : i32 to index
        %swap3A_1592 = arith.index_cast %swap3A_1588 : i32 to index
        %swap3A_1593 = arith.index_cast %swap3A_1589 : i32 to index
        %swap3A_1594 = arith.constant 64 : index
        %swap3A_1595 = tpu.vector_load %arg7[%swap3A_1590, %swap3A_1591, %swap3A_1592, %swap3A_1593, %swap3A_1594] {strides = array<i32>} : memref<2x8x3x8x128xf32, #tpu.memory_space<vmem>>, vector<16xf32>,
        tpu.vector_store %arg7[%swap3A_1590, %swap3A_1591, %swap3A_1592, %swap3A_1593, %swap3A_1594], %gather3A_1299 {strides = array<i32>} : memref<2x8x3x8x128xf32, #tpu.memory_space<vmem>>, vector<16xf32>,
        %add3A_1596 = arith.constant 14 : i32
        %add3A_1597 = vector.broadcast %add3A_1596 : i32 to vector<16xi32>
        %add3A_1598 = arith.addi %mul3A_168, %add3A_1597 : vector<16xi32>
        %gather3A_1599 = tpu.vector_load_idx %arg5[%add3A_1598] : memref<576xf32, #tpu.memory_space<vmem>>[vector<16xi32>], vector<16xf32>,
        %swap3A_1600 = arith.constant 1 : i32
        %swap3A_1601 = arith.constant 6 : i32
        %swap3A_1602 = arith.index_cast %rem3A_130 : i32 to index
        %swap3A_1603 = arith.index_cast %rem3A_127 : i32 to index
        %swap3A_1604 = arith.index_cast %swap3A_1600 : i32 to index
        %swap3A_1605 = arith.index_cast %swap3A_1601 : i32 to index
        %swap3A_1606 = arith.constant 64 : index
        %swap3A_1607 = tpu.vector_load %arg7[%swap3A_1602, %swap3A_1603, %swap3A_1604, %swap3A_1605, %swap3A_1606] {strides = array<i32>} : memref<2x8x3x8x128xf32, #tpu.memory_space<vmem>>, vector<16xf32>,
        tpu.vector_store %arg7[%swap3A_1602, %swap3A_1603, %swap3A_1604, %swap3A_1605, %swap3A_1606], %gather3A_1311 {strides = array<i32>} : memref<2x8x3x8x128xf32, #tpu.memory_space<vmem>>, vector<16xf32>,
        %add3A_1608 = arith.constant 15 : i32
        %add3A_1609 = vector.broadcast %add3A_1608 : i32 to vector<16xi32>
        %add3A_1610 = arith.addi %mul3A_168, %add3A_1609 : vector<16xi32>
        %gather3A_1611 = tpu.vector_load_idx %arg5[%add3A_1610] : memref<576xf32, #tpu.memory_space<vmem>>[vector<16xi32>], vector<16xf32>,
        %swap3A_1612 = arith.constant 1 : i32
        %swap3A_1613 = arith.constant 7 : i32
        %swap3A_1614 = arith.index_cast %rem3A_130 : i32 to index
        %swap3A_1615 = arith.index_cast %rem3A_127 : i32 to index
        %swap3A_1616 = arith.index_cast %swap3A_1612 : i32 to index
        %swap3A_1617 = arith.index_cast %swap3A_1613 : i32 to index
        %swap3A_1618 = arith.constant 64 : index
        %swap3A_1619 = tpu.vector_load %arg7[%swap3A_1614, %swap3A_1615, %swap3A_1616, %swap3A_1617, %swap3A_1618] {strides = array<i32>} : memref<2x8x3x8x128xf32, #tpu.memory_space<vmem>>, vector<16xf32>,
        tpu.vector_store %arg7[%swap3A_1614, %swap3A_1615, %swap3A_1616, %swap3A_1617, %swap3A_1618], %gather3A_1323 {strides = array<i32>} : memref<2x8x3x8x128xf32, #tpu.memory_space<vmem>>, vector<16xf32>,
        %add3A_1620 = arith.constant 16 : i32
        %add3A_1621 = vector.broadcast %add3A_1620 : i32 to vector<16xi32>
        %add3A_1622 = arith.addi %mul3A_168, %add3A_1621 : vector<16xi32>
        %gather3A_1623 = tpu.vector_load_idx %arg5[%add3A_1622] : memref<576xf32, #tpu.memory_space<vmem>>[vector<16xi32>], vector<16xf32>,
        %swap3A_1624 = arith.constant 2 : i32
        %swap3A_1625 = arith.constant 0 : i32
        %swap3A_1626 = arith.index_cast %rem3A_130 : i32 to index
        %swap3A_1627 = arith.index_cast %rem3A_127 : i32 to index
        %swap3A_1628 = arith.index_cast %swap3A_1624 : i32 to index
        %swap3A_1629 = arith.index_cast %swap3A_1625 : i32 to index
        %swap3A_1630 = arith.constant 64 : index
        %swap3A_1631 = tpu.vector_load %arg7[%swap3A_1626, %swap3A_1627, %swap3A_1628, %swap3A_1629, %swap3A_1630] {strides = array<i32>} : memref<2x8x3x8x128xf32, #tpu.memory_space<vmem>>, vector<16xf32>,
        tpu.vector_store %arg7[%swap3A_1626, %swap3A_1627, %swap3A_1628, %swap3A_1629, %swap3A_1630], %gather3A_1335 {strides = array<i32>} : memref<2x8x3x8x128xf32, #tpu.memory_space<vmem>>, vector<16xf32>,
        %add3A_1632 = arith.constant 17 : i32
        %add3A_1633 = vector.broadcast %add3A_1632 : i32 to vector<16xi32>
        %add3A_1634 = arith.addi %mul3A_168, %add3A_1633 : vector<16xi32>
        %gather3A_1635 = tpu.vector_load_idx %arg5[%add3A_1634] : memref<576xf32, #tpu.memory_space<vmem>>[vector<16xi32>], vector<16xf32>,
        %swap3A_1636 = arith.constant 2 : i32
        %swap3A_1637 = arith.constant 1 : i32
        %swap3A_1638 = arith.index_cast %rem3A_130 : i32 to index
        %swap3A_1639 = arith.index_cast %rem3A_127 : i32 to index
        %swap3A_1640 = arith.index_cast %swap3A_1636 : i32 to index
        %swap3A_1641 = arith.index_cast %swap3A_1637 : i32 to index
        %swap3A_1642 = arith.constant 64 : index
        %swap3A_1643 = tpu.vector_load %arg7[%swap3A_1638, %swap3A_1639, %swap3A_1640, %swap3A_1641, %swap3A_1642] {strides = array<i32>} : memref<2x8x3x8x128xf32, #tpu.memory_space<vmem>>, vector<16xf32>,
        tpu.vector_store %arg7[%swap3A_1638, %swap3A_1639, %swap3A_1640, %swap3A_1641, %swap3A_1642], %gather3A_1347 {strides = array<i32>} : memref<2x8x3x8x128xf32, #tpu.memory_space<vmem>>, vector<16xf32>,
        %add3A_1644 = arith.constant 18 : i32
        %add3A_1645 = vector.broadcast %add3A_1644 : i32 to vector<16xi32>
        %add3A_1646 = arith.addi %mul3A_168, %add3A_1645 : vector<16xi32>
        %gather3A_1647 = tpu.vector_load_idx %arg5[%add3A_1646] : memref<576xf32, #tpu.memory_space<vmem>>[vector<16xi32>], vector<16xf32>,
        %swap3A_1648 = arith.constant 2 : i32
        %swap3A_1649 = arith.constant 2 : i32
        %swap3A_1650 = arith.index_cast %rem3A_130 : i32 to index
        %swap3A_1651 = arith.index_cast %rem3A_127 : i32 to index
        %swap3A_1652 = arith.index_cast %swap3A_1648 : i32 to index
        %swap3A_1653 = arith.index_cast %swap3A_1649 : i32 to index
        %swap3A_1654 = arith.constant 64 : index
        %swap3A_1655 = tpu.vector_load %arg7[%swap3A_1650, %swap3A_1651, %swap3A_1652, %swap3A_1653, %swap3A_1654] {strides = array<i32>} : memref<2x8x3x8x128xf32, #tpu.memory_space<vmem>>, vector<16xf32>,
        tpu.vector_store %arg7[%swap3A_1650, %swap3A_1651, %swap3A_1652, %swap3A_1653, %swap3A_1654], %gather3A_1359 {strides = array<i32>} : memref<2x8x3x8x128xf32, #tpu.memory_space<vmem>>, vector<16xf32>,
        %add3A_1656 = arith.constant 19 : i32
        %add3A_1657 = vector.broadcast %add3A_1656 : i32 to vector<16xi32>
        %add3A_1658 = arith.addi %mul3A_168, %add3A_1657 : vector<16xi32>
        %gather3A_1659 = tpu.vector_load_idx %arg5[%add3A_1658] : memref<576xf32, #tpu.memory_space<vmem>>[vector<16xi32>], vector<16xf32>,
        %swap3A_1660 = arith.constant 2 : i32
        %swap3A_1661 = arith.constant 3 : i32
        %swap3A_1662 = arith.index_cast %rem3A_130 : i32 to index
        %swap3A_1663 = arith.index_cast %rem3A_127 : i32 to index
        %swap3A_1664 = arith.index_cast %swap3A_1660 : i32 to index
        %swap3A_1665 = arith.index_cast %swap3A_1661 : i32 to index
        %swap3A_1666 = arith.constant 64 : index
        %swap3A_1667 = tpu.vector_load %arg7[%swap3A_1662, %swap3A_1663, %swap3A_1664, %swap3A_1665, %swap3A_1666] {strides = array<i32>} : memref<2x8x3x8x128xf32, #tpu.memory_space<vmem>>, vector<16xf32>,
        tpu.vector_store %arg7[%swap3A_1662, %swap3A_1663, %swap3A_1664, %swap3A_1665, %swap3A_1666], %gather3A_1371 {strides = array<i32>} : memref<2x8x3x8x128xf32, #tpu.memory_space<vmem>>, vector<16xf32>,
        %add3A_1668 = arith.constant 20 : i32
        %add3A_1669 = vector.broadcast %add3A_1668 : i32 to vector<16xi32>
        %add3A_1670 = arith.addi %mul3A_168, %add3A_1669 : vector<16xi32>
        %gather3A_1671 = tpu.vector_load_idx %arg5[%add3A_1670] : memref<576xf32, #tpu.memory_space<vmem>>[vector<16xi32>], vector<16xf32>,
        %swap3A_1672 = arith.constant 2 : i32
        %swap3A_1673 = arith.constant 4 : i32
        %swap3A_1674 = arith.index_cast %rem3A_130 : i32 to index
        %swap3A_1675 = arith.index_cast %rem3A_127 : i32 to index
        %swap3A_1676 = arith.index_cast %swap3A_1672 : i32 to index
        %swap3A_1677 = arith.index_cast %swap3A_1673 : i32 to index
        %swap3A_1678 = arith.constant 64 : index
        %swap3A_1679 = tpu.vector_load %arg7[%swap3A_1674, %swap3A_1675, %swap3A_1676, %swap3A_1677, %swap3A_1678] {strides = array<i32>} : memref<2x8x3x8x128xf32, #tpu.memory_space<vmem>>, vector<16xf32>,
        tpu.vector_store %arg7[%swap3A_1674, %swap3A_1675, %swap3A_1676, %swap3A_1677, %swap3A_1678], %gather3A_1383 {strides = array<i32>} : memref<2x8x3x8x128xf32, #tpu.memory_space<vmem>>, vector<16xf32>,
        %add3A_1680 = arith.constant 21 : i32
        %add3A_1681 = vector.broadcast %add3A_1680 : i32 to vector<16xi32>
        %add3A_1682 = arith.addi %mul3A_168, %add3A_1681 : vector<16xi32>
        %gather3A_1683 = tpu.vector_load_idx %arg5[%add3A_1682] : memref<576xf32, #tpu.memory_space<vmem>>[vector<16xi32>], vector<16xf32>,
        %swap3A_1684 = arith.constant 2 : i32
        %swap3A_1685 = arith.constant 5 : i32
        %swap3A_1686 = arith.index_cast %rem3A_130 : i32 to index
        %swap3A_1687 = arith.index_cast %rem3A_127 : i32 to index
        %swap3A_1688 = arith.index_cast %swap3A_1684 : i32 to index
        %swap3A_1689 = arith.index_cast %swap3A_1685 : i32 to index
        %swap3A_1690 = arith.constant 64 : index
        %swap3A_1691 = tpu.vector_load %arg7[%swap3A_1686, %swap3A_1687, %swap3A_1688, %swap3A_1689, %swap3A_1690] {strides = array<i32>} : memref<2x8x3x8x128xf32, #tpu.memory_space<vmem>>, vector<16xf32>,
        tpu.vector_store %arg7[%swap3A_1686, %swap3A_1687, %swap3A_1688, %swap3A_1689, %swap3A_1690], %gather3A_1395 {strides = array<i32>} : memref<2x8x3x8x128xf32, #tpu.memory_space<vmem>>, vector<16xf32>,
        %add3A_1692 = arith.constant 22 : i32
        %add3A_1693 = vector.broadcast %add3A_1692 : i32 to vector<16xi32>
        %add3A_1694 = arith.addi %mul3A_168, %add3A_1693 : vector<16xi32>
        %gather3A_1695 = tpu.vector_load_idx %arg5[%add3A_1694] : memref<576xf32, #tpu.memory_space<vmem>>[vector<16xi32>], vector<16xf32>,
        %swap3A_1696 = arith.constant 2 : i32
        %swap3A_1697 = arith.constant 6 : i32
        %swap3A_1698 = arith.index_cast %rem3A_130 : i32 to index
        %swap3A_1699 = arith.index_cast %rem3A_127 : i32 to index
        %swap3A_1700 = arith.index_cast %swap3A_1696 : i32 to index
        %swap3A_1701 = arith.index_cast %swap3A_1697 : i32 to index
        %swap3A_1702 = arith.constant 64 : index
        %swap3A_1703 = tpu.vector_load %arg7[%swap3A_1698, %swap3A_1699, %swap3A_1700, %swap3A_1701, %swap3A_1702] {strides = array<i32>} : memref<2x8x3x8x128xf32, #tpu.memory_space<vmem>>, vector<16xf32>,
        tpu.vector_store %arg7[%swap3A_1698, %swap3A_1699, %swap3A_1700, %swap3A_1701, %swap3A_1702], %gather3A_1407 {strides = array<i32>} : memref<2x8x3x8x128xf32, #tpu.memory_space<vmem>>, vector<16xf32>,
        %add3A_1704 = arith.constant 23 : i32
        %add3A_1705 = vector.broadcast %add3A_1704 : i32 to vector<16xi32>
        %add3A_1706 = arith.addi %mul3A_168, %add3A_1705 : vector<16xi32>
        %gather3A_1707 = tpu.vector_load_idx %arg5[%add3A_1706] : memref<576xf32, #tpu.memory_space<vmem>>[vector<16xi32>], vector<16xf32>,
        %swap3A_1708 = arith.constant 2 : i32
        %swap3A_1709 = arith.constant 7 : i32
        %swap3A_1710 = arith.index_cast %rem3A_130 : i32 to index
        %swap3A_1711 = arith.index_cast %rem3A_127 : i32 to index
        %swap3A_1712 = arith.index_cast %swap3A_1708 : i32 to index
        %swap3A_1713 = arith.index_cast %swap3A_1709 : i32 to index
        %swap3A_1714 = arith.constant 64 : index
        %swap3A_1715 = tpu.vector_load %arg7[%swap3A_1710, %swap3A_1711, %swap3A_1712, %swap3A_1713, %swap3A_1714] {strides = array<i32>} : memref<2x8x3x8x128xf32, #tpu.memory_space<vmem>>, vector<16xf32>,
        tpu.vector_store %arg7[%swap3A_1710, %swap3A_1711, %swap3A_1712, %swap3A_1713, %swap3A_1714], %gather3A_1419 {strides = array<i32>} : memref<2x8x3x8x128xf32, #tpu.memory_space<vmem>>, vector<16xf32>,
        %add3A_1716 = arith.constant 0 : i32
        %add3A_1717 = vector.broadcast %add3A_1716 : i32 to vector<16xi32>
        %add3A_1718 = arith.addi %mul3A_174, %add3A_1717 : vector<16xi32>
        %gather3A_1719 = tpu.vector_load_idx %arg5[%add3A_1718] : memref<576xf32, #tpu.memory_space<vmem>>[vector<16xi32>], vector<16xf32>,
        %swap3A_1720 = arith.constant 0 : i32
        %swap3A_1721 = arith.constant 0 : i32
        %swap3A_1722 = arith.index_cast %rem3A_130 : i32 to index
        %swap3A_1723 = arith.index_cast %rem3A_127 : i32 to index
        %swap3A_1724 = arith.index_cast %swap3A_1720 : i32 to index
        %swap3A_1725 = arith.index_cast %swap3A_1721 : i32 to index
        %swap3A_1726 = arith.constant 80 : index
        %swap3A_1727 = tpu.vector_load %arg7[%swap3A_1722, %swap3A_1723, %swap3A_1724, %swap3A_1725, %swap3A_1726] {strides = array<i32>} : memref<2x8x3x8x128xf32, #tpu.memory_space<vmem>>, vector<16xf32>,
        tpu.vector_store %arg7[%swap3A_1722, %swap3A_1723, %swap3A_1724, %swap3A_1725, %swap3A_1726], %gather3A_1431 {strides = array<i32>} : memref<2x8x3x8x128xf32, #tpu.memory_space<vmem>>, vector<16xf32>,
        %add3A_1728 = arith.constant 1 : i32
        %add3A_1729 = vector.broadcast %add3A_1728 : i32 to vector<16xi32>
        %add3A_1730 = arith.addi %mul3A_174, %add3A_1729 : vector<16xi32>
        %gather3A_1731 = tpu.vector_load_idx %arg5[%add3A_1730] : memref<576xf32, #tpu.memory_space<vmem>>[vector<16xi32>], vector<16xf32>,
        %swap3A_1732 = arith.constant 0 : i32
        %swap3A_1733 = arith.constant 1 : i32
        %swap3A_1734 = arith.index_cast %rem3A_130 : i32 to index
        %swap3A_1735 = arith.index_cast %rem3A_127 : i32 to index
        %swap3A_1736 = arith.index_cast %swap3A_1732 : i32 to index
        %swap3A_1737 = arith.index_cast %swap3A_1733 : i32 to index
        %swap3A_1738 = arith.constant 80 : index
        %swap3A_1739 = tpu.vector_load %arg7[%swap3A_1734, %swap3A_1735, %swap3A_1736, %swap3A_1737, %swap3A_1738] {strides = array<i32>} : memref<2x8x3x8x128xf32, #tpu.memory_space<vmem>>, vector<16xf32>,
        tpu.vector_store %arg7[%swap3A_1734, %swap3A_1735, %swap3A_1736, %swap3A_1737, %swap3A_1738], %gather3A_1443 {strides = array<i32>} : memref<2x8x3x8x128xf32, #tpu.memory_space<vmem>>, vector<16xf32>,
        %add3A_1740 = arith.constant 2 : i32
        %add3A_1741 = vector.broadcast %add3A_1740 : i32 to vector<16xi32>
        %add3A_1742 = arith.addi %mul3A_174, %add3A_1741 : vector<16xi32>
        %gather3A_1743 = tpu.vector_load_idx %arg5[%add3A_1742] : memref<576xf32, #tpu.memory_space<vmem>>[vector<16xi32>], vector<16xf32>,
        %swap3A_1744 = arith.constant 0 : i32
        %swap3A_1745 = arith.constant 2 : i32
        %swap3A_1746 = arith.index_cast %rem3A_130 : i32 to index
        %swap3A_1747 = arith.index_cast %rem3A_127 : i32 to index
        %swap3A_1748 = arith.index_cast %swap3A_1744 : i32 to index
        %swap3A_1749 = arith.index_cast %swap3A_1745 : i32 to index
        %swap3A_1750 = arith.constant 80 : index
        %swap3A_1751 = tpu.vector_load %arg7[%swap3A_1746, %swap3A_1747, %swap3A_1748, %swap3A_1749, %swap3A_1750] {strides = array<i32>} : memref<2x8x3x8x128xf32, #tpu.memory_space<vmem>>, vector<16xf32>,
        tpu.vector_store %arg7[%swap3A_1746, %swap3A_1747, %swap3A_1748, %swap3A_1749, %swap3A_1750], %gather3A_1455 {strides = array<i32>} : memref<2x8x3x8x128xf32, #tpu.memory_space<vmem>>, vector<16xf32>,
        %add3A_1752 = arith.constant 3 : i32
        %add3A_1753 = vector.broadcast %add3A_1752 : i32 to vector<16xi32>
        %add3A_1754 = arith.addi %mul3A_174, %add3A_1753 : vector<16xi32>
        %gather3A_1755 = tpu.vector_load_idx %arg5[%add3A_1754] : memref<576xf32, #tpu.memory_space<vmem>>[vector<16xi32>], vector<16xf32>,
        %swap3A_1756 = arith.constant 0 : i32
        %swap3A_1757 = arith.constant 3 : i32
        %swap3A_1758 = arith.index_cast %rem3A_130 : i32 to index
        %swap3A_1759 = arith.index_cast %rem3A_127 : i32 to index
        %swap3A_1760 = arith.index_cast %swap3A_1756 : i32 to index
        %swap3A_1761 = arith.index_cast %swap3A_1757 : i32 to index
        %swap3A_1762 = arith.constant 80 : index
        %swap3A_1763 = tpu.vector_load %arg7[%swap3A_1758, %swap3A_1759, %swap3A_1760, %swap3A_1761, %swap3A_1762] {strides = array<i32>} : memref<2x8x3x8x128xf32, #tpu.memory_space<vmem>>, vector<16xf32>,
        tpu.vector_store %arg7[%swap3A_1758, %swap3A_1759, %swap3A_1760, %swap3A_1761, %swap3A_1762], %gather3A_1467 {strides = array<i32>} : memref<2x8x3x8x128xf32, #tpu.memory_space<vmem>>, vector<16xf32>,
        %add3A_1764 = arith.constant 4 : i32
        %add3A_1765 = vector.broadcast %add3A_1764 : i32 to vector<16xi32>
        %add3A_1766 = arith.addi %mul3A_174, %add3A_1765 : vector<16xi32>
        %gather3A_1767 = tpu.vector_load_idx %arg5[%add3A_1766] : memref<576xf32, #tpu.memory_space<vmem>>[vector<16xi32>], vector<16xf32>,
        %swap3A_1768 = arith.constant 0 : i32
        %swap3A_1769 = arith.constant 4 : i32
        %swap3A_1770 = arith.index_cast %rem3A_130 : i32 to index
        %swap3A_1771 = arith.index_cast %rem3A_127 : i32 to index
        %swap3A_1772 = arith.index_cast %swap3A_1768 : i32 to index
        %swap3A_1773 = arith.index_cast %swap3A_1769 : i32 to index
        %swap3A_1774 = arith.constant 80 : index
        %swap3A_1775 = tpu.vector_load %arg7[%swap3A_1770, %swap3A_1771, %swap3A_1772, %swap3A_1773, %swap3A_1774] {strides = array<i32>} : memref<2x8x3x8x128xf32, #tpu.memory_space<vmem>>, vector<16xf32>,
        tpu.vector_store %arg7[%swap3A_1770, %swap3A_1771, %swap3A_1772, %swap3A_1773, %swap3A_1774], %gather3A_1479 {strides = array<i32>} : memref<2x8x3x8x128xf32, #tpu.memory_space<vmem>>, vector<16xf32>,
        %add3A_1776 = arith.constant 5 : i32
        %add3A_1777 = vector.broadcast %add3A_1776 : i32 to vector<16xi32>
        %add3A_1778 = arith.addi %mul3A_174, %add3A_1777 : vector<16xi32>
        %gather3A_1779 = tpu.vector_load_idx %arg5[%add3A_1778] : memref<576xf32, #tpu.memory_space<vmem>>[vector<16xi32>], vector<16xf32>,
        %swap3A_1780 = arith.constant 0 : i32
        %swap3A_1781 = arith.constant 5 : i32
        %swap3A_1782 = arith.index_cast %rem3A_130 : i32 to index
        %swap3A_1783 = arith.index_cast %rem3A_127 : i32 to index
        %swap3A_1784 = arith.index_cast %swap3A_1780 : i32 to index
        %swap3A_1785 = arith.index_cast %swap3A_1781 : i32 to index
        %swap3A_1786 = arith.constant 80 : index
        %swap3A_1787 = tpu.vector_load %arg7[%swap3A_1782, %swap3A_1783, %swap3A_1784, %swap3A_1785, %swap3A_1786] {strides = array<i32>} : memref<2x8x3x8x128xf32, #tpu.memory_space<vmem>>, vector<16xf32>,
        tpu.vector_store %arg7[%swap3A_1782, %swap3A_1783, %swap3A_1784, %swap3A_1785, %swap3A_1786], %gather3A_1491 {strides = array<i32>} : memref<2x8x3x8x128xf32, #tpu.memory_space<vmem>>, vector<16xf32>,
        %add3A_1788 = arith.constant 6 : i32
        %add3A_1789 = vector.broadcast %add3A_1788 : i32 to vector<16xi32>
        %add3A_1790 = arith.addi %mul3A_174, %add3A_1789 : vector<16xi32>
        %gather3A_1791 = tpu.vector_load_idx %arg5[%add3A_1790] : memref<576xf32, #tpu.memory_space<vmem>>[vector<16xi32>], vector<16xf32>,
        %swap3A_1792 = arith.constant 0 : i32
        %swap3A_1793 = arith.constant 6 : i32
        %swap3A_1794 = arith.index_cast %rem3A_130 : i32 to index
        %swap3A_1795 = arith.index_cast %rem3A_127 : i32 to index
        %swap3A_1796 = arith.index_cast %swap3A_1792 : i32 to index
        %swap3A_1797 = arith.index_cast %swap3A_1793 : i32 to index
        %swap3A_1798 = arith.constant 80 : index
        %swap3A_1799 = tpu.vector_load %arg7[%swap3A_1794, %swap3A_1795, %swap3A_1796, %swap3A_1797, %swap3A_1798] {strides = array<i32>} : memref<2x8x3x8x128xf32, #tpu.memory_space<vmem>>, vector<16xf32>,
        tpu.vector_store %arg7[%swap3A_1794, %swap3A_1795, %swap3A_1796, %swap3A_1797, %swap3A_1798], %gather3A_1503 {strides = array<i32>} : memref<2x8x3x8x128xf32, #tpu.memory_space<vmem>>, vector<16xf32>,
        %add3A_1800 = arith.constant 7 : i32
        %add3A_1801 = vector.broadcast %add3A_1800 : i32 to vector<16xi32>
        %add3A_1802 = arith.addi %mul3A_174, %add3A_1801 : vector<16xi32>
        %gather3A_1803 = tpu.vector_load_idx %arg5[%add3A_1802] : memref<576xf32, #tpu.memory_space<vmem>>[vector<16xi32>], vector<16xf32>,
        %swap3A_1804 = arith.constant 0 : i32
        %swap3A_1805 = arith.constant 7 : i32
        %swap3A_1806 = arith.index_cast %rem3A_130 : i32 to index
        %swap3A_1807 = arith.index_cast %rem3A_127 : i32 to index
        %swap3A_1808 = arith.index_cast %swap3A_1804 : i32 to index
        %swap3A_1809 = arith.index_cast %swap3A_1805 : i32 to index
        %swap3A_1810 = arith.constant 80 : index
        %swap3A_1811 = tpu.vector_load %arg7[%swap3A_1806, %swap3A_1807, %swap3A_1808, %swap3A_1809, %swap3A_1810] {strides = array<i32>} : memref<2x8x3x8x128xf32, #tpu.memory_space<vmem>>, vector<16xf32>,
        tpu.vector_store %arg7[%swap3A_1806, %swap3A_1807, %swap3A_1808, %swap3A_1809, %swap3A_1810], %gather3A_1515 {strides = array<i32>} : memref<2x8x3x8x128xf32, #tpu.memory_space<vmem>>, vector<16xf32>,
        %add3A_1812 = arith.constant 8 : i32
        %add3A_1813 = vector.broadcast %add3A_1812 : i32 to vector<16xi32>
        %add3A_1814 = arith.addi %mul3A_174, %add3A_1813 : vector<16xi32>
        %gather3A_1815 = tpu.vector_load_idx %arg5[%add3A_1814] : memref<576xf32, #tpu.memory_space<vmem>>[vector<16xi32>], vector<16xf32>,
        %swap3A_1816 = arith.constant 1 : i32
        %swap3A_1817 = arith.constant 0 : i32
        %swap3A_1818 = arith.index_cast %rem3A_130 : i32 to index
        %swap3A_1819 = arith.index_cast %rem3A_127 : i32 to index
        %swap3A_1820 = arith.index_cast %swap3A_1816 : i32 to index
        %swap3A_1821 = arith.index_cast %swap3A_1817 : i32 to index
        %swap3A_1822 = arith.constant 80 : index
        %swap3A_1823 = tpu.vector_load %arg7[%swap3A_1818, %swap3A_1819, %swap3A_1820, %swap3A_1821, %swap3A_1822] {strides = array<i32>} : memref<2x8x3x8x128xf32, #tpu.memory_space<vmem>>, vector<16xf32>,
        tpu.vector_store %arg7[%swap3A_1818, %swap3A_1819, %swap3A_1820, %swap3A_1821, %swap3A_1822], %gather3A_1527 {strides = array<i32>} : memref<2x8x3x8x128xf32, #tpu.memory_space<vmem>>, vector<16xf32>,
        %add3A_1824 = arith.constant 9 : i32
        %add3A_1825 = vector.broadcast %add3A_1824 : i32 to vector<16xi32>
        %add3A_1826 = arith.addi %mul3A_174, %add3A_1825 : vector<16xi32>
        %gather3A_1827 = tpu.vector_load_idx %arg5[%add3A_1826] : memref<576xf32, #tpu.memory_space<vmem>>[vector<16xi32>], vector<16xf32>,
        %swap3A_1828 = arith.constant 1 : i32
        %swap3A_1829 = arith.constant 1 : i32
        %swap3A_1830 = arith.index_cast %rem3A_130 : i32 to index
        %swap3A_1831 = arith.index_cast %rem3A_127 : i32 to index
        %swap3A_1832 = arith.index_cast %swap3A_1828 : i32 to index
        %swap3A_1833 = arith.index_cast %swap3A_1829 : i32 to index
        %swap3A_1834 = arith.constant 80 : index
        %swap3A_1835 = tpu.vector_load %arg7[%swap3A_1830, %swap3A_1831, %swap3A_1832, %swap3A_1833, %swap3A_1834] {strides = array<i32>} : memref<2x8x3x8x128xf32, #tpu.memory_space<vmem>>, vector<16xf32>,
        tpu.vector_store %arg7[%swap3A_1830, %swap3A_1831, %swap3A_1832, %swap3A_1833, %swap3A_1834], %gather3A_1539 {strides = array<i32>} : memref<2x8x3x8x128xf32, #tpu.memory_space<vmem>>, vector<16xf32>,
        %add3A_1836 = arith.constant 10 : i32
        %add3A_1837 = vector.broadcast %add3A_1836 : i32 to vector<16xi32>
        %add3A_1838 = arith.addi %mul3A_174, %add3A_1837 : vector<16xi32>
        %gather3A_1839 = tpu.vector_load_idx %arg5[%add3A_1838] : memref<576xf32, #tpu.memory_space<vmem>>[vector<16xi32>], vector<16xf32>,
        %swap3A_1840 = arith.constant 1 : i32
        %swap3A_1841 = arith.constant 2 : i32
        %swap3A_1842 = arith.index_cast %rem3A_130 : i32 to index
        %swap3A_1843 = arith.index_cast %rem3A_127 : i32 to index
        %swap3A_1844 = arith.index_cast %swap3A_1840 : i32 to index
        %swap3A_1845 = arith.index_cast %swap3A_1841 : i32 to index
        %swap3A_1846 = arith.constant 80 : index
        %swap3A_1847 = tpu.vector_load %arg7[%swap3A_1842, %swap3A_1843, %swap3A_1844, %swap3A_1845, %swap3A_1846] {strides = array<i32>} : memref<2x8x3x8x128xf32, #tpu.memory_space<vmem>>, vector<16xf32>,
        tpu.vector_store %arg7[%swap3A_1842, %swap3A_1843, %swap3A_1844, %swap3A_1845, %swap3A_1846], %gather3A_1551 {strides = array<i32>} : memref<2x8x3x8x128xf32, #tpu.memory_space<vmem>>, vector<16xf32>,
        %add3A_1848 = arith.constant 11 : i32
        %add3A_1849 = vector.broadcast %add3A_1848 : i32 to vector<16xi32>
        %add3A_1850 = arith.addi %mul3A_174, %add3A_1849 : vector<16xi32>
        %gather3A_1851 = tpu.vector_load_idx %arg5[%add3A_1850] : memref<576xf32, #tpu.memory_space<vmem>>[vector<16xi32>], vector<16xf32>,
        %swap3A_1852 = arith.constant 1 : i32
        %swap3A_1853 = arith.constant 3 : i32
        %swap3A_1854 = arith.index_cast %rem3A_130 : i32 to index
        %swap3A_1855 = arith.index_cast %rem3A_127 : i32 to index
        %swap3A_1856 = arith.index_cast %swap3A_1852 : i32 to index
        %swap3A_1857 = arith.index_cast %swap3A_1853 : i32 to index
        %swap3A_1858 = arith.constant 80 : index
        %swap3A_1859 = tpu.vector_load %arg7[%swap3A_1854, %swap3A_1855, %swap3A_1856, %swap3A_1857, %swap3A_1858] {strides = array<i32>} : memref<2x8x3x8x128xf32, #tpu.memory_space<vmem>>, vector<16xf32>,
        tpu.vector_store %arg7[%swap3A_1854, %swap3A_1855, %swap3A_1856, %swap3A_1857, %swap3A_1858], %gather3A_1563 {strides = array<i32>} : memref<2x8x3x8x128xf32, #tpu.memory_space<vmem>>, vector<16xf32>,
        %add3A_1860 = arith.constant 12 : i32
        %add3A_1861 = vector.broadcast %add3A_1860 : i32 to vector<16xi32>
        %add3A_1862 = arith.addi %mul3A_174, %add3A_1861 : vector<16xi32>
        %gather3A_1863 = tpu.vector_load_idx %arg5[%add3A_1862] : memref<576xf32, #tpu.memory_space<vmem>>[vector<16xi32>], vector<16xf32>,
        %swap3A_1864 = arith.constant 1 : i32
        %swap3A_1865 = arith.constant 4 : i32
        %swap3A_1866 = arith.index_cast %rem3A_130 : i32 to index
        %swap3A_1867 = arith.index_cast %rem3A_127 : i32 to index
        %swap3A_1868 = arith.index_cast %swap3A_1864 : i32 to index
        %swap3A_1869 = arith.index_cast %swap3A_1865 : i32 to index
        %swap3A_1870 = arith.constant 80 : index
        %swap3A_1871 = tpu.vector_load %arg7[%swap3A_1866, %swap3A_1867, %swap3A_1868, %swap3A_1869, %swap3A_1870] {strides = array<i32>} : memref<2x8x3x8x128xf32, #tpu.memory_space<vmem>>, vector<16xf32>,
        tpu.vector_store %arg7[%swap3A_1866, %swap3A_1867, %swap3A_1868, %swap3A_1869, %swap3A_1870], %gather3A_1575 {strides = array<i32>} : memref<2x8x3x8x128xf32, #tpu.memory_space<vmem>>, vector<16xf32>,
        %add3A_1872 = arith.constant 13 : i32
        %add3A_1873 = vector.broadcast %add3A_1872 : i32 to vector<16xi32>
        %add3A_1874 = arith.addi %mul3A_174, %add3A_1873 : vector<16xi32>
        %gather3A_1875 = tpu.vector_load_idx %arg5[%add3A_1874] : memref<576xf32, #tpu.memory_space<vmem>>[vector<16xi32>], vector<16xf32>,
        %swap3A_1876 = arith.constant 1 : i32
        %swap3A_1877 = arith.constant 5 : i32
        %swap3A_1878 = arith.index_cast %rem3A_130 : i32 to index
        %swap3A_1879 = arith.index_cast %rem3A_127 : i32 to index
        %swap3A_1880 = arith.index_cast %swap3A_1876 : i32 to index
        %swap3A_1881 = arith.index_cast %swap3A_1877 : i32 to index
        %swap3A_1882 = arith.constant 80 : index
        %swap3A_1883 = tpu.vector_load %arg7[%swap3A_1878, %swap3A_1879, %swap3A_1880, %swap3A_1881, %swap3A_1882] {strides = array<i32>} : memref<2x8x3x8x128xf32, #tpu.memory_space<vmem>>, vector<16xf32>,
        tpu.vector_store %arg7[%swap3A_1878, %swap3A_1879, %swap3A_1880, %swap3A_1881, %swap3A_1882], %gather3A_1587 {strides = array<i32>} : memref<2x8x3x8x128xf32, #tpu.memory_space<vmem>>, vector<16xf32>,
        %add3A_1884 = arith.constant 14 : i32
        %add3A_1885 = vector.broadcast %add3A_1884 : i32 to vector<16xi32>
        %add3A_1886 = arith.addi %mul3A_174, %add3A_1885 : vector<16xi32>
        %gather3A_1887 = tpu.vector_load_idx %arg5[%add3A_1886] : memref<576xf32, #tpu.memory_space<vmem>>[vector<16xi32>], vector<16xf32>,
        %swap3A_1888 = arith.constant 1 : i32
        %swap3A_1889 = arith.constant 6 : i32
        %swap3A_1890 = arith.index_cast %rem3A_130 : i32 to index
        %swap3A_1891 = arith.index_cast %rem3A_127 : i32 to index
        %swap3A_1892 = arith.index_cast %swap3A_1888 : i32 to index
        %swap3A_1893 = arith.index_cast %swap3A_1889 : i32 to index
        %swap3A_1894 = arith.constant 80 : index
        %swap3A_1895 = tpu.vector_load %arg7[%swap3A_1890, %swap3A_1891, %swap3A_1892, %swap3A_1893, %swap3A_1894] {strides = array<i32>} : memref<2x8x3x8x128xf32, #tpu.memory_space<vmem>>, vector<16xf32>,
        tpu.vector_store %arg7[%swap3A_1890, %swap3A_1891, %swap3A_1892, %swap3A_1893, %swap3A_1894], %gather3A_1599 {strides = array<i32>} : memref<2x8x3x8x128xf32, #tpu.memory_space<vmem>>, vector<16xf32>,
        %add3A_1896 = arith.constant 15 : i32
        %add3A_1897 = vector.broadcast %add3A_1896 : i32 to vector<16xi32>
        %add3A_1898 = arith.addi %mul3A_174, %add3A_1897 : vector<16xi32>
        %gather3A_1899 = tpu.vector_load_idx %arg5[%add3A_1898] : memref<576xf32, #tpu.memory_space<vmem>>[vector<16xi32>], vector<16xf32>,
        %swap3A_1900 = arith.constant 1 : i32
        %swap3A_1901 = arith.constant 7 : i32
        %swap3A_1902 = arith.index_cast %rem3A_130 : i32 to index
        %swap3A_1903 = arith.index_cast %rem3A_127 : i32 to index
        %swap3A_1904 = arith.index_cast %swap3A_1900 : i32 to index
        %swap3A_1905 = arith.index_cast %swap3A_1901 : i32 to index
        %swap3A_1906 = arith.constant 80 : index
        %swap3A_1907 = tpu.vector_load %arg7[%swap3A_1902, %swap3A_1903, %swap3A_1904, %swap3A_1905, %swap3A_1906] {strides = array<i32>} : memref<2x8x3x8x128xf32, #tpu.memory_space<vmem>>, vector<16xf32>,
        tpu.vector_store %arg7[%swap3A_1902, %swap3A_1903, %swap3A_1904, %swap3A_1905, %swap3A_1906], %gather3A_1611 {strides = array<i32>} : memref<2x8x3x8x128xf32, #tpu.memory_space<vmem>>, vector<16xf32>,
        %add3A_1908 = arith.constant 16 : i32
        %add3A_1909 = vector.broadcast %add3A_1908 : i32 to vector<16xi32>
        %add3A_1910 = arith.addi %mul3A_174, %add3A_1909 : vector<16xi32>
        %gather3A_1911 = tpu.vector_load_idx %arg5[%add3A_1910] : memref<576xf32, #tpu.memory_space<vmem>>[vector<16xi32>], vector<16xf32>,
        %swap3A_1912 = arith.constant 2 : i32
        %swap3A_1913 = arith.constant 0 : i32
        %swap3A_1914 = arith.index_cast %rem3A_130 : i32 to index
        %swap3A_1915 = arith.index_cast %rem3A_127 : i32 to index
        %swap3A_1916 = arith.index_cast %swap3A_1912 : i32 to index
        %swap3A_1917 = arith.index_cast %swap3A_1913 : i32 to index
        %swap3A_1918 = arith.constant 80 : index
        %swap3A_1919 = tpu.vector_load %arg7[%swap3A_1914, %swap3A_1915, %swap3A_1916, %swap3A_1917, %swap3A_1918] {strides = array<i32>} : memref<2x8x3x8x128xf32, #tpu.memory_space<vmem>>, vector<16xf32>,
        tpu.vector_store %arg7[%swap3A_1914, %swap3A_1915, %swap3A_1916, %swap3A_1917, %swap3A_1918], %gather3A_1623 {strides = array<i32>} : memref<2x8x3x8x128xf32, #tpu.memory_space<vmem>>, vector<16xf32>,
        %add3A_1920 = arith.constant 17 : i32
        %add3A_1921 = vector.broadcast %add3A_1920 : i32 to vector<16xi32>
        %add3A_1922 = arith.addi %mul3A_174, %add3A_1921 : vector<16xi32>
        %gather3A_1923 = tpu.vector_load_idx %arg5[%add3A_1922] : memref<576xf32, #tpu.memory_space<vmem>>[vector<16xi32>], vector<16xf32>,
        %swap3A_1924 = arith.constant 2 : i32
        %swap3A_1925 = arith.constant 1 : i32
        %swap3A_1926 = arith.index_cast %rem3A_130 : i32 to index
        %swap3A_1927 = arith.index_cast %rem3A_127 : i32 to index
        %swap3A_1928 = arith.index_cast %swap3A_1924 : i32 to index
        %swap3A_1929 = arith.index_cast %swap3A_1925 : i32 to index
        %swap3A_1930 = arith.constant 80 : index
        %swap3A_1931 = tpu.vector_load %arg7[%swap3A_1926, %swap3A_1927, %swap3A_1928, %swap3A_1929, %swap3A_1930] {strides = array<i32>} : memref<2x8x3x8x128xf32, #tpu.memory_space<vmem>>, vector<16xf32>,
        tpu.vector_store %arg7[%swap3A_1926, %swap3A_1927, %swap3A_1928, %swap3A_1929, %swap3A_1930], %gather3A_1635 {strides = array<i32>} : memref<2x8x3x8x128xf32, #tpu.memory_space<vmem>>, vector<16xf32>,
        %add3A_1932 = arith.constant 18 : i32
        %add3A_1933 = vector.broadcast %add3A_1932 : i32 to vector<16xi32>
        %add3A_1934 = arith.addi %mul3A_174, %add3A_1933 : vector<16xi32>
        %gather3A_1935 = tpu.vector_load_idx %arg5[%add3A_1934] : memref<576xf32, #tpu.memory_space<vmem>>[vector<16xi32>], vector<16xf32>,
        %swap3A_1936 = arith.constant 2 : i32
        %swap3A_1937 = arith.constant 2 : i32
        %swap3A_1938 = arith.index_cast %rem3A_130 : i32 to index
        %swap3A_1939 = arith.index_cast %rem3A_127 : i32 to index
        %swap3A_1940 = arith.index_cast %swap3A_1936 : i32 to index
        %swap3A_1941 = arith.index_cast %swap3A_1937 : i32 to index
        %swap3A_1942 = arith.constant 80 : index
        %swap3A_1943 = tpu.vector_load %arg7[%swap3A_1938, %swap3A_1939, %swap3A_1940, %swap3A_1941, %swap3A_1942] {strides = array<i32>} : memref<2x8x3x8x128xf32, #tpu.memory_space<vmem>>, vector<16xf32>,
        tpu.vector_store %arg7[%swap3A_1938, %swap3A_1939, %swap3A_1940, %swap3A_1941, %swap3A_1942], %gather3A_1647 {strides = array<i32>} : memref<2x8x3x8x128xf32, #tpu.memory_space<vmem>>, vector<16xf32>,
        %add3A_1944 = arith.constant 19 : i32
        %add3A_1945 = vector.broadcast %add3A_1944 : i32 to vector<16xi32>
        %add3A_1946 = arith.addi %mul3A_174, %add3A_1945 : vector<16xi32>
        %gather3A_1947 = tpu.vector_load_idx %arg5[%add3A_1946] : memref<576xf32, #tpu.memory_space<vmem>>[vector<16xi32>], vector<16xf32>,
        %swap3A_1948 = arith.constant 2 : i32
        %swap3A_1949 = arith.constant 3 : i32
        %swap3A_1950 = arith.index_cast %rem3A_130 : i32 to index
        %swap3A_1951 = arith.index_cast %rem3A_127 : i32 to index
        %swap3A_1952 = arith.index_cast %swap3A_1948 : i32 to index
        %swap3A_1953 = arith.index_cast %swap3A_1949 : i32 to index
        %swap3A_1954 = arith.constant 80 : index
        %swap3A_1955 = tpu.vector_load %arg7[%swap3A_1950, %swap3A_1951, %swap3A_1952, %swap3A_1953, %swap3A_1954] {strides = array<i32>} : memref<2x8x3x8x128xf32, #tpu.memory_space<vmem>>, vector<16xf32>,
        tpu.vector_store %arg7[%swap3A_1950, %swap3A_1951, %swap3A_1952, %swap3A_1953, %swap3A_1954], %gather3A_1659 {strides = array<i32>} : memref<2x8x3x8x128xf32, #tpu.memory_space<vmem>>, vector<16xf32>,
        %add3A_1956 = arith.constant 20 : i32
        %add3A_1957 = vector.broadcast %add3A_1956 : i32 to vector<16xi32>
        %add3A_1958 = arith.addi %mul3A_174, %add3A_1957 : vector<16xi32>
        %gather3A_1959 = tpu.vector_load_idx %arg5[%add3A_1958] : memref<576xf32, #tpu.memory_space<vmem>>[vector<16xi32>], vector<16xf32>,
        %swap3A_1960 = arith.constant 2 : i32
        %swap3A_1961 = arith.constant 4 : i32
        %swap3A_1962 = arith.index_cast %rem3A_130 : i32 to index
        %swap3A_1963 = arith.index_cast %rem3A_127 : i32 to index
        %swap3A_1964 = arith.index_cast %swap3A_1960 : i32 to index
        %swap3A_1965 = arith.index_cast %swap3A_1961 : i32 to index
        %swap3A_1966 = arith.constant 80 : index
        %swap3A_1967 = tpu.vector_load %arg7[%swap3A_1962, %swap3A_1963, %swap3A_1964, %swap3A_1965, %swap3A_1966] {strides = array<i32>} : memref<2x8x3x8x128xf32, #tpu.memory_space<vmem>>, vector<16xf32>,
        tpu.vector_store %arg7[%swap3A_1962, %swap3A_1963, %swap3A_1964, %swap3A_1965, %swap3A_1966], %gather3A_1671 {strides = array<i32>} : memref<2x8x3x8x128xf32, #tpu.memory_space<vmem>>, vector<16xf32>,
        %add3A_1968 = arith.constant 21 : i32
        %add3A_1969 = vector.broadcast %add3A_1968 : i32 to vector<16xi32>
        %add3A_1970 = arith.addi %mul3A_174, %add3A_1969 : vector<16xi32>
        %gather3A_1971 = tpu.vector_load_idx %arg5[%add3A_1970] : memref<576xf32, #tpu.memory_space<vmem>>[vector<16xi32>], vector<16xf32>,
        %swap3A_1972 = arith.constant 2 : i32
        %swap3A_1973 = arith.constant 5 : i32
        %swap3A_1974 = arith.index_cast %rem3A_130 : i32 to index
        %swap3A_1975 = arith.index_cast %rem3A_127 : i32 to index
        %swap3A_1976 = arith.index_cast %swap3A_1972 : i32 to index
        %swap3A_1977 = arith.index_cast %swap3A_1973 : i32 to index
        %swap3A_1978 = arith.constant 80 : index
        %swap3A_1979 = tpu.vector_load %arg7[%swap3A_1974, %swap3A_1975, %swap3A_1976, %swap3A_1977, %swap3A_1978] {strides = array<i32>} : memref<2x8x3x8x128xf32, #tpu.memory_space<vmem>>, vector<16xf32>,
        tpu.vector_store %arg7[%swap3A_1974, %swap3A_1975, %swap3A_1976, %swap3A_1977, %swap3A_1978], %gather3A_1683 {strides = array<i32>} : memref<2x8x3x8x128xf32, #tpu.memory_space<vmem>>, vector<16xf32>,
        %add3A_1980 = arith.constant 22 : i32
        %add3A_1981 = vector.broadcast %add3A_1980 : i32 to vector<16xi32>
        %add3A_1982 = arith.addi %mul3A_174, %add3A_1981 : vector<16xi32>
        %gather3A_1983 = tpu.vector_load_idx %arg5[%add3A_1982] : memref<576xf32, #tpu.memory_space<vmem>>[vector<16xi32>], vector<16xf32>,
        %swap3A_1984 = arith.constant 2 : i32
        %swap3A_1985 = arith.constant 6 : i32
        %swap3A_1986 = arith.index_cast %rem3A_130 : i32 to index
        %swap3A_1987 = arith.index_cast %rem3A_127 : i32 to index
        %swap3A_1988 = arith.index_cast %swap3A_1984 : i32 to index
        %swap3A_1989 = arith.index_cast %swap3A_1985 : i32 to index
        %swap3A_1990 = arith.constant 80 : index
        %swap3A_1991 = tpu.vector_load %arg7[%swap3A_1986, %swap3A_1987, %swap3A_1988, %swap3A_1989, %swap3A_1990] {strides = array<i32>} : memref<2x8x3x8x128xf32, #tpu.memory_space<vmem>>, vector<16xf32>,
        tpu.vector_store %arg7[%swap3A_1986, %swap3A_1987, %swap3A_1988, %swap3A_1989, %swap3A_1990], %gather3A_1695 {strides = array<i32>} : memref<2x8x3x8x128xf32, #tpu.memory_space<vmem>>, vector<16xf32>,
        %add3A_1992 = arith.constant 23 : i32
        %add3A_1993 = vector.broadcast %add3A_1992 : i32 to vector<16xi32>
        %add3A_1994 = arith.addi %mul3A_174, %add3A_1993 : vector<16xi32>
        %gather3A_1995 = tpu.vector_load_idx %arg5[%add3A_1994] : memref<576xf32, #tpu.memory_space<vmem>>[vector<16xi32>], vector<16xf32>,
        %swap3A_1996 = arith.constant 2 : i32
        %swap3A_1997 = arith.constant 7 : i32
        %swap3A_1998 = arith.index_cast %rem3A_130 : i32 to index
        %swap3A_1999 = arith.index_cast %rem3A_127 : i32 to index
        %swap3A_2000 = arith.index_cast %swap3A_1996 : i32 to index
        %swap3A_2001 = arith.index_cast %swap3A_1997 : i32 to index
        %swap3A_2002 = arith.constant 80 : index
        %swap3A_2003 = tpu.vector_load %arg7[%swap3A_1998, %swap3A_1999, %swap3A_2000, %swap3A_2001, %swap3A_2002] {strides = array<i32>} : memref<2x8x3x8x128xf32, #tpu.memory_space<vmem>>, vector<16xf32>,
        tpu.vector_store %arg7[%swap3A_1998, %swap3A_1999, %swap3A_2000, %swap3A_2001, %swap3A_2002], %gather3A_1707 {strides = array<i32>} : memref<2x8x3x8x128xf32, #tpu.memory_space<vmem>>, vector<16xf32>,
        %add3A_2004 = arith.constant 0 : i32
        %add3A_2005 = vector.broadcast %add3A_2004 : i32 to vector<16xi32>
        %add3A_2006 = arith.addi %mul3A_180, %add3A_2005 : vector<16xi32>
        %gather3A_2007 = tpu.vector_load_idx %arg5[%add3A_2006] : memref<576xf32, #tpu.memory_space<vmem>>[vector<16xi32>], vector<16xf32>,
        %swap3A_2008 = arith.constant 0 : i32
        %swap3A_2009 = arith.constant 0 : i32
        %swap3A_2010 = arith.index_cast %rem3A_130 : i32 to index
        %swap3A_2011 = arith.index_cast %rem3A_127 : i32 to index
        %swap3A_2012 = arith.index_cast %swap3A_2008 : i32 to index
        %swap3A_2013 = arith.index_cast %swap3A_2009 : i32 to index
        %swap3A_2014 = arith.constant 96 : index
        %swap3A_2015 = tpu.vector_load %arg7[%swap3A_2010, %swap3A_2011, %swap3A_2012, %swap3A_2013, %swap3A_2014] {strides = array<i32>} : memref<2x8x3x8x128xf32, #tpu.memory_space<vmem>>, vector<16xf32>,
        tpu.vector_store %arg7[%swap3A_2010, %swap3A_2011, %swap3A_2012, %swap3A_2013, %swap3A_2014], %gather3A_1719 {strides = array<i32>} : memref<2x8x3x8x128xf32, #tpu.memory_space<vmem>>, vector<16xf32>,
        %add3A_2016 = arith.constant 1 : i32
        %add3A_2017 = vector.broadcast %add3A_2016 : i32 to vector<16xi32>
        %add3A_2018 = arith.addi %mul3A_180, %add3A_2017 : vector<16xi32>
        %gather3A_2019 = tpu.vector_load_idx %arg5[%add3A_2018] : memref<576xf32, #tpu.memory_space<vmem>>[vector<16xi32>], vector<16xf32>,
        %swap3A_2020 = arith.constant 0 : i32
        %swap3A_2021 = arith.constant 1 : i32
        %swap3A_2022 = arith.index_cast %rem3A_130 : i32 to index
        %swap3A_2023 = arith.index_cast %rem3A_127 : i32 to index
        %swap3A_2024 = arith.index_cast %swap3A_2020 : i32 to index
        %swap3A_2025 = arith.index_cast %swap3A_2021 : i32 to index
        %swap3A_2026 = arith.constant 96 : index
        %swap3A_2027 = tpu.vector_load %arg7[%swap3A_2022, %swap3A_2023, %swap3A_2024, %swap3A_2025, %swap3A_2026] {strides = array<i32>} : memref<2x8x3x8x128xf32, #tpu.memory_space<vmem>>, vector<16xf32>,
        tpu.vector_store %arg7[%swap3A_2022, %swap3A_2023, %swap3A_2024, %swap3A_2025, %swap3A_2026], %gather3A_1731 {strides = array<i32>} : memref<2x8x3x8x128xf32, #tpu.memory_space<vmem>>, vector<16xf32>,
        %add3A_2028 = arith.constant 2 : i32
        %add3A_2029 = vector.broadcast %add3A_2028 : i32 to vector<16xi32>
        %add3A_2030 = arith.addi %mul3A_180, %add3A_2029 : vector<16xi32>
        %gather3A_2031 = tpu.vector_load_idx %arg5[%add3A_2030] : memref<576xf32, #tpu.memory_space<vmem>>[vector<16xi32>], vector<16xf32>,
        %swap3A_2032 = arith.constant 0 : i32
        %swap3A_2033 = arith.constant 2 : i32
        %swap3A_2034 = arith.index_cast %rem3A_130 : i32 to index
        %swap3A_2035 = arith.index_cast %rem3A_127 : i32 to index
        %swap3A_2036 = arith.index_cast %swap3A_2032 : i32 to index
        %swap3A_2037 = arith.index_cast %swap3A_2033 : i32 to index
        %swap3A_2038 = arith.constant 96 : index
        %swap3A_2039 = tpu.vector_load %arg7[%swap3A_2034, %swap3A_2035, %swap3A_2036, %swap3A_2037, %swap3A_2038] {strides = array<i32>} : memref<2x8x3x8x128xf32, #tpu.memory_space<vmem>>, vector<16xf32>,
        tpu.vector_store %arg7[%swap3A_2034, %swap3A_2035, %swap3A_2036, %swap3A_2037, %swap3A_2038], %gather3A_1743 {strides = array<i32>} : memref<2x8x3x8x128xf32, #tpu.memory_space<vmem>>, vector<16xf32>,
        %add3A_2040 = arith.constant 3 : i32
        %add3A_2041 = vector.broadcast %add3A_2040 : i32 to vector<16xi32>
        %add3A_2042 = arith.addi %mul3A_180, %add3A_2041 : vector<16xi32>
        %gather3A_2043 = tpu.vector_load_idx %arg5[%add3A_2042] : memref<576xf32, #tpu.memory_space<vmem>>[vector<16xi32>], vector<16xf32>,
        %swap3A_2044 = arith.constant 0 : i32
        %swap3A_2045 = arith.constant 3 : i32
        %swap3A_2046 = arith.index_cast %rem3A_130 : i32 to index
        %swap3A_2047 = arith.index_cast %rem3A_127 : i32 to index
        %swap3A_2048 = arith.index_cast %swap3A_2044 : i32 to index
        %swap3A_2049 = arith.index_cast %swap3A_2045 : i32 to index
        %swap3A_2050 = arith.constant 96 : index
        %swap3A_2051 = tpu.vector_load %arg7[%swap3A_2046, %swap3A_2047, %swap3A_2048, %swap3A_2049, %swap3A_2050] {strides = array<i32>} : memref<2x8x3x8x128xf32, #tpu.memory_space<vmem>>, vector<16xf32>,
        tpu.vector_store %arg7[%swap3A_2046, %swap3A_2047, %swap3A_2048, %swap3A_2049, %swap3A_2050], %gather3A_1755 {strides = array<i32>} : memref<2x8x3x8x128xf32, #tpu.memory_space<vmem>>, vector<16xf32>,
        %add3A_2052 = arith.constant 4 : i32
        %add3A_2053 = vector.broadcast %add3A_2052 : i32 to vector<16xi32>
        %add3A_2054 = arith.addi %mul3A_180, %add3A_2053 : vector<16xi32>
        %gather3A_2055 = tpu.vector_load_idx %arg5[%add3A_2054] : memref<576xf32, #tpu.memory_space<vmem>>[vector<16xi32>], vector<16xf32>,
        %swap3A_2056 = arith.constant 0 : i32
        %swap3A_2057 = arith.constant 4 : i32
        %swap3A_2058 = arith.index_cast %rem3A_130 : i32 to index
        %swap3A_2059 = arith.index_cast %rem3A_127 : i32 to index
        %swap3A_2060 = arith.index_cast %swap3A_2056 : i32 to index
        %swap3A_2061 = arith.index_cast %swap3A_2057 : i32 to index
        %swap3A_2062 = arith.constant 96 : index
        %swap3A_2063 = tpu.vector_load %arg7[%swap3A_2058, %swap3A_2059, %swap3A_2060, %swap3A_2061, %swap3A_2062] {strides = array<i32>} : memref<2x8x3x8x128xf32, #tpu.memory_space<vmem>>, vector<16xf32>,
        tpu.vector_store %arg7[%swap3A_2058, %swap3A_2059, %swap3A_2060, %swap3A_2061, %swap3A_2062], %gather3A_1767 {strides = array<i32>} : memref<2x8x3x8x128xf32, #tpu.memory_space<vmem>>, vector<16xf32>,
        %add3A_2064 = arith.constant 5 : i32
        %add3A_2065 = vector.broadcast %add3A_2064 : i32 to vector<16xi32>
        %add3A_2066 = arith.addi %mul3A_180, %add3A_2065 : vector<16xi32>
        %gather3A_2067 = tpu.vector_load_idx %arg5[%add3A_2066] : memref<576xf32, #tpu.memory_space<vmem>>[vector<16xi32>], vector<16xf32>,
        %swap3A_2068 = arith.constant 0 : i32
        %swap3A_2069 = arith.constant 5 : i32
        %swap3A_2070 = arith.index_cast %rem3A_130 : i32 to index
        %swap3A_2071 = arith.index_cast %rem3A_127 : i32 to index
        %swap3A_2072 = arith.index_cast %swap3A_2068 : i32 to index
        %swap3A_2073 = arith.index_cast %swap3A_2069 : i32 to index
        %swap3A_2074 = arith.constant 96 : index
        %swap3A_2075 = tpu.vector_load %arg7[%swap3A_2070, %swap3A_2071, %swap3A_2072, %swap3A_2073, %swap3A_2074] {strides = array<i32>} : memref<2x8x3x8x128xf32, #tpu.memory_space<vmem>>, vector<16xf32>,
        tpu.vector_store %arg7[%swap3A_2070, %swap3A_2071, %swap3A_2072, %swap3A_2073, %swap3A_2074], %gather3A_1779 {strides = array<i32>} : memref<2x8x3x8x128xf32, #tpu.memory_space<vmem>>, vector<16xf32>,
        %add3A_2076 = arith.constant 6 : i32
        %add3A_2077 = vector.broadcast %add3A_2076 : i32 to vector<16xi32>
        %add3A_2078 = arith.addi %mul3A_180, %add3A_2077 : vector<16xi32>
        %gather3A_2079 = tpu.vector_load_idx %arg5[%add3A_2078] : memref<576xf32, #tpu.memory_space<vmem>>[vector<16xi32>], vector<16xf32>,
        %swap3A_2080 = arith.constant 0 : i32
        %swap3A_2081 = arith.constant 6 : i32
        %swap3A_2082 = arith.index_cast %rem3A_130 : i32 to index
        %swap3A_2083 = arith.index_cast %rem3A_127 : i32 to index
        %swap3A_2084 = arith.index_cast %swap3A_2080 : i32 to index
        %swap3A_2085 = arith.index_cast %swap3A_2081 : i32 to index
        %swap3A_2086 = arith.constant 96 : index
        %swap3A_2087 = tpu.vector_load %arg7[%swap3A_2082, %swap3A_2083, %swap3A_2084, %swap3A_2085, %swap3A_2086] {strides = array<i32>} : memref<2x8x3x8x128xf32, #tpu.memory_space<vmem>>, vector<16xf32>,
        tpu.vector_store %arg7[%swap3A_2082, %swap3A_2083, %swap3A_2084, %swap3A_2085, %swap3A_2086], %gather3A_1791 {strides = array<i32>} : memref<2x8x3x8x128xf32, #tpu.memory_space<vmem>>, vector<16xf32>,
        %add3A_2088 = arith.constant 7 : i32
        %add3A_2089 = vector.broadcast %add3A_2088 : i32 to vector<16xi32>
        %add3A_2090 = arith.addi %mul3A_180, %add3A_2089 : vector<16xi32>
        %gather3A_2091 = tpu.vector_load_idx %arg5[%add3A_2090] : memref<576xf32, #tpu.memory_space<vmem>>[vector<16xi32>], vector<16xf32>,
        %swap3A_2092 = arith.constant 0 : i32
        %swap3A_2093 = arith.constant 7 : i32
        %swap3A_2094 = arith.index_cast %rem3A_130 : i32 to index
        %swap3A_2095 = arith.index_cast %rem3A_127 : i32 to index
        %swap3A_2096 = arith.index_cast %swap3A_2092 : i32 to index
        %swap3A_2097 = arith.index_cast %swap3A_2093 : i32 to index
        %swap3A_2098 = arith.constant 96 : index
        %swap3A_2099 = tpu.vector_load %arg7[%swap3A_2094, %swap3A_2095, %swap3A_2096, %swap3A_2097, %swap3A_2098] {strides = array<i32>} : memref<2x8x3x8x128xf32, #tpu.memory_space<vmem>>, vector<16xf32>,
        tpu.vector_store %arg7[%swap3A_2094, %swap3A_2095, %swap3A_2096, %swap3A_2097, %swap3A_2098], %gather3A_1803 {strides = array<i32>} : memref<2x8x3x8x128xf32, #tpu.memory_space<vmem>>, vector<16xf32>,
        %add3A_2100 = arith.constant 8 : i32
        %add3A_2101 = vector.broadcast %add3A_2100 : i32 to vector<16xi32>
        %add3A_2102 = arith.addi %mul3A_180, %add3A_2101 : vector<16xi32>
        %gather3A_2103 = tpu.vector_load_idx %arg5[%add3A_2102] : memref<576xf32, #tpu.memory_space<vmem>>[vector<16xi32>], vector<16xf32>,
        %swap3A_2104 = arith.constant 1 : i32
        %swap3A_2105 = arith.constant 0 : i32
        %swap3A_2106 = arith.index_cast %rem3A_130 : i32 to index
        %swap3A_2107 = arith.index_cast %rem3A_127 : i32 to index
        %swap3A_2108 = arith.index_cast %swap3A_2104 : i32 to index
        %swap3A_2109 = arith.index_cast %swap3A_2105 : i32 to index
        %swap3A_2110 = arith.constant 96 : index
        %swap3A_2111 = tpu.vector_load %arg7[%swap3A_2106, %swap3A_2107, %swap3A_2108, %swap3A_2109, %swap3A_2110] {strides = array<i32>} : memref<2x8x3x8x128xf32, #tpu.memory_space<vmem>>, vector<16xf32>,
        tpu.vector_store %arg7[%swap3A_2106, %swap3A_2107, %swap3A_2108, %swap3A_2109, %swap3A_2110], %gather3A_1815 {strides = array<i32>} : memref<2x8x3x8x128xf32, #tpu.memory_space<vmem>>, vector<16xf32>,
        %add3A_2112 = arith.constant 9 : i32
        %add3A_2113 = vector.broadcast %add3A_2112 : i32 to vector<16xi32>
        %add3A_2114 = arith.addi %mul3A_180, %add3A_2113 : vector<16xi32>
        %gather3A_2115 = tpu.vector_load_idx %arg5[%add3A_2114] : memref<576xf32, #tpu.memory_space<vmem>>[vector<16xi32>], vector<16xf32>,
        %swap3A_2116 = arith.constant 1 : i32
        %swap3A_2117 = arith.constant 1 : i32
        %swap3A_2118 = arith.index_cast %rem3A_130 : i32 to index
        %swap3A_2119 = arith.index_cast %rem3A_127 : i32 to index
        %swap3A_2120 = arith.index_cast %swap3A_2116 : i32 to index
        %swap3A_2121 = arith.index_cast %swap3A_2117 : i32 to index
        %swap3A_2122 = arith.constant 96 : index
        %swap3A_2123 = tpu.vector_load %arg7[%swap3A_2118, %swap3A_2119, %swap3A_2120, %swap3A_2121, %swap3A_2122] {strides = array<i32>} : memref<2x8x3x8x128xf32, #tpu.memory_space<vmem>>, vector<16xf32>,
        tpu.vector_store %arg7[%swap3A_2118, %swap3A_2119, %swap3A_2120, %swap3A_2121, %swap3A_2122], %gather3A_1827 {strides = array<i32>} : memref<2x8x3x8x128xf32, #tpu.memory_space<vmem>>, vector<16xf32>,
        %add3A_2124 = arith.constant 10 : i32
        %add3A_2125 = vector.broadcast %add3A_2124 : i32 to vector<16xi32>
        %add3A_2126 = arith.addi %mul3A_180, %add3A_2125 : vector<16xi32>
        %gather3A_2127 = tpu.vector_load_idx %arg5[%add3A_2126] : memref<576xf32, #tpu.memory_space<vmem>>[vector<16xi32>], vector<16xf32>,
        %swap3A_2128 = arith.constant 1 : i32
        %swap3A_2129 = arith.constant 2 : i32
        %swap3A_2130 = arith.index_cast %rem3A_130 : i32 to index
        %swap3A_2131 = arith.index_cast %rem3A_127 : i32 to index
        %swap3A_2132 = arith.index_cast %swap3A_2128 : i32 to index
        %swap3A_2133 = arith.index_cast %swap3A_2129 : i32 to index
        %swap3A_2134 = arith.constant 96 : index
        %swap3A_2135 = tpu.vector_load %arg7[%swap3A_2130, %swap3A_2131, %swap3A_2132, %swap3A_2133, %swap3A_2134] {strides = array<i32>} : memref<2x8x3x8x128xf32, #tpu.memory_space<vmem>>, vector<16xf32>,
        tpu.vector_store %arg7[%swap3A_2130, %swap3A_2131, %swap3A_2132, %swap3A_2133, %swap3A_2134], %gather3A_1839 {strides = array<i32>} : memref<2x8x3x8x128xf32, #tpu.memory_space<vmem>>, vector<16xf32>,
        %add3A_2136 = arith.constant 11 : i32
        %add3A_2137 = vector.broadcast %add3A_2136 : i32 to vector<16xi32>
        %add3A_2138 = arith.addi %mul3A_180, %add3A_2137 : vector<16xi32>
        %gather3A_2139 = tpu.vector_load_idx %arg5[%add3A_2138] : memref<576xf32, #tpu.memory_space<vmem>>[vector<16xi32>], vector<16xf32>,
        %swap3A_2140 = arith.constant 1 : i32
        %swap3A_2141 = arith.constant 3 : i32
        %swap3A_2142 = arith.index_cast %rem3A_130 : i32 to index
        %swap3A_2143 = arith.index_cast %rem3A_127 : i32 to index
        %swap3A_2144 = arith.index_cast %swap3A_2140 : i32 to index
        %swap3A_2145 = arith.index_cast %swap3A_2141 : i32 to index
        %swap3A_2146 = arith.constant 96 : index
        %swap3A_2147 = tpu.vector_load %arg7[%swap3A_2142, %swap3A_2143, %swap3A_2144, %swap3A_2145, %swap3A_2146] {strides = array<i32>} : memref<2x8x3x8x128xf32, #tpu.memory_space<vmem>>, vector<16xf32>,
        tpu.vector_store %arg7[%swap3A_2142, %swap3A_2143, %swap3A_2144, %swap3A_2145, %swap3A_2146], %gather3A_1851 {strides = array<i32>} : memref<2x8x3x8x128xf32, #tpu.memory_space<vmem>>, vector<16xf32>,
        %add3A_2148 = arith.constant 12 : i32
        %add3A_2149 = vector.broadcast %add3A_2148 : i32 to vector<16xi32>
        %add3A_2150 = arith.addi %mul3A_180, %add3A_2149 : vector<16xi32>
        %gather3A_2151 = tpu.vector_load_idx %arg5[%add3A_2150] : memref<576xf32, #tpu.memory_space<vmem>>[vector<16xi32>], vector<16xf32>,
        %swap3A_2152 = arith.constant 1 : i32
        %swap3A_2153 = arith.constant 4 : i32
        %swap3A_2154 = arith.index_cast %rem3A_130 : i32 to index
        %swap3A_2155 = arith.index_cast %rem3A_127 : i32 to index
        %swap3A_2156 = arith.index_cast %swap3A_2152 : i32 to index
        %swap3A_2157 = arith.index_cast %swap3A_2153 : i32 to index
        %swap3A_2158 = arith.constant 96 : index
        %swap3A_2159 = tpu.vector_load %arg7[%swap3A_2154, %swap3A_2155, %swap3A_2156, %swap3A_2157, %swap3A_2158] {strides = array<i32>} : memref<2x8x3x8x128xf32, #tpu.memory_space<vmem>>, vector<16xf32>,
        tpu.vector_store %arg7[%swap3A_2154, %swap3A_2155, %swap3A_2156, %swap3A_2157, %swap3A_2158], %gather3A_1863 {strides = array<i32>} : memref<2x8x3x8x128xf32, #tpu.memory_space<vmem>>, vector<16xf32>,
        %add3A_2160 = arith.constant 13 : i32
        %add3A_2161 = vector.broadcast %add3A_2160 : i32 to vector<16xi32>
        %add3A_2162 = arith.addi %mul3A_180, %add3A_2161 : vector<16xi32>
        %gather3A_2163 = tpu.vector_load_idx %arg5[%add3A_2162] : memref<576xf32, #tpu.memory_space<vmem>>[vector<16xi32>], vector<16xf32>,
        %swap3A_2164 = arith.constant 1 : i32
        %swap3A_2165 = arith.constant 5 : i32
        %swap3A_2166 = arith.index_cast %rem3A_130 : i32 to index
        %swap3A_2167 = arith.index_cast %rem3A_127 : i32 to index
        %swap3A_2168 = arith.index_cast %swap3A_2164 : i32 to index
        %swap3A_2169 = arith.index_cast %swap3A_2165 : i32 to index
        %swap3A_2170 = arith.constant 96 : index
        %swap3A_2171 = tpu.vector_load %arg7[%swap3A_2166, %swap3A_2167, %swap3A_2168, %swap3A_2169, %swap3A_2170] {strides = array<i32>} : memref<2x8x3x8x128xf32, #tpu.memory_space<vmem>>, vector<16xf32>,
        tpu.vector_store %arg7[%swap3A_2166, %swap3A_2167, %swap3A_2168, %swap3A_2169, %swap3A_2170], %gather3A_1875 {strides = array<i32>} : memref<2x8x3x8x128xf32, #tpu.memory_space<vmem>>, vector<16xf32>,
        %add3A_2172 = arith.constant 14 : i32
        %add3A_2173 = vector.broadcast %add3A_2172 : i32 to vector<16xi32>
        %add3A_2174 = arith.addi %mul3A_180, %add3A_2173 : vector<16xi32>
        %gather3A_2175 = tpu.vector_load_idx %arg5[%add3A_2174] : memref<576xf32, #tpu.memory_space<vmem>>[vector<16xi32>], vector<16xf32>,
        %swap3A_2176 = arith.constant 1 : i32
        %swap3A_2177 = arith.constant 6 : i32
        %swap3A_2178 = arith.index_cast %rem3A_130 : i32 to index
        %swap3A_2179 = arith.index_cast %rem3A_127 : i32 to index
        %swap3A_2180 = arith.index_cast %swap3A_2176 : i32 to index
        %swap3A_2181 = arith.index_cast %swap3A_2177 : i32 to index
        %swap3A_2182 = arith.constant 96 : index
        %swap3A_2183 = tpu.vector_load %arg7[%swap3A_2178, %swap3A_2179, %swap3A_2180, %swap3A_2181, %swap3A_2182] {strides = array<i32>} : memref<2x8x3x8x128xf32, #tpu.memory_space<vmem>>, vector<16xf32>,
        tpu.vector_store %arg7[%swap3A_2178, %swap3A_2179, %swap3A_2180, %swap3A_2181, %swap3A_2182], %gather3A_1887 {strides = array<i32>} : memref<2x8x3x8x128xf32, #tpu.memory_space<vmem>>, vector<16xf32>,
        %add3A_2184 = arith.constant 15 : i32
        %add3A_2185 = vector.broadcast %add3A_2184 : i32 to vector<16xi32>
        %add3A_2186 = arith.addi %mul3A_180, %add3A_2185 : vector<16xi32>
        %gather3A_2187 = tpu.vector_load_idx %arg5[%add3A_2186] : memref<576xf32, #tpu.memory_space<vmem>>[vector<16xi32>], vector<16xf32>,
        %swap3A_2188 = arith.constant 1 : i32
        %swap3A_2189 = arith.constant 7 : i32
        %swap3A_2190 = arith.index_cast %rem3A_130 : i32 to index
        %swap3A_2191 = arith.index_cast %rem3A_127 : i32 to index
        %swap3A_2192 = arith.index_cast %swap3A_2188 : i32 to index
        %swap3A_2193 = arith.index_cast %swap3A_2189 : i32 to index
        %swap3A_2194 = arith.constant 96 : index
        %swap3A_2195 = tpu.vector_load %arg7[%swap3A_2190, %swap3A_2191, %swap3A_2192, %swap3A_2193, %swap3A_2194] {strides = array<i32>} : memref<2x8x3x8x128xf32, #tpu.memory_space<vmem>>, vector<16xf32>,
        tpu.vector_store %arg7[%swap3A_2190, %swap3A_2191, %swap3A_2192, %swap3A_2193, %swap3A_2194], %gather3A_1899 {strides = array<i32>} : memref<2x8x3x8x128xf32, #tpu.memory_space<vmem>>, vector<16xf32>,
        %add3A_2196 = arith.constant 16 : i32
        %add3A_2197 = vector.broadcast %add3A_2196 : i32 to vector<16xi32>
        %add3A_2198 = arith.addi %mul3A_180, %add3A_2197 : vector<16xi32>
        %gather3A_2199 = tpu.vector_load_idx %arg5[%add3A_2198] : memref<576xf32, #tpu.memory_space<vmem>>[vector<16xi32>], vector<16xf32>,
        %swap3A_2200 = arith.constant 2 : i32
        %swap3A_2201 = arith.constant 0 : i32
        %swap3A_2202 = arith.index_cast %rem3A_130 : i32 to index
        %swap3A_2203 = arith.index_cast %rem3A_127 : i32 to index
        %swap3A_2204 = arith.index_cast %swap3A_2200 : i32 to index
        %swap3A_2205 = arith.index_cast %swap3A_2201 : i32 to index
        %swap3A_2206 = arith.constant 96 : index
        %swap3A_2207 = tpu.vector_load %arg7[%swap3A_2202, %swap3A_2203, %swap3A_2204, %swap3A_2205, %swap3A_2206] {strides = array<i32>} : memref<2x8x3x8x128xf32, #tpu.memory_space<vmem>>, vector<16xf32>,
        tpu.vector_store %arg7[%swap3A_2202, %swap3A_2203, %swap3A_2204, %swap3A_2205, %swap3A_2206], %gather3A_1911 {strides = array<i32>} : memref<2x8x3x8x128xf32, #tpu.memory_space<vmem>>, vector<16xf32>,
        %add3A_2208 = arith.constant 17 : i32
        %add3A_2209 = vector.broadcast %add3A_2208 : i32 to vector<16xi32>
        %add3A_2210 = arith.addi %mul3A_180, %add3A_2209 : vector<16xi32>
        %gather3A_2211 = tpu.vector_load_idx %arg5[%add3A_2210] : memref<576xf32, #tpu.memory_space<vmem>>[vector<16xi32>], vector<16xf32>,
        %swap3A_2212 = arith.constant 2 : i32
        %swap3A_2213 = arith.constant 1 : i32
        %swap3A_2214 = arith.index_cast %rem3A_130 : i32 to index
        %swap3A_2215 = arith.index_cast %rem3A_127 : i32 to index
        %swap3A_2216 = arith.index_cast %swap3A_2212 : i32 to index
        %swap3A_2217 = arith.index_cast %swap3A_2213 : i32 to index
        %swap3A_2218 = arith.constant 96 : index
        %swap3A_2219 = tpu.vector_load %arg7[%swap3A_2214, %swap3A_2215, %swap3A_2216, %swap3A_2217, %swap3A_2218] {strides = array<i32>} : memref<2x8x3x8x128xf32, #tpu.memory_space<vmem>>, vector<16xf32>,
        tpu.vector_store %arg7[%swap3A_2214, %swap3A_2215, %swap3A_2216, %swap3A_2217, %swap3A_2218], %gather3A_1923 {strides = array<i32>} : memref<2x8x3x8x128xf32, #tpu.memory_space<vmem>>, vector<16xf32>,
        %add3A_2220 = arith.constant 18 : i32
        %add3A_2221 = vector.broadcast %add3A_2220 : i32 to vector<16xi32>
        %add3A_2222 = arith.addi %mul3A_180, %add3A_2221 : vector<16xi32>
        %gather3A_2223 = tpu.vector_load_idx %arg5[%add3A_2222] : memref<576xf32, #tpu.memory_space<vmem>>[vector<16xi32>], vector<16xf32>,
        %swap3A_2224 = arith.constant 2 : i32
        %swap3A_2225 = arith.constant 2 : i32
        %swap3A_2226 = arith.index_cast %rem3A_130 : i32 to index
        %swap3A_2227 = arith.index_cast %rem3A_127 : i32 to index
        %swap3A_2228 = arith.index_cast %swap3A_2224 : i32 to index
        %swap3A_2229 = arith.index_cast %swap3A_2225 : i32 to index
        %swap3A_2230 = arith.constant 96 : index
        %swap3A_2231 = tpu.vector_load %arg7[%swap3A_2226, %swap3A_2227, %swap3A_2228, %swap3A_2229, %swap3A_2230] {strides = array<i32>} : memref<2x8x3x8x128xf32, #tpu.memory_space<vmem>>, vector<16xf32>,
        tpu.vector_store %arg7[%swap3A_2226, %swap3A_2227, %swap3A_2228, %swap3A_2229, %swap3A_2230], %gather3A_1935 {strides = array<i32>} : memref<2x8x3x8x128xf32, #tpu.memory_space<vmem>>, vector<16xf32>,
        %add3A_2232 = arith.constant 19 : i32
        %add3A_2233 = vector.broadcast %add3A_2232 : i32 to vector<16xi32>
        %add3A_2234 = arith.addi %mul3A_180, %add3A_2233 : vector<16xi32>
        %gather3A_2235 = tpu.vector_load_idx %arg5[%add3A_2234] : memref<576xf32, #tpu.memory_space<vmem>>[vector<16xi32>], vector<16xf32>,
        %swap3A_2236 = arith.constant 2 : i32
        %swap3A_2237 = arith.constant 3 : i32
        %swap3A_2238 = arith.index_cast %rem3A_130 : i32 to index
        %swap3A_2239 = arith.index_cast %rem3A_127 : i32 to index
        %swap3A_2240 = arith.index_cast %swap3A_2236 : i32 to index
        %swap3A_2241 = arith.index_cast %swap3A_2237 : i32 to index
        %swap3A_2242 = arith.constant 96 : index
        %swap3A_2243 = tpu.vector_load %arg7[%swap3A_2238, %swap3A_2239, %swap3A_2240, %swap3A_2241, %swap3A_2242] {strides = array<i32>} : memref<2x8x3x8x128xf32, #tpu.memory_space<vmem>>, vector<16xf32>,
        tpu.vector_store %arg7[%swap3A_2238, %swap3A_2239, %swap3A_2240, %swap3A_2241, %swap3A_2242], %gather3A_1947 {strides = array<i32>} : memref<2x8x3x8x128xf32, #tpu.memory_space<vmem>>, vector<16xf32>,
        %add3A_2244 = arith.constant 20 : i32
        %add3A_2245 = vector.broadcast %add3A_2244 : i32 to vector<16xi32>
        %add3A_2246 = arith.addi %mul3A_180, %add3A_2245 : vector<16xi32>
        %gather3A_2247 = tpu.vector_load_idx %arg5[%add3A_2246] : memref<576xf32, #tpu.memory_space<vmem>>[vector<16xi32>], vector<16xf32>,
        %swap3A_2248 = arith.constant 2 : i32
        %swap3A_2249 = arith.constant 4 : i32
        %swap3A_2250 = arith.index_cast %rem3A_130 : i32 to index
        %swap3A_2251 = arith.index_cast %rem3A_127 : i32 to index
        %swap3A_2252 = arith.index_cast %swap3A_2248 : i32 to index
        %swap3A_2253 = arith.index_cast %swap3A_2249 : i32 to index
        %swap3A_2254 = arith.constant 96 : index
        %swap3A_2255 = tpu.vector_load %arg7[%swap3A_2250, %swap3A_2251, %swap3A_2252, %swap3A_2253, %swap3A_2254] {strides = array<i32>} : memref<2x8x3x8x128xf32, #tpu.memory_space<vmem>>, vector<16xf32>,
        tpu.vector_store %arg7[%swap3A_2250, %swap3A_2251, %swap3A_2252, %swap3A_2253, %swap3A_2254], %gather3A_1959 {strides = array<i32>} : memref<2x8x3x8x128xf32, #tpu.memory_space<vmem>>, vector<16xf32>,
        %add3A_2256 = arith.constant 21 : i32
        %add3A_2257 = vector.broadcast %add3A_2256 : i32 to vector<16xi32>
        %add3A_2258 = arith.addi %mul3A_180, %add3A_2257 : vector<16xi32>
        %gather3A_2259 = tpu.vector_load_idx %arg5[%add3A_2258] : memref<576xf32, #tpu.memory_space<vmem>>[vector<16xi32>], vector<16xf32>,
        %swap3A_2260 = arith.constant 2 : i32
        %swap3A_2261 = arith.constant 5 : i32
        %swap3A_2262 = arith.index_cast %rem3A_130 : i32 to index
        %swap3A_2263 = arith.index_cast %rem3A_127 : i32 to index
        %swap3A_2264 = arith.index_cast %swap3A_2260 : i32 to index
        %swap3A_2265 = arith.index_cast %swap3A_2261 : i32 to index
        %swap3A_2266 = arith.constant 96 : index
        %swap3A_2267 = tpu.vector_load %arg7[%swap3A_2262, %swap3A_2263, %swap3A_2264, %swap3A_2265, %swap3A_2266] {strides = array<i32>} : memref<2x8x3x8x128xf32, #tpu.memory_space<vmem>>, vector<16xf32>,
        tpu.vector_store %arg7[%swap3A_2262, %swap3A_2263, %swap3A_2264, %swap3A_2265, %swap3A_2266], %gather3A_1971 {strides = array<i32>} : memref<2x8x3x8x128xf32, #tpu.memory_space<vmem>>, vector<16xf32>,
        %add3A_2268 = arith.constant 22 : i32
        %add3A_2269 = vector.broadcast %add3A_2268 : i32 to vector<16xi32>
        %add3A_2270 = arith.addi %mul3A_180, %add3A_2269 : vector<16xi32>
        %gather3A_2271 = tpu.vector_load_idx %arg5[%add3A_2270] : memref<576xf32, #tpu.memory_space<vmem>>[vector<16xi32>], vector<16xf32>,
        %swap3A_2272 = arith.constant 2 : i32
        %swap3A_2273 = arith.constant 6 : i32
        %swap3A_2274 = arith.index_cast %rem3A_130 : i32 to index
        %swap3A_2275 = arith.index_cast %rem3A_127 : i32 to index
        %swap3A_2276 = arith.index_cast %swap3A_2272 : i32 to index
        %swap3A_2277 = arith.index_cast %swap3A_2273 : i32 to index
        %swap3A_2278 = arith.constant 96 : index
        %swap3A_2279 = tpu.vector_load %arg7[%swap3A_2274, %swap3A_2275, %swap3A_2276, %swap3A_2277, %swap3A_2278] {strides = array<i32>} : memref<2x8x3x8x128xf32, #tpu.memory_space<vmem>>, vector<16xf32>,
        tpu.vector_store %arg7[%swap3A_2274, %swap3A_2275, %swap3A_2276, %swap3A_2277, %swap3A_2278], %gather3A_1983 {strides = array<i32>} : memref<2x8x3x8x128xf32, #tpu.memory_space<vmem>>, vector<16xf32>,
        %add3A_2280 = arith.constant 23 : i32
        %add3A_2281 = vector.broadcast %add3A_2280 : i32 to vector<16xi32>
        %add3A_2282 = arith.addi %mul3A_180, %add3A_2281 : vector<16xi32>
        %gather3A_2283 = tpu.vector_load_idx %arg5[%add3A_2282] : memref<576xf32, #tpu.memory_space<vmem>>[vector<16xi32>], vector<16xf32>,
        %swap3A_2284 = arith.constant 2 : i32
        %swap3A_2285 = arith.constant 7 : i32
        %swap3A_2286 = arith.index_cast %rem3A_130 : i32 to index
        %swap3A_2287 = arith.index_cast %rem3A_127 : i32 to index
        %swap3A_2288 = arith.index_cast %swap3A_2284 : i32 to index
        %swap3A_2289 = arith.index_cast %swap3A_2285 : i32 to index
        %swap3A_2290 = arith.constant 96 : index
        %swap3A_2291 = tpu.vector_load %arg7[%swap3A_2286, %swap3A_2287, %swap3A_2288, %swap3A_2289, %swap3A_2290] {strides = array<i32>} : memref<2x8x3x8x128xf32, #tpu.memory_space<vmem>>, vector<16xf32>,
        tpu.vector_store %arg7[%swap3A_2286, %swap3A_2287, %swap3A_2288, %swap3A_2289, %swap3A_2290], %gather3A_1995 {strides = array<i32>} : memref<2x8x3x8x128xf32, #tpu.memory_space<vmem>>, vector<16xf32>,
        %add3A_2292 = arith.constant 1 : i32
        %add3A_2293 = arith.addi %mul3A_126, %add3A_2292 : i32
        %add3A_2294 = arith.constant 1 : i32
        %add3A_2295 = arith.addi %rem3A_127, %add3A_2294 : i32
        %add3A_2296 = vector.broadcast %add3A_2293 : i32 to vector<16xi32>
        %add3A_2297 = arith.addi %mul3A_6, %add3A_2296 : vector<16xi32>
        %gather3A_2298 = tpu.vector_load_idx %arg6[%add3A_2297] : memref<25600xi32, #tpu.memory_space<vmem>>[vector<16xi32>], vector<16xi32>,
        %mul3A_2299 = arith.constant 24 : i32
        %mul3A_2300 = vector.broadcast %mul3A_2299 : i32 to vector<16xi32>
        %mul3A_2301 = arith.muli %gather3A_2298, %mul3A_2300 : vector<16xi32>
        %add3A_2302 = vector.broadcast %add3A_2293 : i32 to vector<16xi32>
        %add3A_2303 = arith.addi %mul3A_13, %add3A_2302 : vector<16xi32>
        %gather3A_2304 = tpu.vector_load_idx %arg6[%add3A_2303] : memref<25600xi32, #tpu.memory_space<vmem>>[vector<16xi32>], vector<16xi32>,
        %mul3A_2305 = arith.constant 24 : i32
        %mul3A_2306 = vector.broadcast %mul3A_2305 : i32 to vector<16xi32>
        %mul3A_2307 = arith.muli %gather3A_2304, %mul3A_2306 : vector<16xi32>
        %add3A_2308 = vector.broadcast %add3A_2293 : i32 to vector<16xi32>
        %add3A_2309 = arith.addi %mul3A_20, %add3A_2308 : vector<16xi32>
        %gather3A_2310 = tpu.vector_load_idx %arg6[%add3A_2309] : memref<25600xi32, #tpu.memory_space<vmem>>[vector<16xi32>], vector<16xi32>,
        %mul3A_2311 = arith.constant 24 : i32
        %mul3A_2312 = vector.broadcast %mul3A_2311 : i32 to vector<16xi32>
        %mul3A_2313 = arith.muli %gather3A_2310, %mul3A_2312 : vector<16xi32>
        %add3A_2314 = vector.broadcast %add3A_2293 : i32 to vector<16xi32>
        %add3A_2315 = arith.addi %mul3A_27, %add3A_2314 : vector<16xi32>
        %gather3A_2316 = tpu.vector_load_idx %arg6[%add3A_2315] : memref<25600xi32, #tpu.memory_space<vmem>>[vector<16xi32>], vector<16xi32>,
        %mul3A_2317 = arith.constant 24 : i32
        %mul3A_2318 = vector.broadcast %mul3A_2317 : i32 to vector<16xi32>
        %mul3A_2319 = arith.muli %gather3A_2316, %mul3A_2318 : vector<16xi32>
        %add3A_2320 = vector.broadcast %add3A_2293 : i32 to vector<16xi32>
        %add3A_2321 = arith.addi %mul3A_34, %add3A_2320 : vector<16xi32>
        %gather3A_2322 = tpu.vector_load_idx %arg6[%add3A_2321] : memref<25600xi32, #tpu.memory_space<vmem>>[vector<16xi32>], vector<16xi32>,
        %mul3A_2323 = arith.constant 24 : i32
        %mul3A_2324 = vector.broadcast %mul3A_2323 : i32 to vector<16xi32>
        %mul3A_2325 = arith.muli %gather3A_2322, %mul3A_2324 : vector<16xi32>
        %add3A_2326 = vector.broadcast %add3A_2293 : i32 to vector<16xi32>
        %add3A_2327 = arith.addi %mul3A_41, %add3A_2326 : vector<16xi32>
        %gather3A_2328 = tpu.vector_load_idx %arg6[%add3A_2327] : memref<25600xi32, #tpu.memory_space<vmem>>[vector<16xi32>], vector<16xi32>,
        %mul3A_2329 = arith.constant 24 : i32
        %mul3A_2330 = vector.broadcast %mul3A_2329 : i32 to vector<16xi32>
        %mul3A_2331 = arith.muli %gather3A_2328, %mul3A_2330 : vector<16xi32>
        %add3A_2332 = vector.broadcast %add3A_2293 : i32 to vector<16xi32>
        %add3A_2333 = arith.addi %mul3A_48, %add3A_2332 : vector<16xi32>
        %gather3A_2334 = tpu.vector_load_idx %arg6[%add3A_2333] : memref<25600xi32, #tpu.memory_space<vmem>>[vector<16xi32>], vector<16xi32>,
        %mul3A_2335 = arith.constant 24 : i32
        %mul3A_2336 = vector.broadcast %mul3A_2335 : i32 to vector<16xi32>
        %mul3A_2337 = arith.muli %gather3A_2334, %mul3A_2336 : vector<16xi32>
        %add3A_2338 = vector.broadcast %add3A_2293 : i32 to vector<16xi32>
        %add3A_2339 = arith.addi %mul3A_55, %add3A_2338 : vector<16xi32>
        %gather3A_2340 = tpu.vector_load_idx %arg6[%add3A_2339] : memref<25600xi32, #tpu.memory_space<vmem>>[vector<16xi32>], vector<16xi32>,
        %mul3A_2341 = arith.constant 24 : i32
        %mul3A_2342 = vector.broadcast %mul3A_2341 : i32 to vector<16xi32>
        %mul3A_2343 = arith.muli %gather3A_2340, %mul3A_2342 : vector<16xi32>
        %add3A_2344 = arith.constant 0 : i32
        %add3A_2345 = vector.broadcast %add3A_2344 : i32 to vector<16xi32>
        %add3A_2346 = arith.addi %mul3A_2301, %add3A_2345 : vector<16xi32>
        %gather3A_2347 = tpu.vector_load_idx %arg5[%add3A_2346] : memref<576xf32, #tpu.memory_space<vmem>>[vector<16xi32>], vector<16xf32>,
        %swap3A_2348 = arith.constant 0 : i32
        %swap3A_2349 = arith.constant 0 : i32
        %swap3A_2350 = arith.index_cast %rem3A_130 : i32 to index
        %swap3A_2351 = arith.index_cast %rem3A_127 : i32 to index
        %swap3A_2352 = arith.index_cast %swap3A_2348 : i32 to index
        %swap3A_2353 = arith.index_cast %swap3A_2349 : i32 to index
        %swap3A_2354 = arith.constant 112 : index
        %swap3A_2355 = tpu.vector_load %arg7[%swap3A_2350, %swap3A_2351, %swap3A_2352, %swap3A_2353, %swap3A_2354] {strides = array<i32>} : memref<2x8x3x8x128xf32, #tpu.memory_space<vmem>>, vector<16xf32>,
        tpu.vector_store %arg7[%swap3A_2350, %swap3A_2351, %swap3A_2352, %swap3A_2353, %swap3A_2354], %gather3A_2007 {strides = array<i32>} : memref<2x8x3x8x128xf32, #tpu.memory_space<vmem>>, vector<16xf32>,
        %add3A_2356 = arith.constant 1 : i32
        %add3A_2357 = vector.broadcast %add3A_2356 : i32 to vector<16xi32>
        %add3A_2358 = arith.addi %mul3A_2301, %add3A_2357 : vector<16xi32>
        %gather3A_2359 = tpu.vector_load_idx %arg5[%add3A_2358] : memref<576xf32, #tpu.memory_space<vmem>>[vector<16xi32>], vector<16xf32>,
        %swap3A_2360 = arith.constant 0 : i32
        %swap3A_2361 = arith.constant 1 : i32
        %swap3A_2362 = arith.index_cast %rem3A_130 : i32 to index
        %swap3A_2363 = arith.index_cast %rem3A_127 : i32 to index
        %swap3A_2364 = arith.index_cast %swap3A_2360 : i32 to index
        %swap3A_2365 = arith.index_cast %swap3A_2361 : i32 to index
        %swap3A_2366 = arith.constant 112 : index
        %swap3A_2367 = tpu.vector_load %arg7[%swap3A_2362, %swap3A_2363, %swap3A_2364, %swap3A_2365, %swap3A_2366] {strides = array<i32>} : memref<2x8x3x8x128xf32, #tpu.memory_space<vmem>>, vector<16xf32>,
        tpu.vector_store %arg7[%swap3A_2362, %swap3A_2363, %swap3A_2364, %swap3A_2365, %swap3A_2366], %gather3A_2019 {strides = array<i32>} : memref<2x8x3x8x128xf32, #tpu.memory_space<vmem>>, vector<16xf32>,
        %add3A_2368 = arith.constant 2 : i32
        %add3A_2369 = vector.broadcast %add3A_2368 : i32 to vector<16xi32>
        %add3A_2370 = arith.addi %mul3A_2301, %add3A_2369 : vector<16xi32>
        %gather3A_2371 = tpu.vector_load_idx %arg5[%add3A_2370] : memref<576xf32, #tpu.memory_space<vmem>>[vector<16xi32>], vector<16xf32>,
        %swap3A_2372 = arith.constant 0 : i32
        %swap3A_2373 = arith.constant 2 : i32
        %swap3A_2374 = arith.index_cast %rem3A_130 : i32 to index
        %swap3A_2375 = arith.index_cast %rem3A_127 : i32 to index
        %swap3A_2376 = arith.index_cast %swap3A_2372 : i32 to index
        %swap3A_2377 = arith.index_cast %swap3A_2373 : i32 to index
        %swap3A_2378 = arith.constant 112 : index
        %swap3A_2379 = tpu.vector_load %arg7[%swap3A_2374, %swap3A_2375, %swap3A_2376, %swap3A_2377, %swap3A_2378] {strides = array<i32>} : memref<2x8x3x8x128xf32, #tpu.memory_space<vmem>>, vector<16xf32>,
        tpu.vector_store %arg7[%swap3A_2374, %swap3A_2375, %swap3A_2376, %swap3A_2377, %swap3A_2378], %gather3A_2031 {strides = array<i32>} : memref<2x8x3x8x128xf32, #tpu.memory_space<vmem>>, vector<16xf32>,
        %add3A_2380 = arith.constant 3 : i32
        %add3A_2381 = vector.broadcast %add3A_2380 : i32 to vector<16xi32>
        %add3A_2382 = arith.addi %mul3A_2301, %add3A_2381 : vector<16xi32>
        %gather3A_2383 = tpu.vector_load_idx %arg5[%add3A_2382] : memref<576xf32, #tpu.memory_space<vmem>>[vector<16xi32>], vector<16xf32>,
        %swap3A_2384 = arith.constant 0 : i32
        %swap3A_2385 = arith.constant 3 : i32
        %swap3A_2386 = arith.index_cast %rem3A_130 : i32 to index
        %swap3A_2387 = arith.index_cast %rem3A_127 : i32 to index
        %swap3A_2388 = arith.index_cast %swap3A_2384 : i32 to index
        %swap3A_2389 = arith.index_cast %swap3A_2385 : i32 to index
        %swap3A_2390 = arith.constant 112 : index
        %swap3A_2391 = tpu.vector_load %arg7[%swap3A_2386, %swap3A_2387, %swap3A_2388, %swap3A_2389, %swap3A_2390] {strides = array<i32>} : memref<2x8x3x8x128xf32, #tpu.memory_space<vmem>>, vector<16xf32>,
        tpu.vector_store %arg7[%swap3A_2386, %swap3A_2387, %swap3A_2388, %swap3A_2389, %swap3A_2390], %gather3A_2043 {strides = array<i32>} : memref<2x8x3x8x128xf32, #tpu.memory_space<vmem>>, vector<16xf32>,
        %add3A_2392 = arith.constant 4 : i32
        %add3A_2393 = vector.broadcast %add3A_2392 : i32 to vector<16xi32>
        %add3A_2394 = arith.addi %mul3A_2301, %add3A_2393 : vector<16xi32>
        %gather3A_2395 = tpu.vector_load_idx %arg5[%add3A_2394] : memref<576xf32, #tpu.memory_space<vmem>>[vector<16xi32>], vector<16xf32>,
        %swap3A_2396 = arith.constant 0 : i32
        %swap3A_2397 = arith.constant 4 : i32
        %swap3A_2398 = arith.index_cast %rem3A_130 : i32 to index
        %swap3A_2399 = arith.index_cast %rem3A_127 : i32 to index
        %swap3A_2400 = arith.index_cast %swap3A_2396 : i32 to index
        %swap3A_2401 = arith.index_cast %swap3A_2397 : i32 to index
        %swap3A_2402 = arith.constant 112 : index
        %swap3A_2403 = tpu.vector_load %arg7[%swap3A_2398, %swap3A_2399, %swap3A_2400, %swap3A_2401, %swap3A_2402] {strides = array<i32>} : memref<2x8x3x8x128xf32, #tpu.memory_space<vmem>>, vector<16xf32>,
        tpu.vector_store %arg7[%swap3A_2398, %swap3A_2399, %swap3A_2400, %swap3A_2401, %swap3A_2402], %gather3A_2055 {strides = array<i32>} : memref<2x8x3x8x128xf32, #tpu.memory_space<vmem>>, vector<16xf32>,
        %add3A_2404 = arith.constant 5 : i32
        %add3A_2405 = vector.broadcast %add3A_2404 : i32 to vector<16xi32>
        %add3A_2406 = arith.addi %mul3A_2301, %add3A_2405 : vector<16xi32>
        %gather3A_2407 = tpu.vector_load_idx %arg5[%add3A_2406] : memref<576xf32, #tpu.memory_space<vmem>>[vector<16xi32>], vector<16xf32>,
        %swap3A_2408 = arith.constant 0 : i32
        %swap3A_2409 = arith.constant 5 : i32
        %swap3A_2410 = arith.index_cast %rem3A_130 : i32 to index
        %swap3A_2411 = arith.index_cast %rem3A_127 : i32 to index
        %swap3A_2412 = arith.index_cast %swap3A_2408 : i32 to index
        %swap3A_2413 = arith.index_cast %swap3A_2409 : i32 to index
        %swap3A_2414 = arith.constant 112 : index
        %swap3A_2415 = tpu.vector_load %arg7[%swap3A_2410, %swap3A_2411, %swap3A_2412, %swap3A_2413, %swap3A_2414] {strides = array<i32>} : memref<2x8x3x8x128xf32, #tpu.memory_space<vmem>>, vector<16xf32>,
        tpu.vector_store %arg7[%swap3A_2410, %swap3A_2411, %swap3A_2412, %swap3A_2413, %swap3A_2414], %gather3A_2067 {strides = array<i32>} : memref<2x8x3x8x128xf32, #tpu.memory_space<vmem>>, vector<16xf32>,
        %add3A_2416 = arith.constant 6 : i32
        %add3A_2417 = vector.broadcast %add3A_2416 : i32 to vector<16xi32>
        %add3A_2418 = arith.addi %mul3A_2301, %add3A_2417 : vector<16xi32>
        %gather3A_2419 = tpu.vector_load_idx %arg5[%add3A_2418] : memref<576xf32, #tpu.memory_space<vmem>>[vector<16xi32>], vector<16xf32>,
        %swap3A_2420 = arith.constant 0 : i32
        %swap3A_2421 = arith.constant 6 : i32
        %swap3A_2422 = arith.index_cast %rem3A_130 : i32 to index
        %swap3A_2423 = arith.index_cast %rem3A_127 : i32 to index
        %swap3A_2424 = arith.index_cast %swap3A_2420 : i32 to index
        %swap3A_2425 = arith.index_cast %swap3A_2421 : i32 to index
        %swap3A_2426 = arith.constant 112 : index
        %swap3A_2427 = tpu.vector_load %arg7[%swap3A_2422, %swap3A_2423, %swap3A_2424, %swap3A_2425, %swap3A_2426] {strides = array<i32>} : memref<2x8x3x8x128xf32, #tpu.memory_space<vmem>>, vector<16xf32>,
        tpu.vector_store %arg7[%swap3A_2422, %swap3A_2423, %swap3A_2424, %swap3A_2425, %swap3A_2426], %gather3A_2079 {strides = array<i32>} : memref<2x8x3x8x128xf32, #tpu.memory_space<vmem>>, vector<16xf32>,
        %add3A_2428 = arith.constant 7 : i32
        %add3A_2429 = vector.broadcast %add3A_2428 : i32 to vector<16xi32>
        %add3A_2430 = arith.addi %mul3A_2301, %add3A_2429 : vector<16xi32>
        %gather3A_2431 = tpu.vector_load_idx %arg5[%add3A_2430] : memref<576xf32, #tpu.memory_space<vmem>>[vector<16xi32>], vector<16xf32>,
        %swap3A_2432 = arith.constant 0 : i32
        %swap3A_2433 = arith.constant 7 : i32
        %swap3A_2434 = arith.index_cast %rem3A_130 : i32 to index
        %swap3A_2435 = arith.index_cast %rem3A_127 : i32 to index
        %swap3A_2436 = arith.index_cast %swap3A_2432 : i32 to index
        %swap3A_2437 = arith.index_cast %swap3A_2433 : i32 to index
        %swap3A_2438 = arith.constant 112 : index
        %swap3A_2439 = tpu.vector_load %arg7[%swap3A_2434, %swap3A_2435, %swap3A_2436, %swap3A_2437, %swap3A_2438] {strides = array<i32>} : memref<2x8x3x8x128xf32, #tpu.memory_space<vmem>>, vector<16xf32>,
        tpu.vector_store %arg7[%swap3A_2434, %swap3A_2435, %swap3A_2436, %swap3A_2437, %swap3A_2438], %gather3A_2091 {strides = array<i32>} : memref<2x8x3x8x128xf32, #tpu.memory_space<vmem>>, vector<16xf32>,
        %add3A_2440 = arith.constant 8 : i32
        %add3A_2441 = vector.broadcast %add3A_2440 : i32 to vector<16xi32>
        %add3A_2442 = arith.addi %mul3A_2301, %add3A_2441 : vector<16xi32>
        %gather3A_2443 = tpu.vector_load_idx %arg5[%add3A_2442] : memref<576xf32, #tpu.memory_space<vmem>>[vector<16xi32>], vector<16xf32>,
        %swap3A_2444 = arith.constant 1 : i32
        %swap3A_2445 = arith.constant 0 : i32
        %swap3A_2446 = arith.index_cast %rem3A_130 : i32 to index
        %swap3A_2447 = arith.index_cast %rem3A_127 : i32 to index
        %swap3A_2448 = arith.index_cast %swap3A_2444 : i32 to index
        %swap3A_2449 = arith.index_cast %swap3A_2445 : i32 to index
        %swap3A_2450 = arith.constant 112 : index
        %swap3A_2451 = tpu.vector_load %arg7[%swap3A_2446, %swap3A_2447, %swap3A_2448, %swap3A_2449, %swap3A_2450] {strides = array<i32>} : memref<2x8x3x8x128xf32, #tpu.memory_space<vmem>>, vector<16xf32>,
        tpu.vector_store %arg7[%swap3A_2446, %swap3A_2447, %swap3A_2448, %swap3A_2449, %swap3A_2450], %gather3A_2103 {strides = array<i32>} : memref<2x8x3x8x128xf32, #tpu.memory_space<vmem>>, vector<16xf32>,
        %add3A_2452 = arith.constant 9 : i32
        %add3A_2453 = vector.broadcast %add3A_2452 : i32 to vector<16xi32>
        %add3A_2454 = arith.addi %mul3A_2301, %add3A_2453 : vector<16xi32>
        %gather3A_2455 = tpu.vector_load_idx %arg5[%add3A_2454] : memref<576xf32, #tpu.memory_space<vmem>>[vector<16xi32>], vector<16xf32>,
        %swap3A_2456 = arith.constant 1 : i32
        %swap3A_2457 = arith.constant 1 : i32
        %swap3A_2458 = arith.index_cast %rem3A_130 : i32 to index
        %swap3A_2459 = arith.index_cast %rem3A_127 : i32 to index
        %swap3A_2460 = arith.index_cast %swap3A_2456 : i32 to index
        %swap3A_2461 = arith.index_cast %swap3A_2457 : i32 to index
        %swap3A_2462 = arith.constant 112 : index
        %swap3A_2463 = tpu.vector_load %arg7[%swap3A_2458, %swap3A_2459, %swap3A_2460, %swap3A_2461, %swap3A_2462] {strides = array<i32>} : memref<2x8x3x8x128xf32, #tpu.memory_space<vmem>>, vector<16xf32>,
        tpu.vector_store %arg7[%swap3A_2458, %swap3A_2459, %swap3A_2460, %swap3A_2461, %swap3A_2462], %gather3A_2115 {strides = array<i32>} : memref<2x8x3x8x128xf32, #tpu.memory_space<vmem>>, vector<16xf32>,
        %add3A_2464 = arith.constant 10 : i32
        %add3A_2465 = vector.broadcast %add3A_2464 : i32 to vector<16xi32>
        %add3A_2466 = arith.addi %mul3A_2301, %add3A_2465 : vector<16xi32>
        %gather3A_2467 = tpu.vector_load_idx %arg5[%add3A_2466] : memref<576xf32, #tpu.memory_space<vmem>>[vector<16xi32>], vector<16xf32>,
        %swap3A_2468 = arith.constant 1 : i32
        %swap3A_2469 = arith.constant 2 : i32
        %swap3A_2470 = arith.index_cast %rem3A_130 : i32 to index
        %swap3A_2471 = arith.index_cast %rem3A_127 : i32 to index
        %swap3A_2472 = arith.index_cast %swap3A_2468 : i32 to index
        %swap3A_2473 = arith.index_cast %swap3A_2469 : i32 to index
        %swap3A_2474 = arith.constant 112 : index
        %swap3A_2475 = tpu.vector_load %arg7[%swap3A_2470, %swap3A_2471, %swap3A_2472, %swap3A_2473, %swap3A_2474] {strides = array<i32>} : memref<2x8x3x8x128xf32, #tpu.memory_space<vmem>>, vector<16xf32>,
        tpu.vector_store %arg7[%swap3A_2470, %swap3A_2471, %swap3A_2472, %swap3A_2473, %swap3A_2474], %gather3A_2127 {strides = array<i32>} : memref<2x8x3x8x128xf32, #tpu.memory_space<vmem>>, vector<16xf32>,
        %add3A_2476 = arith.constant 11 : i32
        %add3A_2477 = vector.broadcast %add3A_2476 : i32 to vector<16xi32>
        %add3A_2478 = arith.addi %mul3A_2301, %add3A_2477 : vector<16xi32>
        %gather3A_2479 = tpu.vector_load_idx %arg5[%add3A_2478] : memref<576xf32, #tpu.memory_space<vmem>>[vector<16xi32>], vector<16xf32>,
        %swap3A_2480 = arith.constant 1 : i32
        %swap3A_2481 = arith.constant 3 : i32
        %swap3A_2482 = arith.index_cast %rem3A_130 : i32 to index
        %swap3A_2483 = arith.index_cast %rem3A_127 : i32 to index
        %swap3A_2484 = arith.index_cast %swap3A_2480 : i32 to index
        %swap3A_2485 = arith.index_cast %swap3A_2481 : i32 to index
        %swap3A_2486 = arith.constant 112 : index
        %swap3A_2487 = tpu.vector_load %arg7[%swap3A_2482, %swap3A_2483, %swap3A_2484, %swap3A_2485, %swap3A_2486] {strides = array<i32>} : memref<2x8x3x8x128xf32, #tpu.memory_space<vmem>>, vector<16xf32>,
        tpu.vector_store %arg7[%swap3A_2482, %swap3A_2483, %swap3A_2484, %swap3A_2485, %swap3A_2486], %gather3A_2139 {strides = array<i32>} : memref<2x8x3x8x128xf32, #tpu.memory_space<vmem>>, vector<16xf32>,
        %add3A_2488 = arith.constant 12 : i32
        %add3A_2489 = vector.broadcast %add3A_2488 : i32 to vector<16xi32>
        %add3A_2490 = arith.addi %mul3A_2301, %add3A_2489 : vector<16xi32>
        %gather3A_2491 = tpu.vector_load_idx %arg5[%add3A_2490] : memref<576xf32, #tpu.memory_space<vmem>>[vector<16xi32>], vector<16xf32>,
        %swap3A_2492 = arith.constant 1 : i32
        %swap3A_2493 = arith.constant 4 : i32
        %swap3A_2494 = arith.index_cast %rem3A_130 : i32 to index
        %swap3A_2495 = arith.index_cast %rem3A_127 : i32 to index
        %swap3A_2496 = arith.index_cast %swap3A_2492 : i32 to index
        %swap3A_2497 = arith.index_cast %swap3A_2493 : i32 to index
        %swap3A_2498 = arith.constant 112 : index
        %swap3A_2499 = tpu.vector_load %arg7[%swap3A_2494, %swap3A_2495, %swap3A_2496, %swap3A_2497, %swap3A_2498] {strides = array<i32>} : memref<2x8x3x8x128xf32, #tpu.memory_space<vmem>>, vector<16xf32>,
        tpu.vector_store %arg7[%swap3A_2494, %swap3A_2495, %swap3A_2496, %swap3A_2497, %swap3A_2498], %gather3A_2151 {strides = array<i32>} : memref<2x8x3x8x128xf32, #tpu.memory_space<vmem>>, vector<16xf32>,
        %add3A_2500 = arith.constant 13 : i32
        %add3A_2501 = vector.broadcast %add3A_2500 : i32 to vector<16xi32>
        %add3A_2502 = arith.addi %mul3A_2301, %add3A_2501 : vector<16xi32>
        %gather3A_2503 = tpu.vector_load_idx %arg5[%add3A_2502] : memref<576xf32, #tpu.memory_space<vmem>>[vector<16xi32>], vector<16xf32>,
        %swap3A_2504 = arith.constant 1 : i32
        %swap3A_2505 = arith.constant 5 : i32
        %swap3A_2506 = arith.index_cast %rem3A_130 : i32 to index
        %swap3A_2507 = arith.index_cast %rem3A_127 : i32 to index
        %swap3A_2508 = arith.index_cast %swap3A_2504 : i32 to index
        %swap3A_2509 = arith.index_cast %swap3A_2505 : i32 to index
        %swap3A_2510 = arith.constant 112 : index
        %swap3A_2511 = tpu.vector_load %arg7[%swap3A_2506, %swap3A_2507, %swap3A_2508, %swap3A_2509, %swap3A_2510] {strides = array<i32>} : memref<2x8x3x8x128xf32, #tpu.memory_space<vmem>>, vector<16xf32>,
        tpu.vector_store %arg7[%swap3A_2506, %swap3A_2507, %swap3A_2508, %swap3A_2509, %swap3A_2510], %gather3A_2163 {strides = array<i32>} : memref<2x8x3x8x128xf32, #tpu.memory_space<vmem>>, vector<16xf32>,
        %add3A_2512 = arith.constant 14 : i32
        %add3A_2513 = vector.broadcast %add3A_2512 : i32 to vector<16xi32>
        %add3A_2514 = arith.addi %mul3A_2301, %add3A_2513 : vector<16xi32>
        %gather3A_2515 = tpu.vector_load_idx %arg5[%add3A_2514] : memref<576xf32, #tpu.memory_space<vmem>>[vector<16xi32>], vector<16xf32>,
        %swap3A_2516 = arith.constant 1 : i32
        %swap3A_2517 = arith.constant 6 : i32
        %swap3A_2518 = arith.index_cast %rem3A_130 : i32 to index
        %swap3A_2519 = arith.index_cast %rem3A_127 : i32 to index
        %swap3A_2520 = arith.index_cast %swap3A_2516 : i32 to index
        %swap3A_2521 = arith.index_cast %swap3A_2517 : i32 to index
        %swap3A_2522 = arith.constant 112 : index
        %swap3A_2523 = tpu.vector_load %arg7[%swap3A_2518, %swap3A_2519, %swap3A_2520, %swap3A_2521, %swap3A_2522] {strides = array<i32>} : memref<2x8x3x8x128xf32, #tpu.memory_space<vmem>>, vector<16xf32>,
        tpu.vector_store %arg7[%swap3A_2518, %swap3A_2519, %swap3A_2520, %swap3A_2521, %swap3A_2522], %gather3A_2175 {strides = array<i32>} : memref<2x8x3x8x128xf32, #tpu.memory_space<vmem>>, vector<16xf32>,
        %add3A_2524 = arith.constant 15 : i32
        %add3A_2525 = vector.broadcast %add3A_2524 : i32 to vector<16xi32>
        %add3A_2526 = arith.addi %mul3A_2301, %add3A_2525 : vector<16xi32>
        %gather3A_2527 = tpu.vector_load_idx %arg5[%add3A_2526] : memref<576xf32, #tpu.memory_space<vmem>>[vector<16xi32>], vector<16xf32>,
        %swap3A_2528 = arith.constant 1 : i32
        %swap3A_2529 = arith.constant 7 : i32
        %swap3A_2530 = arith.index_cast %rem3A_130 : i32 to index
        %swap3A_2531 = arith.index_cast %rem3A_127 : i32 to index
        %swap3A_2532 = arith.index_cast %swap3A_2528 : i32 to index
        %swap3A_2533 = arith.index_cast %swap3A_2529 : i32 to index
        %swap3A_2534 = arith.constant 112 : index
        %swap3A_2535 = tpu.vector_load %arg7[%swap3A_2530, %swap3A_2531, %swap3A_2532, %swap3A_2533, %swap3A_2534] {strides = array<i32>} : memref<2x8x3x8x128xf32, #tpu.memory_space<vmem>>, vector<16xf32>,
        tpu.vector_store %arg7[%swap3A_2530, %swap3A_2531, %swap3A_2532, %swap3A_2533, %swap3A_2534], %gather3A_2187 {strides = array<i32>} : memref<2x8x3x8x128xf32, #tpu.memory_space<vmem>>, vector<16xf32>,
        %add3A_2536 = arith.constant 16 : i32
        %add3A_2537 = vector.broadcast %add3A_2536 : i32 to vector<16xi32>
        %add3A_2538 = arith.addi %mul3A_2301, %add3A_2537 : vector<16xi32>
        %gather3A_2539 = tpu.vector_load_idx %arg5[%add3A_2538] : memref<576xf32, #tpu.memory_space<vmem>>[vector<16xi32>], vector<16xf32>,
        %swap3A_2540 = arith.constant 2 : i32
        %swap3A_2541 = arith.constant 0 : i32
        %swap3A_2542 = arith.index_cast %rem3A_130 : i32 to index
        %swap3A_2543 = arith.index_cast %rem3A_127 : i32 to index
        %swap3A_2544 = arith.index_cast %swap3A_2540 : i32 to index
        %swap3A_2545 = arith.index_cast %swap3A_2541 : i32 to index
        %swap3A_2546 = arith.constant 112 : index
        %swap3A_2547 = tpu.vector_load %arg7[%swap3A_2542, %swap3A_2543, %swap3A_2544, %swap3A_2545, %swap3A_2546] {strides = array<i32>} : memref<2x8x3x8x128xf32, #tpu.memory_space<vmem>>, vector<16xf32>,
        tpu.vector_store %arg7[%swap3A_2542, %swap3A_2543, %swap3A_2544, %swap3A_2545, %swap3A_2546], %gather3A_2199 {strides = array<i32>} : memref<2x8x3x8x128xf32, #tpu.memory_space<vmem>>, vector<16xf32>,
        %add3A_2548 = arith.constant 17 : i32
        %add3A_2549 = vector.broadcast %add3A_2548 : i32 to vector<16xi32>
        %add3A_2550 = arith.addi %mul3A_2301, %add3A_2549 : vector<16xi32>
        %gather3A_2551 = tpu.vector_load_idx %arg5[%add3A_2550] : memref<576xf32, #tpu.memory_space<vmem>>[vector<16xi32>], vector<16xf32>,
        %swap3A_2552 = arith.constant 2 : i32
        %swap3A_2553 = arith.constant 1 : i32
        %swap3A_2554 = arith.index_cast %rem3A_130 : i32 to index
        %swap3A_2555 = arith.index_cast %rem3A_127 : i32 to index
        %swap3A_2556 = arith.index_cast %swap3A_2552 : i32 to index
        %swap3A_2557 = arith.index_cast %swap3A_2553 : i32 to index
        %swap3A_2558 = arith.constant 112 : index
        %swap3A_2559 = tpu.vector_load %arg7[%swap3A_2554, %swap3A_2555, %swap3A_2556, %swap3A_2557, %swap3A_2558] {strides = array<i32>} : memref<2x8x3x8x128xf32, #tpu.memory_space<vmem>>, vector<16xf32>,
        tpu.vector_store %arg7[%swap3A_2554, %swap3A_2555, %swap3A_2556, %swap3A_2557, %swap3A_2558], %gather3A_2211 {strides = array<i32>} : memref<2x8x3x8x128xf32, #tpu.memory_space<vmem>>, vector<16xf32>,
        %add3A_2560 = arith.constant 18 : i32
        %add3A_2561 = vector.broadcast %add3A_2560 : i32 to vector<16xi32>
        %add3A_2562 = arith.addi %mul3A_2301, %add3A_2561 : vector<16xi32>
        %gather3A_2563 = tpu.vector_load_idx %arg5[%add3A_2562] : memref<576xf32, #tpu.memory_space<vmem>>[vector<16xi32>], vector<16xf32>,
        %swap3A_2564 = arith.constant 2 : i32
        %swap3A_2565 = arith.constant 2 : i32
        %swap3A_2566 = arith.index_cast %rem3A_130 : i32 to index
        %swap3A_2567 = arith.index_cast %rem3A_127 : i32 to index
        %swap3A_2568 = arith.index_cast %swap3A_2564 : i32 to index
        %swap3A_2569 = arith.index_cast %swap3A_2565 : i32 to index
        %swap3A_2570 = arith.constant 112 : index
        %swap3A_2571 = tpu.vector_load %arg7[%swap3A_2566, %swap3A_2567, %swap3A_2568, %swap3A_2569, %swap3A_2570] {strides = array<i32>} : memref<2x8x3x8x128xf32, #tpu.memory_space<vmem>>, vector<16xf32>,
        tpu.vector_store %arg7[%swap3A_2566, %swap3A_2567, %swap3A_2568, %swap3A_2569, %swap3A_2570], %gather3A_2223 {strides = array<i32>} : memref<2x8x3x8x128xf32, #tpu.memory_space<vmem>>, vector<16xf32>,
        %add3A_2572 = arith.constant 19 : i32
        %add3A_2573 = vector.broadcast %add3A_2572 : i32 to vector<16xi32>
        %add3A_2574 = arith.addi %mul3A_2301, %add3A_2573 : vector<16xi32>
        %gather3A_2575 = tpu.vector_load_idx %arg5[%add3A_2574] : memref<576xf32, #tpu.memory_space<vmem>>[vector<16xi32>], vector<16xf32>,
        %swap3A_2576 = arith.constant 2 : i32
        %swap3A_2577 = arith.constant 3 : i32
        %swap3A_2578 = arith.index_cast %rem3A_130 : i32 to index
        %swap3A_2579 = arith.index_cast %rem3A_127 : i32 to index
        %swap3A_2580 = arith.index_cast %swap3A_2576 : i32 to index
        %swap3A_2581 = arith.index_cast %swap3A_2577 : i32 to index
        %swap3A_2582 = arith.constant 112 : index
        %swap3A_2583 = tpu.vector_load %arg7[%swap3A_2578, %swap3A_2579, %swap3A_2580, %swap3A_2581, %swap3A_2582] {strides = array<i32>} : memref<2x8x3x8x128xf32, #tpu.memory_space<vmem>>, vector<16xf32>,
        tpu.vector_store %arg7[%swap3A_2578, %swap3A_2579, %swap3A_2580, %swap3A_2581, %swap3A_2582], %gather3A_2235 {strides = array<i32>} : memref<2x8x3x8x128xf32, #tpu.memory_space<vmem>>, vector<16xf32>,
        %add3A_2584 = arith.constant 20 : i32
        %add3A_2585 = vector.broadcast %add3A_2584 : i32 to vector<16xi32>
        %add3A_2586 = arith.addi %mul3A_2301, %add3A_2585 : vector<16xi32>
        %gather3A_2587 = tpu.vector_load_idx %arg5[%add3A_2586] : memref<576xf32, #tpu.memory_space<vmem>>[vector<16xi32>], vector<16xf32>,
        %swap3A_2588 = arith.constant 2 : i32
        %swap3A_2589 = arith.constant 4 : i32
        %swap3A_2590 = arith.index_cast %rem3A_130 : i32 to index
        %swap3A_2591 = arith.index_cast %rem3A_127 : i32 to index
        %swap3A_2592 = arith.index_cast %swap3A_2588 : i32 to index
        %swap3A_2593 = arith.index_cast %swap3A_2589 : i32 to index
        %swap3A_2594 = arith.constant 112 : index
        %swap3A_2595 = tpu.vector_load %arg7[%swap3A_2590, %swap3A_2591, %swap3A_2592, %swap3A_2593, %swap3A_2594] {strides = array<i32>} : memref<2x8x3x8x128xf32, #tpu.memory_space<vmem>>, vector<16xf32>,
        tpu.vector_store %arg7[%swap3A_2590, %swap3A_2591, %swap3A_2592, %swap3A_2593, %swap3A_2594], %gather3A_2247 {strides = array<i32>} : memref<2x8x3x8x128xf32, #tpu.memory_space<vmem>>, vector<16xf32>,
        %add3A_2596 = arith.constant 21 : i32
        %add3A_2597 = vector.broadcast %add3A_2596 : i32 to vector<16xi32>
        %add3A_2598 = arith.addi %mul3A_2301, %add3A_2597 : vector<16xi32>
        %gather3A_2599 = tpu.vector_load_idx %arg5[%add3A_2598] : memref<576xf32, #tpu.memory_space<vmem>>[vector<16xi32>], vector<16xf32>,
        %swap3A_2600 = arith.constant 2 : i32
        %swap3A_2601 = arith.constant 5 : i32
        %swap3A_2602 = arith.index_cast %rem3A_130 : i32 to index
        %swap3A_2603 = arith.index_cast %rem3A_127 : i32 to index
        %swap3A_2604 = arith.index_cast %swap3A_2600 : i32 to index
        %swap3A_2605 = arith.index_cast %swap3A_2601 : i32 to index
        %swap3A_2606 = arith.constant 112 : index
        %swap3A_2607 = tpu.vector_load %arg7[%swap3A_2602, %swap3A_2603, %swap3A_2604, %swap3A_2605, %swap3A_2606] {strides = array<i32>} : memref<2x8x3x8x128xf32, #tpu.memory_space<vmem>>, vector<16xf32>,
        tpu.vector_store %arg7[%swap3A_2602, %swap3A_2603, %swap3A_2604, %swap3A_2605, %swap3A_2606], %gather3A_2259 {strides = array<i32>} : memref<2x8x3x8x128xf32, #tpu.memory_space<vmem>>, vector<16xf32>,
        %add3A_2608 = arith.constant 22 : i32
        %add3A_2609 = vector.broadcast %add3A_2608 : i32 to vector<16xi32>
        %add3A_2610 = arith.addi %mul3A_2301, %add3A_2609 : vector<16xi32>
        %gather3A_2611 = tpu.vector_load_idx %arg5[%add3A_2610] : memref<576xf32, #tpu.memory_space<vmem>>[vector<16xi32>], vector<16xf32>,
        %swap3A_2612 = arith.constant 2 : i32
        %swap3A_2613 = arith.constant 6 : i32
        %swap3A_2614 = arith.index_cast %rem3A_130 : i32 to index
        %swap3A_2615 = arith.index_cast %rem3A_127 : i32 to index
        %swap3A_2616 = arith.index_cast %swap3A_2612 : i32 to index
        %swap3A_2617 = arith.index_cast %swap3A_2613 : i32 to index
        %swap3A_2618 = arith.constant 112 : index
        %swap3A_2619 = tpu.vector_load %arg7[%swap3A_2614, %swap3A_2615, %swap3A_2616, %swap3A_2617, %swap3A_2618] {strides = array<i32>} : memref<2x8x3x8x128xf32, #tpu.memory_space<vmem>>, vector<16xf32>,
        tpu.vector_store %arg7[%swap3A_2614, %swap3A_2615, %swap3A_2616, %swap3A_2617, %swap3A_2618], %gather3A_2271 {strides = array<i32>} : memref<2x8x3x8x128xf32, #tpu.memory_space<vmem>>, vector<16xf32>,
        %add3A_2620 = arith.constant 23 : i32
        %add3A_2621 = vector.broadcast %add3A_2620 : i32 to vector<16xi32>
        %add3A_2622 = arith.addi %mul3A_2301, %add3A_2621 : vector<16xi32>
        %gather3A_2623 = tpu.vector_load_idx %arg5[%add3A_2622] : memref<576xf32, #tpu.memory_space<vmem>>[vector<16xi32>], vector<16xf32>,
        %swap3A_2624 = arith.constant 2 : i32
        %swap3A_2625 = arith.constant 7 : i32
        %swap3A_2626 = arith.index_cast %rem3A_130 : i32 to index
        %swap3A_2627 = arith.index_cast %rem3A_127 : i32 to index
        %swap3A_2628 = arith.index_cast %swap3A_2624 : i32 to index
        %swap3A_2629 = arith.index_cast %swap3A_2625 : i32 to index
        %swap3A_2630 = arith.constant 112 : index
        %swap3A_2631 = tpu.vector_load %arg7[%swap3A_2626, %swap3A_2627, %swap3A_2628, %swap3A_2629, %swap3A_2630] {strides = array<i32>} : memref<2x8x3x8x128xf32, #tpu.memory_space<vmem>>, vector<16xf32>,
        tpu.vector_store %arg7[%swap3A_2626, %swap3A_2627, %swap3A_2628, %swap3A_2629, %swap3A_2630], %gather3A_2283 {strides = array<i32>} : memref<2x8x3x8x128xf32, #tpu.memory_space<vmem>>, vector<16xf32>,
        %add3A_2632 = arith.constant 0 : i32
        %add3A_2633 = vector.broadcast %add3A_2632 : i32 to vector<16xi32>
        %add3A_2634 = arith.addi %mul3A_2307, %add3A_2633 : vector<16xi32>
        %gather3A_2635 = tpu.vector_load_idx %arg5[%add3A_2634] : memref<576xf32, #tpu.memory_space<vmem>>[vector<16xi32>], vector<16xf32>,
        %swap3A_2636 = arith.constant 0 : i32
        %swap3A_2637 = arith.constant 0 : i32
        %swap3A_2638 = arith.index_cast %rem3A_130 : i32 to index
        %swap3A_2639 = arith.index_cast %add3A_2295 : i32 to index
        %swap3A_2640 = arith.index_cast %swap3A_2636 : i32 to index
        %swap3A_2641 = arith.index_cast %swap3A_2637 : i32 to index
        %swap3A_2642 = arith.constant 0 : index
        %swap3A_2643 = tpu.vector_load %arg7[%swap3A_2638, %swap3A_2639, %swap3A_2640, %swap3A_2641, %swap3A_2642] {strides = array<i32>} : memref<2x8x3x8x128xf32, #tpu.memory_space<vmem>>, vector<16xf32>,
        tpu.vector_store %arg7[%swap3A_2638, %swap3A_2639, %swap3A_2640, %swap3A_2641, %swap3A_2642], %gather3A_2347 {strides = array<i32>} : memref<2x8x3x8x128xf32, #tpu.memory_space<vmem>>, vector<16xf32>,
        %add3A_2644 = arith.constant 1 : i32
        %add3A_2645 = vector.broadcast %add3A_2644 : i32 to vector<16xi32>
        %add3A_2646 = arith.addi %mul3A_2307, %add3A_2645 : vector<16xi32>
        %gather3A_2647 = tpu.vector_load_idx %arg5[%add3A_2646] : memref<576xf32, #tpu.memory_space<vmem>>[vector<16xi32>], vector<16xf32>,
        %swap3A_2648 = arith.constant 0 : i32
        %swap3A_2649 = arith.constant 1 : i32
        %swap3A_2650 = arith.index_cast %rem3A_130 : i32 to index
        %swap3A_2651 = arith.index_cast %add3A_2295 : i32 to index
        %swap3A_2652 = arith.index_cast %swap3A_2648 : i32 to index
        %swap3A_2653 = arith.index_cast %swap3A_2649 : i32 to index
        %swap3A_2654 = arith.constant 0 : index
        %swap3A_2655 = tpu.vector_load %arg7[%swap3A_2650, %swap3A_2651, %swap3A_2652, %swap3A_2653, %swap3A_2654] {strides = array<i32>} : memref<2x8x3x8x128xf32, #tpu.memory_space<vmem>>, vector<16xf32>,
        tpu.vector_store %arg7[%swap3A_2650, %swap3A_2651, %swap3A_2652, %swap3A_2653, %swap3A_2654], %gather3A_2359 {strides = array<i32>} : memref<2x8x3x8x128xf32, #tpu.memory_space<vmem>>, vector<16xf32>,
        %add3A_2656 = arith.constant 2 : i32
        %add3A_2657 = vector.broadcast %add3A_2656 : i32 to vector<16xi32>
        %add3A_2658 = arith.addi %mul3A_2307, %add3A_2657 : vector<16xi32>
        %gather3A_2659 = tpu.vector_load_idx %arg5[%add3A_2658] : memref<576xf32, #tpu.memory_space<vmem>>[vector<16xi32>], vector<16xf32>,
        %swap3A_2660 = arith.constant 0 : i32
        %swap3A_2661 = arith.constant 2 : i32
        %swap3A_2662 = arith.index_cast %rem3A_130 : i32 to index
        %swap3A_2663 = arith.index_cast %add3A_2295 : i32 to index
        %swap3A_2664 = arith.index_cast %swap3A_2660 : i32 to index
        %swap3A_2665 = arith.index_cast %swap3A_2661 : i32 to index
        %swap3A_2666 = arith.constant 0 : index
        %swap3A_2667 = tpu.vector_load %arg7[%swap3A_2662, %swap3A_2663, %swap3A_2664, %swap3A_2665, %swap3A_2666] {strides = array<i32>} : memref<2x8x3x8x128xf32, #tpu.memory_space<vmem>>, vector<16xf32>,
        tpu.vector_store %arg7[%swap3A_2662, %swap3A_2663, %swap3A_2664, %swap3A_2665, %swap3A_2666], %gather3A_2371 {strides = array<i32>} : memref<2x8x3x8x128xf32, #tpu.memory_space<vmem>>, vector<16xf32>,
        %add3A_2668 = arith.constant 3 : i32
        %add3A_2669 = vector.broadcast %add3A_2668 : i32 to vector<16xi32>
        %add3A_2670 = arith.addi %mul3A_2307, %add3A_2669 : vector<16xi32>
        %gather3A_2671 = tpu.vector_load_idx %arg5[%add3A_2670] : memref<576xf32, #tpu.memory_space<vmem>>[vector<16xi32>], vector<16xf32>,
        %swap3A_2672 = arith.constant 0 : i32
        %swap3A_2673 = arith.constant 3 : i32
        %swap3A_2674 = arith.index_cast %rem3A_130 : i32 to index
        %swap3A_2675 = arith.index_cast %add3A_2295 : i32 to index
        %swap3A_2676 = arith.index_cast %swap3A_2672 : i32 to index
        %swap3A_2677 = arith.index_cast %swap3A_2673 : i32 to index
        %swap3A_2678 = arith.constant 0 : index
        %swap3A_2679 = tpu.vector_load %arg7[%swap3A_2674, %swap3A_2675, %swap3A_2676, %swap3A_2677, %swap3A_2678] {strides = array<i32>} : memref<2x8x3x8x128xf32, #tpu.memory_space<vmem>>, vector<16xf32>,
        tpu.vector_store %arg7[%swap3A_2674, %swap3A_2675, %swap3A_2676, %swap3A_2677, %swap3A_2678], %gather3A_2383 {strides = array<i32>} : memref<2x8x3x8x128xf32, #tpu.memory_space<vmem>>, vector<16xf32>,
        %add3A_2680 = arith.constant 4 : i32
        %add3A_2681 = vector.broadcast %add3A_2680 : i32 to vector<16xi32>
        %add3A_2682 = arith.addi %mul3A_2307, %add3A_2681 : vector<16xi32>
        %gather3A_2683 = tpu.vector_load_idx %arg5[%add3A_2682] : memref<576xf32, #tpu.memory_space<vmem>>[vector<16xi32>], vector<16xf32>,
        %swap3A_2684 = arith.constant 0 : i32
        %swap3A_2685 = arith.constant 4 : i32
        %swap3A_2686 = arith.index_cast %rem3A_130 : i32 to index
        %swap3A_2687 = arith.index_cast %add3A_2295 : i32 to index
        %swap3A_2688 = arith.index_cast %swap3A_2684 : i32 to index
        %swap3A_2689 = arith.index_cast %swap3A_2685 : i32 to index
        %swap3A_2690 = arith.constant 0 : index
        %swap3A_2691 = tpu.vector_load %arg7[%swap3A_2686, %swap3A_2687, %swap3A_2688, %swap3A_2689, %swap3A_2690] {strides = array<i32>} : memref<2x8x3x8x128xf32, #tpu.memory_space<vmem>>, vector<16xf32>,
        tpu.vector_store %arg7[%swap3A_2686, %swap3A_2687, %swap3A_2688, %swap3A_2689, %swap3A_2690], %gather3A_2395 {strides = array<i32>} : memref<2x8x3x8x128xf32, #tpu.memory_space<vmem>>, vector<16xf32>,
        %add3A_2692 = arith.constant 5 : i32
        %add3A_2693 = vector.broadcast %add3A_2692 : i32 to vector<16xi32>
        %add3A_2694 = arith.addi %mul3A_2307, %add3A_2693 : vector<16xi32>
        %gather3A_2695 = tpu.vector_load_idx %arg5[%add3A_2694] : memref<576xf32, #tpu.memory_space<vmem>>[vector<16xi32>], vector<16xf32>,
        %swap3A_2696 = arith.constant 0 : i32
        %swap3A_2697 = arith.constant 5 : i32
        %swap3A_2698 = arith.index_cast %rem3A_130 : i32 to index
        %swap3A_2699 = arith.index_cast %add3A_2295 : i32 to index
        %swap3A_2700 = arith.index_cast %swap3A_2696 : i32 to index
        %swap3A_2701 = arith.index_cast %swap3A_2697 : i32 to index
        %swap3A_2702 = arith.constant 0 : index
        %swap3A_2703 = tpu.vector_load %arg7[%swap3A_2698, %swap3A_2699, %swap3A_2700, %swap3A_2701, %swap3A_2702] {strides = array<i32>} : memref<2x8x3x8x128xf32, #tpu.memory_space<vmem>>, vector<16xf32>,
        tpu.vector_store %arg7[%swap3A_2698, %swap3A_2699, %swap3A_2700, %swap3A_2701, %swap3A_2702], %gather3A_2407 {strides = array<i32>} : memref<2x8x3x8x128xf32, #tpu.memory_space<vmem>>, vector<16xf32>,
        %add3A_2704 = arith.constant 6 : i32
        %add3A_2705 = vector.broadcast %add3A_2704 : i32 to vector<16xi32>
        %add3A_2706 = arith.addi %mul3A_2307, %add3A_2705 : vector<16xi32>
        %gather3A_2707 = tpu.vector_load_idx %arg5[%add3A_2706] : memref<576xf32, #tpu.memory_space<vmem>>[vector<16xi32>], vector<16xf32>,
        %swap3A_2708 = arith.constant 0 : i32
        %swap3A_2709 = arith.constant 6 : i32
        %swap3A_2710 = arith.index_cast %rem3A_130 : i32 to index
        %swap3A_2711 = arith.index_cast %add3A_2295 : i32 to index
        %swap3A_2712 = arith.index_cast %swap3A_2708 : i32 to index
        %swap3A_2713 = arith.index_cast %swap3A_2709 : i32 to index
        %swap3A_2714 = arith.constant 0 : index
        %swap3A_2715 = tpu.vector_load %arg7[%swap3A_2710, %swap3A_2711, %swap3A_2712, %swap3A_2713, %swap3A_2714] {strides = array<i32>} : memref<2x8x3x8x128xf32, #tpu.memory_space<vmem>>, vector<16xf32>,
        tpu.vector_store %arg7[%swap3A_2710, %swap3A_2711, %swap3A_2712, %swap3A_2713, %swap3A_2714], %gather3A_2419 {strides = array<i32>} : memref<2x8x3x8x128xf32, #tpu.memory_space<vmem>>, vector<16xf32>,
        %add3A_2716 = arith.constant 7 : i32
        %add3A_2717 = vector.broadcast %add3A_2716 : i32 to vector<16xi32>
        %add3A_2718 = arith.addi %mul3A_2307, %add3A_2717 : vector<16xi32>
        %gather3A_2719 = tpu.vector_load_idx %arg5[%add3A_2718] : memref<576xf32, #tpu.memory_space<vmem>>[vector<16xi32>], vector<16xf32>,
        %swap3A_2720 = arith.constant 0 : i32
        %swap3A_2721 = arith.constant 7 : i32
        %swap3A_2722 = arith.index_cast %rem3A_130 : i32 to index
        %swap3A_2723 = arith.index_cast %add3A_2295 : i32 to index
        %swap3A_2724 = arith.index_cast %swap3A_2720 : i32 to index
        %swap3A_2725 = arith.index_cast %swap3A_2721 : i32 to index
        %swap3A_2726 = arith.constant 0 : index
        %swap3A_2727 = tpu.vector_load %arg7[%swap3A_2722, %swap3A_2723, %swap3A_2724, %swap3A_2725, %swap3A_2726] {strides = array<i32>} : memref<2x8x3x8x128xf32, #tpu.memory_space<vmem>>, vector<16xf32>,
        tpu.vector_store %arg7[%swap3A_2722, %swap3A_2723, %swap3A_2724, %swap3A_2725, %swap3A_2726], %gather3A_2431 {strides = array<i32>} : memref<2x8x3x8x128xf32, #tpu.memory_space<vmem>>, vector<16xf32>,
        %add3A_2728 = arith.constant 8 : i32
        %add3A_2729 = vector.broadcast %add3A_2728 : i32 to vector<16xi32>
        %add3A_2730 = arith.addi %mul3A_2307, %add3A_2729 : vector<16xi32>
        %gather3A_2731 = tpu.vector_load_idx %arg5[%add3A_2730] : memref<576xf32, #tpu.memory_space<vmem>>[vector<16xi32>], vector<16xf32>,
        %swap3A_2732 = arith.constant 1 : i32
        %swap3A_2733 = arith.constant 0 : i32
        %swap3A_2734 = arith.index_cast %rem3A_130 : i32 to index
        %swap3A_2735 = arith.index_cast %add3A_2295 : i32 to index
        %swap3A_2736 = arith.index_cast %swap3A_2732 : i32 to index
        %swap3A_2737 = arith.index_cast %swap3A_2733 : i32 to index
        %swap3A_2738 = arith.constant 0 : index
        %swap3A_2739 = tpu.vector_load %arg7[%swap3A_2734, %swap3A_2735, %swap3A_2736, %swap3A_2737, %swap3A_2738] {strides = array<i32>} : memref<2x8x3x8x128xf32, #tpu.memory_space<vmem>>, vector<16xf32>,
        tpu.vector_store %arg7[%swap3A_2734, %swap3A_2735, %swap3A_2736, %swap3A_2737, %swap3A_2738], %gather3A_2443 {strides = array<i32>} : memref<2x8x3x8x128xf32, #tpu.memory_space<vmem>>, vector<16xf32>,
        %add3A_2740 = arith.constant 9 : i32
        %add3A_2741 = vector.broadcast %add3A_2740 : i32 to vector<16xi32>
        %add3A_2742 = arith.addi %mul3A_2307, %add3A_2741 : vector<16xi32>
        %gather3A_2743 = tpu.vector_load_idx %arg5[%add3A_2742] : memref<576xf32, #tpu.memory_space<vmem>>[vector<16xi32>], vector<16xf32>,
        %swap3A_2744 = arith.constant 1 : i32
        %swap3A_2745 = arith.constant 1 : i32
        %swap3A_2746 = arith.index_cast %rem3A_130 : i32 to index
        %swap3A_2747 = arith.index_cast %add3A_2295 : i32 to index
        %swap3A_2748 = arith.index_cast %swap3A_2744 : i32 to index
        %swap3A_2749 = arith.index_cast %swap3A_2745 : i32 to index
        %swap3A_2750 = arith.constant 0 : index
        %swap3A_2751 = tpu.vector_load %arg7[%swap3A_2746, %swap3A_2747, %swap3A_2748, %swap3A_2749, %swap3A_2750] {strides = array<i32>} : memref<2x8x3x8x128xf32, #tpu.memory_space<vmem>>, vector<16xf32>,
        tpu.vector_store %arg7[%swap3A_2746, %swap3A_2747, %swap3A_2748, %swap3A_2749, %swap3A_2750], %gather3A_2455 {strides = array<i32>} : memref<2x8x3x8x128xf32, #tpu.memory_space<vmem>>, vector<16xf32>,
        %add3A_2752 = arith.constant 10 : i32
        %add3A_2753 = vector.broadcast %add3A_2752 : i32 to vector<16xi32>
        %add3A_2754 = arith.addi %mul3A_2307, %add3A_2753 : vector<16xi32>
        %gather3A_2755 = tpu.vector_load_idx %arg5[%add3A_2754] : memref<576xf32, #tpu.memory_space<vmem>>[vector<16xi32>], vector<16xf32>,
        %swap3A_2756 = arith.constant 1 : i32
        %swap3A_2757 = arith.constant 2 : i32
        %swap3A_2758 = arith.index_cast %rem3A_130 : i32 to index
        %swap3A_2759 = arith.index_cast %add3A_2295 : i32 to index
        %swap3A_2760 = arith.index_cast %swap3A_2756 : i32 to index
        %swap3A_2761 = arith.index_cast %swap3A_2757 : i32 to index
        %swap3A_2762 = arith.constant 0 : index
        %swap3A_2763 = tpu.vector_load %arg7[%swap3A_2758, %swap3A_2759, %swap3A_2760, %swap3A_2761, %swap3A_2762] {strides = array<i32>} : memref<2x8x3x8x128xf32, #tpu.memory_space<vmem>>, vector<16xf32>,
        tpu.vector_store %arg7[%swap3A_2758, %swap3A_2759, %swap3A_2760, %swap3A_2761, %swap3A_2762], %gather3A_2467 {strides = array<i32>} : memref<2x8x3x8x128xf32, #tpu.memory_space<vmem>>, vector<16xf32>,
        %add3A_2764 = arith.constant 11 : i32
        %add3A_2765 = vector.broadcast %add3A_2764 : i32 to vector<16xi32>
        %add3A_2766 = arith.addi %mul3A_2307, %add3A_2765 : vector<16xi32>
        %gather3A_2767 = tpu.vector_load_idx %arg5[%add3A_2766] : memref<576xf32, #tpu.memory_space<vmem>>[vector<16xi32>], vector<16xf32>,
        %swap3A_2768 = arith.constant 1 : i32
        %swap3A_2769 = arith.constant 3 : i32
        %swap3A_2770 = arith.index_cast %rem3A_130 : i32 to index
        %swap3A_2771 = arith.index_cast %add3A_2295 : i32 to index
        %swap3A_2772 = arith.index_cast %swap3A_2768 : i32 to index
        %swap3A_2773 = arith.index_cast %swap3A_2769 : i32 to index
        %swap3A_2774 = arith.constant 0 : index
        %swap3A_2775 = tpu.vector_load %arg7[%swap3A_2770, %swap3A_2771, %swap3A_2772, %swap3A_2773, %swap3A_2774] {strides = array<i32>} : memref<2x8x3x8x128xf32, #tpu.memory_space<vmem>>, vector<16xf32>,
        tpu.vector_store %arg7[%swap3A_2770, %swap3A_2771, %swap3A_2772, %swap3A_2773, %swap3A_2774], %gather3A_2479 {strides = array<i32>} : memref<2x8x3x8x128xf32, #tpu.memory_space<vmem>>, vector<16xf32>,
        %add3A_2776 = arith.constant 12 : i32
        %add3A_2777 = vector.broadcast %add3A_2776 : i32 to vector<16xi32>
        %add3A_2778 = arith.addi %mul3A_2307, %add3A_2777 : vector<16xi32>
        %gather3A_2779 = tpu.vector_load_idx %arg5[%add3A_2778] : memref<576xf32, #tpu.memory_space<vmem>>[vector<16xi32>], vector<16xf32>,
        %swap3A_2780 = arith.constant 1 : i32
        %swap3A_2781 = arith.constant 4 : i32
        %swap3A_2782 = arith.index_cast %rem3A_130 : i32 to index
        %swap3A_2783 = arith.index_cast %add3A_2295 : i32 to index
        %swap3A_2784 = arith.index_cast %swap3A_2780 : i32 to index
        %swap3A_2785 = arith.index_cast %swap3A_2781 : i32 to index
        %swap3A_2786 = arith.constant 0 : index
        %swap3A_2787 = tpu.vector_load %arg7[%swap3A_2782, %swap3A_2783, %swap3A_2784, %swap3A_2785, %swap3A_2786] {strides = array<i32>} : memref<2x8x3x8x128xf32, #tpu.memory_space<vmem>>, vector<16xf32>,
        tpu.vector_store %arg7[%swap3A_2782, %swap3A_2783, %swap3A_2784, %swap3A_2785, %swap3A_2786], %gather3A_2491 {strides = array<i32>} : memref<2x8x3x8x128xf32, #tpu.memory_space<vmem>>, vector<16xf32>,
        %add3A_2788 = arith.constant 13 : i32
        %add3A_2789 = vector.broadcast %add3A_2788 : i32 to vector<16xi32>
        %add3A_2790 = arith.addi %mul3A_2307, %add3A_2789 : vector<16xi32>
        %gather3A_2791 = tpu.vector_load_idx %arg5[%add3A_2790] : memref<576xf32, #tpu.memory_space<vmem>>[vector<16xi32>], vector<16xf32>,
        %swap3A_2792 = arith.constant 1 : i32
        %swap3A_2793 = arith.constant 5 : i32
        %swap3A_2794 = arith.index_cast %rem3A_130 : i32 to index
        %swap3A_2795 = arith.index_cast %add3A_2295 : i32 to index
        %swap3A_2796 = arith.index_cast %swap3A_2792 : i32 to index
        %swap3A_2797 = arith.index_cast %swap3A_2793 : i32 to index
        %swap3A_2798 = arith.constant 0 : index
        %swap3A_2799 = tpu.vector_load %arg7[%swap3A_2794, %swap3A_2795, %swap3A_2796, %swap3A_2797, %swap3A_2798] {strides = array<i32>} : memref<2x8x3x8x128xf32, #tpu.memory_space<vmem>>, vector<16xf32>,
        tpu.vector_store %arg7[%swap3A_2794, %swap3A_2795, %swap3A_2796, %swap3A_2797, %swap3A_2798], %gather3A_2503 {strides = array<i32>} : memref<2x8x3x8x128xf32, #tpu.memory_space<vmem>>, vector<16xf32>,
        %add3A_2800 = arith.constant 14 : i32
        %add3A_2801 = vector.broadcast %add3A_2800 : i32 to vector<16xi32>
        %add3A_2802 = arith.addi %mul3A_2307, %add3A_2801 : vector<16xi32>
        %gather3A_2803 = tpu.vector_load_idx %arg5[%add3A_2802] : memref<576xf32, #tpu.memory_space<vmem>>[vector<16xi32>], vector<16xf32>,
        %swap3A_2804 = arith.constant 1 : i32
        %swap3A_2805 = arith.constant 6 : i32
        %swap3A_2806 = arith.index_cast %rem3A_130 : i32 to index
        %swap3A_2807 = arith.index_cast %add3A_2295 : i32 to index
        %swap3A_2808 = arith.index_cast %swap3A_2804 : i32 to index
        %swap3A_2809 = arith.index_cast %swap3A_2805 : i32 to index
        %swap3A_2810 = arith.constant 0 : index
        %swap3A_2811 = tpu.vector_load %arg7[%swap3A_2806, %swap3A_2807, %swap3A_2808, %swap3A_2809, %swap3A_2810] {strides = array<i32>} : memref<2x8x3x8x128xf32, #tpu.memory_space<vmem>>, vector<16xf32>,
        tpu.vector_store %arg7[%swap3A_2806, %swap3A_2807, %swap3A_2808, %swap3A_2809, %swap3A_2810], %gather3A_2515 {strides = array<i32>} : memref<2x8x3x8x128xf32, #tpu.memory_space<vmem>>, vector<16xf32>,
        %add3A_2812 = arith.constant 15 : i32
        %add3A_2813 = vector.broadcast %add3A_2812 : i32 to vector<16xi32>
        %add3A_2814 = arith.addi %mul3A_2307, %add3A_2813 : vector<16xi32>
        %gather3A_2815 = tpu.vector_load_idx %arg5[%add3A_2814] : memref<576xf32, #tpu.memory_space<vmem>>[vector<16xi32>], vector<16xf32>,
        %swap3A_2816 = arith.constant 1 : i32
        %swap3A_2817 = arith.constant 7 : i32
        %swap3A_2818 = arith.index_cast %rem3A_130 : i32 to index
        %swap3A_2819 = arith.index_cast %add3A_2295 : i32 to index
        %swap3A_2820 = arith.index_cast %swap3A_2816 : i32 to index
        %swap3A_2821 = arith.index_cast %swap3A_2817 : i32 to index
        %swap3A_2822 = arith.constant 0 : index
        %swap3A_2823 = tpu.vector_load %arg7[%swap3A_2818, %swap3A_2819, %swap3A_2820, %swap3A_2821, %swap3A_2822] {strides = array<i32>} : memref<2x8x3x8x128xf32, #tpu.memory_space<vmem>>, vector<16xf32>,
        tpu.vector_store %arg7[%swap3A_2818, %swap3A_2819, %swap3A_2820, %swap3A_2821, %swap3A_2822], %gather3A_2527 {strides = array<i32>} : memref<2x8x3x8x128xf32, #tpu.memory_space<vmem>>, vector<16xf32>,
        %add3A_2824 = arith.constant 16 : i32
        %add3A_2825 = vector.broadcast %add3A_2824 : i32 to vector<16xi32>
        %add3A_2826 = arith.addi %mul3A_2307, %add3A_2825 : vector<16xi32>
        %gather3A_2827 = tpu.vector_load_idx %arg5[%add3A_2826] : memref<576xf32, #tpu.memory_space<vmem>>[vector<16xi32>], vector<16xf32>,
        %swap3A_2828 = arith.constant 2 : i32
        %swap3A_2829 = arith.constant 0 : i32
        %swap3A_2830 = arith.index_cast %rem3A_130 : i32 to index
        %swap3A_2831 = arith.index_cast %add3A_2295 : i32 to index
        %swap3A_2832 = arith.index_cast %swap3A_2828 : i32 to index
        %swap3A_2833 = arith.index_cast %swap3A_2829 : i32 to index
        %swap3A_2834 = arith.constant 0 : index
        %swap3A_2835 = tpu.vector_load %arg7[%swap3A_2830, %swap3A_2831, %swap3A_2832, %swap3A_2833, %swap3A_2834] {strides = array<i32>} : memref<2x8x3x8x128xf32, #tpu.memory_space<vmem>>, vector<16xf32>,
        tpu.vector_store %arg7[%swap3A_2830, %swap3A_2831, %swap3A_2832, %swap3A_2833, %swap3A_2834], %gather3A_2539 {strides = array<i32>} : memref<2x8x3x8x128xf32, #tpu.memory_space<vmem>>, vector<16xf32>,
        %add3A_2836 = arith.constant 17 : i32
        %add3A_2837 = vector.broadcast %add3A_2836 : i32 to vector<16xi32>
        %add3A_2838 = arith.addi %mul3A_2307, %add3A_2837 : vector<16xi32>
        %gather3A_2839 = tpu.vector_load_idx %arg5[%add3A_2838] : memref<576xf32, #tpu.memory_space<vmem>>[vector<16xi32>], vector<16xf32>,
        %swap3A_2840 = arith.constant 2 : i32
        %swap3A_2841 = arith.constant 1 : i32
        %swap3A_2842 = arith.index_cast %rem3A_130 : i32 to index
        %swap3A_2843 = arith.index_cast %add3A_2295 : i32 to index
        %swap3A_2844 = arith.index_cast %swap3A_2840 : i32 to index
        %swap3A_2845 = arith.index_cast %swap3A_2841 : i32 to index
        %swap3A_2846 = arith.constant 0 : index
        %swap3A_2847 = tpu.vector_load %arg7[%swap3A_2842, %swap3A_2843, %swap3A_2844, %swap3A_2845, %swap3A_2846] {strides = array<i32>} : memref<2x8x3x8x128xf32, #tpu.memory_space<vmem>>, vector<16xf32>,
        tpu.vector_store %arg7[%swap3A_2842, %swap3A_2843, %swap3A_2844, %swap3A_2845, %swap3A_2846], %gather3A_2551 {strides = array<i32>} : memref<2x8x3x8x128xf32, #tpu.memory_space<vmem>>, vector<16xf32>,
        %add3A_2848 = arith.constant 18 : i32
        %add3A_2849 = vector.broadcast %add3A_2848 : i32 to vector<16xi32>
        %add3A_2850 = arith.addi %mul3A_2307, %add3A_2849 : vector<16xi32>
        %gather3A_2851 = tpu.vector_load_idx %arg5[%add3A_2850] : memref<576xf32, #tpu.memory_space<vmem>>[vector<16xi32>], vector<16xf32>,
        %swap3A_2852 = arith.constant 2 : i32
        %swap3A_2853 = arith.constant 2 : i32
        %swap3A_2854 = arith.index_cast %rem3A_130 : i32 to index
        %swap3A_2855 = arith.index_cast %add3A_2295 : i32 to index
        %swap3A_2856 = arith.index_cast %swap3A_2852 : i32 to index
        %swap3A_2857 = arith.index_cast %swap3A_2853 : i32 to index
        %swap3A_2858 = arith.constant 0 : index
        %swap3A_2859 = tpu.vector_load %arg7[%swap3A_2854, %swap3A_2855, %swap3A_2856, %swap3A_2857, %swap3A_2858] {strides = array<i32>} : memref<2x8x3x8x128xf32, #tpu.memory_space<vmem>>, vector<16xf32>,
        tpu.vector_store %arg7[%swap3A_2854, %swap3A_2855, %swap3A_2856, %swap3A_2857, %swap3A_2858], %gather3A_2563 {strides = array<i32>} : memref<2x8x3x8x128xf32, #tpu.memory_space<vmem>>, vector<16xf32>,
        %add3A_2860 = arith.constant 19 : i32
        %add3A_2861 = vector.broadcast %add3A_2860 : i32 to vector<16xi32>
        %add3A_2862 = arith.addi %mul3A_2307, %add3A_2861 : vector<16xi32>
        %gather3A_2863 = tpu.vector_load_idx %arg5[%add3A_2862] : memref<576xf32, #tpu.memory_space<vmem>>[vector<16xi32>], vector<16xf32>,
        %swap3A_2864 = arith.constant 2 : i32
        %swap3A_2865 = arith.constant 3 : i32
        %swap3A_2866 = arith.index_cast %rem3A_130 : i32 to index
        %swap3A_2867 = arith.index_cast %add3A_2295 : i32 to index
        %swap3A_2868 = arith.index_cast %swap3A_2864 : i32 to index
        %swap3A_2869 = arith.index_cast %swap3A_2865 : i32 to index
        %swap3A_2870 = arith.constant 0 : index
        %swap3A_2871 = tpu.vector_load %arg7[%swap3A_2866, %swap3A_2867, %swap3A_2868, %swap3A_2869, %swap3A_2870] {strides = array<i32>} : memref<2x8x3x8x128xf32, #tpu.memory_space<vmem>>, vector<16xf32>,
        tpu.vector_store %arg7[%swap3A_2866, %swap3A_2867, %swap3A_2868, %swap3A_2869, %swap3A_2870], %gather3A_2575 {strides = array<i32>} : memref<2x8x3x8x128xf32, #tpu.memory_space<vmem>>, vector<16xf32>,
        %add3A_2872 = arith.constant 20 : i32
        %add3A_2873 = vector.broadcast %add3A_2872 : i32 to vector<16xi32>
        %add3A_2874 = arith.addi %mul3A_2307, %add3A_2873 : vector<16xi32>
        %gather3A_2875 = tpu.vector_load_idx %arg5[%add3A_2874] : memref<576xf32, #tpu.memory_space<vmem>>[vector<16xi32>], vector<16xf32>,
        %swap3A_2876 = arith.constant 2 : i32
        %swap3A_2877 = arith.constant 4 : i32
        %swap3A_2878 = arith.index_cast %rem3A_130 : i32 to index
        %swap3A_2879 = arith.index_cast %add3A_2295 : i32 to index
        %swap3A_2880 = arith.index_cast %swap3A_2876 : i32 to index
        %swap3A_2881 = arith.index_cast %swap3A_2877 : i32 to index
        %swap3A_2882 = arith.constant 0 : index
        %swap3A_2883 = tpu.vector_load %arg7[%swap3A_2878, %swap3A_2879, %swap3A_2880, %swap3A_2881, %swap3A_2882] {strides = array<i32>} : memref<2x8x3x8x128xf32, #tpu.memory_space<vmem>>, vector<16xf32>,
        tpu.vector_store %arg7[%swap3A_2878, %swap3A_2879, %swap3A_2880, %swap3A_2881, %swap3A_2882], %gather3A_2587 {strides = array<i32>} : memref<2x8x3x8x128xf32, #tpu.memory_space<vmem>>, vector<16xf32>,
        %add3A_2884 = arith.constant 21 : i32
        %add3A_2885 = vector.broadcast %add3A_2884 : i32 to vector<16xi32>
        %add3A_2886 = arith.addi %mul3A_2307, %add3A_2885 : vector<16xi32>
        %gather3A_2887 = tpu.vector_load_idx %arg5[%add3A_2886] : memref<576xf32, #tpu.memory_space<vmem>>[vector<16xi32>], vector<16xf32>,
        %swap3A_2888 = arith.constant 2 : i32
        %swap3A_2889 = arith.constant 5 : i32
        %swap3A_2890 = arith.index_cast %rem3A_130 : i32 to index
        %swap3A_2891 = arith.index_cast %add3A_2295 : i32 to index
        %swap3A_2892 = arith.index_cast %swap3A_2888 : i32 to index
        %swap3A_2893 = arith.index_cast %swap3A_2889 : i32 to index
        %swap3A_2894 = arith.constant 0 : index
        %swap3A_2895 = tpu.vector_load %arg7[%swap3A_2890, %swap3A_2891, %swap3A_2892, %swap3A_2893, %swap3A_2894] {strides = array<i32>} : memref<2x8x3x8x128xf32, #tpu.memory_space<vmem>>, vector<16xf32>,
        tpu.vector_store %arg7[%swap3A_2890, %swap3A_2891, %swap3A_2892, %swap3A_2893, %swap3A_2894], %gather3A_2599 {strides = array<i32>} : memref<2x8x3x8x128xf32, #tpu.memory_space<vmem>>, vector<16xf32>,
        %add3A_2896 = arith.constant 22 : i32
        %add3A_2897 = vector.broadcast %add3A_2896 : i32 to vector<16xi32>
        %add3A_2898 = arith.addi %mul3A_2307, %add3A_2897 : vector<16xi32>
        %gather3A_2899 = tpu.vector_load_idx %arg5[%add3A_2898] : memref<576xf32, #tpu.memory_space<vmem>>[vector<16xi32>], vector<16xf32>,
        %swap3A_2900 = arith.constant 2 : i32
        %swap3A_2901 = arith.constant 6 : i32
        %swap3A_2902 = arith.index_cast %rem3A_130 : i32 to index
        %swap3A_2903 = arith.index_cast %add3A_2295 : i32 to index
        %swap3A_2904 = arith.index_cast %swap3A_2900 : i32 to index
        %swap3A_2905 = arith.index_cast %swap3A_2901 : i32 to index
        %swap3A_2906 = arith.constant 0 : index
        %swap3A_2907 = tpu.vector_load %arg7[%swap3A_2902, %swap3A_2903, %swap3A_2904, %swap3A_2905, %swap3A_2906] {strides = array<i32>} : memref<2x8x3x8x128xf32, #tpu.memory_space<vmem>>, vector<16xf32>,
        tpu.vector_store %arg7[%swap3A_2902, %swap3A_2903, %swap3A_2904, %swap3A_2905, %swap3A_2906], %gather3A_2611 {strides = array<i32>} : memref<2x8x3x8x128xf32, #tpu.memory_space<vmem>>, vector<16xf32>,
        %add3A_2908 = arith.constant 23 : i32
        %add3A_2909 = vector.broadcast %add3A_2908 : i32 to vector<16xi32>
        %add3A_2910 = arith.addi %mul3A_2307, %add3A_2909 : vector<16xi32>
        %gather3A_2911 = tpu.vector_load_idx %arg5[%add3A_2910] : memref<576xf32, #tpu.memory_space<vmem>>[vector<16xi32>], vector<16xf32>,
        %swap3A_2912 = arith.constant 2 : i32
        %swap3A_2913 = arith.constant 7 : i32
        %swap3A_2914 = arith.index_cast %rem3A_130 : i32 to index
        %swap3A_2915 = arith.index_cast %add3A_2295 : i32 to index
        %swap3A_2916 = arith.index_cast %swap3A_2912 : i32 to index
        %swap3A_2917 = arith.index_cast %swap3A_2913 : i32 to index
        %swap3A_2918 = arith.constant 0 : index
        %swap3A_2919 = tpu.vector_load %arg7[%swap3A_2914, %swap3A_2915, %swap3A_2916, %swap3A_2917, %swap3A_2918] {strides = array<i32>} : memref<2x8x3x8x128xf32, #tpu.memory_space<vmem>>, vector<16xf32>,
        tpu.vector_store %arg7[%swap3A_2914, %swap3A_2915, %swap3A_2916, %swap3A_2917, %swap3A_2918], %gather3A_2623 {strides = array<i32>} : memref<2x8x3x8x128xf32, #tpu.memory_space<vmem>>, vector<16xf32>,
        %add3A_2920 = arith.constant 0 : i32
        %add3A_2921 = vector.broadcast %add3A_2920 : i32 to vector<16xi32>
        %add3A_2922 = arith.addi %mul3A_2313, %add3A_2921 : vector<16xi32>
        %gather3A_2923 = tpu.vector_load_idx %arg5[%add3A_2922] : memref<576xf32, #tpu.memory_space<vmem>>[vector<16xi32>], vector<16xf32>,
        %swap3A_2924 = arith.constant 0 : i32
        %swap3A_2925 = arith.constant 0 : i32
        %swap3A_2926 = arith.index_cast %rem3A_130 : i32 to index
        %swap3A_2927 = arith.index_cast %add3A_2295 : i32 to index
        %swap3A_2928 = arith.index_cast %swap3A_2924 : i32 to index
        %swap3A_2929 = arith.index_cast %swap3A_2925 : i32 to index
        %swap3A_2930 = arith.constant 16 : index
        %swap3A_2931 = tpu.vector_load %arg7[%swap3A_2926, %swap3A_2927, %swap3A_2928, %swap3A_2929, %swap3A_2930] {strides = array<i32>} : memref<2x8x3x8x128xf32, #tpu.memory_space<vmem>>, vector<16xf32>,
        tpu.vector_store %arg7[%swap3A_2926, %swap3A_2927, %swap3A_2928, %swap3A_2929, %swap3A_2930], %gather3A_2635 {strides = array<i32>} : memref<2x8x3x8x128xf32, #tpu.memory_space<vmem>>, vector<16xf32>,
        %add3A_2932 = arith.constant 1 : i32
        %add3A_2933 = vector.broadcast %add3A_2932 : i32 to vector<16xi32>
        %add3A_2934 = arith.addi %mul3A_2313, %add3A_2933 : vector<16xi32>
        %gather3A_2935 = tpu.vector_load_idx %arg5[%add3A_2934] : memref<576xf32, #tpu.memory_space<vmem>>[vector<16xi32>], vector<16xf32>,
        %swap3A_2936 = arith.constant 0 : i32
        %swap3A_2937 = arith.constant 1 : i32
        %swap3A_2938 = arith.index_cast %rem3A_130 : i32 to index
        %swap3A_2939 = arith.index_cast %add3A_2295 : i32 to index
        %swap3A_2940 = arith.index_cast %swap3A_2936 : i32 to index
        %swap3A_2941 = arith.index_cast %swap3A_2937 : i32 to index
        %swap3A_2942 = arith.constant 16 : index
        %swap3A_2943 = tpu.vector_load %arg7[%swap3A_2938, %swap3A_2939, %swap3A_2940, %swap3A_2941, %swap3A_2942] {strides = array<i32>} : memref<2x8x3x8x128xf32, #tpu.memory_space<vmem>>, vector<16xf32>,
        tpu.vector_store %arg7[%swap3A_2938, %swap3A_2939, %swap3A_2940, %swap3A_2941, %swap3A_2942], %gather3A_2647 {strides = array<i32>} : memref<2x8x3x8x128xf32, #tpu.memory_space<vmem>>, vector<16xf32>,
        %add3A_2944 = arith.constant 2 : i32
        %add3A_2945 = vector.broadcast %add3A_2944 : i32 to vector<16xi32>
        %add3A_2946 = arith.addi %mul3A_2313, %add3A_2945 : vector<16xi32>
        %gather3A_2947 = tpu.vector_load_idx %arg5[%add3A_2946] : memref<576xf32, #tpu.memory_space<vmem>>[vector<16xi32>], vector<16xf32>,
        %swap3A_2948 = arith.constant 0 : i32
        %swap3A_2949 = arith.constant 2 : i32
        %swap3A_2950 = arith.index_cast %rem3A_130 : i32 to index
        %swap3A_2951 = arith.index_cast %add3A_2295 : i32 to index
        %swap3A_2952 = arith.index_cast %swap3A_2948 : i32 to index
        %swap3A_2953 = arith.index_cast %swap3A_2949 : i32 to index
        %swap3A_2954 = arith.constant 16 : index
        %swap3A_2955 = tpu.vector_load %arg7[%swap3A_2950, %swap3A_2951, %swap3A_2952, %swap3A_2953, %swap3A_2954] {strides = array<i32>} : memref<2x8x3x8x128xf32, #tpu.memory_space<vmem>>, vector<16xf32>,
        tpu.vector_store %arg7[%swap3A_2950, %swap3A_2951, %swap3A_2952, %swap3A_2953, %swap3A_2954], %gather3A_2659 {strides = array<i32>} : memref<2x8x3x8x128xf32, #tpu.memory_space<vmem>>, vector<16xf32>,
        %add3A_2956 = arith.constant 3 : i32
        %add3A_2957 = vector.broadcast %add3A_2956 : i32 to vector<16xi32>
        %add3A_2958 = arith.addi %mul3A_2313, %add3A_2957 : vector<16xi32>
        %gather3A_2959 = tpu.vector_load_idx %arg5[%add3A_2958] : memref<576xf32, #tpu.memory_space<vmem>>[vector<16xi32>], vector<16xf32>,
        %swap3A_2960 = arith.constant 0 : i32
        %swap3A_2961 = arith.constant 3 : i32
        %swap3A_2962 = arith.index_cast %rem3A_130 : i32 to index
        %swap3A_2963 = arith.index_cast %add3A_2295 : i32 to index
        %swap3A_2964 = arith.index_cast %swap3A_2960 : i32 to index
        %swap3A_2965 = arith.index_cast %swap3A_2961 : i32 to index
        %swap3A_2966 = arith.constant 16 : index
        %swap3A_2967 = tpu.vector_load %arg7[%swap3A_2962, %swap3A_2963, %swap3A_2964, %swap3A_2965, %swap3A_2966] {strides = array<i32>} : memref<2x8x3x8x128xf32, #tpu.memory_space<vmem>>, vector<16xf32>,
        tpu.vector_store %arg7[%swap3A_2962, %swap3A_2963, %swap3A_2964, %swap3A_2965, %swap3A_2966], %gather3A_2671 {strides = array<i32>} : memref<2x8x3x8x128xf32, #tpu.memory_space<vmem>>, vector<16xf32>,
        %add3A_2968 = arith.constant 4 : i32
        %add3A_2969 = vector.broadcast %add3A_2968 : i32 to vector<16xi32>
        %add3A_2970 = arith.addi %mul3A_2313, %add3A_2969 : vector<16xi32>
        %gather3A_2971 = tpu.vector_load_idx %arg5[%add3A_2970] : memref<576xf32, #tpu.memory_space<vmem>>[vector<16xi32>], vector<16xf32>,
        %swap3A_2972 = arith.constant 0 : i32
        %swap3A_2973 = arith.constant 4 : i32
        %swap3A_2974 = arith.index_cast %rem3A_130 : i32 to index
        %swap3A_2975 = arith.index_cast %add3A_2295 : i32 to index
        %swap3A_2976 = arith.index_cast %swap3A_2972 : i32 to index
        %swap3A_2977 = arith.index_cast %swap3A_2973 : i32 to index
        %swap3A_2978 = arith.constant 16 : index
        %swap3A_2979 = tpu.vector_load %arg7[%swap3A_2974, %swap3A_2975, %swap3A_2976, %swap3A_2977, %swap3A_2978] {strides = array<i32>} : memref<2x8x3x8x128xf32, #tpu.memory_space<vmem>>, vector<16xf32>,
        tpu.vector_store %arg7[%swap3A_2974, %swap3A_2975, %swap3A_2976, %swap3A_2977, %swap3A_2978], %gather3A_2683 {strides = array<i32>} : memref<2x8x3x8x128xf32, #tpu.memory_space<vmem>>, vector<16xf32>,
        %add3A_2980 = arith.constant 5 : i32
        %add3A_2981 = vector.broadcast %add3A_2980 : i32 to vector<16xi32>
        %add3A_2982 = arith.addi %mul3A_2313, %add3A_2981 : vector<16xi32>
        %gather3A_2983 = tpu.vector_load_idx %arg5[%add3A_2982] : memref<576xf32, #tpu.memory_space<vmem>>[vector<16xi32>], vector<16xf32>,
        %swap3A_2984 = arith.constant 0 : i32
        %swap3A_2985 = arith.constant 5 : i32
        %swap3A_2986 = arith.index_cast %rem3A_130 : i32 to index
        %swap3A_2987 = arith.index_cast %add3A_2295 : i32 to index
        %swap3A_2988 = arith.index_cast %swap3A_2984 : i32 to index
        %swap3A_2989 = arith.index_cast %swap3A_2985 : i32 to index
        %swap3A_2990 = arith.constant 16 : index
        %swap3A_2991 = tpu.vector_load %arg7[%swap3A_2986, %swap3A_2987, %swap3A_2988, %swap3A_2989, %swap3A_2990] {strides = array<i32>} : memref<2x8x3x8x128xf32, #tpu.memory_space<vmem>>, vector<16xf32>,
        tpu.vector_store %arg7[%swap3A_2986, %swap3A_2987, %swap3A_2988, %swap3A_2989, %swap3A_2990], %gather3A_2695 {strides = array<i32>} : memref<2x8x3x8x128xf32, #tpu.memory_space<vmem>>, vector<16xf32>,
        %add3A_2992 = arith.constant 6 : i32
        %add3A_2993 = vector.broadcast %add3A_2992 : i32 to vector<16xi32>
        %add3A_2994 = arith.addi %mul3A_2313, %add3A_2993 : vector<16xi32>
        %gather3A_2995 = tpu.vector_load_idx %arg5[%add3A_2994] : memref<576xf32, #tpu.memory_space<vmem>>[vector<16xi32>], vector<16xf32>,
        %swap3A_2996 = arith.constant 0 : i32
        %swap3A_2997 = arith.constant 6 : i32
        %swap3A_2998 = arith.index_cast %rem3A_130 : i32 to index
        %swap3A_2999 = arith.index_cast %add3A_2295 : i32 to index
        %swap3A_3000 = arith.index_cast %swap3A_2996 : i32 to index
        %swap3A_3001 = arith.index_cast %swap3A_2997 : i32 to index
        %swap3A_3002 = arith.constant 16 : index
        %swap3A_3003 = tpu.vector_load %arg7[%swap3A_2998, %swap3A_2999, %swap3A_3000, %swap3A_3001, %swap3A_3002] {strides = array<i32>} : memref<2x8x3x8x128xf32, #tpu.memory_space<vmem>>, vector<16xf32>,
        tpu.vector_store %arg7[%swap3A_2998, %swap3A_2999, %swap3A_3000, %swap3A_3001, %swap3A_3002], %gather3A_2707 {strides = array<i32>} : memref<2x8x3x8x128xf32, #tpu.memory_space<vmem>>, vector<16xf32>,
        %add3A_3004 = arith.constant 7 : i32
        %add3A_3005 = vector.broadcast %add3A_3004 : i32 to vector<16xi32>
        %add3A_3006 = arith.addi %mul3A_2313, %add3A_3005 : vector<16xi32>
        %gather3A_3007 = tpu.vector_load_idx %arg5[%add3A_3006] : memref<576xf32, #tpu.memory_space<vmem>>[vector<16xi32>], vector<16xf32>,
        %swap3A_3008 = arith.constant 0 : i32
        %swap3A_3009 = arith.constant 7 : i32
        %swap3A_3010 = arith.index_cast %rem3A_130 : i32 to index
        %swap3A_3011 = arith.index_cast %add3A_2295 : i32 to index
        %swap3A_3012 = arith.index_cast %swap3A_3008 : i32 to index
        %swap3A_3013 = arith.index_cast %swap3A_3009 : i32 to index
        %swap3A_3014 = arith.constant 16 : index
        %swap3A_3015 = tpu.vector_load %arg7[%swap3A_3010, %swap3A_3011, %swap3A_3012, %swap3A_3013, %swap3A_3014] {strides = array<i32>} : memref<2x8x3x8x128xf32, #tpu.memory_space<vmem>>, vector<16xf32>,
        tpu.vector_store %arg7[%swap3A_3010, %swap3A_3011, %swap3A_3012, %swap3A_3013, %swap3A_3014], %gather3A_2719 {strides = array<i32>} : memref<2x8x3x8x128xf32, #tpu.memory_space<vmem>>, vector<16xf32>,
        %add3A_3016 = arith.constant 8 : i32
        %add3A_3017 = vector.broadcast %add3A_3016 : i32 to vector<16xi32>
        %add3A_3018 = arith.addi %mul3A_2313, %add3A_3017 : vector<16xi32>
        %gather3A_3019 = tpu.vector_load_idx %arg5[%add3A_3018] : memref<576xf32, #tpu.memory_space<vmem>>[vector<16xi32>], vector<16xf32>,
        %swap3A_3020 = arith.constant 1 : i32
        %swap3A_3021 = arith.constant 0 : i32
        %swap3A_3022 = arith.index_cast %rem3A_130 : i32 to index
        %swap3A_3023 = arith.index_cast %add3A_2295 : i32 to index
        %swap3A_3024 = arith.index_cast %swap3A_3020 : i32 to index
        %swap3A_3025 = arith.index_cast %swap3A_3021 : i32 to index
        %swap3A_3026 = arith.constant 16 : index
        %swap3A_3027 = tpu.vector_load %arg7[%swap3A_3022, %swap3A_3023, %swap3A_3024, %swap3A_3025, %swap3A_3026] {strides = array<i32>} : memref<2x8x3x8x128xf32, #tpu.memory_space<vmem>>, vector<16xf32>,
        tpu.vector_store %arg7[%swap3A_3022, %swap3A_3023, %swap3A_3024, %swap3A_3025, %swap3A_3026], %gather3A_2731 {strides = array<i32>} : memref<2x8x3x8x128xf32, #tpu.memory_space<vmem>>, vector<16xf32>,
        %add3A_3028 = arith.constant 9 : i32
        %add3A_3029 = vector.broadcast %add3A_3028 : i32 to vector<16xi32>
        %add3A_3030 = arith.addi %mul3A_2313, %add3A_3029 : vector<16xi32>
        %gather3A_3031 = tpu.vector_load_idx %arg5[%add3A_3030] : memref<576xf32, #tpu.memory_space<vmem>>[vector<16xi32>], vector<16xf32>,
        %swap3A_3032 = arith.constant 1 : i32
        %swap3A_3033 = arith.constant 1 : i32
        %swap3A_3034 = arith.index_cast %rem3A_130 : i32 to index
        %swap3A_3035 = arith.index_cast %add3A_2295 : i32 to index
        %swap3A_3036 = arith.index_cast %swap3A_3032 : i32 to index
        %swap3A_3037 = arith.index_cast %swap3A_3033 : i32 to index
        %swap3A_3038 = arith.constant 16 : index
        %swap3A_3039 = tpu.vector_load %arg7[%swap3A_3034, %swap3A_3035, %swap3A_3036, %swap3A_3037, %swap3A_3038] {strides = array<i32>} : memref<2x8x3x8x128xf32, #tpu.memory_space<vmem>>, vector<16xf32>,
        tpu.vector_store %arg7[%swap3A_3034, %swap3A_3035, %swap3A_3036, %swap3A_3037, %swap3A_3038], %gather3A_2743 {strides = array<i32>} : memref<2x8x3x8x128xf32, #tpu.memory_space<vmem>>, vector<16xf32>,
        %add3A_3040 = arith.constant 10 : i32
        %add3A_3041 = vector.broadcast %add3A_3040 : i32 to vector<16xi32>
        %add3A_3042 = arith.addi %mul3A_2313, %add3A_3041 : vector<16xi32>
        %gather3A_3043 = tpu.vector_load_idx %arg5[%add3A_3042] : memref<576xf32, #tpu.memory_space<vmem>>[vector<16xi32>], vector<16xf32>,
        %swap3A_3044 = arith.constant 1 : i32
        %swap3A_3045 = arith.constant 2 : i32
        %swap3A_3046 = arith.index_cast %rem3A_130 : i32 to index
        %swap3A_3047 = arith.index_cast %add3A_2295 : i32 to index
        %swap3A_3048 = arith.index_cast %swap3A_3044 : i32 to index
        %swap3A_3049 = arith.index_cast %swap3A_3045 : i32 to index
        %swap3A_3050 = arith.constant 16 : index
        %swap3A_3051 = tpu.vector_load %arg7[%swap3A_3046, %swap3A_3047, %swap3A_3048, %swap3A_3049, %swap3A_3050] {strides = array<i32>} : memref<2x8x3x8x128xf32, #tpu.memory_space<vmem>>, vector<16xf32>,
        tpu.vector_store %arg7[%swap3A_3046, %swap3A_3047, %swap3A_3048, %swap3A_3049, %swap3A_3050], %gather3A_2755 {strides = array<i32>} : memref<2x8x3x8x128xf32, #tpu.memory_space<vmem>>, vector<16xf32>,
        %add3A_3052 = arith.constant 11 : i32
        %add3A_3053 = vector.broadcast %add3A_3052 : i32 to vector<16xi32>
        %add3A_3054 = arith.addi %mul3A_2313, %add3A_3053 : vector<16xi32>
        %gather3A_3055 = tpu.vector_load_idx %arg5[%add3A_3054] : memref<576xf32, #tpu.memory_space<vmem>>[vector<16xi32>], vector<16xf32>,
        %swap3A_3056 = arith.constant 1 : i32
        %swap3A_3057 = arith.constant 3 : i32
        %swap3A_3058 = arith.index_cast %rem3A_130 : i32 to index
        %swap3A_3059 = arith.index_cast %add3A_2295 : i32 to index
        %swap3A_3060 = arith.index_cast %swap3A_3056 : i32 to index
        %swap3A_3061 = arith.index_cast %swap3A_3057 : i32 to index
        %swap3A_3062 = arith.constant 16 : index
        %swap3A_3063 = tpu.vector_load %arg7[%swap3A_3058, %swap3A_3059, %swap3A_3060, %swap3A_3061, %swap3A_3062] {strides = array<i32>} : memref<2x8x3x8x128xf32, #tpu.memory_space<vmem>>, vector<16xf32>,
        tpu.vector_store %arg7[%swap3A_3058, %swap3A_3059, %swap3A_3060, %swap3A_3061, %swap3A_3062], %gather3A_2767 {strides = array<i32>} : memref<2x8x3x8x128xf32, #tpu.memory_space<vmem>>, vector<16xf32>,
        %add3A_3064 = arith.constant 12 : i32
        %add3A_3065 = vector.broadcast %add3A_3064 : i32 to vector<16xi32>
        %add3A_3066 = arith.addi %mul3A_2313, %add3A_3065 : vector<16xi32>
        %gather3A_3067 = tpu.vector_load_idx %arg5[%add3A_3066] : memref<576xf32, #tpu.memory_space<vmem>>[vector<16xi32>], vector<16xf32>,
        %swap3A_3068 = arith.constant 1 : i32
        %swap3A_3069 = arith.constant 4 : i32
        %swap3A_3070 = arith.index_cast %rem3A_130 : i32 to index
        %swap3A_3071 = arith.index_cast %add3A_2295 : i32 to index
        %swap3A_3072 = arith.index_cast %swap3A_3068 : i32 to index
        %swap3A_3073 = arith.index_cast %swap3A_3069 : i32 to index
        %swap3A_3074 = arith.constant 16 : index
        %swap3A_3075 = tpu.vector_load %arg7[%swap3A_3070, %swap3A_3071, %swap3A_3072, %swap3A_3073, %swap3A_3074] {strides = array<i32>} : memref<2x8x3x8x128xf32, #tpu.memory_space<vmem>>, vector<16xf32>,
        tpu.vector_store %arg7[%swap3A_3070, %swap3A_3071, %swap3A_3072, %swap3A_3073, %swap3A_3074], %gather3A_2779 {strides = array<i32>} : memref<2x8x3x8x128xf32, #tpu.memory_space<vmem>>, vector<16xf32>,
        %add3A_3076 = arith.constant 13 : i32
        %add3A_3077 = vector.broadcast %add3A_3076 : i32 to vector<16xi32>
        %add3A_3078 = arith.addi %mul3A_2313, %add3A_3077 : vector<16xi32>
        %gather3A_3079 = tpu.vector_load_idx %arg5[%add3A_3078] : memref<576xf32, #tpu.memory_space<vmem>>[vector<16xi32>], vector<16xf32>,
        %swap3A_3080 = arith.constant 1 : i32
        %swap3A_3081 = arith.constant 5 : i32
        %swap3A_3082 = arith.index_cast %rem3A_130 : i32 to index
        %swap3A_3083 = arith.index_cast %add3A_2295 : i32 to index
        %swap3A_3084 = arith.index_cast %swap3A_3080 : i32 to index
        %swap3A_3085 = arith.index_cast %swap3A_3081 : i32 to index
        %swap3A_3086 = arith.constant 16 : index
        %swap3A_3087 = tpu.vector_load %arg7[%swap3A_3082, %swap3A_3083, %swap3A_3084, %swap3A_3085, %swap3A_3086] {strides = array<i32>} : memref<2x8x3x8x128xf32, #tpu.memory_space<vmem>>, vector<16xf32>,
        tpu.vector_store %arg7[%swap3A_3082, %swap3A_3083, %swap3A_3084, %swap3A_3085, %swap3A_3086], %gather3A_2791 {strides = array<i32>} : memref<2x8x3x8x128xf32, #tpu.memory_space<vmem>>, vector<16xf32>,
        %add3A_3088 = arith.constant 14 : i32
        %add3A_3089 = vector.broadcast %add3A_3088 : i32 to vector<16xi32>
        %add3A_3090 = arith.addi %mul3A_2313, %add3A_3089 : vector<16xi32>
        %gather3A_3091 = tpu.vector_load_idx %arg5[%add3A_3090] : memref<576xf32, #tpu.memory_space<vmem>>[vector<16xi32>], vector<16xf32>,
        %swap3A_3092 = arith.constant 1 : i32
        %swap3A_3093 = arith.constant 6 : i32
        %swap3A_3094 = arith.index_cast %rem3A_130 : i32 to index
        %swap3A_3095 = arith.index_cast %add3A_2295 : i32 to index
        %swap3A_3096 = arith.index_cast %swap3A_3092 : i32 to index
        %swap3A_3097 = arith.index_cast %swap3A_3093 : i32 to index
        %swap3A_3098 = arith.constant 16 : index
        %swap3A_3099 = tpu.vector_load %arg7[%swap3A_3094, %swap3A_3095, %swap3A_3096, %swap3A_3097, %swap3A_3098] {strides = array<i32>} : memref<2x8x3x8x128xf32, #tpu.memory_space<vmem>>, vector<16xf32>,
        tpu.vector_store %arg7[%swap3A_3094, %swap3A_3095, %swap3A_3096, %swap3A_3097, %swap3A_3098], %gather3A_2803 {strides = array<i32>} : memref<2x8x3x8x128xf32, #tpu.memory_space<vmem>>, vector<16xf32>,
        %add3A_3100 = arith.constant 15 : i32
        %add3A_3101 = vector.broadcast %add3A_3100 : i32 to vector<16xi32>
        %add3A_3102 = arith.addi %mul3A_2313, %add3A_3101 : vector<16xi32>
        %gather3A_3103 = tpu.vector_load_idx %arg5[%add3A_3102] : memref<576xf32, #tpu.memory_space<vmem>>[vector<16xi32>], vector<16xf32>,
        %swap3A_3104 = arith.constant 1 : i32
        %swap3A_3105 = arith.constant 7 : i32
        %swap3A_3106 = arith.index_cast %rem3A_130 : i32 to index
        %swap3A_3107 = arith.index_cast %add3A_2295 : i32 to index
        %swap3A_3108 = arith.index_cast %swap3A_3104 : i32 to index
        %swap3A_3109 = arith.index_cast %swap3A_3105 : i32 to index
        %swap3A_3110 = arith.constant 16 : index
        %swap3A_3111 = tpu.vector_load %arg7[%swap3A_3106, %swap3A_3107, %swap3A_3108, %swap3A_3109, %swap3A_3110] {strides = array<i32>} : memref<2x8x3x8x128xf32, #tpu.memory_space<vmem>>, vector<16xf32>,
        tpu.vector_store %arg7[%swap3A_3106, %swap3A_3107, %swap3A_3108, %swap3A_3109, %swap3A_3110], %gather3A_2815 {strides = array<i32>} : memref<2x8x3x8x128xf32, #tpu.memory_space<vmem>>, vector<16xf32>,
        %add3A_3112 = arith.constant 16 : i32
        %add3A_3113 = vector.broadcast %add3A_3112 : i32 to vector<16xi32>
        %add3A_3114 = arith.addi %mul3A_2313, %add3A_3113 : vector<16xi32>
        %gather3A_3115 = tpu.vector_load_idx %arg5[%add3A_3114] : memref<576xf32, #tpu.memory_space<vmem>>[vector<16xi32>], vector<16xf32>,
        %swap3A_3116 = arith.constant 2 : i32
        %swap3A_3117 = arith.constant 0 : i32
        %swap3A_3118 = arith.index_cast %rem3A_130 : i32 to index
        %swap3A_3119 = arith.index_cast %add3A_2295 : i32 to index
        %swap3A_3120 = arith.index_cast %swap3A_3116 : i32 to index
        %swap3A_3121 = arith.index_cast %swap3A_3117 : i32 to index
        %swap3A_3122 = arith.constant 16 : index
        %swap3A_3123 = tpu.vector_load %arg7[%swap3A_3118, %swap3A_3119, %swap3A_3120, %swap3A_3121, %swap3A_3122] {strides = array<i32>} : memref<2x8x3x8x128xf32, #tpu.memory_space<vmem>>, vector<16xf32>,
        tpu.vector_store %arg7[%swap3A_3118, %swap3A_3119, %swap3A_3120, %swap3A_3121, %swap3A_3122], %gather3A_2827 {strides = array<i32>} : memref<2x8x3x8x128xf32, #tpu.memory_space<vmem>>, vector<16xf32>,
        %add3A_3124 = arith.constant 17 : i32
        %add3A_3125 = vector.broadcast %add3A_3124 : i32 to vector<16xi32>
        %add3A_3126 = arith.addi %mul3A_2313, %add3A_3125 : vector<16xi32>
        %gather3A_3127 = tpu.vector_load_idx %arg5[%add3A_3126] : memref<576xf32, #tpu.memory_space<vmem>>[vector<16xi32>], vector<16xf32>,
        %swap3A_3128 = arith.constant 2 : i32
        %swap3A_3129 = arith.constant 1 : i32
        %swap3A_3130 = arith.index_cast %rem3A_130 : i32 to index
        %swap3A_3131 = arith.index_cast %add3A_2295 : i32 to index
        %swap3A_3132 = arith.index_cast %swap3A_3128 : i32 to index
        %swap3A_3133 = arith.index_cast %swap3A_3129 : i32 to index
        %swap3A_3134 = arith.constant 16 : index
        %swap3A_3135 = tpu.vector_load %arg7[%swap3A_3130, %swap3A_3131, %swap3A_3132, %swap3A_3133, %swap3A_3134] {strides = array<i32>} : memref<2x8x3x8x128xf32, #tpu.memory_space<vmem>>, vector<16xf32>,
        tpu.vector_store %arg7[%swap3A_3130, %swap3A_3131, %swap3A_3132, %swap3A_3133, %swap3A_3134], %gather3A_2839 {strides = array<i32>} : memref<2x8x3x8x128xf32, #tpu.memory_space<vmem>>, vector<16xf32>,
        %add3A_3136 = arith.constant 18 : i32
        %add3A_3137 = vector.broadcast %add3A_3136 : i32 to vector<16xi32>
        %add3A_3138 = arith.addi %mul3A_2313, %add3A_3137 : vector<16xi32>
        %gather3A_3139 = tpu.vector_load_idx %arg5[%add3A_3138] : memref<576xf32, #tpu.memory_space<vmem>>[vector<16xi32>], vector<16xf32>,
        %swap3A_3140 = arith.constant 2 : i32
        %swap3A_3141 = arith.constant 2 : i32
        %swap3A_3142 = arith.index_cast %rem3A_130 : i32 to index
        %swap3A_3143 = arith.index_cast %add3A_2295 : i32 to index
        %swap3A_3144 = arith.index_cast %swap3A_3140 : i32 to index
        %swap3A_3145 = arith.index_cast %swap3A_3141 : i32 to index
        %swap3A_3146 = arith.constant 16 : index
        %swap3A_3147 = tpu.vector_load %arg7[%swap3A_3142, %swap3A_3143, %swap3A_3144, %swap3A_3145, %swap3A_3146] {strides = array<i32>} : memref<2x8x3x8x128xf32, #tpu.memory_space<vmem>>, vector<16xf32>,
        tpu.vector_store %arg7[%swap3A_3142, %swap3A_3143, %swap3A_3144, %swap3A_3145, %swap3A_3146], %gather3A_2851 {strides = array<i32>} : memref<2x8x3x8x128xf32, #tpu.memory_space<vmem>>, vector<16xf32>,
        %add3A_3148 = arith.constant 19 : i32
        %add3A_3149 = vector.broadcast %add3A_3148 : i32 to vector<16xi32>
        %add3A_3150 = arith.addi %mul3A_2313, %add3A_3149 : vector<16xi32>
        %gather3A_3151 = tpu.vector_load_idx %arg5[%add3A_3150] : memref<576xf32, #tpu.memory_space<vmem>>[vector<16xi32>], vector<16xf32>,
        %swap3A_3152 = arith.constant 2 : i32
        %swap3A_3153 = arith.constant 3 : i32
        %swap3A_3154 = arith.index_cast %rem3A_130 : i32 to index
        %swap3A_3155 = arith.index_cast %add3A_2295 : i32 to index
        %swap3A_3156 = arith.index_cast %swap3A_3152 : i32 to index
        %swap3A_3157 = arith.index_cast %swap3A_3153 : i32 to index
        %swap3A_3158 = arith.constant 16 : index
        %swap3A_3159 = tpu.vector_load %arg7[%swap3A_3154, %swap3A_3155, %swap3A_3156, %swap3A_3157, %swap3A_3158] {strides = array<i32>} : memref<2x8x3x8x128xf32, #tpu.memory_space<vmem>>, vector<16xf32>,
        tpu.vector_store %arg7[%swap3A_3154, %swap3A_3155, %swap3A_3156, %swap3A_3157, %swap3A_3158], %gather3A_2863 {strides = array<i32>} : memref<2x8x3x8x128xf32, #tpu.memory_space<vmem>>, vector<16xf32>,
        %add3A_3160 = arith.constant 20 : i32
        %add3A_3161 = vector.broadcast %add3A_3160 : i32 to vector<16xi32>
        %add3A_3162 = arith.addi %mul3A_2313, %add3A_3161 : vector<16xi32>
        %gather3A_3163 = tpu.vector_load_idx %arg5[%add3A_3162] : memref<576xf32, #tpu.memory_space<vmem>>[vector<16xi32>], vector<16xf32>,
        %swap3A_3164 = arith.constant 2 : i32
        %swap3A_3165 = arith.constant 4 : i32
        %swap3A_3166 = arith.index_cast %rem3A_130 : i32 to index
        %swap3A_3167 = arith.index_cast %add3A_2295 : i32 to index
        %swap3A_3168 = arith.index_cast %swap3A_3164 : i32 to index
        %swap3A_3169 = arith.index_cast %swap3A_3165 : i32 to index
        %swap3A_3170 = arith.constant 16 : index
        %swap3A_3171 = tpu.vector_load %arg7[%swap3A_3166, %swap3A_3167, %swap3A_3168, %swap3A_3169, %swap3A_3170] {strides = array<i32>} : memref<2x8x3x8x128xf32, #tpu.memory_space<vmem>>, vector<16xf32>,
        tpu.vector_store %arg7[%swap3A_3166, %swap3A_3167, %swap3A_3168, %swap3A_3169, %swap3A_3170], %gather3A_2875 {strides = array<i32>} : memref<2x8x3x8x128xf32, #tpu.memory_space<vmem>>, vector<16xf32>,
        %add3A_3172 = arith.constant 21 : i32
        %add3A_3173 = vector.broadcast %add3A_3172 : i32 to vector<16xi32>
        %add3A_3174 = arith.addi %mul3A_2313, %add3A_3173 : vector<16xi32>
        %gather3A_3175 = tpu.vector_load_idx %arg5[%add3A_3174] : memref<576xf32, #tpu.memory_space<vmem>>[vector<16xi32>], vector<16xf32>,
        %swap3A_3176 = arith.constant 2 : i32
        %swap3A_3177 = arith.constant 5 : i32
        %swap3A_3178 = arith.index_cast %rem3A_130 : i32 to index
        %swap3A_3179 = arith.index_cast %add3A_2295 : i32 to index
        %swap3A_3180 = arith.index_cast %swap3A_3176 : i32 to index
        %swap3A_3181 = arith.index_cast %swap3A_3177 : i32 to index
        %swap3A_3182 = arith.constant 16 : index
        %swap3A_3183 = tpu.vector_load %arg7[%swap3A_3178, %swap3A_3179, %swap3A_3180, %swap3A_3181, %swap3A_3182] {strides = array<i32>} : memref<2x8x3x8x128xf32, #tpu.memory_space<vmem>>, vector<16xf32>,
        tpu.vector_store %arg7[%swap3A_3178, %swap3A_3179, %swap3A_3180, %swap3A_3181, %swap3A_3182], %gather3A_2887 {strides = array<i32>} : memref<2x8x3x8x128xf32, #tpu.memory_space<vmem>>, vector<16xf32>,
        %add3A_3184 = arith.constant 22 : i32
        %add3A_3185 = vector.broadcast %add3A_3184 : i32 to vector<16xi32>
        %add3A_3186 = arith.addi %mul3A_2313, %add3A_3185 : vector<16xi32>
        %gather3A_3187 = tpu.vector_load_idx %arg5[%add3A_3186] : memref<576xf32, #tpu.memory_space<vmem>>[vector<16xi32>], vector<16xf32>,
        %swap3A_3188 = arith.constant 2 : i32
        %swap3A_3189 = arith.constant 6 : i32
        %swap3A_3190 = arith.index_cast %rem3A_130 : i32 to index
        %swap3A_3191 = arith.index_cast %add3A_2295 : i32 to index
        %swap3A_3192 = arith.index_cast %swap3A_3188 : i32 to index
        %swap3A_3193 = arith.index_cast %swap3A_3189 : i32 to index
        %swap3A_3194 = arith.constant 16 : index
        %swap3A_3195 = tpu.vector_load %arg7[%swap3A_3190, %swap3A_3191, %swap3A_3192, %swap3A_3193, %swap3A_3194] {strides = array<i32>} : memref<2x8x3x8x128xf32, #tpu.memory_space<vmem>>, vector<16xf32>,
        tpu.vector_store %arg7[%swap3A_3190, %swap3A_3191, %swap3A_3192, %swap3A_3193, %swap3A_3194], %gather3A_2899 {strides = array<i32>} : memref<2x8x3x8x128xf32, #tpu.memory_space<vmem>>, vector<16xf32>,
        %add3A_3196 = arith.constant 23 : i32
        %add3A_3197 = vector.broadcast %add3A_3196 : i32 to vector<16xi32>
        %add3A_3198 = arith.addi %mul3A_2313, %add3A_3197 : vector<16xi32>
        %gather3A_3199 = tpu.vector_load_idx %arg5[%add3A_3198] : memref<576xf32, #tpu.memory_space<vmem>>[vector<16xi32>], vector<16xf32>,
        %swap3A_3200 = arith.constant 2 : i32
        %swap3A_3201 = arith.constant 7 : i32
        %swap3A_3202 = arith.index_cast %rem3A_130 : i32 to index
        %swap3A_3203 = arith.index_cast %add3A_2295 : i32 to index
        %swap3A_3204 = arith.index_cast %swap3A_3200 : i32 to index
        %swap3A_3205 = arith.index_cast %swap3A_3201 : i32 to index
        %swap3A_3206 = arith.constant 16 : index
        %swap3A_3207 = tpu.vector_load %arg7[%swap3A_3202, %swap3A_3203, %swap3A_3204, %swap3A_3205, %swap3A_3206] {strides = array<i32>} : memref<2x8x3x8x128xf32, #tpu.memory_space<vmem>>, vector<16xf32>,
        tpu.vector_store %arg7[%swap3A_3202, %swap3A_3203, %swap3A_3204, %swap3A_3205, %swap3A_3206], %gather3A_2911 {strides = array<i32>} : memref<2x8x3x8x128xf32, #tpu.memory_space<vmem>>, vector<16xf32>,
        %add3A_3208 = arith.constant 0 : i32
        %add3A_3209 = vector.broadcast %add3A_3208 : i32 to vector<16xi32>
        %add3A_3210 = arith.addi %mul3A_2319, %add3A_3209 : vector<16xi32>
        %gather3A_3211 = tpu.vector_load_idx %arg5[%add3A_3210] : memref<576xf32, #tpu.memory_space<vmem>>[vector<16xi32>], vector<16xf32>,
        %swap3A_3212 = arith.constant 0 : i32
        %swap3A_3213 = arith.constant 0 : i32
        %swap3A_3214 = arith.index_cast %rem3A_130 : i32 to index
        %swap3A_3215 = arith.index_cast %add3A_2295 : i32 to index
        %swap3A_3216 = arith.index_cast %swap3A_3212 : i32 to index
        %swap3A_3217 = arith.index_cast %swap3A_3213 : i32 to index
        %swap3A_3218 = arith.constant 32 : index
        %swap3A_3219 = tpu.vector_load %arg7[%swap3A_3214, %swap3A_3215, %swap3A_3216, %swap3A_3217, %swap3A_3218] {strides = array<i32>} : memref<2x8x3x8x128xf32, #tpu.memory_space<vmem>>, vector<16xf32>,
        tpu.vector_store %arg7[%swap3A_3214, %swap3A_3215, %swap3A_3216, %swap3A_3217, %swap3A_3218], %gather3A_2923 {strides = array<i32>} : memref<2x8x3x8x128xf32, #tpu.memory_space<vmem>>, vector<16xf32>,
        %add3A_3220 = arith.constant 1 : i32
        %add3A_3221 = vector.broadcast %add3A_3220 : i32 to vector<16xi32>
        %add3A_3222 = arith.addi %mul3A_2319, %add3A_3221 : vector<16xi32>
        %gather3A_3223 = tpu.vector_load_idx %arg5[%add3A_3222] : memref<576xf32, #tpu.memory_space<vmem>>[vector<16xi32>], vector<16xf32>,
        %swap3A_3224 = arith.constant 0 : i32
        %swap3A_3225 = arith.constant 1 : i32
        %swap3A_3226 = arith.index_cast %rem3A_130 : i32 to index
        %swap3A_3227 = arith.index_cast %add3A_2295 : i32 to index
        %swap3A_3228 = arith.index_cast %swap3A_3224 : i32 to index
        %swap3A_3229 = arith.index_cast %swap3A_3225 : i32 to index
        %swap3A_3230 = arith.constant 32 : index
        %swap3A_3231 = tpu.vector_load %arg7[%swap3A_3226, %swap3A_3227, %swap3A_3228, %swap3A_3229, %swap3A_3230] {strides = array<i32>} : memref<2x8x3x8x128xf32, #tpu.memory_space<vmem>>, vector<16xf32>,
        tpu.vector_store %arg7[%swap3A_3226, %swap3A_3227, %swap3A_3228, %swap3A_3229, %swap3A_3230], %gather3A_2935 {strides = array<i32>} : memref<2x8x3x8x128xf32, #tpu.memory_space<vmem>>, vector<16xf32>,
        %add3A_3232 = arith.constant 2 : i32
        %add3A_3233 = vector.broadcast %add3A_3232 : i32 to vector<16xi32>
        %add3A_3234 = arith.addi %mul3A_2319, %add3A_3233 : vector<16xi32>
        %gather3A_3235 = tpu.vector_load_idx %arg5[%add3A_3234] : memref<576xf32, #tpu.memory_space<vmem>>[vector<16xi32>], vector<16xf32>,
        %swap3A_3236 = arith.constant 0 : i32
        %swap3A_3237 = arith.constant 2 : i32
        %swap3A_3238 = arith.index_cast %rem3A_130 : i32 to index
        %swap3A_3239 = arith.index_cast %add3A_2295 : i32 to index
        %swap3A_3240 = arith.index_cast %swap3A_3236 : i32 to index
        %swap3A_3241 = arith.index_cast %swap3A_3237 : i32 to index
        %swap3A_3242 = arith.constant 32 : index
        %swap3A_3243 = tpu.vector_load %arg7[%swap3A_3238, %swap3A_3239, %swap3A_3240, %swap3A_3241, %swap3A_3242] {strides = array<i32>} : memref<2x8x3x8x128xf32, #tpu.memory_space<vmem>>, vector<16xf32>,
        tpu.vector_store %arg7[%swap3A_3238, %swap3A_3239, %swap3A_3240, %swap3A_3241, %swap3A_3242], %gather3A_2947 {strides = array<i32>} : memref<2x8x3x8x128xf32, #tpu.memory_space<vmem>>, vector<16xf32>,
        %add3A_3244 = arith.constant 3 : i32
        %add3A_3245 = vector.broadcast %add3A_3244 : i32 to vector<16xi32>
        %add3A_3246 = arith.addi %mul3A_2319, %add3A_3245 : vector<16xi32>
        %gather3A_3247 = tpu.vector_load_idx %arg5[%add3A_3246] : memref<576xf32, #tpu.memory_space<vmem>>[vector<16xi32>], vector<16xf32>,
        %swap3A_3248 = arith.constant 0 : i32
        %swap3A_3249 = arith.constant 3 : i32
        %swap3A_3250 = arith.index_cast %rem3A_130 : i32 to index
        %swap3A_3251 = arith.index_cast %add3A_2295 : i32 to index
        %swap3A_3252 = arith.index_cast %swap3A_3248 : i32 to index
        %swap3A_3253 = arith.index_cast %swap3A_3249 : i32 to index
        %swap3A_3254 = arith.constant 32 : index
        %swap3A_3255 = tpu.vector_load %arg7[%swap3A_3250, %swap3A_3251, %swap3A_3252, %swap3A_3253, %swap3A_3254] {strides = array<i32>} : memref<2x8x3x8x128xf32, #tpu.memory_space<vmem>>, vector<16xf32>,
        tpu.vector_store %arg7[%swap3A_3250, %swap3A_3251, %swap3A_3252, %swap3A_3253, %swap3A_3254], %gather3A_2959 {strides = array<i32>} : memref<2x8x3x8x128xf32, #tpu.memory_space<vmem>>, vector<16xf32>,
        %add3A_3256 = arith.constant 4 : i32
        %add3A_3257 = vector.broadcast %add3A_3256 : i32 to vector<16xi32>
        %add3A_3258 = arith.addi %mul3A_2319, %add3A_3257 : vector<16xi32>
        %gather3A_3259 = tpu.vector_load_idx %arg5[%add3A_3258] : memref<576xf32, #tpu.memory_space<vmem>>[vector<16xi32>], vector<16xf32>,
        %swap3A_3260 = arith.constant 0 : i32
        %swap3A_3261 = arith.constant 4 : i32
        %swap3A_3262 = arith.index_cast %rem3A_130 : i32 to index
        %swap3A_3263 = arith.index_cast %add3A_2295 : i32 to index
        %swap3A_3264 = arith.index_cast %swap3A_3260 : i32 to index
        %swap3A_3265 = arith.index_cast %swap3A_3261 : i32 to index
        %swap3A_3266 = arith.constant 32 : index
        %swap3A_3267 = tpu.vector_load %arg7[%swap3A_3262, %swap3A_3263, %swap3A_3264, %swap3A_3265, %swap3A_3266] {strides = array<i32>} : memref<2x8x3x8x128xf32, #tpu.memory_space<vmem>>, vector<16xf32>,
        tpu.vector_store %arg7[%swap3A_3262, %swap3A_3263, %swap3A_3264, %swap3A_3265, %swap3A_3266], %gather3A_2971 {strides = array<i32>} : memref<2x8x3x8x128xf32, #tpu.memory_space<vmem>>, vector<16xf32>,
        %add3A_3268 = arith.constant 5 : i32
        %add3A_3269 = vector.broadcast %add3A_3268 : i32 to vector<16xi32>
        %add3A_3270 = arith.addi %mul3A_2319, %add3A_3269 : vector<16xi32>
        %gather3A_3271 = tpu.vector_load_idx %arg5[%add3A_3270] : memref<576xf32, #tpu.memory_space<vmem>>[vector<16xi32>], vector<16xf32>,
        %swap3A_3272 = arith.constant 0 : i32
        %swap3A_3273 = arith.constant 5 : i32
        %swap3A_3274 = arith.index_cast %rem3A_130 : i32 to index
        %swap3A_3275 = arith.index_cast %add3A_2295 : i32 to index
        %swap3A_3276 = arith.index_cast %swap3A_3272 : i32 to index
        %swap3A_3277 = arith.index_cast %swap3A_3273 : i32 to index
        %swap3A_3278 = arith.constant 32 : index
        %swap3A_3279 = tpu.vector_load %arg7[%swap3A_3274, %swap3A_3275, %swap3A_3276, %swap3A_3277, %swap3A_3278] {strides = array<i32>} : memref<2x8x3x8x128xf32, #tpu.memory_space<vmem>>, vector<16xf32>,
        tpu.vector_store %arg7[%swap3A_3274, %swap3A_3275, %swap3A_3276, %swap3A_3277, %swap3A_3278], %gather3A_2983 {strides = array<i32>} : memref<2x8x3x8x128xf32, #tpu.memory_space<vmem>>, vector<16xf32>,
        %add3A_3280 = arith.constant 6 : i32
        %add3A_3281 = vector.broadcast %add3A_3280 : i32 to vector<16xi32>
        %add3A_3282 = arith.addi %mul3A_2319, %add3A_3281 : vector<16xi32>
        %gather3A_3283 = tpu.vector_load_idx %arg5[%add3A_3282] : memref<576xf32, #tpu.memory_space<vmem>>[vector<16xi32>], vector<16xf32>,
        %swap3A_3284 = arith.constant 0 : i32
        %swap3A_3285 = arith.constant 6 : i32
        %swap3A_3286 = arith.index_cast %rem3A_130 : i32 to index
        %swap3A_3287 = arith.index_cast %add3A_2295 : i32 to index
        %swap3A_3288 = arith.index_cast %swap3A_3284 : i32 to index
        %swap3A_3289 = arith.index_cast %swap3A_3285 : i32 to index
        %swap3A_3290 = arith.constant 32 : index
        %swap3A_3291 = tpu.vector_load %arg7[%swap3A_3286, %swap3A_3287, %swap3A_3288, %swap3A_3289, %swap3A_3290] {strides = array<i32>} : memref<2x8x3x8x128xf32, #tpu.memory_space<vmem>>, vector<16xf32>,
        tpu.vector_store %arg7[%swap3A_3286, %swap3A_3287, %swap3A_3288, %swap3A_3289, %swap3A_3290], %gather3A_2995 {strides = array<i32>} : memref<2x8x3x8x128xf32, #tpu.memory_space<vmem>>, vector<16xf32>,
        %add3A_3292 = arith.constant 7 : i32
        %add3A_3293 = vector.broadcast %add3A_3292 : i32 to vector<16xi32>
        %add3A_3294 = arith.addi %mul3A_2319, %add3A_3293 : vector<16xi32>
        %gather3A_3295 = tpu.vector_load_idx %arg5[%add3A_3294] : memref<576xf32, #tpu.memory_space<vmem>>[vector<16xi32>], vector<16xf32>,
        %swap3A_3296 = arith.constant 0 : i32
        %swap3A_3297 = arith.constant 7 : i32
        %swap3A_3298 = arith.index_cast %rem3A_130 : i32 to index
        %swap3A_3299 = arith.index_cast %add3A_2295 : i32 to index
        %swap3A_3300 = arith.index_cast %swap3A_3296 : i32 to index
        %swap3A_3301 = arith.index_cast %swap3A_3297 : i32 to index
        %swap3A_3302 = arith.constant 32 : index
        %swap3A_3303 = tpu.vector_load %arg7[%swap3A_3298, %swap3A_3299, %swap3A_3300, %swap3A_3301, %swap3A_3302] {strides = array<i32>} : memref<2x8x3x8x128xf32, #tpu.memory_space<vmem>>, vector<16xf32>,
        tpu.vector_store %arg7[%swap3A_3298, %swap3A_3299, %swap3A_3300, %swap3A_3301, %swap3A_3302], %gather3A_3007 {strides = array<i32>} : memref<2x8x3x8x128xf32, #tpu.memory_space<vmem>>, vector<16xf32>,
        %add3A_3304 = arith.constant 8 : i32
        %add3A_3305 = vector.broadcast %add3A_3304 : i32 to vector<16xi32>
        %add3A_3306 = arith.addi %mul3A_2319, %add3A_3305 : vector<16xi32>
        %gather3A_3307 = tpu.vector_load_idx %arg5[%add3A_3306] : memref<576xf32, #tpu.memory_space<vmem>>[vector<16xi32>], vector<16xf32>,
        %swap3A_3308 = arith.constant 1 : i32
        %swap3A_3309 = arith.constant 0 : i32
        %swap3A_3310 = arith.index_cast %rem3A_130 : i32 to index
        %swap3A_3311 = arith.index_cast %add3A_2295 : i32 to index
        %swap3A_3312 = arith.index_cast %swap3A_3308 : i32 to index
        %swap3A_3313 = arith.index_cast %swap3A_3309 : i32 to index
        %swap3A_3314 = arith.constant 32 : index
        %swap3A_3315 = tpu.vector_load %arg7[%swap3A_3310, %swap3A_3311, %swap3A_3312, %swap3A_3313, %swap3A_3314] {strides = array<i32>} : memref<2x8x3x8x128xf32, #tpu.memory_space<vmem>>, vector<16xf32>,
        tpu.vector_store %arg7[%swap3A_3310, %swap3A_3311, %swap3A_3312, %swap3A_3313, %swap3A_3314], %gather3A_3019 {strides = array<i32>} : memref<2x8x3x8x128xf32, #tpu.memory_space<vmem>>, vector<16xf32>,
        %add3A_3316 = arith.constant 9 : i32
        %add3A_3317 = vector.broadcast %add3A_3316 : i32 to vector<16xi32>
        %add3A_3318 = arith.addi %mul3A_2319, %add3A_3317 : vector<16xi32>
        %gather3A_3319 = tpu.vector_load_idx %arg5[%add3A_3318] : memref<576xf32, #tpu.memory_space<vmem>>[vector<16xi32>], vector<16xf32>,
        %swap3A_3320 = arith.constant 1 : i32
        %swap3A_3321 = arith.constant 1 : i32
        %swap3A_3322 = arith.index_cast %rem3A_130 : i32 to index
        %swap3A_3323 = arith.index_cast %add3A_2295 : i32 to index
        %swap3A_3324 = arith.index_cast %swap3A_3320 : i32 to index
        %swap3A_3325 = arith.index_cast %swap3A_3321 : i32 to index
        %swap3A_3326 = arith.constant 32 : index
        %swap3A_3327 = tpu.vector_load %arg7[%swap3A_3322, %swap3A_3323, %swap3A_3324, %swap3A_3325, %swap3A_3326] {strides = array<i32>} : memref<2x8x3x8x128xf32, #tpu.memory_space<vmem>>, vector<16xf32>,
        tpu.vector_store %arg7[%swap3A_3322, %swap3A_3323, %swap3A_3324, %swap3A_3325, %swap3A_3326], %gather3A_3031 {strides = array<i32>} : memref<2x8x3x8x128xf32, #tpu.memory_space<vmem>>, vector<16xf32>,
        %add3A_3328 = arith.constant 10 : i32
        %add3A_3329 = vector.broadcast %add3A_3328 : i32 to vector<16xi32>
        %add3A_3330 = arith.addi %mul3A_2319, %add3A_3329 : vector<16xi32>
        %gather3A_3331 = tpu.vector_load_idx %arg5[%add3A_3330] : memref<576xf32, #tpu.memory_space<vmem>>[vector<16xi32>], vector<16xf32>,
        %swap3A_3332 = arith.constant 1 : i32
        %swap3A_3333 = arith.constant 2 : i32
        %swap3A_3334 = arith.index_cast %rem3A_130 : i32 to index
        %swap3A_3335 = arith.index_cast %add3A_2295 : i32 to index
        %swap3A_3336 = arith.index_cast %swap3A_3332 : i32 to index
        %swap3A_3337 = arith.index_cast %swap3A_3333 : i32 to index
        %swap3A_3338 = arith.constant 32 : index
        %swap3A_3339 = tpu.vector_load %arg7[%swap3A_3334, %swap3A_3335, %swap3A_3336, %swap3A_3337, %swap3A_3338] {strides = array<i32>} : memref<2x8x3x8x128xf32, #tpu.memory_space<vmem>>, vector<16xf32>,
        tpu.vector_store %arg7[%swap3A_3334, %swap3A_3335, %swap3A_3336, %swap3A_3337, %swap3A_3338], %gather3A_3043 {strides = array<i32>} : memref<2x8x3x8x128xf32, #tpu.memory_space<vmem>>, vector<16xf32>,
        %add3A_3340 = arith.constant 11 : i32
        %add3A_3341 = vector.broadcast %add3A_3340 : i32 to vector<16xi32>
        %add3A_3342 = arith.addi %mul3A_2319, %add3A_3341 : vector<16xi32>
        %gather3A_3343 = tpu.vector_load_idx %arg5[%add3A_3342] : memref<576xf32, #tpu.memory_space<vmem>>[vector<16xi32>], vector<16xf32>,
        %swap3A_3344 = arith.constant 1 : i32
        %swap3A_3345 = arith.constant 3 : i32
        %swap3A_3346 = arith.index_cast %rem3A_130 : i32 to index
        %swap3A_3347 = arith.index_cast %add3A_2295 : i32 to index
        %swap3A_3348 = arith.index_cast %swap3A_3344 : i32 to index
        %swap3A_3349 = arith.index_cast %swap3A_3345 : i32 to index
        %swap3A_3350 = arith.constant 32 : index
        %swap3A_3351 = tpu.vector_load %arg7[%swap3A_3346, %swap3A_3347, %swap3A_3348, %swap3A_3349, %swap3A_3350] {strides = array<i32>} : memref<2x8x3x8x128xf32, #tpu.memory_space<vmem>>, vector<16xf32>,
        tpu.vector_store %arg7[%swap3A_3346, %swap3A_3347, %swap3A_3348, %swap3A_3349, %swap3A_3350], %gather3A_3055 {strides = array<i32>} : memref<2x8x3x8x128xf32, #tpu.memory_space<vmem>>, vector<16xf32>,
        %add3A_3352 = arith.constant 12 : i32
        %add3A_3353 = vector.broadcast %add3A_3352 : i32 to vector<16xi32>
        %add3A_3354 = arith.addi %mul3A_2319, %add3A_3353 : vector<16xi32>
        %gather3A_3355 = tpu.vector_load_idx %arg5[%add3A_3354] : memref<576xf32, #tpu.memory_space<vmem>>[vector<16xi32>], vector<16xf32>,
        %swap3A_3356 = arith.constant 1 : i32
        %swap3A_3357 = arith.constant 4 : i32
        %swap3A_3358 = arith.index_cast %rem3A_130 : i32 to index
        %swap3A_3359 = arith.index_cast %add3A_2295 : i32 to index
        %swap3A_3360 = arith.index_cast %swap3A_3356 : i32 to index
        %swap3A_3361 = arith.index_cast %swap3A_3357 : i32 to index
        %swap3A_3362 = arith.constant 32 : index
        %swap3A_3363 = tpu.vector_load %arg7[%swap3A_3358, %swap3A_3359, %swap3A_3360, %swap3A_3361, %swap3A_3362] {strides = array<i32>} : memref<2x8x3x8x128xf32, #tpu.memory_space<vmem>>, vector<16xf32>,
        tpu.vector_store %arg7[%swap3A_3358, %swap3A_3359, %swap3A_3360, %swap3A_3361, %swap3A_3362], %gather3A_3067 {strides = array<i32>} : memref<2x8x3x8x128xf32, #tpu.memory_space<vmem>>, vector<16xf32>,
        %add3A_3364 = arith.constant 13 : i32
        %add3A_3365 = vector.broadcast %add3A_3364 : i32 to vector<16xi32>
        %add3A_3366 = arith.addi %mul3A_2319, %add3A_3365 : vector<16xi32>
        %gather3A_3367 = tpu.vector_load_idx %arg5[%add3A_3366] : memref<576xf32, #tpu.memory_space<vmem>>[vector<16xi32>], vector<16xf32>,
        %swap3A_3368 = arith.constant 1 : i32
        %swap3A_3369 = arith.constant 5 : i32
        %swap3A_3370 = arith.index_cast %rem3A_130 : i32 to index
        %swap3A_3371 = arith.index_cast %add3A_2295 : i32 to index
        %swap3A_3372 = arith.index_cast %swap3A_3368 : i32 to index
        %swap3A_3373 = arith.index_cast %swap3A_3369 : i32 to index
        %swap3A_3374 = arith.constant 32 : index
        %swap3A_3375 = tpu.vector_load %arg7[%swap3A_3370, %swap3A_3371, %swap3A_3372, %swap3A_3373, %swap3A_3374] {strides = array<i32>} : memref<2x8x3x8x128xf32, #tpu.memory_space<vmem>>, vector<16xf32>,
        tpu.vector_store %arg7[%swap3A_3370, %swap3A_3371, %swap3A_3372, %swap3A_3373, %swap3A_3374], %gather3A_3079 {strides = array<i32>} : memref<2x8x3x8x128xf32, #tpu.memory_space<vmem>>, vector<16xf32>,
        %add3A_3376 = arith.constant 14 : i32
        %add3A_3377 = vector.broadcast %add3A_3376 : i32 to vector<16xi32>
        %add3A_3378 = arith.addi %mul3A_2319, %add3A_3377 : vector<16xi32>
        %gather3A_3379 = tpu.vector_load_idx %arg5[%add3A_3378] : memref<576xf32, #tpu.memory_space<vmem>>[vector<16xi32>], vector<16xf32>,
        %swap3A_3380 = arith.constant 1 : i32
        %swap3A_3381 = arith.constant 6 : i32
        %swap3A_3382 = arith.index_cast %rem3A_130 : i32 to index
        %swap3A_3383 = arith.index_cast %add3A_2295 : i32 to index
        %swap3A_3384 = arith.index_cast %swap3A_3380 : i32 to index
        %swap3A_3385 = arith.index_cast %swap3A_3381 : i32 to index
        %swap3A_3386 = arith.constant 32 : index
        %swap3A_3387 = tpu.vector_load %arg7[%swap3A_3382, %swap3A_3383, %swap3A_3384, %swap3A_3385, %swap3A_3386] {strides = array<i32>} : memref<2x8x3x8x128xf32, #tpu.memory_space<vmem>>, vector<16xf32>,
        tpu.vector_store %arg7[%swap3A_3382, %swap3A_3383, %swap3A_3384, %swap3A_3385, %swap3A_3386], %gather3A_3091 {strides = array<i32>} : memref<2x8x3x8x128xf32, #tpu.memory_space<vmem>>, vector<16xf32>,
        %add3A_3388 = arith.constant 15 : i32
        %add3A_3389 = vector.broadcast %add3A_3388 : i32 to vector<16xi32>
        %add3A_3390 = arith.addi %mul3A_2319, %add3A_3389 : vector<16xi32>
        %gather3A_3391 = tpu.vector_load_idx %arg5[%add3A_3390] : memref<576xf32, #tpu.memory_space<vmem>>[vector<16xi32>], vector<16xf32>,
        %swap3A_3392 = arith.constant 1 : i32
        %swap3A_3393 = arith.constant 7 : i32
        %swap3A_3394 = arith.index_cast %rem3A_130 : i32 to index
        %swap3A_3395 = arith.index_cast %add3A_2295 : i32 to index
        %swap3A_3396 = arith.index_cast %swap3A_3392 : i32 to index
        %swap3A_3397 = arith.index_cast %swap3A_3393 : i32 to index
        %swap3A_3398 = arith.constant 32 : index
        %swap3A_3399 = tpu.vector_load %arg7[%swap3A_3394, %swap3A_3395, %swap3A_3396, %swap3A_3397, %swap3A_3398] {strides = array<i32>} : memref<2x8x3x8x128xf32, #tpu.memory_space<vmem>>, vector<16xf32>,
        tpu.vector_store %arg7[%swap3A_3394, %swap3A_3395, %swap3A_3396, %swap3A_3397, %swap3A_3398], %gather3A_3103 {strides = array<i32>} : memref<2x8x3x8x128xf32, #tpu.memory_space<vmem>>, vector<16xf32>,
        %add3A_3400 = arith.constant 16 : i32
        %add3A_3401 = vector.broadcast %add3A_3400 : i32 to vector<16xi32>
        %add3A_3402 = arith.addi %mul3A_2319, %add3A_3401 : vector<16xi32>
        %gather3A_3403 = tpu.vector_load_idx %arg5[%add3A_3402] : memref<576xf32, #tpu.memory_space<vmem>>[vector<16xi32>], vector<16xf32>,
        %swap3A_3404 = arith.constant 2 : i32
        %swap3A_3405 = arith.constant 0 : i32
        %swap3A_3406 = arith.index_cast %rem3A_130 : i32 to index
        %swap3A_3407 = arith.index_cast %add3A_2295 : i32 to index
        %swap3A_3408 = arith.index_cast %swap3A_3404 : i32 to index
        %swap3A_3409 = arith.index_cast %swap3A_3405 : i32 to index
        %swap3A_3410 = arith.constant 32 : index
        %swap3A_3411 = tpu.vector_load %arg7[%swap3A_3406, %swap3A_3407, %swap3A_3408, %swap3A_3409, %swap3A_3410] {strides = array<i32>} : memref<2x8x3x8x128xf32, #tpu.memory_space<vmem>>, vector<16xf32>,
        tpu.vector_store %arg7[%swap3A_3406, %swap3A_3407, %swap3A_3408, %swap3A_3409, %swap3A_3410], %gather3A_3115 {strides = array<i32>} : memref<2x8x3x8x128xf32, #tpu.memory_space<vmem>>, vector<16xf32>,
        %add3A_3412 = arith.constant 17 : i32
        %add3A_3413 = vector.broadcast %add3A_3412 : i32 to vector<16xi32>
        %add3A_3414 = arith.addi %mul3A_2319, %add3A_3413 : vector<16xi32>
        %gather3A_3415 = tpu.vector_load_idx %arg5[%add3A_3414] : memref<576xf32, #tpu.memory_space<vmem>>[vector<16xi32>], vector<16xf32>,
        %swap3A_3416 = arith.constant 2 : i32
        %swap3A_3417 = arith.constant 1 : i32
        %swap3A_3418 = arith.index_cast %rem3A_130 : i32 to index
        %swap3A_3419 = arith.index_cast %add3A_2295 : i32 to index
        %swap3A_3420 = arith.index_cast %swap3A_3416 : i32 to index
        %swap3A_3421 = arith.index_cast %swap3A_3417 : i32 to index
        %swap3A_3422 = arith.constant 32 : index
        %swap3A_3423 = tpu.vector_load %arg7[%swap3A_3418, %swap3A_3419, %swap3A_3420, %swap3A_3421, %swap3A_3422] {strides = array<i32>} : memref<2x8x3x8x128xf32, #tpu.memory_space<vmem>>, vector<16xf32>,
        tpu.vector_store %arg7[%swap3A_3418, %swap3A_3419, %swap3A_3420, %swap3A_3421, %swap3A_3422], %gather3A_3127 {strides = array<i32>} : memref<2x8x3x8x128xf32, #tpu.memory_space<vmem>>, vector<16xf32>,
        %add3A_3424 = arith.constant 18 : i32
        %add3A_3425 = vector.broadcast %add3A_3424 : i32 to vector<16xi32>
        %add3A_3426 = arith.addi %mul3A_2319, %add3A_3425 : vector<16xi32>
        %gather3A_3427 = tpu.vector_load_idx %arg5[%add3A_3426] : memref<576xf32, #tpu.memory_space<vmem>>[vector<16xi32>], vector<16xf32>,
        %swap3A_3428 = arith.constant 2 : i32
        %swap3A_3429 = arith.constant 2 : i32
        %swap3A_3430 = arith.index_cast %rem3A_130 : i32 to index
        %swap3A_3431 = arith.index_cast %add3A_2295 : i32 to index
        %swap3A_3432 = arith.index_cast %swap3A_3428 : i32 to index
        %swap3A_3433 = arith.index_cast %swap3A_3429 : i32 to index
        %swap3A_3434 = arith.constant 32 : index
        %swap3A_3435 = tpu.vector_load %arg7[%swap3A_3430, %swap3A_3431, %swap3A_3432, %swap3A_3433, %swap3A_3434] {strides = array<i32>} : memref<2x8x3x8x128xf32, #tpu.memory_space<vmem>>, vector<16xf32>,
        tpu.vector_store %arg7[%swap3A_3430, %swap3A_3431, %swap3A_3432, %swap3A_3433, %swap3A_3434], %gather3A_3139 {strides = array<i32>} : memref<2x8x3x8x128xf32, #tpu.memory_space<vmem>>, vector<16xf32>,
        %add3A_3436 = arith.constant 19 : i32
        %add3A_3437 = vector.broadcast %add3A_3436 : i32 to vector<16xi32>
        %add3A_3438 = arith.addi %mul3A_2319, %add3A_3437 : vector<16xi32>
        %gather3A_3439 = tpu.vector_load_idx %arg5[%add3A_3438] : memref<576xf32, #tpu.memory_space<vmem>>[vector<16xi32>], vector<16xf32>,
        %swap3A_3440 = arith.constant 2 : i32
        %swap3A_3441 = arith.constant 3 : i32
        %swap3A_3442 = arith.index_cast %rem3A_130 : i32 to index
        %swap3A_3443 = arith.index_cast %add3A_2295 : i32 to index
        %swap3A_3444 = arith.index_cast %swap3A_3440 : i32 to index
        %swap3A_3445 = arith.index_cast %swap3A_3441 : i32 to index
        %swap3A_3446 = arith.constant 32 : index
        %swap3A_3447 = tpu.vector_load %arg7[%swap3A_3442, %swap3A_3443, %swap3A_3444, %swap3A_3445, %swap3A_3446] {strides = array<i32>} : memref<2x8x3x8x128xf32, #tpu.memory_space<vmem>>, vector<16xf32>,
        tpu.vector_store %arg7[%swap3A_3442, %swap3A_3443, %swap3A_3444, %swap3A_3445, %swap3A_3446], %gather3A_3151 {strides = array<i32>} : memref<2x8x3x8x128xf32, #tpu.memory_space<vmem>>, vector<16xf32>,
        %add3A_3448 = arith.constant 20 : i32
        %add3A_3449 = vector.broadcast %add3A_3448 : i32 to vector<16xi32>
        %add3A_3450 = arith.addi %mul3A_2319, %add3A_3449 : vector<16xi32>
        %gather3A_3451 = tpu.vector_load_idx %arg5[%add3A_3450] : memref<576xf32, #tpu.memory_space<vmem>>[vector<16xi32>], vector<16xf32>,
        %swap3A_3452 = arith.constant 2 : i32
        %swap3A_3453 = arith.constant 4 : i32
        %swap3A_3454 = arith.index_cast %rem3A_130 : i32 to index
        %swap3A_3455 = arith.index_cast %add3A_2295 : i32 to index
        %swap3A_3456 = arith.index_cast %swap3A_3452 : i32 to index
        %swap3A_3457 = arith.index_cast %swap3A_3453 : i32 to index
        %swap3A_3458 = arith.constant 32 : index
        %swap3A_3459 = tpu.vector_load %arg7[%swap3A_3454, %swap3A_3455, %swap3A_3456, %swap3A_3457, %swap3A_3458] {strides = array<i32>} : memref<2x8x3x8x128xf32, #tpu.memory_space<vmem>>, vector<16xf32>,
        tpu.vector_store %arg7[%swap3A_3454, %swap3A_3455, %swap3A_3456, %swap3A_3457, %swap3A_3458], %gather3A_3163 {strides = array<i32>} : memref<2x8x3x8x128xf32, #tpu.memory_space<vmem>>, vector<16xf32>,
        %add3A_3460 = arith.constant 21 : i32
        %add3A_3461 = vector.broadcast %add3A_3460 : i32 to vector<16xi32>
        %add3A_3462 = arith.addi %mul3A_2319, %add3A_3461 : vector<16xi32>
        %gather3A_3463 = tpu.vector_load_idx %arg5[%add3A_3462] : memref<576xf32, #tpu.memory_space<vmem>>[vector<16xi32>], vector<16xf32>,
        %swap3A_3464 = arith.constant 2 : i32
        %swap3A_3465 = arith.constant 5 : i32
        %swap3A_3466 = arith.index_cast %rem3A_130 : i32 to index
        %swap3A_3467 = arith.index_cast %add3A_2295 : i32 to index
        %swap3A_3468 = arith.index_cast %swap3A_3464 : i32 to index
        %swap3A_3469 = arith.index_cast %swap3A_3465 : i32 to index
        %swap3A_3470 = arith.constant 32 : index
        %swap3A_3471 = tpu.vector_load %arg7[%swap3A_3466, %swap3A_3467, %swap3A_3468, %swap3A_3469, %swap3A_3470] {strides = array<i32>} : memref<2x8x3x8x128xf32, #tpu.memory_space<vmem>>, vector<16xf32>,
        tpu.vector_store %arg7[%swap3A_3466, %swap3A_3467, %swap3A_3468, %swap3A_3469, %swap3A_3470], %gather3A_3175 {strides = array<i32>} : memref<2x8x3x8x128xf32, #tpu.memory_space<vmem>>, vector<16xf32>,
        %add3A_3472 = arith.constant 22 : i32
        %add3A_3473 = vector.broadcast %add3A_3472 : i32 to vector<16xi32>
        %add3A_3474 = arith.addi %mul3A_2319, %add3A_3473 : vector<16xi32>
        %gather3A_3475 = tpu.vector_load_idx %arg5[%add3A_3474] : memref<576xf32, #tpu.memory_space<vmem>>[vector<16xi32>], vector<16xf32>,
        %swap3A_3476 = arith.constant 2 : i32
        %swap3A_3477 = arith.constant 6 : i32
        %swap3A_3478 = arith.index_cast %rem3A_130 : i32 to index
        %swap3A_3479 = arith.index_cast %add3A_2295 : i32 to index
        %swap3A_3480 = arith.index_cast %swap3A_3476 : i32 to index
        %swap3A_3481 = arith.index_cast %swap3A_3477 : i32 to index
        %swap3A_3482 = arith.constant 32 : index
        %swap3A_3483 = tpu.vector_load %arg7[%swap3A_3478, %swap3A_3479, %swap3A_3480, %swap3A_3481, %swap3A_3482] {strides = array<i32>} : memref<2x8x3x8x128xf32, #tpu.memory_space<vmem>>, vector<16xf32>,
        tpu.vector_store %arg7[%swap3A_3478, %swap3A_3479, %swap3A_3480, %swap3A_3481, %swap3A_3482], %gather3A_3187 {strides = array<i32>} : memref<2x8x3x8x128xf32, #tpu.memory_space<vmem>>, vector<16xf32>,
        %add3A_3484 = arith.constant 23 : i32
        %add3A_3485 = vector.broadcast %add3A_3484 : i32 to vector<16xi32>
        %add3A_3486 = arith.addi %mul3A_2319, %add3A_3485 : vector<16xi32>
        %gather3A_3487 = tpu.vector_load_idx %arg5[%add3A_3486] : memref<576xf32, #tpu.memory_space<vmem>>[vector<16xi32>], vector<16xf32>,
        %swap3A_3488 = arith.constant 2 : i32
        %swap3A_3489 = arith.constant 7 : i32
        %swap3A_3490 = arith.index_cast %rem3A_130 : i32 to index
        %swap3A_3491 = arith.index_cast %add3A_2295 : i32 to index
        %swap3A_3492 = arith.index_cast %swap3A_3488 : i32 to index
        %swap3A_3493 = arith.index_cast %swap3A_3489 : i32 to index
        %swap3A_3494 = arith.constant 32 : index
        %swap3A_3495 = tpu.vector_load %arg7[%swap3A_3490, %swap3A_3491, %swap3A_3492, %swap3A_3493, %swap3A_3494] {strides = array<i32>} : memref<2x8x3x8x128xf32, #tpu.memory_space<vmem>>, vector<16xf32>,
        tpu.vector_store %arg7[%swap3A_3490, %swap3A_3491, %swap3A_3492, %swap3A_3493, %swap3A_3494], %gather3A_3199 {strides = array<i32>} : memref<2x8x3x8x128xf32, #tpu.memory_space<vmem>>, vector<16xf32>,
        %add3A_3496 = arith.constant 0 : i32
        %add3A_3497 = vector.broadcast %add3A_3496 : i32 to vector<16xi32>
        %add3A_3498 = arith.addi %mul3A_2325, %add3A_3497 : vector<16xi32>
        %gather3A_3499 = tpu.vector_load_idx %arg5[%add3A_3498] : memref<576xf32, #tpu.memory_space<vmem>>[vector<16xi32>], vector<16xf32>,
        %swap3A_3500 = arith.constant 0 : i32
        %swap3A_3501 = arith.constant 0 : i32
        %swap3A_3502 = arith.index_cast %rem3A_130 : i32 to index
        %swap3A_3503 = arith.index_cast %add3A_2295 : i32 to index
        %swap3A_3504 = arith.index_cast %swap3A_3500 : i32 to index
        %swap3A_3505 = arith.index_cast %swap3A_3501 : i32 to index
        %swap3A_3506 = arith.constant 48 : index
        %swap3A_3507 = tpu.vector_load %arg7[%swap3A_3502, %swap3A_3503, %swap3A_3504, %swap3A_3505, %swap3A_3506] {strides = array<i32>} : memref<2x8x3x8x128xf32, #tpu.memory_space<vmem>>, vector<16xf32>,
        tpu.vector_store %arg7[%swap3A_3502, %swap3A_3503, %swap3A_3504, %swap3A_3505, %swap3A_3506], %gather3A_3211 {strides = array<i32>} : memref<2x8x3x8x128xf32, #tpu.memory_space<vmem>>, vector<16xf32>,
        %add3A_3508 = arith.constant 1 : i32
        %add3A_3509 = vector.broadcast %add3A_3508 : i32 to vector<16xi32>
        %add3A_3510 = arith.addi %mul3A_2325, %add3A_3509 : vector<16xi32>
        %gather3A_3511 = tpu.vector_load_idx %arg5[%add3A_3510] : memref<576xf32, #tpu.memory_space<vmem>>[vector<16xi32>], vector<16xf32>,
        %swap3A_3512 = arith.constant 0 : i32
        %swap3A_3513 = arith.constant 1 : i32
        %swap3A_3514 = arith.index_cast %rem3A_130 : i32 to index
        %swap3A_3515 = arith.index_cast %add3A_2295 : i32 to index
        %swap3A_3516 = arith.index_cast %swap3A_3512 : i32 to index
        %swap3A_3517 = arith.index_cast %swap3A_3513 : i32 to index
        %swap3A_3518 = arith.constant 48 : index
        %swap3A_3519 = tpu.vector_load %arg7[%swap3A_3514, %swap3A_3515, %swap3A_3516, %swap3A_3517, %swap3A_3518] {strides = array<i32>} : memref<2x8x3x8x128xf32, #tpu.memory_space<vmem>>, vector<16xf32>,
        tpu.vector_store %arg7[%swap3A_3514, %swap3A_3515, %swap3A_3516, %swap3A_3517, %swap3A_3518], %gather3A_3223 {strides = array<i32>} : memref<2x8x3x8x128xf32, #tpu.memory_space<vmem>>, vector<16xf32>,
        %add3A_3520 = arith.constant 2 : i32
        %add3A_3521 = vector.broadcast %add3A_3520 : i32 to vector<16xi32>
        %add3A_3522 = arith.addi %mul3A_2325, %add3A_3521 : vector<16xi32>
        %gather3A_3523 = tpu.vector_load_idx %arg5[%add3A_3522] : memref<576xf32, #tpu.memory_space<vmem>>[vector<16xi32>], vector<16xf32>,
        %swap3A_3524 = arith.constant 0 : i32
        %swap3A_3525 = arith.constant 2 : i32
        %swap3A_3526 = arith.index_cast %rem3A_130 : i32 to index
        %swap3A_3527 = arith.index_cast %add3A_2295 : i32 to index
        %swap3A_3528 = arith.index_cast %swap3A_3524 : i32 to index
        %swap3A_3529 = arith.index_cast %swap3A_3525 : i32 to index
        %swap3A_3530 = arith.constant 48 : index
        %swap3A_3531 = tpu.vector_load %arg7[%swap3A_3526, %swap3A_3527, %swap3A_3528, %swap3A_3529, %swap3A_3530] {strides = array<i32>} : memref<2x8x3x8x128xf32, #tpu.memory_space<vmem>>, vector<16xf32>,
        tpu.vector_store %arg7[%swap3A_3526, %swap3A_3527, %swap3A_3528, %swap3A_3529, %swap3A_3530], %gather3A_3235 {strides = array<i32>} : memref<2x8x3x8x128xf32, #tpu.memory_space<vmem>>, vector<16xf32>,
        %add3A_3532 = arith.constant 3 : i32
        %add3A_3533 = vector.broadcast %add3A_3532 : i32 to vector<16xi32>
        %add3A_3534 = arith.addi %mul3A_2325, %add3A_3533 : vector<16xi32>
        %gather3A_3535 = tpu.vector_load_idx %arg5[%add3A_3534] : memref<576xf32, #tpu.memory_space<vmem>>[vector<16xi32>], vector<16xf32>,
        %swap3A_3536 = arith.constant 0 : i32
        %swap3A_3537 = arith.constant 3 : i32
        %swap3A_3538 = arith.index_cast %rem3A_130 : i32 to index
        %swap3A_3539 = arith.index_cast %add3A_2295 : i32 to index
        %swap3A_3540 = arith.index_cast %swap3A_3536 : i32 to index
        %swap3A_3541 = arith.index_cast %swap3A_3537 : i32 to index
        %swap3A_3542 = arith.constant 48 : index
        %swap3A_3543 = tpu.vector_load %arg7[%swap3A_3538, %swap3A_3539, %swap3A_3540, %swap3A_3541, %swap3A_3542] {strides = array<i32>} : memref<2x8x3x8x128xf32, #tpu.memory_space<vmem>>, vector<16xf32>,
        tpu.vector_store %arg7[%swap3A_3538, %swap3A_3539, %swap3A_3540, %swap3A_3541, %swap3A_3542], %gather3A_3247 {strides = array<i32>} : memref<2x8x3x8x128xf32, #tpu.memory_space<vmem>>, vector<16xf32>,
        %add3A_3544 = arith.constant 4 : i32
        %add3A_3545 = vector.broadcast %add3A_3544 : i32 to vector<16xi32>
        %add3A_3546 = arith.addi %mul3A_2325, %add3A_3545 : vector<16xi32>
        %gather3A_3547 = tpu.vector_load_idx %arg5[%add3A_3546] : memref<576xf32, #tpu.memory_space<vmem>>[vector<16xi32>], vector<16xf32>,
        %swap3A_3548 = arith.constant 0 : i32
        %swap3A_3549 = arith.constant 4 : i32
        %swap3A_3550 = arith.index_cast %rem3A_130 : i32 to index
        %swap3A_3551 = arith.index_cast %add3A_2295 : i32 to index
        %swap3A_3552 = arith.index_cast %swap3A_3548 : i32 to index
        %swap3A_3553 = arith.index_cast %swap3A_3549 : i32 to index
        %swap3A_3554 = arith.constant 48 : index
        %swap3A_3555 = tpu.vector_load %arg7[%swap3A_3550, %swap3A_3551, %swap3A_3552, %swap3A_3553, %swap3A_3554] {strides = array<i32>} : memref<2x8x3x8x128xf32, #tpu.memory_space<vmem>>, vector<16xf32>,
        tpu.vector_store %arg7[%swap3A_3550, %swap3A_3551, %swap3A_3552, %swap3A_3553, %swap3A_3554], %gather3A_3259 {strides = array<i32>} : memref<2x8x3x8x128xf32, #tpu.memory_space<vmem>>, vector<16xf32>,
        %add3A_3556 = arith.constant 5 : i32
        %add3A_3557 = vector.broadcast %add3A_3556 : i32 to vector<16xi32>
        %add3A_3558 = arith.addi %mul3A_2325, %add3A_3557 : vector<16xi32>
        %gather3A_3559 = tpu.vector_load_idx %arg5[%add3A_3558] : memref<576xf32, #tpu.memory_space<vmem>>[vector<16xi32>], vector<16xf32>,
        %swap3A_3560 = arith.constant 0 : i32
        %swap3A_3561 = arith.constant 5 : i32
        %swap3A_3562 = arith.index_cast %rem3A_130 : i32 to index
        %swap3A_3563 = arith.index_cast %add3A_2295 : i32 to index
        %swap3A_3564 = arith.index_cast %swap3A_3560 : i32 to index
        %swap3A_3565 = arith.index_cast %swap3A_3561 : i32 to index
        %swap3A_3566 = arith.constant 48 : index
        %swap3A_3567 = tpu.vector_load %arg7[%swap3A_3562, %swap3A_3563, %swap3A_3564, %swap3A_3565, %swap3A_3566] {strides = array<i32>} : memref<2x8x3x8x128xf32, #tpu.memory_space<vmem>>, vector<16xf32>,
        tpu.vector_store %arg7[%swap3A_3562, %swap3A_3563, %swap3A_3564, %swap3A_3565, %swap3A_3566], %gather3A_3271 {strides = array<i32>} : memref<2x8x3x8x128xf32, #tpu.memory_space<vmem>>, vector<16xf32>,
        %add3A_3568 = arith.constant 6 : i32
        %add3A_3569 = vector.broadcast %add3A_3568 : i32 to vector<16xi32>
        %add3A_3570 = arith.addi %mul3A_2325, %add3A_3569 : vector<16xi32>
        %gather3A_3571 = tpu.vector_load_idx %arg5[%add3A_3570] : memref<576xf32, #tpu.memory_space<vmem>>[vector<16xi32>], vector<16xf32>,
        %swap3A_3572 = arith.constant 0 : i32
        %swap3A_3573 = arith.constant 6 : i32
        %swap3A_3574 = arith.index_cast %rem3A_130 : i32 to index
        %swap3A_3575 = arith.index_cast %add3A_2295 : i32 to index
        %swap3A_3576 = arith.index_cast %swap3A_3572 : i32 to index
        %swap3A_3577 = arith.index_cast %swap3A_3573 : i32 to index
        %swap3A_3578 = arith.constant 48 : index
        %swap3A_3579 = tpu.vector_load %arg7[%swap3A_3574, %swap3A_3575, %swap3A_3576, %swap3A_3577, %swap3A_3578] {strides = array<i32>} : memref<2x8x3x8x128xf32, #tpu.memory_space<vmem>>, vector<16xf32>,
        tpu.vector_store %arg7[%swap3A_3574, %swap3A_3575, %swap3A_3576, %swap3A_3577, %swap3A_3578], %gather3A_3283 {strides = array<i32>} : memref<2x8x3x8x128xf32, #tpu.memory_space<vmem>>, vector<16xf32>,
        %add3A_3580 = arith.constant 7 : i32
        %add3A_3581 = vector.broadcast %add3A_3580 : i32 to vector<16xi32>
        %add3A_3582 = arith.addi %mul3A_2325, %add3A_3581 : vector<16xi32>
        %gather3A_3583 = tpu.vector_load_idx %arg5[%add3A_3582] : memref<576xf32, #tpu.memory_space<vmem>>[vector<16xi32>], vector<16xf32>,
        %swap3A_3584 = arith.constant 0 : i32
        %swap3A_3585 = arith.constant 7 : i32
        %swap3A_3586 = arith.index_cast %rem3A_130 : i32 to index
        %swap3A_3587 = arith.index_cast %add3A_2295 : i32 to index
        %swap3A_3588 = arith.index_cast %swap3A_3584 : i32 to index
        %swap3A_3589 = arith.index_cast %swap3A_3585 : i32 to index
        %swap3A_3590 = arith.constant 48 : index
        %swap3A_3591 = tpu.vector_load %arg7[%swap3A_3586, %swap3A_3587, %swap3A_3588, %swap3A_3589, %swap3A_3590] {strides = array<i32>} : memref<2x8x3x8x128xf32, #tpu.memory_space<vmem>>, vector<16xf32>,
        tpu.vector_store %arg7[%swap3A_3586, %swap3A_3587, %swap3A_3588, %swap3A_3589, %swap3A_3590], %gather3A_3295 {strides = array<i32>} : memref<2x8x3x8x128xf32, #tpu.memory_space<vmem>>, vector<16xf32>,
        %add3A_3592 = arith.constant 8 : i32
        %add3A_3593 = vector.broadcast %add3A_3592 : i32 to vector<16xi32>
        %add3A_3594 = arith.addi %mul3A_2325, %add3A_3593 : vector<16xi32>
        %gather3A_3595 = tpu.vector_load_idx %arg5[%add3A_3594] : memref<576xf32, #tpu.memory_space<vmem>>[vector<16xi32>], vector<16xf32>,
        %swap3A_3596 = arith.constant 1 : i32
        %swap3A_3597 = arith.constant 0 : i32
        %swap3A_3598 = arith.index_cast %rem3A_130 : i32 to index
        %swap3A_3599 = arith.index_cast %add3A_2295 : i32 to index
        %swap3A_3600 = arith.index_cast %swap3A_3596 : i32 to index
        %swap3A_3601 = arith.index_cast %swap3A_3597 : i32 to index
        %swap3A_3602 = arith.constant 48 : index
        %swap3A_3603 = tpu.vector_load %arg7[%swap3A_3598, %swap3A_3599, %swap3A_3600, %swap3A_3601, %swap3A_3602] {strides = array<i32>} : memref<2x8x3x8x128xf32, #tpu.memory_space<vmem>>, vector<16xf32>,
        tpu.vector_store %arg7[%swap3A_3598, %swap3A_3599, %swap3A_3600, %swap3A_3601, %swap3A_3602], %gather3A_3307 {strides = array<i32>} : memref<2x8x3x8x128xf32, #tpu.memory_space<vmem>>, vector<16xf32>,
        %add3A_3604 = arith.constant 9 : i32
        %add3A_3605 = vector.broadcast %add3A_3604 : i32 to vector<16xi32>
        %add3A_3606 = arith.addi %mul3A_2325, %add3A_3605 : vector<16xi32>
        %gather3A_3607 = tpu.vector_load_idx %arg5[%add3A_3606] : memref<576xf32, #tpu.memory_space<vmem>>[vector<16xi32>], vector<16xf32>,
        %swap3A_3608 = arith.constant 1 : i32
        %swap3A_3609 = arith.constant 1 : i32
        %swap3A_3610 = arith.index_cast %rem3A_130 : i32 to index
        %swap3A_3611 = arith.index_cast %add3A_2295 : i32 to index
        %swap3A_3612 = arith.index_cast %swap3A_3608 : i32 to index
        %swap3A_3613 = arith.index_cast %swap3A_3609 : i32 to index
        %swap3A_3614 = arith.constant 48 : index
        %swap3A_3615 = tpu.vector_load %arg7[%swap3A_3610, %swap3A_3611, %swap3A_3612, %swap3A_3613, %swap3A_3614] {strides = array<i32>} : memref<2x8x3x8x128xf32, #tpu.memory_space<vmem>>, vector<16xf32>,
        tpu.vector_store %arg7[%swap3A_3610, %swap3A_3611, %swap3A_3612, %swap3A_3613, %swap3A_3614], %gather3A_3319 {strides = array<i32>} : memref<2x8x3x8x128xf32, #tpu.memory_space<vmem>>, vector<16xf32>,
        %add3A_3616 = arith.constant 10 : i32
        %add3A_3617 = vector.broadcast %add3A_3616 : i32 to vector<16xi32>
        %add3A_3618 = arith.addi %mul3A_2325, %add3A_3617 : vector<16xi32>
        %gather3A_3619 = tpu.vector_load_idx %arg5[%add3A_3618] : memref<576xf32, #tpu.memory_space<vmem>>[vector<16xi32>], vector<16xf32>,
        %swap3A_3620 = arith.constant 1 : i32
        %swap3A_3621 = arith.constant 2 : i32
        %swap3A_3622 = arith.index_cast %rem3A_130 : i32 to index
        %swap3A_3623 = arith.index_cast %add3A_2295 : i32 to index
        %swap3A_3624 = arith.index_cast %swap3A_3620 : i32 to index
        %swap3A_3625 = arith.index_cast %swap3A_3621 : i32 to index
        %swap3A_3626 = arith.constant 48 : index
        %swap3A_3627 = tpu.vector_load %arg7[%swap3A_3622, %swap3A_3623, %swap3A_3624, %swap3A_3625, %swap3A_3626] {strides = array<i32>} : memref<2x8x3x8x128xf32, #tpu.memory_space<vmem>>, vector<16xf32>,
        tpu.vector_store %arg7[%swap3A_3622, %swap3A_3623, %swap3A_3624, %swap3A_3625, %swap3A_3626], %gather3A_3331 {strides = array<i32>} : memref<2x8x3x8x128xf32, #tpu.memory_space<vmem>>, vector<16xf32>,
        %add3A_3628 = arith.constant 11 : i32
        %add3A_3629 = vector.broadcast %add3A_3628 : i32 to vector<16xi32>
        %add3A_3630 = arith.addi %mul3A_2325, %add3A_3629 : vector<16xi32>
        %gather3A_3631 = tpu.vector_load_idx %arg5[%add3A_3630] : memref<576xf32, #tpu.memory_space<vmem>>[vector<16xi32>], vector<16xf32>,
        %swap3A_3632 = arith.constant 1 : i32
        %swap3A_3633 = arith.constant 3 : i32
        %swap3A_3634 = arith.index_cast %rem3A_130 : i32 to index
        %swap3A_3635 = arith.index_cast %add3A_2295 : i32 to index
        %swap3A_3636 = arith.index_cast %swap3A_3632 : i32 to index
        %swap3A_3637 = arith.index_cast %swap3A_3633 : i32 to index
        %swap3A_3638 = arith.constant 48 : index
        %swap3A_3639 = tpu.vector_load %arg7[%swap3A_3634, %swap3A_3635, %swap3A_3636, %swap3A_3637, %swap3A_3638] {strides = array<i32>} : memref<2x8x3x8x128xf32, #tpu.memory_space<vmem>>, vector<16xf32>,
        tpu.vector_store %arg7[%swap3A_3634, %swap3A_3635, %swap3A_3636, %swap3A_3637, %swap3A_3638], %gather3A_3343 {strides = array<i32>} : memref<2x8x3x8x128xf32, #tpu.memory_space<vmem>>, vector<16xf32>,
        %add3A_3640 = arith.constant 12 : i32
        %add3A_3641 = vector.broadcast %add3A_3640 : i32 to vector<16xi32>
        %add3A_3642 = arith.addi %mul3A_2325, %add3A_3641 : vector<16xi32>
        %gather3A_3643 = tpu.vector_load_idx %arg5[%add3A_3642] : memref<576xf32, #tpu.memory_space<vmem>>[vector<16xi32>], vector<16xf32>,
        %swap3A_3644 = arith.constant 1 : i32
        %swap3A_3645 = arith.constant 4 : i32
        %swap3A_3646 = arith.index_cast %rem3A_130 : i32 to index
        %swap3A_3647 = arith.index_cast %add3A_2295 : i32 to index
        %swap3A_3648 = arith.index_cast %swap3A_3644 : i32 to index
        %swap3A_3649 = arith.index_cast %swap3A_3645 : i32 to index
        %swap3A_3650 = arith.constant 48 : index
        %swap3A_3651 = tpu.vector_load %arg7[%swap3A_3646, %swap3A_3647, %swap3A_3648, %swap3A_3649, %swap3A_3650] {strides = array<i32>} : memref<2x8x3x8x128xf32, #tpu.memory_space<vmem>>, vector<16xf32>,
        tpu.vector_store %arg7[%swap3A_3646, %swap3A_3647, %swap3A_3648, %swap3A_3649, %swap3A_3650], %gather3A_3355 {strides = array<i32>} : memref<2x8x3x8x128xf32, #tpu.memory_space<vmem>>, vector<16xf32>,
        %add3A_3652 = arith.constant 13 : i32
        %add3A_3653 = vector.broadcast %add3A_3652 : i32 to vector<16xi32>
        %add3A_3654 = arith.addi %mul3A_2325, %add3A_3653 : vector<16xi32>
        %gather3A_3655 = tpu.vector_load_idx %arg5[%add3A_3654] : memref<576xf32, #tpu.memory_space<vmem>>[vector<16xi32>], vector<16xf32>,
        %swap3A_3656 = arith.constant 1 : i32
        %swap3A_3657 = arith.constant 5 : i32
        %swap3A_3658 = arith.index_cast %rem3A_130 : i32 to index
        %swap3A_3659 = arith.index_cast %add3A_2295 : i32 to index
        %swap3A_3660 = arith.index_cast %swap3A_3656 : i32 to index
        %swap3A_3661 = arith.index_cast %swap3A_3657 : i32 to index
        %swap3A_3662 = arith.constant 48 : index
        %swap3A_3663 = tpu.vector_load %arg7[%swap3A_3658, %swap3A_3659, %swap3A_3660, %swap3A_3661, %swap3A_3662] {strides = array<i32>} : memref<2x8x3x8x128xf32, #tpu.memory_space<vmem>>, vector<16xf32>,
        tpu.vector_store %arg7[%swap3A_3658, %swap3A_3659, %swap3A_3660, %swap3A_3661, %swap3A_3662], %gather3A_3367 {strides = array<i32>} : memref<2x8x3x8x128xf32, #tpu.memory_space<vmem>>, vector<16xf32>,
        %add3A_3664 = arith.constant 14 : i32
        %add3A_3665 = vector.broadcast %add3A_3664 : i32 to vector<16xi32>
        %add3A_3666 = arith.addi %mul3A_2325, %add3A_3665 : vector<16xi32>
        %gather3A_3667 = tpu.vector_load_idx %arg5[%add3A_3666] : memref<576xf32, #tpu.memory_space<vmem>>[vector<16xi32>], vector<16xf32>,
        %swap3A_3668 = arith.constant 1 : i32
        %swap3A_3669 = arith.constant 6 : i32
        %swap3A_3670 = arith.index_cast %rem3A_130 : i32 to index
        %swap3A_3671 = arith.index_cast %add3A_2295 : i32 to index
        %swap3A_3672 = arith.index_cast %swap3A_3668 : i32 to index
        %swap3A_3673 = arith.index_cast %swap3A_3669 : i32 to index
        %swap3A_3674 = arith.constant 48 : index
        %swap3A_3675 = tpu.vector_load %arg7[%swap3A_3670, %swap3A_3671, %swap3A_3672, %swap3A_3673, %swap3A_3674] {strides = array<i32>} : memref<2x8x3x8x128xf32, #tpu.memory_space<vmem>>, vector<16xf32>,
        tpu.vector_store %arg7[%swap3A_3670, %swap3A_3671, %swap3A_3672, %swap3A_3673, %swap3A_3674], %gather3A_3379 {strides = array<i32>} : memref<2x8x3x8x128xf32, #tpu.memory_space<vmem>>, vector<16xf32>,
        %add3A_3676 = arith.constant 15 : i32
        %add3A_3677 = vector.broadcast %add3A_3676 : i32 to vector<16xi32>
        %add3A_3678 = arith.addi %mul3A_2325, %add3A_3677 : vector<16xi32>
        %gather3A_3679 = tpu.vector_load_idx %arg5[%add3A_3678] : memref<576xf32, #tpu.memory_space<vmem>>[vector<16xi32>], vector<16xf32>,
        %swap3A_3680 = arith.constant 1 : i32
        %swap3A_3681 = arith.constant 7 : i32
        %swap3A_3682 = arith.index_cast %rem3A_130 : i32 to index
        %swap3A_3683 = arith.index_cast %add3A_2295 : i32 to index
        %swap3A_3684 = arith.index_cast %swap3A_3680 : i32 to index
        %swap3A_3685 = arith.index_cast %swap3A_3681 : i32 to index
        %swap3A_3686 = arith.constant 48 : index
        %swap3A_3687 = tpu.vector_load %arg7[%swap3A_3682, %swap3A_3683, %swap3A_3684, %swap3A_3685, %swap3A_3686] {strides = array<i32>} : memref<2x8x3x8x128xf32, #tpu.memory_space<vmem>>, vector<16xf32>,
        tpu.vector_store %arg7[%swap3A_3682, %swap3A_3683, %swap3A_3684, %swap3A_3685, %swap3A_3686], %gather3A_3391 {strides = array<i32>} : memref<2x8x3x8x128xf32, #tpu.memory_space<vmem>>, vector<16xf32>,
        %add3A_3688 = arith.constant 16 : i32
        %add3A_3689 = vector.broadcast %add3A_3688 : i32 to vector<16xi32>
        %add3A_3690 = arith.addi %mul3A_2325, %add3A_3689 : vector<16xi32>
        %gather3A_3691 = tpu.vector_load_idx %arg5[%add3A_3690] : memref<576xf32, #tpu.memory_space<vmem>>[vector<16xi32>], vector<16xf32>,
        %swap3A_3692 = arith.constant 2 : i32
        %swap3A_3693 = arith.constant 0 : i32
        %swap3A_3694 = arith.index_cast %rem3A_130 : i32 to index
        %swap3A_3695 = arith.index_cast %add3A_2295 : i32 to index
        %swap3A_3696 = arith.index_cast %swap3A_3692 : i32 to index
        %swap3A_3697 = arith.index_cast %swap3A_3693 : i32 to index
        %swap3A_3698 = arith.constant 48 : index
        %swap3A_3699 = tpu.vector_load %arg7[%swap3A_3694, %swap3A_3695, %swap3A_3696, %swap3A_3697, %swap3A_3698] {strides = array<i32>} : memref<2x8x3x8x128xf32, #tpu.memory_space<vmem>>, vector<16xf32>,
        tpu.vector_store %arg7[%swap3A_3694, %swap3A_3695, %swap3A_3696, %swap3A_3697, %swap3A_3698], %gather3A_3403 {strides = array<i32>} : memref<2x8x3x8x128xf32, #tpu.memory_space<vmem>>, vector<16xf32>,
        %add3A_3700 = arith.constant 17 : i32
        %add3A_3701 = vector.broadcast %add3A_3700 : i32 to vector<16xi32>
        %add3A_3702 = arith.addi %mul3A_2325, %add3A_3701 : vector<16xi32>
        %gather3A_3703 = tpu.vector_load_idx %arg5[%add3A_3702] : memref<576xf32, #tpu.memory_space<vmem>>[vector<16xi32>], vector<16xf32>,
        %swap3A_3704 = arith.constant 2 : i32
        %swap3A_3705 = arith.constant 1 : i32
        %swap3A_3706 = arith.index_cast %rem3A_130 : i32 to index
        %swap3A_3707 = arith.index_cast %add3A_2295 : i32 to index
        %swap3A_3708 = arith.index_cast %swap3A_3704 : i32 to index
        %swap3A_3709 = arith.index_cast %swap3A_3705 : i32 to index
        %swap3A_3710 = arith.constant 48 : index
        %swap3A_3711 = tpu.vector_load %arg7[%swap3A_3706, %swap3A_3707, %swap3A_3708, %swap3A_3709, %swap3A_3710] {strides = array<i32>} : memref<2x8x3x8x128xf32, #tpu.memory_space<vmem>>, vector<16xf32>,
        tpu.vector_store %arg7[%swap3A_3706, %swap3A_3707, %swap3A_3708, %swap3A_3709, %swap3A_3710], %gather3A_3415 {strides = array<i32>} : memref<2x8x3x8x128xf32, #tpu.memory_space<vmem>>, vector<16xf32>,
        %add3A_3712 = arith.constant 18 : i32
        %add3A_3713 = vector.broadcast %add3A_3712 : i32 to vector<16xi32>
        %add3A_3714 = arith.addi %mul3A_2325, %add3A_3713 : vector<16xi32>
        %gather3A_3715 = tpu.vector_load_idx %arg5[%add3A_3714] : memref<576xf32, #tpu.memory_space<vmem>>[vector<16xi32>], vector<16xf32>,
        %swap3A_3716 = arith.constant 2 : i32
        %swap3A_3717 = arith.constant 2 : i32
        %swap3A_3718 = arith.index_cast %rem3A_130 : i32 to index
        %swap3A_3719 = arith.index_cast %add3A_2295 : i32 to index
        %swap3A_3720 = arith.index_cast %swap3A_3716 : i32 to index
        %swap3A_3721 = arith.index_cast %swap3A_3717 : i32 to index
        %swap3A_3722 = arith.constant 48 : index
        %swap3A_3723 = tpu.vector_load %arg7[%swap3A_3718, %swap3A_3719, %swap3A_3720, %swap3A_3721, %swap3A_3722] {strides = array<i32>} : memref<2x8x3x8x128xf32, #tpu.memory_space<vmem>>, vector<16xf32>,
        tpu.vector_store %arg7[%swap3A_3718, %swap3A_3719, %swap3A_3720, %swap3A_3721, %swap3A_3722], %gather3A_3427 {strides = array<i32>} : memref<2x8x3x8x128xf32, #tpu.memory_space<vmem>>, vector<16xf32>,
        %add3A_3724 = arith.constant 19 : i32
        %add3A_3725 = vector.broadcast %add3A_3724 : i32 to vector<16xi32>
        %add3A_3726 = arith.addi %mul3A_2325, %add3A_3725 : vector<16xi32>
        %gather3A_3727 = tpu.vector_load_idx %arg5[%add3A_3726] : memref<576xf32, #tpu.memory_space<vmem>>[vector<16xi32>], vector<16xf32>,
        %swap3A_3728 = arith.constant 2 : i32
        %swap3A_3729 = arith.constant 3 : i32
        %swap3A_3730 = arith.index_cast %rem3A_130 : i32 to index
        %swap3A_3731 = arith.index_cast %add3A_2295 : i32 to index
        %swap3A_3732 = arith.index_cast %swap3A_3728 : i32 to index
        %swap3A_3733 = arith.index_cast %swap3A_3729 : i32 to index
        %swap3A_3734 = arith.constant 48 : index
        %swap3A_3735 = tpu.vector_load %arg7[%swap3A_3730, %swap3A_3731, %swap3A_3732, %swap3A_3733, %swap3A_3734] {strides = array<i32>} : memref<2x8x3x8x128xf32, #tpu.memory_space<vmem>>, vector<16xf32>,
        tpu.vector_store %arg7[%swap3A_3730, %swap3A_3731, %swap3A_3732, %swap3A_3733, %swap3A_3734], %gather3A_3439 {strides = array<i32>} : memref<2x8x3x8x128xf32, #tpu.memory_space<vmem>>, vector<16xf32>,
        %add3A_3736 = arith.constant 20 : i32
        %add3A_3737 = vector.broadcast %add3A_3736 : i32 to vector<16xi32>
        %add3A_3738 = arith.addi %mul3A_2325, %add3A_3737 : vector<16xi32>
        %gather3A_3739 = tpu.vector_load_idx %arg5[%add3A_3738] : memref<576xf32, #tpu.memory_space<vmem>>[vector<16xi32>], vector<16xf32>,
        %swap3A_3740 = arith.constant 2 : i32
        %swap3A_3741 = arith.constant 4 : i32
        %swap3A_3742 = arith.index_cast %rem3A_130 : i32 to index
        %swap3A_3743 = arith.index_cast %add3A_2295 : i32 to index
        %swap3A_3744 = arith.index_cast %swap3A_3740 : i32 to index
        %swap3A_3745 = arith.index_cast %swap3A_3741 : i32 to index
        %swap3A_3746 = arith.constant 48 : index
        %swap3A_3747 = tpu.vector_load %arg7[%swap3A_3742, %swap3A_3743, %swap3A_3744, %swap3A_3745, %swap3A_3746] {strides = array<i32>} : memref<2x8x3x8x128xf32, #tpu.memory_space<vmem>>, vector<16xf32>,
        tpu.vector_store %arg7[%swap3A_3742, %swap3A_3743, %swap3A_3744, %swap3A_3745, %swap3A_3746], %gather3A_3451 {strides = array<i32>} : memref<2x8x3x8x128xf32, #tpu.memory_space<vmem>>, vector<16xf32>,
        %add3A_3748 = arith.constant 21 : i32
        %add3A_3749 = vector.broadcast %add3A_3748 : i32 to vector<16xi32>
        %add3A_3750 = arith.addi %mul3A_2325, %add3A_3749 : vector<16xi32>
        %gather3A_3751 = tpu.vector_load_idx %arg5[%add3A_3750] : memref<576xf32, #tpu.memory_space<vmem>>[vector<16xi32>], vector<16xf32>,
        %swap3A_3752 = arith.constant 2 : i32
        %swap3A_3753 = arith.constant 5 : i32
        %swap3A_3754 = arith.index_cast %rem3A_130 : i32 to index
        %swap3A_3755 = arith.index_cast %add3A_2295 : i32 to index
        %swap3A_3756 = arith.index_cast %swap3A_3752 : i32 to index
        %swap3A_3757 = arith.index_cast %swap3A_3753 : i32 to index
        %swap3A_3758 = arith.constant 48 : index
        %swap3A_3759 = tpu.vector_load %arg7[%swap3A_3754, %swap3A_3755, %swap3A_3756, %swap3A_3757, %swap3A_3758] {strides = array<i32>} : memref<2x8x3x8x128xf32, #tpu.memory_space<vmem>>, vector<16xf32>,
        tpu.vector_store %arg7[%swap3A_3754, %swap3A_3755, %swap3A_3756, %swap3A_3757, %swap3A_3758], %gather3A_3463 {strides = array<i32>} : memref<2x8x3x8x128xf32, #tpu.memory_space<vmem>>, vector<16xf32>,
        %add3A_3760 = arith.constant 22 : i32
        %add3A_3761 = vector.broadcast %add3A_3760 : i32 to vector<16xi32>
        %add3A_3762 = arith.addi %mul3A_2325, %add3A_3761 : vector<16xi32>
        %gather3A_3763 = tpu.vector_load_idx %arg5[%add3A_3762] : memref<576xf32, #tpu.memory_space<vmem>>[vector<16xi32>], vector<16xf32>,
        %swap3A_3764 = arith.constant 2 : i32
        %swap3A_3765 = arith.constant 6 : i32
        %swap3A_3766 = arith.index_cast %rem3A_130 : i32 to index
        %swap3A_3767 = arith.index_cast %add3A_2295 : i32 to index
        %swap3A_3768 = arith.index_cast %swap3A_3764 : i32 to index
        %swap3A_3769 = arith.index_cast %swap3A_3765 : i32 to index
        %swap3A_3770 = arith.constant 48 : index
        %swap3A_3771 = tpu.vector_load %arg7[%swap3A_3766, %swap3A_3767, %swap3A_3768, %swap3A_3769, %swap3A_3770] {strides = array<i32>} : memref<2x8x3x8x128xf32, #tpu.memory_space<vmem>>, vector<16xf32>,
        tpu.vector_store %arg7[%swap3A_3766, %swap3A_3767, %swap3A_3768, %swap3A_3769, %swap3A_3770], %gather3A_3475 {strides = array<i32>} : memref<2x8x3x8x128xf32, #tpu.memory_space<vmem>>, vector<16xf32>,
        %add3A_3772 = arith.constant 23 : i32
        %add3A_3773 = vector.broadcast %add3A_3772 : i32 to vector<16xi32>
        %add3A_3774 = arith.addi %mul3A_2325, %add3A_3773 : vector<16xi32>
        %gather3A_3775 = tpu.vector_load_idx %arg5[%add3A_3774] : memref<576xf32, #tpu.memory_space<vmem>>[vector<16xi32>], vector<16xf32>,
        %swap3A_3776 = arith.constant 2 : i32
        %swap3A_3777 = arith.constant 7 : i32
        %swap3A_3778 = arith.index_cast %rem3A_130 : i32 to index
        %swap3A_3779 = arith.index_cast %add3A_2295 : i32 to index
        %swap3A_3780 = arith.index_cast %swap3A_3776 : i32 to index
        %swap3A_3781 = arith.index_cast %swap3A_3777 : i32 to index
        %swap3A_3782 = arith.constant 48 : index
        %swap3A_3783 = tpu.vector_load %arg7[%swap3A_3778, %swap3A_3779, %swap3A_3780, %swap3A_3781, %swap3A_3782] {strides = array<i32>} : memref<2x8x3x8x128xf32, #tpu.memory_space<vmem>>, vector<16xf32>,
        tpu.vector_store %arg7[%swap3A_3778, %swap3A_3779, %swap3A_3780, %swap3A_3781, %swap3A_3782], %gather3A_3487 {strides = array<i32>} : memref<2x8x3x8x128xf32, #tpu.memory_space<vmem>>, vector<16xf32>,
        %add3A_3784 = arith.constant 0 : i32
        %add3A_3785 = vector.broadcast %add3A_3784 : i32 to vector<16xi32>
        %add3A_3786 = arith.addi %mul3A_2331, %add3A_3785 : vector<16xi32>
        %gather3A_3787 = tpu.vector_load_idx %arg5[%add3A_3786] : memref<576xf32, #tpu.memory_space<vmem>>[vector<16xi32>], vector<16xf32>,
        %swap3A_3788 = arith.constant 0 : i32
        %swap3A_3789 = arith.constant 0 : i32
        %swap3A_3790 = arith.index_cast %rem3A_130 : i32 to index
        %swap3A_3791 = arith.index_cast %add3A_2295 : i32 to index
        %swap3A_3792 = arith.index_cast %swap3A_3788 : i32 to index
        %swap3A_3793 = arith.index_cast %swap3A_3789 : i32 to index
        %swap3A_3794 = arith.constant 64 : index
        %swap3A_3795 = tpu.vector_load %arg7[%swap3A_3790, %swap3A_3791, %swap3A_3792, %swap3A_3793, %swap3A_3794] {strides = array<i32>} : memref<2x8x3x8x128xf32, #tpu.memory_space<vmem>>, vector<16xf32>,
        tpu.vector_store %arg7[%swap3A_3790, %swap3A_3791, %swap3A_3792, %swap3A_3793, %swap3A_3794], %gather3A_3499 {strides = array<i32>} : memref<2x8x3x8x128xf32, #tpu.memory_space<vmem>>, vector<16xf32>,
        %add3A_3796 = arith.constant 1 : i32
        %add3A_3797 = vector.broadcast %add3A_3796 : i32 to vector<16xi32>
        %add3A_3798 = arith.addi %mul3A_2331, %add3A_3797 : vector<16xi32>
        %gather3A_3799 = tpu.vector_load_idx %arg5[%add3A_3798] : memref<576xf32, #tpu.memory_space<vmem>>[vector<16xi32>], vector<16xf32>,
        %swap3A_3800 = arith.constant 0 : i32
        %swap3A_3801 = arith.constant 1 : i32
        %swap3A_3802 = arith.index_cast %rem3A_130 : i32 to index
        %swap3A_3803 = arith.index_cast %add3A_2295 : i32 to index
        %swap3A_3804 = arith.index_cast %swap3A_3800 : i32 to index
        %swap3A_3805 = arith.index_cast %swap3A_3801 : i32 to index
        %swap3A_3806 = arith.constant 64 : index
        %swap3A_3807 = tpu.vector_load %arg7[%swap3A_3802, %swap3A_3803, %swap3A_3804, %swap3A_3805, %swap3A_3806] {strides = array<i32>} : memref<2x8x3x8x128xf32, #tpu.memory_space<vmem>>, vector<16xf32>,
        tpu.vector_store %arg7[%swap3A_3802, %swap3A_3803, %swap3A_3804, %swap3A_3805, %swap3A_3806], %gather3A_3511 {strides = array<i32>} : memref<2x8x3x8x128xf32, #tpu.memory_space<vmem>>, vector<16xf32>,
        %add3A_3808 = arith.constant 2 : i32
        %add3A_3809 = vector.broadcast %add3A_3808 : i32 to vector<16xi32>
        %add3A_3810 = arith.addi %mul3A_2331, %add3A_3809 : vector<16xi32>
        %gather3A_3811 = tpu.vector_load_idx %arg5[%add3A_3810] : memref<576xf32, #tpu.memory_space<vmem>>[vector<16xi32>], vector<16xf32>,
        %swap3A_3812 = arith.constant 0 : i32
        %swap3A_3813 = arith.constant 2 : i32
        %swap3A_3814 = arith.index_cast %rem3A_130 : i32 to index
        %swap3A_3815 = arith.index_cast %add3A_2295 : i32 to index
        %swap3A_3816 = arith.index_cast %swap3A_3812 : i32 to index
        %swap3A_3817 = arith.index_cast %swap3A_3813 : i32 to index
        %swap3A_3818 = arith.constant 64 : index
        %swap3A_3819 = tpu.vector_load %arg7[%swap3A_3814, %swap3A_3815, %swap3A_3816, %swap3A_3817, %swap3A_3818] {strides = array<i32>} : memref<2x8x3x8x128xf32, #tpu.memory_space<vmem>>, vector<16xf32>,
        tpu.vector_store %arg7[%swap3A_3814, %swap3A_3815, %swap3A_3816, %swap3A_3817, %swap3A_3818], %gather3A_3523 {strides = array<i32>} : memref<2x8x3x8x128xf32, #tpu.memory_space<vmem>>, vector<16xf32>,
        %add3A_3820 = arith.constant 3 : i32
        %add3A_3821 = vector.broadcast %add3A_3820 : i32 to vector<16xi32>
        %add3A_3822 = arith.addi %mul3A_2331, %add3A_3821 : vector<16xi32>
        %gather3A_3823 = tpu.vector_load_idx %arg5[%add3A_3822] : memref<576xf32, #tpu.memory_space<vmem>>[vector<16xi32>], vector<16xf32>,
        %swap3A_3824 = arith.constant 0 : i32
        %swap3A_3825 = arith.constant 3 : i32
        %swap3A_3826 = arith.index_cast %rem3A_130 : i32 to index
        %swap3A_3827 = arith.index_cast %add3A_2295 : i32 to index
        %swap3A_3828 = arith.index_cast %swap3A_3824 : i32 to index
        %swap3A_3829 = arith.index_cast %swap3A_3825 : i32 to index
        %swap3A_3830 = arith.constant 64 : index
        %swap3A_3831 = tpu.vector_load %arg7[%swap3A_3826, %swap3A_3827, %swap3A_3828, %swap3A_3829, %swap3A_3830] {strides = array<i32>} : memref<2x8x3x8x128xf32, #tpu.memory_space<vmem>>, vector<16xf32>,
        tpu.vector_store %arg7[%swap3A_3826, %swap3A_3827, %swap3A_3828, %swap3A_3829, %swap3A_3830], %gather3A_3535 {strides = array<i32>} : memref<2x8x3x8x128xf32, #tpu.memory_space<vmem>>, vector<16xf32>,
        %add3A_3832 = arith.constant 4 : i32
        %add3A_3833 = vector.broadcast %add3A_3832 : i32 to vector<16xi32>
        %add3A_3834 = arith.addi %mul3A_2331, %add3A_3833 : vector<16xi32>
        %gather3A_3835 = tpu.vector_load_idx %arg5[%add3A_3834] : memref<576xf32, #tpu.memory_space<vmem>>[vector<16xi32>], vector<16xf32>,
        %swap3A_3836 = arith.constant 0 : i32
        %swap3A_3837 = arith.constant 4 : i32
        %swap3A_3838 = arith.index_cast %rem3A_130 : i32 to index
        %swap3A_3839 = arith.index_cast %add3A_2295 : i32 to index
        %swap3A_3840 = arith.index_cast %swap3A_3836 : i32 to index
        %swap3A_3841 = arith.index_cast %swap3A_3837 : i32 to index
        %swap3A_3842 = arith.constant 64 : index
        %swap3A_3843 = tpu.vector_load %arg7[%swap3A_3838, %swap3A_3839, %swap3A_3840, %swap3A_3841, %swap3A_3842] {strides = array<i32>} : memref<2x8x3x8x128xf32, #tpu.memory_space<vmem>>, vector<16xf32>,
        tpu.vector_store %arg7[%swap3A_3838, %swap3A_3839, %swap3A_3840, %swap3A_3841, %swap3A_3842], %gather3A_3547 {strides = array<i32>} : memref<2x8x3x8x128xf32, #tpu.memory_space<vmem>>, vector<16xf32>,
        %add3A_3844 = arith.constant 5 : i32
        %add3A_3845 = vector.broadcast %add3A_3844 : i32 to vector<16xi32>
        %add3A_3846 = arith.addi %mul3A_2331, %add3A_3845 : vector<16xi32>
        %gather3A_3847 = tpu.vector_load_idx %arg5[%add3A_3846] : memref<576xf32, #tpu.memory_space<vmem>>[vector<16xi32>], vector<16xf32>,
        %swap3A_3848 = arith.constant 0 : i32
        %swap3A_3849 = arith.constant 5 : i32
        %swap3A_3850 = arith.index_cast %rem3A_130 : i32 to index
        %swap3A_3851 = arith.index_cast %add3A_2295 : i32 to index
        %swap3A_3852 = arith.index_cast %swap3A_3848 : i32 to index
        %swap3A_3853 = arith.index_cast %swap3A_3849 : i32 to index
        %swap3A_3854 = arith.constant 64 : index
        %swap3A_3855 = tpu.vector_load %arg7[%swap3A_3850, %swap3A_3851, %swap3A_3852, %swap3A_3853, %swap3A_3854] {strides = array<i32>} : memref<2x8x3x8x128xf32, #tpu.memory_space<vmem>>, vector<16xf32>,
        tpu.vector_store %arg7[%swap3A_3850, %swap3A_3851, %swap3A_3852, %swap3A_3853, %swap3A_3854], %gather3A_3559 {strides = array<i32>} : memref<2x8x3x8x128xf32, #tpu.memory_space<vmem>>, vector<16xf32>,
        %add3A_3856 = arith.constant 6 : i32
        %add3A_3857 = vector.broadcast %add3A_3856 : i32 to vector<16xi32>
        %add3A_3858 = arith.addi %mul3A_2331, %add3A_3857 : vector<16xi32>
        %gather3A_3859 = tpu.vector_load_idx %arg5[%add3A_3858] : memref<576xf32, #tpu.memory_space<vmem>>[vector<16xi32>], vector<16xf32>,
        %swap3A_3860 = arith.constant 0 : i32
        %swap3A_3861 = arith.constant 6 : i32
        %swap3A_3862 = arith.index_cast %rem3A_130 : i32 to index
        %swap3A_3863 = arith.index_cast %add3A_2295 : i32 to index
        %swap3A_3864 = arith.index_cast %swap3A_3860 : i32 to index
        %swap3A_3865 = arith.index_cast %swap3A_3861 : i32 to index
        %swap3A_3866 = arith.constant 64 : index
        %swap3A_3867 = tpu.vector_load %arg7[%swap3A_3862, %swap3A_3863, %swap3A_3864, %swap3A_3865, %swap3A_3866] {strides = array<i32>} : memref<2x8x3x8x128xf32, #tpu.memory_space<vmem>>, vector<16xf32>,
        tpu.vector_store %arg7[%swap3A_3862, %swap3A_3863, %swap3A_3864, %swap3A_3865, %swap3A_3866], %gather3A_3571 {strides = array<i32>} : memref<2x8x3x8x128xf32, #tpu.memory_space<vmem>>, vector<16xf32>,
        %add3A_3868 = arith.constant 7 : i32
        %add3A_3869 = vector.broadcast %add3A_3868 : i32 to vector<16xi32>
        %add3A_3870 = arith.addi %mul3A_2331, %add3A_3869 : vector<16xi32>
        %gather3A_3871 = tpu.vector_load_idx %arg5[%add3A_3870] : memref<576xf32, #tpu.memory_space<vmem>>[vector<16xi32>], vector<16xf32>,
        %swap3A_3872 = arith.constant 0 : i32
        %swap3A_3873 = arith.constant 7 : i32
        %swap3A_3874 = arith.index_cast %rem3A_130 : i32 to index
        %swap3A_3875 = arith.index_cast %add3A_2295 : i32 to index
        %swap3A_3876 = arith.index_cast %swap3A_3872 : i32 to index
        %swap3A_3877 = arith.index_cast %swap3A_3873 : i32 to index
        %swap3A_3878 = arith.constant 64 : index
        %swap3A_3879 = tpu.vector_load %arg7[%swap3A_3874, %swap3A_3875, %swap3A_3876, %swap3A_3877, %swap3A_3878] {strides = array<i32>} : memref<2x8x3x8x128xf32, #tpu.memory_space<vmem>>, vector<16xf32>,
        tpu.vector_store %arg7[%swap3A_3874, %swap3A_3875, %swap3A_3876, %swap3A_3877, %swap3A_3878], %gather3A_3583 {strides = array<i32>} : memref<2x8x3x8x128xf32, #tpu.memory_space<vmem>>, vector<16xf32>,
        %add3A_3880 = arith.constant 8 : i32
        %add3A_3881 = vector.broadcast %add3A_3880 : i32 to vector<16xi32>
        %add3A_3882 = arith.addi %mul3A_2331, %add3A_3881 : vector<16xi32>
        %gather3A_3883 = tpu.vector_load_idx %arg5[%add3A_3882] : memref<576xf32, #tpu.memory_space<vmem>>[vector<16xi32>], vector<16xf32>,
        %swap3A_3884 = arith.constant 1 : i32
        %swap3A_3885 = arith.constant 0 : i32
        %swap3A_3886 = arith.index_cast %rem3A_130 : i32 to index
        %swap3A_3887 = arith.index_cast %add3A_2295 : i32 to index
        %swap3A_3888 = arith.index_cast %swap3A_3884 : i32 to index
        %swap3A_3889 = arith.index_cast %swap3A_3885 : i32 to index
        %swap3A_3890 = arith.constant 64 : index
        %swap3A_3891 = tpu.vector_load %arg7[%swap3A_3886, %swap3A_3887, %swap3A_3888, %swap3A_3889, %swap3A_3890] {strides = array<i32>} : memref<2x8x3x8x128xf32, #tpu.memory_space<vmem>>, vector<16xf32>,
        tpu.vector_store %arg7[%swap3A_3886, %swap3A_3887, %swap3A_3888, %swap3A_3889, %swap3A_3890], %gather3A_3595 {strides = array<i32>} : memref<2x8x3x8x128xf32, #tpu.memory_space<vmem>>, vector<16xf32>,
        %add3A_3892 = arith.constant 9 : i32
        %add3A_3893 = vector.broadcast %add3A_3892 : i32 to vector<16xi32>
        %add3A_3894 = arith.addi %mul3A_2331, %add3A_3893 : vector<16xi32>
        %gather3A_3895 = tpu.vector_load_idx %arg5[%add3A_3894] : memref<576xf32, #tpu.memory_space<vmem>>[vector<16xi32>], vector<16xf32>,
        %swap3A_3896 = arith.constant 1 : i32
        %swap3A_3897 = arith.constant 1 : i32
        %swap3A_3898 = arith.index_cast %rem3A_130 : i32 to index
        %swap3A_3899 = arith.index_cast %add3A_2295 : i32 to index
        %swap3A_3900 = arith.index_cast %swap3A_3896 : i32 to index
        %swap3A_3901 = arith.index_cast %swap3A_3897 : i32 to index
        %swap3A_3902 = arith.constant 64 : index
        %swap3A_3903 = tpu.vector_load %arg7[%swap3A_3898, %swap3A_3899, %swap3A_3900, %swap3A_3901, %swap3A_3902] {strides = array<i32>} : memref<2x8x3x8x128xf32, #tpu.memory_space<vmem>>, vector<16xf32>,
        tpu.vector_store %arg7[%swap3A_3898, %swap3A_3899, %swap3A_3900, %swap3A_3901, %swap3A_3902], %gather3A_3607 {strides = array<i32>} : memref<2x8x3x8x128xf32, #tpu.memory_space<vmem>>, vector<16xf32>,
        %add3A_3904 = arith.constant 10 : i32
        %add3A_3905 = vector.broadcast %add3A_3904 : i32 to vector<16xi32>
        %add3A_3906 = arith.addi %mul3A_2331, %add3A_3905 : vector<16xi32>
        %gather3A_3907 = tpu.vector_load_idx %arg5[%add3A_3906] : memref<576xf32, #tpu.memory_space<vmem>>[vector<16xi32>], vector<16xf32>,
        %swap3A_3908 = arith.constant 1 : i32
        %swap3A_3909 = arith.constant 2 : i32
        %swap3A_3910 = arith.index_cast %rem3A_130 : i32 to index
        %swap3A_3911 = arith.index_cast %add3A_2295 : i32 to index
        %swap3A_3912 = arith.index_cast %swap3A_3908 : i32 to index
        %swap3A_3913 = arith.index_cast %swap3A_3909 : i32 to index
        %swap3A_3914 = arith.constant 64 : index
        %swap3A_3915 = tpu.vector_load %arg7[%swap3A_3910, %swap3A_3911, %swap3A_3912, %swap3A_3913, %swap3A_3914] {strides = array<i32>} : memref<2x8x3x8x128xf32, #tpu.memory_space<vmem>>, vector<16xf32>,
        tpu.vector_store %arg7[%swap3A_3910, %swap3A_3911, %swap3A_3912, %swap3A_3913, %swap3A_3914], %gather3A_3619 {strides = array<i32>} : memref<2x8x3x8x128xf32, #tpu.memory_space<vmem>>, vector<16xf32>,
        %add3A_3916 = arith.constant 11 : i32
        %add3A_3917 = vector.broadcast %add3A_3916 : i32 to vector<16xi32>
        %add3A_3918 = arith.addi %mul3A_2331, %add3A_3917 : vector<16xi32>
        %gather3A_3919 = tpu.vector_load_idx %arg5[%add3A_3918] : memref<576xf32, #tpu.memory_space<vmem>>[vector<16xi32>], vector<16xf32>,
        %swap3A_3920 = arith.constant 1 : i32
        %swap3A_3921 = arith.constant 3 : i32
        %swap3A_3922 = arith.index_cast %rem3A_130 : i32 to index
        %swap3A_3923 = arith.index_cast %add3A_2295 : i32 to index
        %swap3A_3924 = arith.index_cast %swap3A_3920 : i32 to index
        %swap3A_3925 = arith.index_cast %swap3A_3921 : i32 to index
        %swap3A_3926 = arith.constant 64 : index
        %swap3A_3927 = tpu.vector_load %arg7[%swap3A_3922, %swap3A_3923, %swap3A_3924, %swap3A_3925, %swap3A_3926] {strides = array<i32>} : memref<2x8x3x8x128xf32, #tpu.memory_space<vmem>>, vector<16xf32>,
        tpu.vector_store %arg7[%swap3A_3922, %swap3A_3923, %swap3A_3924, %swap3A_3925, %swap3A_3926], %gather3A_3631 {strides = array<i32>} : memref<2x8x3x8x128xf32, #tpu.memory_space<vmem>>, vector<16xf32>,
        %add3A_3928 = arith.constant 12 : i32
        %add3A_3929 = vector.broadcast %add3A_3928 : i32 to vector<16xi32>
        %add3A_3930 = arith.addi %mul3A_2331, %add3A_3929 : vector<16xi32>
        %gather3A_3931 = tpu.vector_load_idx %arg5[%add3A_3930] : memref<576xf32, #tpu.memory_space<vmem>>[vector<16xi32>], vector<16xf32>,
        %swap3A_3932 = arith.constant 1 : i32
        %swap3A_3933 = arith.constant 4 : i32
        %swap3A_3934 = arith.index_cast %rem3A_130 : i32 to index
        %swap3A_3935 = arith.index_cast %add3A_2295 : i32 to index
        %swap3A_3936 = arith.index_cast %swap3A_3932 : i32 to index
        %swap3A_3937 = arith.index_cast %swap3A_3933 : i32 to index
        %swap3A_3938 = arith.constant 64 : index
        %swap3A_3939 = tpu.vector_load %arg7[%swap3A_3934, %swap3A_3935, %swap3A_3936, %swap3A_3937, %swap3A_3938] {strides = array<i32>} : memref<2x8x3x8x128xf32, #tpu.memory_space<vmem>>, vector<16xf32>,
        tpu.vector_store %arg7[%swap3A_3934, %swap3A_3935, %swap3A_3936, %swap3A_3937, %swap3A_3938], %gather3A_3643 {strides = array<i32>} : memref<2x8x3x8x128xf32, #tpu.memory_space<vmem>>, vector<16xf32>,
        %add3A_3940 = arith.constant 13 : i32
        %add3A_3941 = vector.broadcast %add3A_3940 : i32 to vector<16xi32>
        %add3A_3942 = arith.addi %mul3A_2331, %add3A_3941 : vector<16xi32>
        %gather3A_3943 = tpu.vector_load_idx %arg5[%add3A_3942] : memref<576xf32, #tpu.memory_space<vmem>>[vector<16xi32>], vector<16xf32>,
        %swap3A_3944 = arith.constant 1 : i32
        %swap3A_3945 = arith.constant 5 : i32
        %swap3A_3946 = arith.index_cast %rem3A_130 : i32 to index
        %swap3A_3947 = arith.index_cast %add3A_2295 : i32 to index
        %swap3A_3948 = arith.index_cast %swap3A_3944 : i32 to index
        %swap3A_3949 = arith.index_cast %swap3A_3945 : i32 to index
        %swap3A_3950 = arith.constant 64 : index
        %swap3A_3951 = tpu.vector_load %arg7[%swap3A_3946, %swap3A_3947, %swap3A_3948, %swap3A_3949, %swap3A_3950] {strides = array<i32>} : memref<2x8x3x8x128xf32, #tpu.memory_space<vmem>>, vector<16xf32>,
        tpu.vector_store %arg7[%swap3A_3946, %swap3A_3947, %swap3A_3948, %swap3A_3949, %swap3A_3950], %gather3A_3655 {strides = array<i32>} : memref<2x8x3x8x128xf32, #tpu.memory_space<vmem>>, vector<16xf32>,
        %add3A_3952 = arith.constant 14 : i32
        %add3A_3953 = vector.broadcast %add3A_3952 : i32 to vector<16xi32>
        %add3A_3954 = arith.addi %mul3A_2331, %add3A_3953 : vector<16xi32>
        %gather3A_3955 = tpu.vector_load_idx %arg5[%add3A_3954] : memref<576xf32, #tpu.memory_space<vmem>>[vector<16xi32>], vector<16xf32>,
        %swap3A_3956 = arith.constant 1 : i32
        %swap3A_3957 = arith.constant 6 : i32
        %swap3A_3958 = arith.index_cast %rem3A_130 : i32 to index
        %swap3A_3959 = arith.index_cast %add3A_2295 : i32 to index
        %swap3A_3960 = arith.index_cast %swap3A_3956 : i32 to index
        %swap3A_3961 = arith.index_cast %swap3A_3957 : i32 to index
        %swap3A_3962 = arith.constant 64 : index
        %swap3A_3963 = tpu.vector_load %arg7[%swap3A_3958, %swap3A_3959, %swap3A_3960, %swap3A_3961, %swap3A_3962] {strides = array<i32>} : memref<2x8x3x8x128xf32, #tpu.memory_space<vmem>>, vector<16xf32>,
        tpu.vector_store %arg7[%swap3A_3958, %swap3A_3959, %swap3A_3960, %swap3A_3961, %swap3A_3962], %gather3A_3667 {strides = array<i32>} : memref<2x8x3x8x128xf32, #tpu.memory_space<vmem>>, vector<16xf32>,
        %add3A_3964 = arith.constant 15 : i32
        %add3A_3965 = vector.broadcast %add3A_3964 : i32 to vector<16xi32>
        %add3A_3966 = arith.addi %mul3A_2331, %add3A_3965 : vector<16xi32>
        %gather3A_3967 = tpu.vector_load_idx %arg5[%add3A_3966] : memref<576xf32, #tpu.memory_space<vmem>>[vector<16xi32>], vector<16xf32>,
        %swap3A_3968 = arith.constant 1 : i32
        %swap3A_3969 = arith.constant 7 : i32
        %swap3A_3970 = arith.index_cast %rem3A_130 : i32 to index
        %swap3A_3971 = arith.index_cast %add3A_2295 : i32 to index
        %swap3A_3972 = arith.index_cast %swap3A_3968 : i32 to index
        %swap3A_3973 = arith.index_cast %swap3A_3969 : i32 to index
        %swap3A_3974 = arith.constant 64 : index
        %swap3A_3975 = tpu.vector_load %arg7[%swap3A_3970, %swap3A_3971, %swap3A_3972, %swap3A_3973, %swap3A_3974] {strides = array<i32>} : memref<2x8x3x8x128xf32, #tpu.memory_space<vmem>>, vector<16xf32>,
        tpu.vector_store %arg7[%swap3A_3970, %swap3A_3971, %swap3A_3972, %swap3A_3973, %swap3A_3974], %gather3A_3679 {strides = array<i32>} : memref<2x8x3x8x128xf32, #tpu.memory_space<vmem>>, vector<16xf32>,
        %add3A_3976 = arith.constant 16 : i32
        %add3A_3977 = vector.broadcast %add3A_3976 : i32 to vector<16xi32>
        %add3A_3978 = arith.addi %mul3A_2331, %add3A_3977 : vector<16xi32>
        %gather3A_3979 = tpu.vector_load_idx %arg5[%add3A_3978] : memref<576xf32, #tpu.memory_space<vmem>>[vector<16xi32>], vector<16xf32>,
        %swap3A_3980 = arith.constant 2 : i32
        %swap3A_3981 = arith.constant 0 : i32
        %swap3A_3982 = arith.index_cast %rem3A_130 : i32 to index
        %swap3A_3983 = arith.index_cast %add3A_2295 : i32 to index
        %swap3A_3984 = arith.index_cast %swap3A_3980 : i32 to index
        %swap3A_3985 = arith.index_cast %swap3A_3981 : i32 to index
        %swap3A_3986 = arith.constant 64 : index
        %swap3A_3987 = tpu.vector_load %arg7[%swap3A_3982, %swap3A_3983, %swap3A_3984, %swap3A_3985, %swap3A_3986] {strides = array<i32>} : memref<2x8x3x8x128xf32, #tpu.memory_space<vmem>>, vector<16xf32>,
        tpu.vector_store %arg7[%swap3A_3982, %swap3A_3983, %swap3A_3984, %swap3A_3985, %swap3A_3986], %gather3A_3691 {strides = array<i32>} : memref<2x8x3x8x128xf32, #tpu.memory_space<vmem>>, vector<16xf32>,
        %add3A_3988 = arith.constant 17 : i32
        %add3A_3989 = vector.broadcast %add3A_3988 : i32 to vector<16xi32>
        %add3A_3990 = arith.addi %mul3A_2331, %add3A_3989 : vector<16xi32>
        %gather3A_3991 = tpu.vector_load_idx %arg5[%add3A_3990] : memref<576xf32, #tpu.memory_space<vmem>>[vector<16xi32>], vector<16xf32>,
        %swap3A_3992 = arith.constant 2 : i32
        %swap3A_3993 = arith.constant 1 : i32
        %swap3A_3994 = arith.index_cast %rem3A_130 : i32 to index
        %swap3A_3995 = arith.index_cast %add3A_2295 : i32 to index
        %swap3A_3996 = arith.index_cast %swap3A_3992 : i32 to index
        %swap3A_3997 = arith.index_cast %swap3A_3993 : i32 to index
        %swap3A_3998 = arith.constant 64 : index
        %swap3A_3999 = tpu.vector_load %arg7[%swap3A_3994, %swap3A_3995, %swap3A_3996, %swap3A_3997, %swap3A_3998] {strides = array<i32>} : memref<2x8x3x8x128xf32, #tpu.memory_space<vmem>>, vector<16xf32>,
        tpu.vector_store %arg7[%swap3A_3994, %swap3A_3995, %swap3A_3996, %swap3A_3997, %swap3A_3998], %gather3A_3703 {strides = array<i32>} : memref<2x8x3x8x128xf32, #tpu.memory_space<vmem>>, vector<16xf32>,
        %add3A_4000 = arith.constant 18 : i32
        %add3A_4001 = vector.broadcast %add3A_4000 : i32 to vector<16xi32>
        %add3A_4002 = arith.addi %mul3A_2331, %add3A_4001 : vector<16xi32>
        %gather3A_4003 = tpu.vector_load_idx %arg5[%add3A_4002] : memref<576xf32, #tpu.memory_space<vmem>>[vector<16xi32>], vector<16xf32>,
        %swap3A_4004 = arith.constant 2 : i32
        %swap3A_4005 = arith.constant 2 : i32
        %swap3A_4006 = arith.index_cast %rem3A_130 : i32 to index
        %swap3A_4007 = arith.index_cast %add3A_2295 : i32 to index
        %swap3A_4008 = arith.index_cast %swap3A_4004 : i32 to index
        %swap3A_4009 = arith.index_cast %swap3A_4005 : i32 to index
        %swap3A_4010 = arith.constant 64 : index
        %swap3A_4011 = tpu.vector_load %arg7[%swap3A_4006, %swap3A_4007, %swap3A_4008, %swap3A_4009, %swap3A_4010] {strides = array<i32>} : memref<2x8x3x8x128xf32, #tpu.memory_space<vmem>>, vector<16xf32>,
        tpu.vector_store %arg7[%swap3A_4006, %swap3A_4007, %swap3A_4008, %swap3A_4009, %swap3A_4010], %gather3A_3715 {strides = array<i32>} : memref<2x8x3x8x128xf32, #tpu.memory_space<vmem>>, vector<16xf32>,
        %add3A_4012 = arith.constant 19 : i32
        %add3A_4013 = vector.broadcast %add3A_4012 : i32 to vector<16xi32>
        %add3A_4014 = arith.addi %mul3A_2331, %add3A_4013 : vector<16xi32>
        %gather3A_4015 = tpu.vector_load_idx %arg5[%add3A_4014] : memref<576xf32, #tpu.memory_space<vmem>>[vector<16xi32>], vector<16xf32>,
        %swap3A_4016 = arith.constant 2 : i32
        %swap3A_4017 = arith.constant 3 : i32
        %swap3A_4018 = arith.index_cast %rem3A_130 : i32 to index
        %swap3A_4019 = arith.index_cast %add3A_2295 : i32 to index
        %swap3A_4020 = arith.index_cast %swap3A_4016 : i32 to index
        %swap3A_4021 = arith.index_cast %swap3A_4017 : i32 to index
        %swap3A_4022 = arith.constant 64 : index
        %swap3A_4023 = tpu.vector_load %arg7[%swap3A_4018, %swap3A_4019, %swap3A_4020, %swap3A_4021, %swap3A_4022] {strides = array<i32>} : memref<2x8x3x8x128xf32, #tpu.memory_space<vmem>>, vector<16xf32>,
        tpu.vector_store %arg7[%swap3A_4018, %swap3A_4019, %swap3A_4020, %swap3A_4021, %swap3A_4022], %gather3A_3727 {strides = array<i32>} : memref<2x8x3x8x128xf32, #tpu.memory_space<vmem>>, vector<16xf32>,
        %add3A_4024 = arith.constant 20 : i32
        %add3A_4025 = vector.broadcast %add3A_4024 : i32 to vector<16xi32>
        %add3A_4026 = arith.addi %mul3A_2331, %add3A_4025 : vector<16xi32>
        %gather3A_4027 = tpu.vector_load_idx %arg5[%add3A_4026] : memref<576xf32, #tpu.memory_space<vmem>>[vector<16xi32>], vector<16xf32>,
        %swap3A_4028 = arith.constant 2 : i32
        %swap3A_4029 = arith.constant 4 : i32
        %swap3A_4030 = arith.index_cast %rem3A_130 : i32 to index
        %swap3A_4031 = arith.index_cast %add3A_2295 : i32 to index
        %swap3A_4032 = arith.index_cast %swap3A_4028 : i32 to index
        %swap3A_4033 = arith.index_cast %swap3A_4029 : i32 to index
        %swap3A_4034 = arith.constant 64 : index
        %swap3A_4035 = tpu.vector_load %arg7[%swap3A_4030, %swap3A_4031, %swap3A_4032, %swap3A_4033, %swap3A_4034] {strides = array<i32>} : memref<2x8x3x8x128xf32, #tpu.memory_space<vmem>>, vector<16xf32>,
        tpu.vector_store %arg7[%swap3A_4030, %swap3A_4031, %swap3A_4032, %swap3A_4033, %swap3A_4034], %gather3A_3739 {strides = array<i32>} : memref<2x8x3x8x128xf32, #tpu.memory_space<vmem>>, vector<16xf32>,
        %add3A_4036 = arith.constant 21 : i32
        %add3A_4037 = vector.broadcast %add3A_4036 : i32 to vector<16xi32>
        %add3A_4038 = arith.addi %mul3A_2331, %add3A_4037 : vector<16xi32>
        %gather3A_4039 = tpu.vector_load_idx %arg5[%add3A_4038] : memref<576xf32, #tpu.memory_space<vmem>>[vector<16xi32>], vector<16xf32>,
        %swap3A_4040 = arith.constant 2 : i32
        %swap3A_4041 = arith.constant 5 : i32
        %swap3A_4042 = arith.index_cast %rem3A_130 : i32 to index
        %swap3A_4043 = arith.index_cast %add3A_2295 : i32 to index
        %swap3A_4044 = arith.index_cast %swap3A_4040 : i32 to index
        %swap3A_4045 = arith.index_cast %swap3A_4041 : i32 to index
        %swap3A_4046 = arith.constant 64 : index
        %swap3A_4047 = tpu.vector_load %arg7[%swap3A_4042, %swap3A_4043, %swap3A_4044, %swap3A_4045, %swap3A_4046] {strides = array<i32>} : memref<2x8x3x8x128xf32, #tpu.memory_space<vmem>>, vector<16xf32>,
        tpu.vector_store %arg7[%swap3A_4042, %swap3A_4043, %swap3A_4044, %swap3A_4045, %swap3A_4046], %gather3A_3751 {strides = array<i32>} : memref<2x8x3x8x128xf32, #tpu.memory_space<vmem>>, vector<16xf32>,
        %add3A_4048 = arith.constant 22 : i32
        %add3A_4049 = vector.broadcast %add3A_4048 : i32 to vector<16xi32>
        %add3A_4050 = arith.addi %mul3A_2331, %add3A_4049 : vector<16xi32>
        %gather3A_4051 = tpu.vector_load_idx %arg5[%add3A_4050] : memref<576xf32, #tpu.memory_space<vmem>>[vector<16xi32>], vector<16xf32>,
        %swap3A_4052 = arith.constant 2 : i32
        %swap3A_4053 = arith.constant 6 : i32
        %swap3A_4054 = arith.index_cast %rem3A_130 : i32 to index
        %swap3A_4055 = arith.index_cast %add3A_2295 : i32 to index
        %swap3A_4056 = arith.index_cast %swap3A_4052 : i32 to index
        %swap3A_4057 = arith.index_cast %swap3A_4053 : i32 to index
        %swap3A_4058 = arith.constant 64 : index
        %swap3A_4059 = tpu.vector_load %arg7[%swap3A_4054, %swap3A_4055, %swap3A_4056, %swap3A_4057, %swap3A_4058] {strides = array<i32>} : memref<2x8x3x8x128xf32, #tpu.memory_space<vmem>>, vector<16xf32>,
        tpu.vector_store %arg7[%swap3A_4054, %swap3A_4055, %swap3A_4056, %swap3A_4057, %swap3A_4058], %gather3A_3763 {strides = array<i32>} : memref<2x8x3x8x128xf32, #tpu.memory_space<vmem>>, vector<16xf32>,
        %add3A_4060 = arith.constant 23 : i32
        %add3A_4061 = vector.broadcast %add3A_4060 : i32 to vector<16xi32>
        %add3A_4062 = arith.addi %mul3A_2331, %add3A_4061 : vector<16xi32>
        %gather3A_4063 = tpu.vector_load_idx %arg5[%add3A_4062] : memref<576xf32, #tpu.memory_space<vmem>>[vector<16xi32>], vector<16xf32>,
        %swap3A_4064 = arith.constant 2 : i32
        %swap3A_4065 = arith.constant 7 : i32
        %swap3A_4066 = arith.index_cast %rem3A_130 : i32 to index
        %swap3A_4067 = arith.index_cast %add3A_2295 : i32 to index
        %swap3A_4068 = arith.index_cast %swap3A_4064 : i32 to index
        %swap3A_4069 = arith.index_cast %swap3A_4065 : i32 to index
        %swap3A_4070 = arith.constant 64 : index
        %swap3A_4071 = tpu.vector_load %arg7[%swap3A_4066, %swap3A_4067, %swap3A_4068, %swap3A_4069, %swap3A_4070] {strides = array<i32>} : memref<2x8x3x8x128xf32, #tpu.memory_space<vmem>>, vector<16xf32>,
        tpu.vector_store %arg7[%swap3A_4066, %swap3A_4067, %swap3A_4068, %swap3A_4069, %swap3A_4070], %gather3A_3775 {strides = array<i32>} : memref<2x8x3x8x128xf32, #tpu.memory_space<vmem>>, vector<16xf32>,
        %add3A_4072 = arith.constant 0 : i32
        %add3A_4073 = vector.broadcast %add3A_4072 : i32 to vector<16xi32>
        %add3A_4074 = arith.addi %mul3A_2337, %add3A_4073 : vector<16xi32>
        %gather3A_4075 = tpu.vector_load_idx %arg5[%add3A_4074] : memref<576xf32, #tpu.memory_space<vmem>>[vector<16xi32>], vector<16xf32>,
        %swap3A_4076 = arith.constant 0 : i32
        %swap3A_4077 = arith.constant 0 : i32
        %swap3A_4078 = arith.index_cast %rem3A_130 : i32 to index
        %swap3A_4079 = arith.index_cast %add3A_2295 : i32 to index
        %swap3A_4080 = arith.index_cast %swap3A_4076 : i32 to index
        %swap3A_4081 = arith.index_cast %swap3A_4077 : i32 to index
        %swap3A_4082 = arith.constant 80 : index
        %swap3A_4083 = tpu.vector_load %arg7[%swap3A_4078, %swap3A_4079, %swap3A_4080, %swap3A_4081, %swap3A_4082] {strides = array<i32>} : memref<2x8x3x8x128xf32, #tpu.memory_space<vmem>>, vector<16xf32>,
        tpu.vector_store %arg7[%swap3A_4078, %swap3A_4079, %swap3A_4080, %swap3A_4081, %swap3A_4082], %gather3A_3787 {strides = array<i32>} : memref<2x8x3x8x128xf32, #tpu.memory_space<vmem>>, vector<16xf32>,
        %add3A_4084 = arith.constant 1 : i32
        %add3A_4085 = vector.broadcast %add3A_4084 : i32 to vector<16xi32>
        %add3A_4086 = arith.addi %mul3A_2337, %add3A_4085 : vector<16xi32>
        %gather3A_4087 = tpu.vector_load_idx %arg5[%add3A_4086] : memref<576xf32, #tpu.memory_space<vmem>>[vector<16xi32>], vector<16xf32>,
        %swap3A_4088 = arith.constant 0 : i32
        %swap3A_4089 = arith.constant 1 : i32
        %swap3A_4090 = arith.index_cast %rem3A_130 : i32 to index
        %swap3A_4091 = arith.index_cast %add3A_2295 : i32 to index
        %swap3A_4092 = arith.index_cast %swap3A_4088 : i32 to index
        %swap3A_4093 = arith.index_cast %swap3A_4089 : i32 to index
        %swap3A_4094 = arith.constant 80 : index
        %swap3A_4095 = tpu.vector_load %arg7[%swap3A_4090, %swap3A_4091, %swap3A_4092, %swap3A_4093, %swap3A_4094] {strides = array<i32>} : memref<2x8x3x8x128xf32, #tpu.memory_space<vmem>>, vector<16xf32>,
        tpu.vector_store %arg7[%swap3A_4090, %swap3A_4091, %swap3A_4092, %swap3A_4093, %swap3A_4094], %gather3A_3799 {strides = array<i32>} : memref<2x8x3x8x128xf32, #tpu.memory_space<vmem>>, vector<16xf32>,
        %add3A_4096 = arith.constant 2 : i32
        %add3A_4097 = vector.broadcast %add3A_4096 : i32 to vector<16xi32>
        %add3A_4098 = arith.addi %mul3A_2337, %add3A_4097 : vector<16xi32>
        %gather3A_4099 = tpu.vector_load_idx %arg5[%add3A_4098] : memref<576xf32, #tpu.memory_space<vmem>>[vector<16xi32>], vector<16xf32>,
        %swap3A_4100 = arith.constant 0 : i32
        %swap3A_4101 = arith.constant 2 : i32
        %swap3A_4102 = arith.index_cast %rem3A_130 : i32 to index
        %swap3A_4103 = arith.index_cast %add3A_2295 : i32 to index
        %swap3A_4104 = arith.index_cast %swap3A_4100 : i32 to index
        %swap3A_4105 = arith.index_cast %swap3A_4101 : i32 to index
        %swap3A_4106 = arith.constant 80 : index
        %swap3A_4107 = tpu.vector_load %arg7[%swap3A_4102, %swap3A_4103, %swap3A_4104, %swap3A_4105, %swap3A_4106] {strides = array<i32>} : memref<2x8x3x8x128xf32, #tpu.memory_space<vmem>>, vector<16xf32>,
        tpu.vector_store %arg7[%swap3A_4102, %swap3A_4103, %swap3A_4104, %swap3A_4105, %swap3A_4106], %gather3A_3811 {strides = array<i32>} : memref<2x8x3x8x128xf32, #tpu.memory_space<vmem>>, vector<16xf32>,
        %add3A_4108 = arith.constant 3 : i32
        %add3A_4109 = vector.broadcast %add3A_4108 : i32 to vector<16xi32>
        %add3A_4110 = arith.addi %mul3A_2337, %add3A_4109 : vector<16xi32>
        %gather3A_4111 = tpu.vector_load_idx %arg5[%add3A_4110] : memref<576xf32, #tpu.memory_space<vmem>>[vector<16xi32>], vector<16xf32>,
        %swap3A_4112 = arith.constant 0 : i32
        %swap3A_4113 = arith.constant 3 : i32
        %swap3A_4114 = arith.index_cast %rem3A_130 : i32 to index
        %swap3A_4115 = arith.index_cast %add3A_2295 : i32 to index
        %swap3A_4116 = arith.index_cast %swap3A_4112 : i32 to index
        %swap3A_4117 = arith.index_cast %swap3A_4113 : i32 to index
        %swap3A_4118 = arith.constant 80 : index
        %swap3A_4119 = tpu.vector_load %arg7[%swap3A_4114, %swap3A_4115, %swap3A_4116, %swap3A_4117, %swap3A_4118] {strides = array<i32>} : memref<2x8x3x8x128xf32, #tpu.memory_space<vmem>>, vector<16xf32>,
        tpu.vector_store %arg7[%swap3A_4114, %swap3A_4115, %swap3A_4116, %swap3A_4117, %swap3A_4118], %gather3A_3823 {strides = array<i32>} : memref<2x8x3x8x128xf32, #tpu.memory_space<vmem>>, vector<16xf32>,
        %add3A_4120 = arith.constant 4 : i32
        %add3A_4121 = vector.broadcast %add3A_4120 : i32 to vector<16xi32>
        %add3A_4122 = arith.addi %mul3A_2337, %add3A_4121 : vector<16xi32>
        %gather3A_4123 = tpu.vector_load_idx %arg5[%add3A_4122] : memref<576xf32, #tpu.memory_space<vmem>>[vector<16xi32>], vector<16xf32>,
        %swap3A_4124 = arith.constant 0 : i32
        %swap3A_4125 = arith.constant 4 : i32
        %swap3A_4126 = arith.index_cast %rem3A_130 : i32 to index
        %swap3A_4127 = arith.index_cast %add3A_2295 : i32 to index
        %swap3A_4128 = arith.index_cast %swap3A_4124 : i32 to index
        %swap3A_4129 = arith.index_cast %swap3A_4125 : i32 to index
        %swap3A_4130 = arith.constant 80 : index
        %swap3A_4131 = tpu.vector_load %arg7[%swap3A_4126, %swap3A_4127, %swap3A_4128, %swap3A_4129, %swap3A_4130] {strides = array<i32>} : memref<2x8x3x8x128xf32, #tpu.memory_space<vmem>>, vector<16xf32>,
        tpu.vector_store %arg7[%swap3A_4126, %swap3A_4127, %swap3A_4128, %swap3A_4129, %swap3A_4130], %gather3A_3835 {strides = array<i32>} : memref<2x8x3x8x128xf32, #tpu.memory_space<vmem>>, vector<16xf32>,
        %add3A_4132 = arith.constant 5 : i32
        %add3A_4133 = vector.broadcast %add3A_4132 : i32 to vector<16xi32>
        %add3A_4134 = arith.addi %mul3A_2337, %add3A_4133 : vector<16xi32>
        %gather3A_4135 = tpu.vector_load_idx %arg5[%add3A_4134] : memref<576xf32, #tpu.memory_space<vmem>>[vector<16xi32>], vector<16xf32>,
        %swap3A_4136 = arith.constant 0 : i32
        %swap3A_4137 = arith.constant 5 : i32
        %swap3A_4138 = arith.index_cast %rem3A_130 : i32 to index
        %swap3A_4139 = arith.index_cast %add3A_2295 : i32 to index
        %swap3A_4140 = arith.index_cast %swap3A_4136 : i32 to index
        %swap3A_4141 = arith.index_cast %swap3A_4137 : i32 to index
        %swap3A_4142 = arith.constant 80 : index
        %swap3A_4143 = tpu.vector_load %arg7[%swap3A_4138, %swap3A_4139, %swap3A_4140, %swap3A_4141, %swap3A_4142] {strides = array<i32>} : memref<2x8x3x8x128xf32, #tpu.memory_space<vmem>>, vector<16xf32>,
        tpu.vector_store %arg7[%swap3A_4138, %swap3A_4139, %swap3A_4140, %swap3A_4141, %swap3A_4142], %gather3A_3847 {strides = array<i32>} : memref<2x8x3x8x128xf32, #tpu.memory_space<vmem>>, vector<16xf32>,
        %add3A_4144 = arith.constant 6 : i32
        %add3A_4145 = vector.broadcast %add3A_4144 : i32 to vector<16xi32>
        %add3A_4146 = arith.addi %mul3A_2337, %add3A_4145 : vector<16xi32>
        %gather3A_4147 = tpu.vector_load_idx %arg5[%add3A_4146] : memref<576xf32, #tpu.memory_space<vmem>>[vector<16xi32>], vector<16xf32>,
        %swap3A_4148 = arith.constant 0 : i32
        %swap3A_4149 = arith.constant 6 : i32
        %swap3A_4150 = arith.index_cast %rem3A_130 : i32 to index
        %swap3A_4151 = arith.index_cast %add3A_2295 : i32 to index
        %swap3A_4152 = arith.index_cast %swap3A_4148 : i32 to index
        %swap3A_4153 = arith.index_cast %swap3A_4149 : i32 to index
        %swap3A_4154 = arith.constant 80 : index
        %swap3A_4155 = tpu.vector_load %arg7[%swap3A_4150, %swap3A_4151, %swap3A_4152, %swap3A_4153, %swap3A_4154] {strides = array<i32>} : memref<2x8x3x8x128xf32, #tpu.memory_space<vmem>>, vector<16xf32>,
        tpu.vector_store %arg7[%swap3A_4150, %swap3A_4151, %swap3A_4152, %swap3A_4153, %swap3A_4154], %gather3A_3859 {strides = array<i32>} : memref<2x8x3x8x128xf32, #tpu.memory_space<vmem>>, vector<16xf32>,
        %add3A_4156 = arith.constant 7 : i32
        %add3A_4157 = vector.broadcast %add3A_4156 : i32 to vector<16xi32>
        %add3A_4158 = arith.addi %mul3A_2337, %add3A_4157 : vector<16xi32>
        %gather3A_4159 = tpu.vector_load_idx %arg5[%add3A_4158] : memref<576xf32, #tpu.memory_space<vmem>>[vector<16xi32>], vector<16xf32>,
        %swap3A_4160 = arith.constant 0 : i32
        %swap3A_4161 = arith.constant 7 : i32
        %swap3A_4162 = arith.index_cast %rem3A_130 : i32 to index
        %swap3A_4163 = arith.index_cast %add3A_2295 : i32 to index
        %swap3A_4164 = arith.index_cast %swap3A_4160 : i32 to index
        %swap3A_4165 = arith.index_cast %swap3A_4161 : i32 to index
        %swap3A_4166 = arith.constant 80 : index
        %swap3A_4167 = tpu.vector_load %arg7[%swap3A_4162, %swap3A_4163, %swap3A_4164, %swap3A_4165, %swap3A_4166] {strides = array<i32>} : memref<2x8x3x8x128xf32, #tpu.memory_space<vmem>>, vector<16xf32>,
        tpu.vector_store %arg7[%swap3A_4162, %swap3A_4163, %swap3A_4164, %swap3A_4165, %swap3A_4166], %gather3A_3871 {strides = array<i32>} : memref<2x8x3x8x128xf32, #tpu.memory_space<vmem>>, vector<16xf32>,
        %add3A_4168 = arith.constant 8 : i32
        %add3A_4169 = vector.broadcast %add3A_4168 : i32 to vector<16xi32>
        %add3A_4170 = arith.addi %mul3A_2337, %add3A_4169 : vector<16xi32>
        %gather3A_4171 = tpu.vector_load_idx %arg5[%add3A_4170] : memref<576xf32, #tpu.memory_space<vmem>>[vector<16xi32>], vector<16xf32>,
        %swap3A_4172 = arith.constant 1 : i32
        %swap3A_4173 = arith.constant 0 : i32
        %swap3A_4174 = arith.index_cast %rem3A_130 : i32 to index
        %swap3A_4175 = arith.index_cast %add3A_2295 : i32 to index
        %swap3A_4176 = arith.index_cast %swap3A_4172 : i32 to index
        %swap3A_4177 = arith.index_cast %swap3A_4173 : i32 to index
        %swap3A_4178 = arith.constant 80 : index
        %swap3A_4179 = tpu.vector_load %arg7[%swap3A_4174, %swap3A_4175, %swap3A_4176, %swap3A_4177, %swap3A_4178] {strides = array<i32>} : memref<2x8x3x8x128xf32, #tpu.memory_space<vmem>>, vector<16xf32>,
        tpu.vector_store %arg7[%swap3A_4174, %swap3A_4175, %swap3A_4176, %swap3A_4177, %swap3A_4178], %gather3A_3883 {strides = array<i32>} : memref<2x8x3x8x128xf32, #tpu.memory_space<vmem>>, vector<16xf32>,
        %add3A_4180 = arith.constant 9 : i32
        %add3A_4181 = vector.broadcast %add3A_4180 : i32 to vector<16xi32>
        %add3A_4182 = arith.addi %mul3A_2337, %add3A_4181 : vector<16xi32>
        %gather3A_4183 = tpu.vector_load_idx %arg5[%add3A_4182] : memref<576xf32, #tpu.memory_space<vmem>>[vector<16xi32>], vector<16xf32>,
        %swap3A_4184 = arith.constant 1 : i32
        %swap3A_4185 = arith.constant 1 : i32
        %swap3A_4186 = arith.index_cast %rem3A_130 : i32 to index
        %swap3A_4187 = arith.index_cast %add3A_2295 : i32 to index
        %swap3A_4188 = arith.index_cast %swap3A_4184 : i32 to index
        %swap3A_4189 = arith.index_cast %swap3A_4185 : i32 to index
        %swap3A_4190 = arith.constant 80 : index
        %swap3A_4191 = tpu.vector_load %arg7[%swap3A_4186, %swap3A_4187, %swap3A_4188, %swap3A_4189, %swap3A_4190] {strides = array<i32>} : memref<2x8x3x8x128xf32, #tpu.memory_space<vmem>>, vector<16xf32>,
        tpu.vector_store %arg7[%swap3A_4186, %swap3A_4187, %swap3A_4188, %swap3A_4189, %swap3A_4190], %gather3A_3895 {strides = array<i32>} : memref<2x8x3x8x128xf32, #tpu.memory_space<vmem>>, vector<16xf32>,
        %add3A_4192 = arith.constant 10 : i32
        %add3A_4193 = vector.broadcast %add3A_4192 : i32 to vector<16xi32>
        %add3A_4194 = arith.addi %mul3A_2337, %add3A_4193 : vector<16xi32>
        %gather3A_4195 = tpu.vector_load_idx %arg5[%add3A_4194] : memref<576xf32, #tpu.memory_space<vmem>>[vector<16xi32>], vector<16xf32>,
        %swap3A_4196 = arith.constant 1 : i32
        %swap3A_4197 = arith.constant 2 : i32
        %swap3A_4198 = arith.index_cast %rem3A_130 : i32 to index
        %swap3A_4199 = arith.index_cast %add3A_2295 : i32 to index
        %swap3A_4200 = arith.index_cast %swap3A_4196 : i32 to index
        %swap3A_4201 = arith.index_cast %swap3A_4197 : i32 to index
        %swap3A_4202 = arith.constant 80 : index
        %swap3A_4203 = tpu.vector_load %arg7[%swap3A_4198, %swap3A_4199, %swap3A_4200, %swap3A_4201, %swap3A_4202] {strides = array<i32>} : memref<2x8x3x8x128xf32, #tpu.memory_space<vmem>>, vector<16xf32>,
        tpu.vector_store %arg7[%swap3A_4198, %swap3A_4199, %swap3A_4200, %swap3A_4201, %swap3A_4202], %gather3A_3907 {strides = array<i32>} : memref<2x8x3x8x128xf32, #tpu.memory_space<vmem>>, vector<16xf32>,
        %add3A_4204 = arith.constant 11 : i32
        %add3A_4205 = vector.broadcast %add3A_4204 : i32 to vector<16xi32>
        %add3A_4206 = arith.addi %mul3A_2337, %add3A_4205 : vector<16xi32>
        %gather3A_4207 = tpu.vector_load_idx %arg5[%add3A_4206] : memref<576xf32, #tpu.memory_space<vmem>>[vector<16xi32>], vector<16xf32>,
        %swap3A_4208 = arith.constant 1 : i32
        %swap3A_4209 = arith.constant 3 : i32
        %swap3A_4210 = arith.index_cast %rem3A_130 : i32 to index
        %swap3A_4211 = arith.index_cast %add3A_2295 : i32 to index
        %swap3A_4212 = arith.index_cast %swap3A_4208 : i32 to index
        %swap3A_4213 = arith.index_cast %swap3A_4209 : i32 to index
        %swap3A_4214 = arith.constant 80 : index
        %swap3A_4215 = tpu.vector_load %arg7[%swap3A_4210, %swap3A_4211, %swap3A_4212, %swap3A_4213, %swap3A_4214] {strides = array<i32>} : memref<2x8x3x8x128xf32, #tpu.memory_space<vmem>>, vector<16xf32>,
        tpu.vector_store %arg7[%swap3A_4210, %swap3A_4211, %swap3A_4212, %swap3A_4213, %swap3A_4214], %gather3A_3919 {strides = array<i32>} : memref<2x8x3x8x128xf32, #tpu.memory_space<vmem>>, vector<16xf32>,
        %add3A_4216 = arith.constant 12 : i32
        %add3A_4217 = vector.broadcast %add3A_4216 : i32 to vector<16xi32>
        %add3A_4218 = arith.addi %mul3A_2337, %add3A_4217 : vector<16xi32>
        %gather3A_4219 = tpu.vector_load_idx %arg5[%add3A_4218] : memref<576xf32, #tpu.memory_space<vmem>>[vector<16xi32>], vector<16xf32>,
        %swap3A_4220 = arith.constant 1 : i32
        %swap3A_4221 = arith.constant 4 : i32
        %swap3A_4222 = arith.index_cast %rem3A_130 : i32 to index
        %swap3A_4223 = arith.index_cast %add3A_2295 : i32 to index
        %swap3A_4224 = arith.index_cast %swap3A_4220 : i32 to index
        %swap3A_4225 = arith.index_cast %swap3A_4221 : i32 to index
        %swap3A_4226 = arith.constant 80 : index
        %swap3A_4227 = tpu.vector_load %arg7[%swap3A_4222, %swap3A_4223, %swap3A_4224, %swap3A_4225, %swap3A_4226] {strides = array<i32>} : memref<2x8x3x8x128xf32, #tpu.memory_space<vmem>>, vector<16xf32>,
        tpu.vector_store %arg7[%swap3A_4222, %swap3A_4223, %swap3A_4224, %swap3A_4225, %swap3A_4226], %gather3A_3931 {strides = array<i32>} : memref<2x8x3x8x128xf32, #tpu.memory_space<vmem>>, vector<16xf32>,
        %add3A_4228 = arith.constant 13 : i32
        %add3A_4229 = vector.broadcast %add3A_4228 : i32 to vector<16xi32>
        %add3A_4230 = arith.addi %mul3A_2337, %add3A_4229 : vector<16xi32>
        %gather3A_4231 = tpu.vector_load_idx %arg5[%add3A_4230] : memref<576xf32, #tpu.memory_space<vmem>>[vector<16xi32>], vector<16xf32>,
        %swap3A_4232 = arith.constant 1 : i32
        %swap3A_4233 = arith.constant 5 : i32
        %swap3A_4234 = arith.index_cast %rem3A_130 : i32 to index
        %swap3A_4235 = arith.index_cast %add3A_2295 : i32 to index
        %swap3A_4236 = arith.index_cast %swap3A_4232 : i32 to index
        %swap3A_4237 = arith.index_cast %swap3A_4233 : i32 to index
        %swap3A_4238 = arith.constant 80 : index
        %swap3A_4239 = tpu.vector_load %arg7[%swap3A_4234, %swap3A_4235, %swap3A_4236, %swap3A_4237, %swap3A_4238] {strides = array<i32>} : memref<2x8x3x8x128xf32, #tpu.memory_space<vmem>>, vector<16xf32>,
        tpu.vector_store %arg7[%swap3A_4234, %swap3A_4235, %swap3A_4236, %swap3A_4237, %swap3A_4238], %gather3A_3943 {strides = array<i32>} : memref<2x8x3x8x128xf32, #tpu.memory_space<vmem>>, vector<16xf32>,
        %add3A_4240 = arith.constant 14 : i32
        %add3A_4241 = vector.broadcast %add3A_4240 : i32 to vector<16xi32>
        %add3A_4242 = arith.addi %mul3A_2337, %add3A_4241 : vector<16xi32>
        %gather3A_4243 = tpu.vector_load_idx %arg5[%add3A_4242] : memref<576xf32, #tpu.memory_space<vmem>>[vector<16xi32>], vector<16xf32>,
        %swap3A_4244 = arith.constant 1 : i32
        %swap3A_4245 = arith.constant 6 : i32
        %swap3A_4246 = arith.index_cast %rem3A_130 : i32 to index
        %swap3A_4247 = arith.index_cast %add3A_2295 : i32 to index
        %swap3A_4248 = arith.index_cast %swap3A_4244 : i32 to index
        %swap3A_4249 = arith.index_cast %swap3A_4245 : i32 to index
        %swap3A_4250 = arith.constant 80 : index
        %swap3A_4251 = tpu.vector_load %arg7[%swap3A_4246, %swap3A_4247, %swap3A_4248, %swap3A_4249, %swap3A_4250] {strides = array<i32>} : memref<2x8x3x8x128xf32, #tpu.memory_space<vmem>>, vector<16xf32>,
        tpu.vector_store %arg7[%swap3A_4246, %swap3A_4247, %swap3A_4248, %swap3A_4249, %swap3A_4250], %gather3A_3955 {strides = array<i32>} : memref<2x8x3x8x128xf32, #tpu.memory_space<vmem>>, vector<16xf32>,
        %add3A_4252 = arith.constant 15 : i32
        %add3A_4253 = vector.broadcast %add3A_4252 : i32 to vector<16xi32>
        %add3A_4254 = arith.addi %mul3A_2337, %add3A_4253 : vector<16xi32>
        %gather3A_4255 = tpu.vector_load_idx %arg5[%add3A_4254] : memref<576xf32, #tpu.memory_space<vmem>>[vector<16xi32>], vector<16xf32>,
        %swap3A_4256 = arith.constant 1 : i32
        %swap3A_4257 = arith.constant 7 : i32
        %swap3A_4258 = arith.index_cast %rem3A_130 : i32 to index
        %swap3A_4259 = arith.index_cast %add3A_2295 : i32 to index
        %swap3A_4260 = arith.index_cast %swap3A_4256 : i32 to index
        %swap3A_4261 = arith.index_cast %swap3A_4257 : i32 to index
        %swap3A_4262 = arith.constant 80 : index
        %swap3A_4263 = tpu.vector_load %arg7[%swap3A_4258, %swap3A_4259, %swap3A_4260, %swap3A_4261, %swap3A_4262] {strides = array<i32>} : memref<2x8x3x8x128xf32, #tpu.memory_space<vmem>>, vector<16xf32>,
        tpu.vector_store %arg7[%swap3A_4258, %swap3A_4259, %swap3A_4260, %swap3A_4261, %swap3A_4262], %gather3A_3967 {strides = array<i32>} : memref<2x8x3x8x128xf32, #tpu.memory_space<vmem>>, vector<16xf32>,
        %add3A_4264 = arith.constant 16 : i32
        %add3A_4265 = vector.broadcast %add3A_4264 : i32 to vector<16xi32>
        %add3A_4266 = arith.addi %mul3A_2337, %add3A_4265 : vector<16xi32>
        %gather3A_4267 = tpu.vector_load_idx %arg5[%add3A_4266] : memref<576xf32, #tpu.memory_space<vmem>>[vector<16xi32>], vector<16xf32>,
        %swap3A_4268 = arith.constant 2 : i32
        %swap3A_4269 = arith.constant 0 : i32
        %swap3A_4270 = arith.index_cast %rem3A_130 : i32 to index
        %swap3A_4271 = arith.index_cast %add3A_2295 : i32 to index
        %swap3A_4272 = arith.index_cast %swap3A_4268 : i32 to index
        %swap3A_4273 = arith.index_cast %swap3A_4269 : i32 to index
        %swap3A_4274 = arith.constant 80 : index
        %swap3A_4275 = tpu.vector_load %arg7[%swap3A_4270, %swap3A_4271, %swap3A_4272, %swap3A_4273, %swap3A_4274] {strides = array<i32>} : memref<2x8x3x8x128xf32, #tpu.memory_space<vmem>>, vector<16xf32>,
        tpu.vector_store %arg7[%swap3A_4270, %swap3A_4271, %swap3A_4272, %swap3A_4273, %swap3A_4274], %gather3A_3979 {strides = array<i32>} : memref<2x8x3x8x128xf32, #tpu.memory_space<vmem>>, vector<16xf32>,
        %add3A_4276 = arith.constant 17 : i32
        %add3A_4277 = vector.broadcast %add3A_4276 : i32 to vector<16xi32>
        %add3A_4278 = arith.addi %mul3A_2337, %add3A_4277 : vector<16xi32>
        %gather3A_4279 = tpu.vector_load_idx %arg5[%add3A_4278] : memref<576xf32, #tpu.memory_space<vmem>>[vector<16xi32>], vector<16xf32>,
        %swap3A_4280 = arith.constant 2 : i32
        %swap3A_4281 = arith.constant 1 : i32
        %swap3A_4282 = arith.index_cast %rem3A_130 : i32 to index
        %swap3A_4283 = arith.index_cast %add3A_2295 : i32 to index
        %swap3A_4284 = arith.index_cast %swap3A_4280 : i32 to index
        %swap3A_4285 = arith.index_cast %swap3A_4281 : i32 to index
        %swap3A_4286 = arith.constant 80 : index
        %swap3A_4287 = tpu.vector_load %arg7[%swap3A_4282, %swap3A_4283, %swap3A_4284, %swap3A_4285, %swap3A_4286] {strides = array<i32>} : memref<2x8x3x8x128xf32, #tpu.memory_space<vmem>>, vector<16xf32>,
        tpu.vector_store %arg7[%swap3A_4282, %swap3A_4283, %swap3A_4284, %swap3A_4285, %swap3A_4286], %gather3A_3991 {strides = array<i32>} : memref<2x8x3x8x128xf32, #tpu.memory_space<vmem>>, vector<16xf32>,
        %add3A_4288 = arith.constant 18 : i32
        %add3A_4289 = vector.broadcast %add3A_4288 : i32 to vector<16xi32>
        %add3A_4290 = arith.addi %mul3A_2337, %add3A_4289 : vector<16xi32>
        %gather3A_4291 = tpu.vector_load_idx %arg5[%add3A_4290] : memref<576xf32, #tpu.memory_space<vmem>>[vector<16xi32>], vector<16xf32>,
        %swap3A_4292 = arith.constant 2 : i32
        %swap3A_4293 = arith.constant 2 : i32
        %swap3A_4294 = arith.index_cast %rem3A_130 : i32 to index
        %swap3A_4295 = arith.index_cast %add3A_2295 : i32 to index
        %swap3A_4296 = arith.index_cast %swap3A_4292 : i32 to index
        %swap3A_4297 = arith.index_cast %swap3A_4293 : i32 to index
        %swap3A_4298 = arith.constant 80 : index
        %swap3A_4299 = tpu.vector_load %arg7[%swap3A_4294, %swap3A_4295, %swap3A_4296, %swap3A_4297, %swap3A_4298] {strides = array<i32>} : memref<2x8x3x8x128xf32, #tpu.memory_space<vmem>>, vector<16xf32>,
        tpu.vector_store %arg7[%swap3A_4294, %swap3A_4295, %swap3A_4296, %swap3A_4297, %swap3A_4298], %gather3A_4003 {strides = array<i32>} : memref<2x8x3x8x128xf32, #tpu.memory_space<vmem>>, vector<16xf32>,
        %add3A_4300 = arith.constant 19 : i32
        %add3A_4301 = vector.broadcast %add3A_4300 : i32 to vector<16xi32>
        %add3A_4302 = arith.addi %mul3A_2337, %add3A_4301 : vector<16xi32>
        %gather3A_4303 = tpu.vector_load_idx %arg5[%add3A_4302] : memref<576xf32, #tpu.memory_space<vmem>>[vector<16xi32>], vector<16xf32>,
        %swap3A_4304 = arith.constant 2 : i32
        %swap3A_4305 = arith.constant 3 : i32
        %swap3A_4306 = arith.index_cast %rem3A_130 : i32 to index
        %swap3A_4307 = arith.index_cast %add3A_2295 : i32 to index
        %swap3A_4308 = arith.index_cast %swap3A_4304 : i32 to index
        %swap3A_4309 = arith.index_cast %swap3A_4305 : i32 to index
        %swap3A_4310 = arith.constant 80 : index
        %swap3A_4311 = tpu.vector_load %arg7[%swap3A_4306, %swap3A_4307, %swap3A_4308, %swap3A_4309, %swap3A_4310] {strides = array<i32>} : memref<2x8x3x8x128xf32, #tpu.memory_space<vmem>>, vector<16xf32>,
        tpu.vector_store %arg7[%swap3A_4306, %swap3A_4307, %swap3A_4308, %swap3A_4309, %swap3A_4310], %gather3A_4015 {strides = array<i32>} : memref<2x8x3x8x128xf32, #tpu.memory_space<vmem>>, vector<16xf32>,
        %add3A_4312 = arith.constant 20 : i32
        %add3A_4313 = vector.broadcast %add3A_4312 : i32 to vector<16xi32>
        %add3A_4314 = arith.addi %mul3A_2337, %add3A_4313 : vector<16xi32>
        %gather3A_4315 = tpu.vector_load_idx %arg5[%add3A_4314] : memref<576xf32, #tpu.memory_space<vmem>>[vector<16xi32>], vector<16xf32>,
        %swap3A_4316 = arith.constant 2 : i32
        %swap3A_4317 = arith.constant 4 : i32
        %swap3A_4318 = arith.index_cast %rem3A_130 : i32 to index
        %swap3A_4319 = arith.index_cast %add3A_2295 : i32 to index
        %swap3A_4320 = arith.index_cast %swap3A_4316 : i32 to index
        %swap3A_4321 = arith.index_cast %swap3A_4317 : i32 to index
        %swap3A_4322 = arith.constant 80 : index
        %swap3A_4323 = tpu.vector_load %arg7[%swap3A_4318, %swap3A_4319, %swap3A_4320, %swap3A_4321, %swap3A_4322] {strides = array<i32>} : memref<2x8x3x8x128xf32, #tpu.memory_space<vmem>>, vector<16xf32>,
        tpu.vector_store %arg7[%swap3A_4318, %swap3A_4319, %swap3A_4320, %swap3A_4321, %swap3A_4322], %gather3A_4027 {strides = array<i32>} : memref<2x8x3x8x128xf32, #tpu.memory_space<vmem>>, vector<16xf32>,
        %add3A_4324 = arith.constant 21 : i32
        %add3A_4325 = vector.broadcast %add3A_4324 : i32 to vector<16xi32>
        %add3A_4326 = arith.addi %mul3A_2337, %add3A_4325 : vector<16xi32>
        %gather3A_4327 = tpu.vector_load_idx %arg5[%add3A_4326] : memref<576xf32, #tpu.memory_space<vmem>>[vector<16xi32>], vector<16xf32>,
        %swap3A_4328 = arith.constant 2 : i32
        %swap3A_4329 = arith.constant 5 : i32
        %swap3A_4330 = arith.index_cast %rem3A_130 : i32 to index
        %swap3A_4331 = arith.index_cast %add3A_2295 : i32 to index
        %swap3A_4332 = arith.index_cast %swap3A_4328 : i32 to index
        %swap3A_4333 = arith.index_cast %swap3A_4329 : i32 to index
        %swap3A_4334 = arith.constant 80 : index
        %swap3A_4335 = tpu.vector_load %arg7[%swap3A_4330, %swap3A_4331, %swap3A_4332, %swap3A_4333, %swap3A_4334] {strides = array<i32>} : memref<2x8x3x8x128xf32, #tpu.memory_space<vmem>>, vector<16xf32>,
        tpu.vector_store %arg7[%swap3A_4330, %swap3A_4331, %swap3A_4332, %swap3A_4333, %swap3A_4334], %gather3A_4039 {strides = array<i32>} : memref<2x8x3x8x128xf32, #tpu.memory_space<vmem>>, vector<16xf32>,
        %add3A_4336 = arith.constant 22 : i32
        %add3A_4337 = vector.broadcast %add3A_4336 : i32 to vector<16xi32>
        %add3A_4338 = arith.addi %mul3A_2337, %add3A_4337 : vector<16xi32>
        %gather3A_4339 = tpu.vector_load_idx %arg5[%add3A_4338] : memref<576xf32, #tpu.memory_space<vmem>>[vector<16xi32>], vector<16xf32>,
        %swap3A_4340 = arith.constant 2 : i32
        %swap3A_4341 = arith.constant 6 : i32
        %swap3A_4342 = arith.index_cast %rem3A_130 : i32 to index
        %swap3A_4343 = arith.index_cast %add3A_2295 : i32 to index
        %swap3A_4344 = arith.index_cast %swap3A_4340 : i32 to index
        %swap3A_4345 = arith.index_cast %swap3A_4341 : i32 to index
        %swap3A_4346 = arith.constant 80 : index
        %swap3A_4347 = tpu.vector_load %arg7[%swap3A_4342, %swap3A_4343, %swap3A_4344, %swap3A_4345, %swap3A_4346] {strides = array<i32>} : memref<2x8x3x8x128xf32, #tpu.memory_space<vmem>>, vector<16xf32>,
        tpu.vector_store %arg7[%swap3A_4342, %swap3A_4343, %swap3A_4344, %swap3A_4345, %swap3A_4346], %gather3A_4051 {strides = array<i32>} : memref<2x8x3x8x128xf32, #tpu.memory_space<vmem>>, vector<16xf32>,
        %add3A_4348 = arith.constant 23 : i32
        %add3A_4349 = vector.broadcast %add3A_4348 : i32 to vector<16xi32>
        %add3A_4350 = arith.addi %mul3A_2337, %add3A_4349 : vector<16xi32>
        %gather3A_4351 = tpu.vector_load_idx %arg5[%add3A_4350] : memref<576xf32, #tpu.memory_space<vmem>>[vector<16xi32>], vector<16xf32>,
        %swap3A_4352 = arith.constant 2 : i32
        %swap3A_4353 = arith.constant 7 : i32
        %swap3A_4354 = arith.index_cast %rem3A_130 : i32 to index
        %swap3A_4355 = arith.index_cast %add3A_2295 : i32 to index
        %swap3A_4356 = arith.index_cast %swap3A_4352 : i32 to index
        %swap3A_4357 = arith.index_cast %swap3A_4353 : i32 to index
        %swap3A_4358 = arith.constant 80 : index
        %swap3A_4359 = tpu.vector_load %arg7[%swap3A_4354, %swap3A_4355, %swap3A_4356, %swap3A_4357, %swap3A_4358] {strides = array<i32>} : memref<2x8x3x8x128xf32, #tpu.memory_space<vmem>>, vector<16xf32>,
        tpu.vector_store %arg7[%swap3A_4354, %swap3A_4355, %swap3A_4356, %swap3A_4357, %swap3A_4358], %gather3A_4063 {strides = array<i32>} : memref<2x8x3x8x128xf32, #tpu.memory_space<vmem>>, vector<16xf32>,
        %add3A_4360 = arith.constant 0 : i32
        %add3A_4361 = vector.broadcast %add3A_4360 : i32 to vector<16xi32>
        %add3A_4362 = arith.addi %mul3A_2343, %add3A_4361 : vector<16xi32>
        %gather3A_4363 = tpu.vector_load_idx %arg5[%add3A_4362] : memref<576xf32, #tpu.memory_space<vmem>>[vector<16xi32>], vector<16xf32>,
        %swap3A_4364 = arith.constant 0 : i32
        %swap3A_4365 = arith.constant 0 : i32
        %swap3A_4366 = arith.index_cast %rem3A_130 : i32 to index
        %swap3A_4367 = arith.index_cast %add3A_2295 : i32 to index
        %swap3A_4368 = arith.index_cast %swap3A_4364 : i32 to index
        %swap3A_4369 = arith.index_cast %swap3A_4365 : i32 to index
        %swap3A_4370 = arith.constant 96 : index
        %swap3A_4371 = tpu.vector_load %arg7[%swap3A_4366, %swap3A_4367, %swap3A_4368, %swap3A_4369, %swap3A_4370] {strides = array<i32>} : memref<2x8x3x8x128xf32, #tpu.memory_space<vmem>>, vector<16xf32>,
        tpu.vector_store %arg7[%swap3A_4366, %swap3A_4367, %swap3A_4368, %swap3A_4369, %swap3A_4370], %gather3A_4075 {strides = array<i32>} : memref<2x8x3x8x128xf32, #tpu.memory_space<vmem>>, vector<16xf32>,
        %add3A_4372 = arith.constant 1 : i32
        %add3A_4373 = vector.broadcast %add3A_4372 : i32 to vector<16xi32>
        %add3A_4374 = arith.addi %mul3A_2343, %add3A_4373 : vector<16xi32>
        %gather3A_4375 = tpu.vector_load_idx %arg5[%add3A_4374] : memref<576xf32, #tpu.memory_space<vmem>>[vector<16xi32>], vector<16xf32>,
        %swap3A_4376 = arith.constant 0 : i32
        %swap3A_4377 = arith.constant 1 : i32
        %swap3A_4378 = arith.index_cast %rem3A_130 : i32 to index
        %swap3A_4379 = arith.index_cast %add3A_2295 : i32 to index
        %swap3A_4380 = arith.index_cast %swap3A_4376 : i32 to index
        %swap3A_4381 = arith.index_cast %swap3A_4377 : i32 to index
        %swap3A_4382 = arith.constant 96 : index
        %swap3A_4383 = tpu.vector_load %arg7[%swap3A_4378, %swap3A_4379, %swap3A_4380, %swap3A_4381, %swap3A_4382] {strides = array<i32>} : memref<2x8x3x8x128xf32, #tpu.memory_space<vmem>>, vector<16xf32>,
        tpu.vector_store %arg7[%swap3A_4378, %swap3A_4379, %swap3A_4380, %swap3A_4381, %swap3A_4382], %gather3A_4087 {strides = array<i32>} : memref<2x8x3x8x128xf32, #tpu.memory_space<vmem>>, vector<16xf32>,
        %add3A_4384 = arith.constant 2 : i32
        %add3A_4385 = vector.broadcast %add3A_4384 : i32 to vector<16xi32>
        %add3A_4386 = arith.addi %mul3A_2343, %add3A_4385 : vector<16xi32>
        %gather3A_4387 = tpu.vector_load_idx %arg5[%add3A_4386] : memref<576xf32, #tpu.memory_space<vmem>>[vector<16xi32>], vector<16xf32>,
        %swap3A_4388 = arith.constant 0 : i32
        %swap3A_4389 = arith.constant 2 : i32
        %swap3A_4390 = arith.index_cast %rem3A_130 : i32 to index
        %swap3A_4391 = arith.index_cast %add3A_2295 : i32 to index
        %swap3A_4392 = arith.index_cast %swap3A_4388 : i32 to index
        %swap3A_4393 = arith.index_cast %swap3A_4389 : i32 to index
        %swap3A_4394 = arith.constant 96 : index
        %swap3A_4395 = tpu.vector_load %arg7[%swap3A_4390, %swap3A_4391, %swap3A_4392, %swap3A_4393, %swap3A_4394] {strides = array<i32>} : memref<2x8x3x8x128xf32, #tpu.memory_space<vmem>>, vector<16xf32>,
        tpu.vector_store %arg7[%swap3A_4390, %swap3A_4391, %swap3A_4392, %swap3A_4393, %swap3A_4394], %gather3A_4099 {strides = array<i32>} : memref<2x8x3x8x128xf32, #tpu.memory_space<vmem>>, vector<16xf32>,
        %add3A_4396 = arith.constant 3 : i32
        %add3A_4397 = vector.broadcast %add3A_4396 : i32 to vector<16xi32>
        %add3A_4398 = arith.addi %mul3A_2343, %add3A_4397 : vector<16xi32>
        %gather3A_4399 = tpu.vector_load_idx %arg5[%add3A_4398] : memref<576xf32, #tpu.memory_space<vmem>>[vector<16xi32>], vector<16xf32>,
        %swap3A_4400 = arith.constant 0 : i32
        %swap3A_4401 = arith.constant 3 : i32
        %swap3A_4402 = arith.index_cast %rem3A_130 : i32 to index
        %swap3A_4403 = arith.index_cast %add3A_2295 : i32 to index
        %swap3A_4404 = arith.index_cast %swap3A_4400 : i32 to index
        %swap3A_4405 = arith.index_cast %swap3A_4401 : i32 to index
        %swap3A_4406 = arith.constant 96 : index
        %swap3A_4407 = tpu.vector_load %arg7[%swap3A_4402, %swap3A_4403, %swap3A_4404, %swap3A_4405, %swap3A_4406] {strides = array<i32>} : memref<2x8x3x8x128xf32, #tpu.memory_space<vmem>>, vector<16xf32>,
        tpu.vector_store %arg7[%swap3A_4402, %swap3A_4403, %swap3A_4404, %swap3A_4405, %swap3A_4406], %gather3A_4111 {strides = array<i32>} : memref<2x8x3x8x128xf32, #tpu.memory_space<vmem>>, vector<16xf32>,
        %add3A_4408 = arith.constant 4 : i32
        %add3A_4409 = vector.broadcast %add3A_4408 : i32 to vector<16xi32>
        %add3A_4410 = arith.addi %mul3A_2343, %add3A_4409 : vector<16xi32>
        %gather3A_4411 = tpu.vector_load_idx %arg5[%add3A_4410] : memref<576xf32, #tpu.memory_space<vmem>>[vector<16xi32>], vector<16xf32>,
        %swap3A_4412 = arith.constant 0 : i32
        %swap3A_4413 = arith.constant 4 : i32
        %swap3A_4414 = arith.index_cast %rem3A_130 : i32 to index
        %swap3A_4415 = arith.index_cast %add3A_2295 : i32 to index
        %swap3A_4416 = arith.index_cast %swap3A_4412 : i32 to index
        %swap3A_4417 = arith.index_cast %swap3A_4413 : i32 to index
        %swap3A_4418 = arith.constant 96 : index
        %swap3A_4419 = tpu.vector_load %arg7[%swap3A_4414, %swap3A_4415, %swap3A_4416, %swap3A_4417, %swap3A_4418] {strides = array<i32>} : memref<2x8x3x8x128xf32, #tpu.memory_space<vmem>>, vector<16xf32>,
        tpu.vector_store %arg7[%swap3A_4414, %swap3A_4415, %swap3A_4416, %swap3A_4417, %swap3A_4418], %gather3A_4123 {strides = array<i32>} : memref<2x8x3x8x128xf32, #tpu.memory_space<vmem>>, vector<16xf32>,
        %add3A_4420 = arith.constant 5 : i32
        %add3A_4421 = vector.broadcast %add3A_4420 : i32 to vector<16xi32>
        %add3A_4422 = arith.addi %mul3A_2343, %add3A_4421 : vector<16xi32>
        %gather3A_4423 = tpu.vector_load_idx %arg5[%add3A_4422] : memref<576xf32, #tpu.memory_space<vmem>>[vector<16xi32>], vector<16xf32>,
        %swap3A_4424 = arith.constant 0 : i32
        %swap3A_4425 = arith.constant 5 : i32
        %swap3A_4426 = arith.index_cast %rem3A_130 : i32 to index
        %swap3A_4427 = arith.index_cast %add3A_2295 : i32 to index
        %swap3A_4428 = arith.index_cast %swap3A_4424 : i32 to index
        %swap3A_4429 = arith.index_cast %swap3A_4425 : i32 to index
        %swap3A_4430 = arith.constant 96 : index
        %swap3A_4431 = tpu.vector_load %arg7[%swap3A_4426, %swap3A_4427, %swap3A_4428, %swap3A_4429, %swap3A_4430] {strides = array<i32>} : memref<2x8x3x8x128xf32, #tpu.memory_space<vmem>>, vector<16xf32>,
        tpu.vector_store %arg7[%swap3A_4426, %swap3A_4427, %swap3A_4428, %swap3A_4429, %swap3A_4430], %gather3A_4135 {strides = array<i32>} : memref<2x8x3x8x128xf32, #tpu.memory_space<vmem>>, vector<16xf32>,
        %add3A_4432 = arith.constant 6 : i32
        %add3A_4433 = vector.broadcast %add3A_4432 : i32 to vector<16xi32>
        %add3A_4434 = arith.addi %mul3A_2343, %add3A_4433 : vector<16xi32>
        %gather3A_4435 = tpu.vector_load_idx %arg5[%add3A_4434] : memref<576xf32, #tpu.memory_space<vmem>>[vector<16xi32>], vector<16xf32>,
        %swap3A_4436 = arith.constant 0 : i32
        %swap3A_4437 = arith.constant 6 : i32
        %swap3A_4438 = arith.index_cast %rem3A_130 : i32 to index
        %swap3A_4439 = arith.index_cast %add3A_2295 : i32 to index
        %swap3A_4440 = arith.index_cast %swap3A_4436 : i32 to index
        %swap3A_4441 = arith.index_cast %swap3A_4437 : i32 to index
        %swap3A_4442 = arith.constant 96 : index
        %swap3A_4443 = tpu.vector_load %arg7[%swap3A_4438, %swap3A_4439, %swap3A_4440, %swap3A_4441, %swap3A_4442] {strides = array<i32>} : memref<2x8x3x8x128xf32, #tpu.memory_space<vmem>>, vector<16xf32>,
        tpu.vector_store %arg7[%swap3A_4438, %swap3A_4439, %swap3A_4440, %swap3A_4441, %swap3A_4442], %gather3A_4147 {strides = array<i32>} : memref<2x8x3x8x128xf32, #tpu.memory_space<vmem>>, vector<16xf32>,
        %add3A_4444 = arith.constant 7 : i32
        %add3A_4445 = vector.broadcast %add3A_4444 : i32 to vector<16xi32>
        %add3A_4446 = arith.addi %mul3A_2343, %add3A_4445 : vector<16xi32>
        %gather3A_4447 = tpu.vector_load_idx %arg5[%add3A_4446] : memref<576xf32, #tpu.memory_space<vmem>>[vector<16xi32>], vector<16xf32>,
        %swap3A_4448 = arith.constant 0 : i32
        %swap3A_4449 = arith.constant 7 : i32
        %swap3A_4450 = arith.index_cast %rem3A_130 : i32 to index
        %swap3A_4451 = arith.index_cast %add3A_2295 : i32 to index
        %swap3A_4452 = arith.index_cast %swap3A_4448 : i32 to index
        %swap3A_4453 = arith.index_cast %swap3A_4449 : i32 to index
        %swap3A_4454 = arith.constant 96 : index
        %swap3A_4455 = tpu.vector_load %arg7[%swap3A_4450, %swap3A_4451, %swap3A_4452, %swap3A_4453, %swap3A_4454] {strides = array<i32>} : memref<2x8x3x8x128xf32, #tpu.memory_space<vmem>>, vector<16xf32>,
        tpu.vector_store %arg7[%swap3A_4450, %swap3A_4451, %swap3A_4452, %swap3A_4453, %swap3A_4454], %gather3A_4159 {strides = array<i32>} : memref<2x8x3x8x128xf32, #tpu.memory_space<vmem>>, vector<16xf32>,
        %add3A_4456 = arith.constant 8 : i32
        %add3A_4457 = vector.broadcast %add3A_4456 : i32 to vector<16xi32>
        %add3A_4458 = arith.addi %mul3A_2343, %add3A_4457 : vector<16xi32>
        %gather3A_4459 = tpu.vector_load_idx %arg5[%add3A_4458] : memref<576xf32, #tpu.memory_space<vmem>>[vector<16xi32>], vector<16xf32>,
        %swap3A_4460 = arith.constant 1 : i32
        %swap3A_4461 = arith.constant 0 : i32
        %swap3A_4462 = arith.index_cast %rem3A_130 : i32 to index
        %swap3A_4463 = arith.index_cast %add3A_2295 : i32 to index
        %swap3A_4464 = arith.index_cast %swap3A_4460 : i32 to index
        %swap3A_4465 = arith.index_cast %swap3A_4461 : i32 to index
        %swap3A_4466 = arith.constant 96 : index
        %swap3A_4467 = tpu.vector_load %arg7[%swap3A_4462, %swap3A_4463, %swap3A_4464, %swap3A_4465, %swap3A_4466] {strides = array<i32>} : memref<2x8x3x8x128xf32, #tpu.memory_space<vmem>>, vector<16xf32>,
        tpu.vector_store %arg7[%swap3A_4462, %swap3A_4463, %swap3A_4464, %swap3A_4465, %swap3A_4466], %gather3A_4171 {strides = array<i32>} : memref<2x8x3x8x128xf32, #tpu.memory_space<vmem>>, vector<16xf32>,
        %add3A_4468 = arith.constant 9 : i32
        %add3A_4469 = vector.broadcast %add3A_4468 : i32 to vector<16xi32>
        %add3A_4470 = arith.addi %mul3A_2343, %add3A_4469 : vector<16xi32>
        %gather3A_4471 = tpu.vector_load_idx %arg5[%add3A_4470] : memref<576xf32, #tpu.memory_space<vmem>>[vector<16xi32>], vector<16xf32>,
        %swap3A_4472 = arith.constant 1 : i32
        %swap3A_4473 = arith.constant 1 : i32
        %swap3A_4474 = arith.index_cast %rem3A_130 : i32 to index
        %swap3A_4475 = arith.index_cast %add3A_2295 : i32 to index
        %swap3A_4476 = arith.index_cast %swap3A_4472 : i32 to index
        %swap3A_4477 = arith.index_cast %swap3A_4473 : i32 to index
        %swap3A_4478 = arith.constant 96 : index
        %swap3A_4479 = tpu.vector_load %arg7[%swap3A_4474, %swap3A_4475, %swap3A_4476, %swap3A_4477, %swap3A_4478] {strides = array<i32>} : memref<2x8x3x8x128xf32, #tpu.memory_space<vmem>>, vector<16xf32>,
        tpu.vector_store %arg7[%swap3A_4474, %swap3A_4475, %swap3A_4476, %swap3A_4477, %swap3A_4478], %gather3A_4183 {strides = array<i32>} : memref<2x8x3x8x128xf32, #tpu.memory_space<vmem>>, vector<16xf32>,
        %add3A_4480 = arith.constant 10 : i32
        %add3A_4481 = vector.broadcast %add3A_4480 : i32 to vector<16xi32>
        %add3A_4482 = arith.addi %mul3A_2343, %add3A_4481 : vector<16xi32>
        %gather3A_4483 = tpu.vector_load_idx %arg5[%add3A_4482] : memref<576xf32, #tpu.memory_space<vmem>>[vector<16xi32>], vector<16xf32>,
        %swap3A_4484 = arith.constant 1 : i32
        %swap3A_4485 = arith.constant 2 : i32
        %swap3A_4486 = arith.index_cast %rem3A_130 : i32 to index
        %swap3A_4487 = arith.index_cast %add3A_2295 : i32 to index
        %swap3A_4488 = arith.index_cast %swap3A_4484 : i32 to index
        %swap3A_4489 = arith.index_cast %swap3A_4485 : i32 to index
        %swap3A_4490 = arith.constant 96 : index
        %swap3A_4491 = tpu.vector_load %arg7[%swap3A_4486, %swap3A_4487, %swap3A_4488, %swap3A_4489, %swap3A_4490] {strides = array<i32>} : memref<2x8x3x8x128xf32, #tpu.memory_space<vmem>>, vector<16xf32>,
        tpu.vector_store %arg7[%swap3A_4486, %swap3A_4487, %swap3A_4488, %swap3A_4489, %swap3A_4490], %gather3A_4195 {strides = array<i32>} : memref<2x8x3x8x128xf32, #tpu.memory_space<vmem>>, vector<16xf32>,
        %add3A_4492 = arith.constant 11 : i32
        %add3A_4493 = vector.broadcast %add3A_4492 : i32 to vector<16xi32>
        %add3A_4494 = arith.addi %mul3A_2343, %add3A_4493 : vector<16xi32>
        %gather3A_4495 = tpu.vector_load_idx %arg5[%add3A_4494] : memref<576xf32, #tpu.memory_space<vmem>>[vector<16xi32>], vector<16xf32>,
        %swap3A_4496 = arith.constant 1 : i32
        %swap3A_4497 = arith.constant 3 : i32
        %swap3A_4498 = arith.index_cast %rem3A_130 : i32 to index
        %swap3A_4499 = arith.index_cast %add3A_2295 : i32 to index
        %swap3A_4500 = arith.index_cast %swap3A_4496 : i32 to index
        %swap3A_4501 = arith.index_cast %swap3A_4497 : i32 to index
        %swap3A_4502 = arith.constant 96 : index
        %swap3A_4503 = tpu.vector_load %arg7[%swap3A_4498, %swap3A_4499, %swap3A_4500, %swap3A_4501, %swap3A_4502] {strides = array<i32>} : memref<2x8x3x8x128xf32, #tpu.memory_space<vmem>>, vector<16xf32>,
        tpu.vector_store %arg7[%swap3A_4498, %swap3A_4499, %swap3A_4500, %swap3A_4501, %swap3A_4502], %gather3A_4207 {strides = array<i32>} : memref<2x8x3x8x128xf32, #tpu.memory_space<vmem>>, vector<16xf32>,
        %add3A_4504 = arith.constant 12 : i32
        %add3A_4505 = vector.broadcast %add3A_4504 : i32 to vector<16xi32>
        %add3A_4506 = arith.addi %mul3A_2343, %add3A_4505 : vector<16xi32>
        %gather3A_4507 = tpu.vector_load_idx %arg5[%add3A_4506] : memref<576xf32, #tpu.memory_space<vmem>>[vector<16xi32>], vector<16xf32>,
        %swap3A_4508 = arith.constant 1 : i32
        %swap3A_4509 = arith.constant 4 : i32
        %swap3A_4510 = arith.index_cast %rem3A_130 : i32 to index
        %swap3A_4511 = arith.index_cast %add3A_2295 : i32 to index
        %swap3A_4512 = arith.index_cast %swap3A_4508 : i32 to index
        %swap3A_4513 = arith.index_cast %swap3A_4509 : i32 to index
        %swap3A_4514 = arith.constant 96 : index
        %swap3A_4515 = tpu.vector_load %arg7[%swap3A_4510, %swap3A_4511, %swap3A_4512, %swap3A_4513, %swap3A_4514] {strides = array<i32>} : memref<2x8x3x8x128xf32, #tpu.memory_space<vmem>>, vector<16xf32>,
        tpu.vector_store %arg7[%swap3A_4510, %swap3A_4511, %swap3A_4512, %swap3A_4513, %swap3A_4514], %gather3A_4219 {strides = array<i32>} : memref<2x8x3x8x128xf32, #tpu.memory_space<vmem>>, vector<16xf32>,
        %add3A_4516 = arith.constant 13 : i32
        %add3A_4517 = vector.broadcast %add3A_4516 : i32 to vector<16xi32>
        %add3A_4518 = arith.addi %mul3A_2343, %add3A_4517 : vector<16xi32>
        %gather3A_4519 = tpu.vector_load_idx %arg5[%add3A_4518] : memref<576xf32, #tpu.memory_space<vmem>>[vector<16xi32>], vector<16xf32>,
        %swap3A_4520 = arith.constant 1 : i32
        %swap3A_4521 = arith.constant 5 : i32
        %swap3A_4522 = arith.index_cast %rem3A_130 : i32 to index
        %swap3A_4523 = arith.index_cast %add3A_2295 : i32 to index
        %swap3A_4524 = arith.index_cast %swap3A_4520 : i32 to index
        %swap3A_4525 = arith.index_cast %swap3A_4521 : i32 to index
        %swap3A_4526 = arith.constant 96 : index
        %swap3A_4527 = tpu.vector_load %arg7[%swap3A_4522, %swap3A_4523, %swap3A_4524, %swap3A_4525, %swap3A_4526] {strides = array<i32>} : memref<2x8x3x8x128xf32, #tpu.memory_space<vmem>>, vector<16xf32>,
        tpu.vector_store %arg7[%swap3A_4522, %swap3A_4523, %swap3A_4524, %swap3A_4525, %swap3A_4526], %gather3A_4231 {strides = array<i32>} : memref<2x8x3x8x128xf32, #tpu.memory_space<vmem>>, vector<16xf32>,
        %add3A_4528 = arith.constant 14 : i32
        %add3A_4529 = vector.broadcast %add3A_4528 : i32 to vector<16xi32>
        %add3A_4530 = arith.addi %mul3A_2343, %add3A_4529 : vector<16xi32>
        %gather3A_4531 = tpu.vector_load_idx %arg5[%add3A_4530] : memref<576xf32, #tpu.memory_space<vmem>>[vector<16xi32>], vector<16xf32>,
        %swap3A_4532 = arith.constant 1 : i32
        %swap3A_4533 = arith.constant 6 : i32
        %swap3A_4534 = arith.index_cast %rem3A_130 : i32 to index
        %swap3A_4535 = arith.index_cast %add3A_2295 : i32 to index
        %swap3A_4536 = arith.index_cast %swap3A_4532 : i32 to index
        %swap3A_4537 = arith.index_cast %swap3A_4533 : i32 to index
        %swap3A_4538 = arith.constant 96 : index
        %swap3A_4539 = tpu.vector_load %arg7[%swap3A_4534, %swap3A_4535, %swap3A_4536, %swap3A_4537, %swap3A_4538] {strides = array<i32>} : memref<2x8x3x8x128xf32, #tpu.memory_space<vmem>>, vector<16xf32>,
        tpu.vector_store %arg7[%swap3A_4534, %swap3A_4535, %swap3A_4536, %swap3A_4537, %swap3A_4538], %gather3A_4243 {strides = array<i32>} : memref<2x8x3x8x128xf32, #tpu.memory_space<vmem>>, vector<16xf32>,
        %add3A_4540 = arith.constant 15 : i32
        %add3A_4541 = vector.broadcast %add3A_4540 : i32 to vector<16xi32>
        %add3A_4542 = arith.addi %mul3A_2343, %add3A_4541 : vector<16xi32>
        %gather3A_4543 = tpu.vector_load_idx %arg5[%add3A_4542] : memref<576xf32, #tpu.memory_space<vmem>>[vector<16xi32>], vector<16xf32>,
        %swap3A_4544 = arith.constant 1 : i32
        %swap3A_4545 = arith.constant 7 : i32
        %swap3A_4546 = arith.index_cast %rem3A_130 : i32 to index
        %swap3A_4547 = arith.index_cast %add3A_2295 : i32 to index
        %swap3A_4548 = arith.index_cast %swap3A_4544 : i32 to index
        %swap3A_4549 = arith.index_cast %swap3A_4545 : i32 to index
        %swap3A_4550 = arith.constant 96 : index
        %swap3A_4551 = tpu.vector_load %arg7[%swap3A_4546, %swap3A_4547, %swap3A_4548, %swap3A_4549, %swap3A_4550] {strides = array<i32>} : memref<2x8x3x8x128xf32, #tpu.memory_space<vmem>>, vector<16xf32>,
        tpu.vector_store %arg7[%swap3A_4546, %swap3A_4547, %swap3A_4548, %swap3A_4549, %swap3A_4550], %gather3A_4255 {strides = array<i32>} : memref<2x8x3x8x128xf32, #tpu.memory_space<vmem>>, vector<16xf32>,
        %add3A_4552 = arith.constant 16 : i32
        %add3A_4553 = vector.broadcast %add3A_4552 : i32 to vector<16xi32>
        %add3A_4554 = arith.addi %mul3A_2343, %add3A_4553 : vector<16xi32>
        %gather3A_4555 = tpu.vector_load_idx %arg5[%add3A_4554] : memref<576xf32, #tpu.memory_space<vmem>>[vector<16xi32>], vector<16xf32>,
        %swap3A_4556 = arith.constant 2 : i32
        %swap3A_4557 = arith.constant 0 : i32
        %swap3A_4558 = arith.index_cast %rem3A_130 : i32 to index
        %swap3A_4559 = arith.index_cast %add3A_2295 : i32 to index
        %swap3A_4560 = arith.index_cast %swap3A_4556 : i32 to index
        %swap3A_4561 = arith.index_cast %swap3A_4557 : i32 to index
        %swap3A_4562 = arith.constant 96 : index
        %swap3A_4563 = tpu.vector_load %arg7[%swap3A_4558, %swap3A_4559, %swap3A_4560, %swap3A_4561, %swap3A_4562] {strides = array<i32>} : memref<2x8x3x8x128xf32, #tpu.memory_space<vmem>>, vector<16xf32>,
        tpu.vector_store %arg7[%swap3A_4558, %swap3A_4559, %swap3A_4560, %swap3A_4561, %swap3A_4562], %gather3A_4267 {strides = array<i32>} : memref<2x8x3x8x128xf32, #tpu.memory_space<vmem>>, vector<16xf32>,
        %add3A_4564 = arith.constant 17 : i32
        %add3A_4565 = vector.broadcast %add3A_4564 : i32 to vector<16xi32>
        %add3A_4566 = arith.addi %mul3A_2343, %add3A_4565 : vector<16xi32>
        %gather3A_4567 = tpu.vector_load_idx %arg5[%add3A_4566] : memref<576xf32, #tpu.memory_space<vmem>>[vector<16xi32>], vector<16xf32>,
        %swap3A_4568 = arith.constant 2 : i32
        %swap3A_4569 = arith.constant 1 : i32
        %swap3A_4570 = arith.index_cast %rem3A_130 : i32 to index
        %swap3A_4571 = arith.index_cast %add3A_2295 : i32 to index
        %swap3A_4572 = arith.index_cast %swap3A_4568 : i32 to index
        %swap3A_4573 = arith.index_cast %swap3A_4569 : i32 to index
        %swap3A_4574 = arith.constant 96 : index
        %swap3A_4575 = tpu.vector_load %arg7[%swap3A_4570, %swap3A_4571, %swap3A_4572, %swap3A_4573, %swap3A_4574] {strides = array<i32>} : memref<2x8x3x8x128xf32, #tpu.memory_space<vmem>>, vector<16xf32>,
        tpu.vector_store %arg7[%swap3A_4570, %swap3A_4571, %swap3A_4572, %swap3A_4573, %swap3A_4574], %gather3A_4279 {strides = array<i32>} : memref<2x8x3x8x128xf32, #tpu.memory_space<vmem>>, vector<16xf32>,
        %add3A_4576 = arith.constant 18 : i32
        %add3A_4577 = vector.broadcast %add3A_4576 : i32 to vector<16xi32>
        %add3A_4578 = arith.addi %mul3A_2343, %add3A_4577 : vector<16xi32>
        %gather3A_4579 = tpu.vector_load_idx %arg5[%add3A_4578] : memref<576xf32, #tpu.memory_space<vmem>>[vector<16xi32>], vector<16xf32>,
        %swap3A_4580 = arith.constant 2 : i32
        %swap3A_4581 = arith.constant 2 : i32
        %swap3A_4582 = arith.index_cast %rem3A_130 : i32 to index
        %swap3A_4583 = arith.index_cast %add3A_2295 : i32 to index
        %swap3A_4584 = arith.index_cast %swap3A_4580 : i32 to index
        %swap3A_4585 = arith.index_cast %swap3A_4581 : i32 to index
        %swap3A_4586 = arith.constant 96 : index
        %swap3A_4587 = tpu.vector_load %arg7[%swap3A_4582, %swap3A_4583, %swap3A_4584, %swap3A_4585, %swap3A_4586] {strides = array<i32>} : memref<2x8x3x8x128xf32, #tpu.memory_space<vmem>>, vector<16xf32>,
        tpu.vector_store %arg7[%swap3A_4582, %swap3A_4583, %swap3A_4584, %swap3A_4585, %swap3A_4586], %gather3A_4291 {strides = array<i32>} : memref<2x8x3x8x128xf32, #tpu.memory_space<vmem>>, vector<16xf32>,
        %add3A_4588 = arith.constant 19 : i32
        %add3A_4589 = vector.broadcast %add3A_4588 : i32 to vector<16xi32>
        %add3A_4590 = arith.addi %mul3A_2343, %add3A_4589 : vector<16xi32>
        %gather3A_4591 = tpu.vector_load_idx %arg5[%add3A_4590] : memref<576xf32, #tpu.memory_space<vmem>>[vector<16xi32>], vector<16xf32>,
        %swap3A_4592 = arith.constant 2 : i32
        %swap3A_4593 = arith.constant 3 : i32
        %swap3A_4594 = arith.index_cast %rem3A_130 : i32 to index
        %swap3A_4595 = arith.index_cast %add3A_2295 : i32 to index
        %swap3A_4596 = arith.index_cast %swap3A_4592 : i32 to index
        %swap3A_4597 = arith.index_cast %swap3A_4593 : i32 to index
        %swap3A_4598 = arith.constant 96 : index
        %swap3A_4599 = tpu.vector_load %arg7[%swap3A_4594, %swap3A_4595, %swap3A_4596, %swap3A_4597, %swap3A_4598] {strides = array<i32>} : memref<2x8x3x8x128xf32, #tpu.memory_space<vmem>>, vector<16xf32>,
        tpu.vector_store %arg7[%swap3A_4594, %swap3A_4595, %swap3A_4596, %swap3A_4597, %swap3A_4598], %gather3A_4303 {strides = array<i32>} : memref<2x8x3x8x128xf32, #tpu.memory_space<vmem>>, vector<16xf32>,
        %add3A_4600 = arith.constant 20 : i32
        %add3A_4601 = vector.broadcast %add3A_4600 : i32 to vector<16xi32>
        %add3A_4602 = arith.addi %mul3A_2343, %add3A_4601 : vector<16xi32>
        %gather3A_4603 = tpu.vector_load_idx %arg5[%add3A_4602] : memref<576xf32, #tpu.memory_space<vmem>>[vector<16xi32>], vector<16xf32>,
        %swap3A_4604 = arith.constant 2 : i32
        %swap3A_4605 = arith.constant 4 : i32
        %swap3A_4606 = arith.index_cast %rem3A_130 : i32 to index
        %swap3A_4607 = arith.index_cast %add3A_2295 : i32 to index
        %swap3A_4608 = arith.index_cast %swap3A_4604 : i32 to index
        %swap3A_4609 = arith.index_cast %swap3A_4605 : i32 to index
        %swap3A_4610 = arith.constant 96 : index
        %swap3A_4611 = tpu.vector_load %arg7[%swap3A_4606, %swap3A_4607, %swap3A_4608, %swap3A_4609, %swap3A_4610] {strides = array<i32>} : memref<2x8x3x8x128xf32, #tpu.memory_space<vmem>>, vector<16xf32>,
        tpu.vector_store %arg7[%swap3A_4606, %swap3A_4607, %swap3A_4608, %swap3A_4609, %swap3A_4610], %gather3A_4315 {strides = array<i32>} : memref<2x8x3x8x128xf32, #tpu.memory_space<vmem>>, vector<16xf32>,
        %add3A_4612 = arith.constant 21 : i32
        %add3A_4613 = vector.broadcast %add3A_4612 : i32 to vector<16xi32>
        %add3A_4614 = arith.addi %mul3A_2343, %add3A_4613 : vector<16xi32>
        %gather3A_4615 = tpu.vector_load_idx %arg5[%add3A_4614] : memref<576xf32, #tpu.memory_space<vmem>>[vector<16xi32>], vector<16xf32>,
        %swap3A_4616 = arith.constant 2 : i32
        %swap3A_4617 = arith.constant 5 : i32
        %swap3A_4618 = arith.index_cast %rem3A_130 : i32 to index
        %swap3A_4619 = arith.index_cast %add3A_2295 : i32 to index
        %swap3A_4620 = arith.index_cast %swap3A_4616 : i32 to index
        %swap3A_4621 = arith.index_cast %swap3A_4617 : i32 to index
        %swap3A_4622 = arith.constant 96 : index
        %swap3A_4623 = tpu.vector_load %arg7[%swap3A_4618, %swap3A_4619, %swap3A_4620, %swap3A_4621, %swap3A_4622] {strides = array<i32>} : memref<2x8x3x8x128xf32, #tpu.memory_space<vmem>>, vector<16xf32>,
        tpu.vector_store %arg7[%swap3A_4618, %swap3A_4619, %swap3A_4620, %swap3A_4621, %swap3A_4622], %gather3A_4327 {strides = array<i32>} : memref<2x8x3x8x128xf32, #tpu.memory_space<vmem>>, vector<16xf32>,
        %add3A_4624 = arith.constant 22 : i32
        %add3A_4625 = vector.broadcast %add3A_4624 : i32 to vector<16xi32>
        %add3A_4626 = arith.addi %mul3A_2343, %add3A_4625 : vector<16xi32>
        %gather3A_4627 = tpu.vector_load_idx %arg5[%add3A_4626] : memref<576xf32, #tpu.memory_space<vmem>>[vector<16xi32>], vector<16xf32>,
        %swap3A_4628 = arith.constant 2 : i32
        %swap3A_4629 = arith.constant 6 : i32
        %swap3A_4630 = arith.index_cast %rem3A_130 : i32 to index
        %swap3A_4631 = arith.index_cast %add3A_2295 : i32 to index
        %swap3A_4632 = arith.index_cast %swap3A_4628 : i32 to index
        %swap3A_4633 = arith.index_cast %swap3A_4629 : i32 to index
        %swap3A_4634 = arith.constant 96 : index
        %swap3A_4635 = tpu.vector_load %arg7[%swap3A_4630, %swap3A_4631, %swap3A_4632, %swap3A_4633, %swap3A_4634] {strides = array<i32>} : memref<2x8x3x8x128xf32, #tpu.memory_space<vmem>>, vector<16xf32>,
        tpu.vector_store %arg7[%swap3A_4630, %swap3A_4631, %swap3A_4632, %swap3A_4633, %swap3A_4634], %gather3A_4339 {strides = array<i32>} : memref<2x8x3x8x128xf32, #tpu.memory_space<vmem>>, vector<16xf32>,
        %add3A_4636 = arith.constant 23 : i32
        %add3A_4637 = vector.broadcast %add3A_4636 : i32 to vector<16xi32>
        %add3A_4638 = arith.addi %mul3A_2343, %add3A_4637 : vector<16xi32>
        %gather3A_4639 = tpu.vector_load_idx %arg5[%add3A_4638] : memref<576xf32, #tpu.memory_space<vmem>>[vector<16xi32>], vector<16xf32>,
        %swap3A_4640 = arith.constant 2 : i32
        %swap3A_4641 = arith.constant 7 : i32
        %swap3A_4642 = arith.index_cast %rem3A_130 : i32 to index
        %swap3A_4643 = arith.index_cast %add3A_2295 : i32 to index
        %swap3A_4644 = arith.index_cast %swap3A_4640 : i32 to index
        %swap3A_4645 = arith.index_cast %swap3A_4641 : i32 to index
        %swap3A_4646 = arith.constant 96 : index
        %swap3A_4647 = tpu.vector_load %arg7[%swap3A_4642, %swap3A_4643, %swap3A_4644, %swap3A_4645, %swap3A_4646] {strides = array<i32>} : memref<2x8x3x8x128xf32, #tpu.memory_space<vmem>>, vector<16xf32>,
        tpu.vector_store %arg7[%swap3A_4642, %swap3A_4643, %swap3A_4644, %swap3A_4645, %swap3A_4646], %gather3A_4351 {strides = array<i32>} : memref<2x8x3x8x128xf32, #tpu.memory_space<vmem>>, vector<16xf32>,
        %add3A_4648 = arith.constant 1 : i32
        %add3A_4649 = arith.addi %rem3A_127, %add3A_4648 : i32
        %swap3A_4650 = arith.constant 0 : i32
        %swap3A_4651 = arith.constant 0 : i32
        %swap3A_4652 = arith.index_cast %rem3A_130 : i32 to index
        %swap3A_4653 = arith.index_cast %add3A_4649 : i32 to index
        %swap3A_4654 = arith.index_cast %swap3A_4650 : i32 to index
        %swap3A_4655 = arith.index_cast %swap3A_4651 : i32 to index
        %swap3A_4656 = arith.constant 112 : index
        %swap3A_4657 = tpu.vector_load %arg7[%swap3A_4652, %swap3A_4653, %swap3A_4654, %swap3A_4655, %swap3A_4656] {strides = array<i32>} : memref<2x8x3x8x128xf32, #tpu.memory_space<vmem>>, vector<16xf32>,
        tpu.vector_store %arg7[%swap3A_4652, %swap3A_4653, %swap3A_4654, %swap3A_4655, %swap3A_4656], %gather3A_4363 {strides = array<i32>} : memref<2x8x3x8x128xf32, #tpu.memory_space<vmem>>, vector<16xf32>,
        %add3A_4658 = arith.constant 1 : i32
        %add3A_4659 = arith.addi %rem3A_127, %add3A_4658 : i32
        %swap3A_4660 = arith.constant 0 : i32
        %swap3A_4661 = arith.constant 1 : i32
        %swap3A_4662 = arith.index_cast %rem3A_130 : i32 to index
        %swap3A_4663 = arith.index_cast %add3A_4659 : i32 to index
        %swap3A_4664 = arith.index_cast %swap3A_4660 : i32 to index
        %swap3A_4665 = arith.index_cast %swap3A_4661 : i32 to index
        %swap3A_4666 = arith.constant 112 : index
        %swap3A_4667 = tpu.vector_load %arg7[%swap3A_4662, %swap3A_4663, %swap3A_4664, %swap3A_4665, %swap3A_4666] {strides = array<i32>} : memref<2x8x3x8x128xf32, #tpu.memory_space<vmem>>, vector<16xf32>,
        tpu.vector_store %arg7[%swap3A_4662, %swap3A_4663, %swap3A_4664, %swap3A_4665, %swap3A_4666], %gather3A_4375 {strides = array<i32>} : memref<2x8x3x8x128xf32, #tpu.memory_space<vmem>>, vector<16xf32>,
        %add3A_4668 = arith.constant 1 : i32
        %add3A_4669 = arith.addi %rem3A_127, %add3A_4668 : i32
        %swap3A_4670 = arith.constant 0 : i32
        %swap3A_4671 = arith.constant 2 : i32
        %swap3A_4672 = arith.index_cast %rem3A_130 : i32 to index
        %swap3A_4673 = arith.index_cast %add3A_4669 : i32 to index
        %swap3A_4674 = arith.index_cast %swap3A_4670 : i32 to index
        %swap3A_4675 = arith.index_cast %swap3A_4671 : i32 to index
        %swap3A_4676 = arith.constant 112 : index
        %swap3A_4677 = tpu.vector_load %arg7[%swap3A_4672, %swap3A_4673, %swap3A_4674, %swap3A_4675, %swap3A_4676] {strides = array<i32>} : memref<2x8x3x8x128xf32, #tpu.memory_space<vmem>>, vector<16xf32>,
        tpu.vector_store %arg7[%swap3A_4672, %swap3A_4673, %swap3A_4674, %swap3A_4675, %swap3A_4676], %gather3A_4387 {strides = array<i32>} : memref<2x8x3x8x128xf32, #tpu.memory_space<vmem>>, vector<16xf32>,
        %add3A_4678 = arith.constant 1 : i32
        %add3A_4679 = arith.addi %rem3A_127, %add3A_4678 : i32
        %swap3A_4680 = arith.constant 0 : i32
        %swap3A_4681 = arith.constant 3 : i32
        %swap3A_4682 = arith.index_cast %rem3A_130 : i32 to index
        %swap3A_4683 = arith.index_cast %add3A_4679 : i32 to index
        %swap3A_4684 = arith.index_cast %swap3A_4680 : i32 to index
        %swap3A_4685 = arith.index_cast %swap3A_4681 : i32 to index
        %swap3A_4686 = arith.constant 112 : index
        %swap3A_4687 = tpu.vector_load %arg7[%swap3A_4682, %swap3A_4683, %swap3A_4684, %swap3A_4685, %swap3A_4686] {strides = array<i32>} : memref<2x8x3x8x128xf32, #tpu.memory_space<vmem>>, vector<16xf32>,
        tpu.vector_store %arg7[%swap3A_4682, %swap3A_4683, %swap3A_4684, %swap3A_4685, %swap3A_4686], %gather3A_4399 {strides = array<i32>} : memref<2x8x3x8x128xf32, #tpu.memory_space<vmem>>, vector<16xf32>,
        %add3A_4688 = arith.constant 1 : i32
        %add3A_4689 = arith.addi %rem3A_127, %add3A_4688 : i32
        %swap3A_4690 = arith.constant 0 : i32
        %swap3A_4691 = arith.constant 4 : i32
        %swap3A_4692 = arith.index_cast %rem3A_130 : i32 to index
        %swap3A_4693 = arith.index_cast %add3A_4689 : i32 to index
        %swap3A_4694 = arith.index_cast %swap3A_4690 : i32 to index
        %swap3A_4695 = arith.index_cast %swap3A_4691 : i32 to index
        %swap3A_4696 = arith.constant 112 : index
        %swap3A_4697 = tpu.vector_load %arg7[%swap3A_4692, %swap3A_4693, %swap3A_4694, %swap3A_4695, %swap3A_4696] {strides = array<i32>} : memref<2x8x3x8x128xf32, #tpu.memory_space<vmem>>, vector<16xf32>,
        tpu.vector_store %arg7[%swap3A_4692, %swap3A_4693, %swap3A_4694, %swap3A_4695, %swap3A_4696], %gather3A_4411 {strides = array<i32>} : memref<2x8x3x8x128xf32, #tpu.memory_space<vmem>>, vector<16xf32>,
        %add3A_4698 = arith.constant 1 : i32
        %add3A_4699 = arith.addi %rem3A_127, %add3A_4698 : i32
        %swap3A_4700 = arith.constant 0 : i32
        %swap3A_4701 = arith.constant 5 : i32
        %swap3A_4702 = arith.index_cast %rem3A_130 : i32 to index
        %swap3A_4703 = arith.index_cast %add3A_4699 : i32 to index
        %swap3A_4704 = arith.index_cast %swap3A_4700 : i32 to index
        %swap3A_4705 = arith.index_cast %swap3A_4701 : i32 to index
        %swap3A_4706 = arith.constant 112 : index
        %swap3A_4707 = tpu.vector_load %arg7[%swap3A_4702, %swap3A_4703, %swap3A_4704, %swap3A_4705, %swap3A_4706] {strides = array<i32>} : memref<2x8x3x8x128xf32, #tpu.memory_space<vmem>>, vector<16xf32>,
        tpu.vector_store %arg7[%swap3A_4702, %swap3A_4703, %swap3A_4704, %swap3A_4705, %swap3A_4706], %gather3A_4423 {strides = array<i32>} : memref<2x8x3x8x128xf32, #tpu.memory_space<vmem>>, vector<16xf32>,
        %add3A_4708 = arith.constant 1 : i32
        %add3A_4709 = arith.addi %rem3A_127, %add3A_4708 : i32
        %swap3A_4710 = arith.constant 0 : i32
        %swap3A_4711 = arith.constant 6 : i32
        %swap3A_4712 = arith.index_cast %rem3A_130 : i32 to index
        %swap3A_4713 = arith.index_cast %add3A_4709 : i32 to index
        %swap3A_4714 = arith.index_cast %swap3A_4710 : i32 to index
        %swap3A_4715 = arith.index_cast %swap3A_4711 : i32 to index
        %swap3A_4716 = arith.constant 112 : index
        %swap3A_4717 = tpu.vector_load %arg7[%swap3A_4712, %swap3A_4713, %swap3A_4714, %swap3A_4715, %swap3A_4716] {strides = array<i32>} : memref<2x8x3x8x128xf32, #tpu.memory_space<vmem>>, vector<16xf32>,
        tpu.vector_store %arg7[%swap3A_4712, %swap3A_4713, %swap3A_4714, %swap3A_4715, %swap3A_4716], %gather3A_4435 {strides = array<i32>} : memref<2x8x3x8x128xf32, #tpu.memory_space<vmem>>, vector<16xf32>,
        %add3A_4718 = arith.constant 1 : i32
        %add3A_4719 = arith.addi %rem3A_127, %add3A_4718 : i32
        %swap3A_4720 = arith.constant 0 : i32
        %swap3A_4721 = arith.constant 7 : i32
        %swap3A_4722 = arith.index_cast %rem3A_130 : i32 to index
        %swap3A_4723 = arith.index_cast %add3A_4719 : i32 to index
        %swap3A_4724 = arith.index_cast %swap3A_4720 : i32 to index
        %swap3A_4725 = arith.index_cast %swap3A_4721 : i32 to index
        %swap3A_4726 = arith.constant 112 : index
        %swap3A_4727 = tpu.vector_load %arg7[%swap3A_4722, %swap3A_4723, %swap3A_4724, %swap3A_4725, %swap3A_4726] {strides = array<i32>} : memref<2x8x3x8x128xf32, #tpu.memory_space<vmem>>, vector<16xf32>,
        tpu.vector_store %arg7[%swap3A_4722, %swap3A_4723, %swap3A_4724, %swap3A_4725, %swap3A_4726], %gather3A_4447 {strides = array<i32>} : memref<2x8x3x8x128xf32, #tpu.memory_space<vmem>>, vector<16xf32>,
        %add3A_4728 = arith.constant 1 : i32
        %add3A_4729 = arith.addi %rem3A_127, %add3A_4728 : i32
        %swap3A_4730 = arith.constant 1 : i32
        %swap3A_4731 = arith.constant 0 : i32
        %swap3A_4732 = arith.index_cast %rem3A_130 : i32 to index
        %swap3A_4733 = arith.index_cast %add3A_4729 : i32 to index
        %swap3A_4734 = arith.index_cast %swap3A_4730 : i32 to index
        %swap3A_4735 = arith.index_cast %swap3A_4731 : i32 to index
        %swap3A_4736 = arith.constant 112 : index
        %swap3A_4737 = tpu.vector_load %arg7[%swap3A_4732, %swap3A_4733, %swap3A_4734, %swap3A_4735, %swap3A_4736] {strides = array<i32>} : memref<2x8x3x8x128xf32, #tpu.memory_space<vmem>>, vector<16xf32>,
        tpu.vector_store %arg7[%swap3A_4732, %swap3A_4733, %swap3A_4734, %swap3A_4735, %swap3A_4736], %gather3A_4459 {strides = array<i32>} : memref<2x8x3x8x128xf32, #tpu.memory_space<vmem>>, vector<16xf32>,
        %add3A_4738 = arith.constant 1 : i32
        %add3A_4739 = arith.addi %rem3A_127, %add3A_4738 : i32
        %swap3A_4740 = arith.constant 1 : i32
        %swap3A_4741 = arith.constant 1 : i32
        %swap3A_4742 = arith.index_cast %rem3A_130 : i32 to index
        %swap3A_4743 = arith.index_cast %add3A_4739 : i32 to index
        %swap3A_4744 = arith.index_cast %swap3A_4740 : i32 to index
        %swap3A_4745 = arith.index_cast %swap3A_4741 : i32 to index
        %swap3A_4746 = arith.constant 112 : index
        %swap3A_4747 = tpu.vector_load %arg7[%swap3A_4742, %swap3A_4743, %swap3A_4744, %swap3A_4745, %swap3A_4746] {strides = array<i32>} : memref<2x8x3x8x128xf32, #tpu.memory_space<vmem>>, vector<16xf32>,
        tpu.vector_store %arg7[%swap3A_4742, %swap3A_4743, %swap3A_4744, %swap3A_4745, %swap3A_4746], %gather3A_4471 {strides = array<i32>} : memref<2x8x3x8x128xf32, #tpu.memory_space<vmem>>, vector<16xf32>,
        %add3A_4748 = arith.constant 1 : i32
        %add3A_4749 = arith.addi %rem3A_127, %add3A_4748 : i32
        %swap3A_4750 = arith.constant 1 : i32
        %swap3A_4751 = arith.constant 2 : i32
        %swap3A_4752 = arith.index_cast %rem3A_130 : i32 to index
        %swap3A_4753 = arith.index_cast %add3A_4749 : i32 to index
        %swap3A_4754 = arith.index_cast %swap3A_4750 : i32 to index
        %swap3A_4755 = arith.index_cast %swap3A_4751 : i32 to index
        %swap3A_4756 = arith.constant 112 : index
        %swap3A_4757 = tpu.vector_load %arg7[%swap3A_4752, %swap3A_4753, %swap3A_4754, %swap3A_4755, %swap3A_4756] {strides = array<i32>} : memref<2x8x3x8x128xf32, #tpu.memory_space<vmem>>, vector<16xf32>,
        tpu.vector_store %arg7[%swap3A_4752, %swap3A_4753, %swap3A_4754, %swap3A_4755, %swap3A_4756], %gather3A_4483 {strides = array<i32>} : memref<2x8x3x8x128xf32, #tpu.memory_space<vmem>>, vector<16xf32>,
        %add3A_4758 = arith.constant 1 : i32
        %add3A_4759 = arith.addi %rem3A_127, %add3A_4758 : i32
        %swap3A_4760 = arith.constant 1 : i32
        %swap3A_4761 = arith.constant 3 : i32
        %swap3A_4762 = arith.index_cast %rem3A_130 : i32 to index
        %swap3A_4763 = arith.index_cast %add3A_4759 : i32 to index
        %swap3A_4764 = arith.index_cast %swap3A_4760 : i32 to index
        %swap3A_4765 = arith.index_cast %swap3A_4761 : i32 to index
        %swap3A_4766 = arith.constant 112 : index
        %swap3A_4767 = tpu.vector_load %arg7[%swap3A_4762, %swap3A_4763, %swap3A_4764, %swap3A_4765, %swap3A_4766] {strides = array<i32>} : memref<2x8x3x8x128xf32, #tpu.memory_space<vmem>>, vector<16xf32>,
        tpu.vector_store %arg7[%swap3A_4762, %swap3A_4763, %swap3A_4764, %swap3A_4765, %swap3A_4766], %gather3A_4495 {strides = array<i32>} : memref<2x8x3x8x128xf32, #tpu.memory_space<vmem>>, vector<16xf32>,
        %add3A_4768 = arith.constant 1 : i32
        %add3A_4769 = arith.addi %rem3A_127, %add3A_4768 : i32
        %swap3A_4770 = arith.constant 1 : i32
        %swap3A_4771 = arith.constant 4 : i32
        %swap3A_4772 = arith.index_cast %rem3A_130 : i32 to index
        %swap3A_4773 = arith.index_cast %add3A_4769 : i32 to index
        %swap3A_4774 = arith.index_cast %swap3A_4770 : i32 to index
        %swap3A_4775 = arith.index_cast %swap3A_4771 : i32 to index
        %swap3A_4776 = arith.constant 112 : index
        %swap3A_4777 = tpu.vector_load %arg7[%swap3A_4772, %swap3A_4773, %swap3A_4774, %swap3A_4775, %swap3A_4776] {strides = array<i32>} : memref<2x8x3x8x128xf32, #tpu.memory_space<vmem>>, vector<16xf32>,
        tpu.vector_store %arg7[%swap3A_4772, %swap3A_4773, %swap3A_4774, %swap3A_4775, %swap3A_4776], %gather3A_4507 {strides = array<i32>} : memref<2x8x3x8x128xf32, #tpu.memory_space<vmem>>, vector<16xf32>,
        %add3A_4778 = arith.constant 1 : i32
        %add3A_4779 = arith.addi %rem3A_127, %add3A_4778 : i32
        %swap3A_4780 = arith.constant 1 : i32
        %swap3A_4781 = arith.constant 5 : i32
        %swap3A_4782 = arith.index_cast %rem3A_130 : i32 to index
        %swap3A_4783 = arith.index_cast %add3A_4779 : i32 to index
        %swap3A_4784 = arith.index_cast %swap3A_4780 : i32 to index
        %swap3A_4785 = arith.index_cast %swap3A_4781 : i32 to index
        %swap3A_4786 = arith.constant 112 : index
        %swap3A_4787 = tpu.vector_load %arg7[%swap3A_4782, %swap3A_4783, %swap3A_4784, %swap3A_4785, %swap3A_4786] {strides = array<i32>} : memref<2x8x3x8x128xf32, #tpu.memory_space<vmem>>, vector<16xf32>,
        tpu.vector_store %arg7[%swap3A_4782, %swap3A_4783, %swap3A_4784, %swap3A_4785, %swap3A_4786], %gather3A_4519 {strides = array<i32>} : memref<2x8x3x8x128xf32, #tpu.memory_space<vmem>>, vector<16xf32>,
        %add3A_4788 = arith.constant 1 : i32
        %add3A_4789 = arith.addi %rem3A_127, %add3A_4788 : i32
        %swap3A_4790 = arith.constant 1 : i32
        %swap3A_4791 = arith.constant 6 : i32
        %swap3A_4792 = arith.index_cast %rem3A_130 : i32 to index
        %swap3A_4793 = arith.index_cast %add3A_4789 : i32 to index
        %swap3A_4794 = arith.index_cast %swap3A_4790 : i32 to index
        %swap3A_4795 = arith.index_cast %swap3A_4791 : i32 to index
        %swap3A_4796 = arith.constant 112 : index
        %swap3A_4797 = tpu.vector_load %arg7[%swap3A_4792, %swap3A_4793, %swap3A_4794, %swap3A_4795, %swap3A_4796] {strides = array<i32>} : memref<2x8x3x8x128xf32, #tpu.memory_space<vmem>>, vector<16xf32>,
        tpu.vector_store %arg7[%swap3A_4792, %swap3A_4793, %swap3A_4794, %swap3A_4795, %swap3A_4796], %gather3A_4531 {strides = array<i32>} : memref<2x8x3x8x128xf32, #tpu.memory_space<vmem>>, vector<16xf32>,
        %add3A_4798 = arith.constant 1 : i32
        %add3A_4799 = arith.addi %rem3A_127, %add3A_4798 : i32
        %swap3A_4800 = arith.constant 1 : i32
        %swap3A_4801 = arith.constant 7 : i32
        %swap3A_4802 = arith.index_cast %rem3A_130 : i32 to index
        %swap3A_4803 = arith.index_cast %add3A_4799 : i32 to index
        %swap3A_4804 = arith.index_cast %swap3A_4800 : i32 to index
        %swap3A_4805 = arith.index_cast %swap3A_4801 : i32 to index
        %swap3A_4806 = arith.constant 112 : index
        %swap3A_4807 = tpu.vector_load %arg7[%swap3A_4802, %swap3A_4803, %swap3A_4804, %swap3A_4805, %swap3A_4806] {strides = array<i32>} : memref<2x8x3x8x128xf32, #tpu.memory_space<vmem>>, vector<16xf32>,
        tpu.vector_store %arg7[%swap3A_4802, %swap3A_4803, %swap3A_4804, %swap3A_4805, %swap3A_4806], %gather3A_4543 {strides = array<i32>} : memref<2x8x3x8x128xf32, #tpu.memory_space<vmem>>, vector<16xf32>,
        %add3A_4808 = arith.constant 1 : i32
        %add3A_4809 = arith.addi %rem3A_127, %add3A_4808 : i32
        %swap3A_4810 = arith.constant 2 : i32
        %swap3A_4811 = arith.constant 0 : i32
        %swap3A_4812 = arith.index_cast %rem3A_130 : i32 to index
        %swap3A_4813 = arith.index_cast %add3A_4809 : i32 to index
        %swap3A_4814 = arith.index_cast %swap3A_4810 : i32 to index
        %swap3A_4815 = arith.index_cast %swap3A_4811 : i32 to index
        %swap3A_4816 = arith.constant 112 : index
        %swap3A_4817 = tpu.vector_load %arg7[%swap3A_4812, %swap3A_4813, %swap3A_4814, %swap3A_4815, %swap3A_4816] {strides = array<i32>} : memref<2x8x3x8x128xf32, #tpu.memory_space<vmem>>, vector<16xf32>,
        tpu.vector_store %arg7[%swap3A_4812, %swap3A_4813, %swap3A_4814, %swap3A_4815, %swap3A_4816], %gather3A_4555 {strides = array<i32>} : memref<2x8x3x8x128xf32, #tpu.memory_space<vmem>>, vector<16xf32>,
        %add3A_4818 = arith.constant 1 : i32
        %add3A_4819 = arith.addi %rem3A_127, %add3A_4818 : i32
        %swap3A_4820 = arith.constant 2 : i32
        %swap3A_4821 = arith.constant 1 : i32
        %swap3A_4822 = arith.index_cast %rem3A_130 : i32 to index
        %swap3A_4823 = arith.index_cast %add3A_4819 : i32 to index
        %swap3A_4824 = arith.index_cast %swap3A_4820 : i32 to index
        %swap3A_4825 = arith.index_cast %swap3A_4821 : i32 to index
        %swap3A_4826 = arith.constant 112 : index
        %swap3A_4827 = tpu.vector_load %arg7[%swap3A_4822, %swap3A_4823, %swap3A_4824, %swap3A_4825, %swap3A_4826] {strides = array<i32>} : memref<2x8x3x8x128xf32, #tpu.memory_space<vmem>>, vector<16xf32>,
        tpu.vector_store %arg7[%swap3A_4822, %swap3A_4823, %swap3A_4824, %swap3A_4825, %swap3A_4826], %gather3A_4567 {strides = array<i32>} : memref<2x8x3x8x128xf32, #tpu.memory_space<vmem>>, vector<16xf32>,
        %add3A_4828 = arith.constant 1 : i32
        %add3A_4829 = arith.addi %rem3A_127, %add3A_4828 : i32
        %swap3A_4830 = arith.constant 2 : i32
        %swap3A_4831 = arith.constant 2 : i32
        %swap3A_4832 = arith.index_cast %rem3A_130 : i32 to index
        %swap3A_4833 = arith.index_cast %add3A_4829 : i32 to index
        %swap3A_4834 = arith.index_cast %swap3A_4830 : i32 to index
        %swap3A_4835 = arith.index_cast %swap3A_4831 : i32 to index
        %swap3A_4836 = arith.constant 112 : index
        %swap3A_4837 = tpu.vector_load %arg7[%swap3A_4832, %swap3A_4833, %swap3A_4834, %swap3A_4835, %swap3A_4836] {strides = array<i32>} : memref<2x8x3x8x128xf32, #tpu.memory_space<vmem>>, vector<16xf32>,
        tpu.vector_store %arg7[%swap3A_4832, %swap3A_4833, %swap3A_4834, %swap3A_4835, %swap3A_4836], %gather3A_4579 {strides = array<i32>} : memref<2x8x3x8x128xf32, #tpu.memory_space<vmem>>, vector<16xf32>,
        %add3A_4838 = arith.constant 1 : i32
        %add3A_4839 = arith.addi %rem3A_127, %add3A_4838 : i32
        %swap3A_4840 = arith.constant 2 : i32
        %swap3A_4841 = arith.constant 3 : i32
        %swap3A_4842 = arith.index_cast %rem3A_130 : i32 to index
        %swap3A_4843 = arith.index_cast %add3A_4839 : i32 to index
        %swap3A_4844 = arith.index_cast %swap3A_4840 : i32 to index
        %swap3A_4845 = arith.index_cast %swap3A_4841 : i32 to index
        %swap3A_4846 = arith.constant 112 : index
        %swap3A_4847 = tpu.vector_load %arg7[%swap3A_4842, %swap3A_4843, %swap3A_4844, %swap3A_4845, %swap3A_4846] {strides = array<i32>} : memref<2x8x3x8x128xf32, #tpu.memory_space<vmem>>, vector<16xf32>,
        tpu.vector_store %arg7[%swap3A_4842, %swap3A_4843, %swap3A_4844, %swap3A_4845, %swap3A_4846], %gather3A_4591 {strides = array<i32>} : memref<2x8x3x8x128xf32, #tpu.memory_space<vmem>>, vector<16xf32>,
        %add3A_4848 = arith.constant 1 : i32
        %add3A_4849 = arith.addi %rem3A_127, %add3A_4848 : i32
        %swap3A_4850 = arith.constant 2 : i32
        %swap3A_4851 = arith.constant 4 : i32
        %swap3A_4852 = arith.index_cast %rem3A_130 : i32 to index
        %swap3A_4853 = arith.index_cast %add3A_4849 : i32 to index
        %swap3A_4854 = arith.index_cast %swap3A_4850 : i32 to index
        %swap3A_4855 = arith.index_cast %swap3A_4851 : i32 to index
        %swap3A_4856 = arith.constant 112 : index
        %swap3A_4857 = tpu.vector_load %arg7[%swap3A_4852, %swap3A_4853, %swap3A_4854, %swap3A_4855, %swap3A_4856] {strides = array<i32>} : memref<2x8x3x8x128xf32, #tpu.memory_space<vmem>>, vector<16xf32>,
        tpu.vector_store %arg7[%swap3A_4852, %swap3A_4853, %swap3A_4854, %swap3A_4855, %swap3A_4856], %gather3A_4603 {strides = array<i32>} : memref<2x8x3x8x128xf32, #tpu.memory_space<vmem>>, vector<16xf32>,
        %add3A_4858 = arith.constant 1 : i32
        %add3A_4859 = arith.addi %rem3A_127, %add3A_4858 : i32
        %swap3A_4860 = arith.constant 2 : i32
        %swap3A_4861 = arith.constant 5 : i32
        %swap3A_4862 = arith.index_cast %rem3A_130 : i32 to index
        %swap3A_4863 = arith.index_cast %add3A_4859 : i32 to index
        %swap3A_4864 = arith.index_cast %swap3A_4860 : i32 to index
        %swap3A_4865 = arith.index_cast %swap3A_4861 : i32 to index
        %swap3A_4866 = arith.constant 112 : index
        %swap3A_4867 = tpu.vector_load %arg7[%swap3A_4862, %swap3A_4863, %swap3A_4864, %swap3A_4865, %swap3A_4866] {strides = array<i32>} : memref<2x8x3x8x128xf32, #tpu.memory_space<vmem>>, vector<16xf32>,
        tpu.vector_store %arg7[%swap3A_4862, %swap3A_4863, %swap3A_4864, %swap3A_4865, %swap3A_4866], %gather3A_4615 {strides = array<i32>} : memref<2x8x3x8x128xf32, #tpu.memory_space<vmem>>, vector<16xf32>,
        %add3A_4868 = arith.constant 1 : i32
        %add3A_4869 = arith.addi %rem3A_127, %add3A_4868 : i32
        %swap3A_4870 = arith.constant 2 : i32
        %swap3A_4871 = arith.constant 6 : i32
        %swap3A_4872 = arith.index_cast %rem3A_130 : i32 to index
        %swap3A_4873 = arith.index_cast %add3A_4869 : i32 to index
        %swap3A_4874 = arith.index_cast %swap3A_4870 : i32 to index
        %swap3A_4875 = arith.index_cast %swap3A_4871 : i32 to index
        %swap3A_4876 = arith.constant 112 : index
        %swap3A_4877 = tpu.vector_load %arg7[%swap3A_4872, %swap3A_4873, %swap3A_4874, %swap3A_4875, %swap3A_4876] {strides = array<i32>} : memref<2x8x3x8x128xf32, #tpu.memory_space<vmem>>, vector<16xf32>,
        tpu.vector_store %arg7[%swap3A_4872, %swap3A_4873, %swap3A_4874, %swap3A_4875, %swap3A_4876], %gather3A_4627 {strides = array<i32>} : memref<2x8x3x8x128xf32, #tpu.memory_space<vmem>>, vector<16xf32>,
        %add3A_4878 = arith.constant 1 : i32
        %add3A_4879 = arith.addi %rem3A_127, %add3A_4878 : i32
        %swap3A_4880 = arith.constant 2 : i32
        %swap3A_4881 = arith.constant 7 : i32
        %swap3A_4882 = arith.index_cast %rem3A_130 : i32 to index
        %swap3A_4883 = arith.index_cast %add3A_4879 : i32 to index
        %swap3A_4884 = arith.index_cast %swap3A_4880 : i32 to index
        %swap3A_4885 = arith.index_cast %swap3A_4881 : i32 to index
        %swap3A_4886 = arith.constant 112 : index
        %swap3A_4887 = tpu.vector_load %arg7[%swap3A_4882, %swap3A_4883, %swap3A_4884, %swap3A_4885, %swap3A_4886] {strides = array<i32>} : memref<2x8x3x8x128xf32, #tpu.memory_space<vmem>>, vector<16xf32>,
        tpu.vector_store %arg7[%swap3A_4882, %swap3A_4883, %swap3A_4884, %swap3A_4885, %swap3A_4886], %gather3A_4639 {strides = array<i32>} : memref<2x8x3x8x128xf32, #tpu.memory_space<vmem>>, vector<16xf32>,
        %eq3A_4888 = arith.constant 6 : i32
        %eq3A_4889 = arith.cmpi eq, %rem3A_127, %eq3A_4888 : i32
        %convert_element_type3A_4890 = arith.extui %eq3A_4889 : i1 to i32
        %cond3A_4891 = arith.constant 0 : i32
        %cond3A_4892 = arith.cmpi ne, %convert_element_type3A_4890, %cond3A_4891 : i32
        scf.if %cond3A_4892 {
          %sub3A = arith.constant 6 : i32
          %sub3A_4893 = arith.subi %mul3A_126, %sub3A : i32
          %multiple_of3A_4894 = tpu.assume_multiple %sub3A_4893, 8 : i32
          %dma_start3A = arith.constant 0 : i32
          %dma_start3A_4895 = arith.constant 0 : i32
          %dma_start3A_4896 = arith.constant 0 : i32
          %dma_start3A_4897 = arith.constant 0 : i32
          %dma_start3A_4898 = tpu.memref_slice %arg7[%rem3A_130, %dma_start3A, %dma_start3A_4895, %dma_start3A_4896, %dma_start3A_4897] : memref<2x8x3x8x128xf32, #tpu.memory_space<vmem>> -> memref<1x8x3x8x128xf32, #tpu.memory_space<vmem>>
          %dma_start3A_4899 = tpu.memref_squeeze %dma_start3A_4898 : memref<1x8x3x8x128xf32, #tpu.memory_space<vmem>> -> memref<8x3x8x128xf32, #tpu.memory_space<vmem>>
          %dma_start3A_4900 = arith.constant 0 : i32
          %dma_start3A_4901 = arith.constant 0 : i32
          %dma_start3A_4902 = arith.constant 0 : i32
          %dma_start3A_4903 = tpu.memref_slice %arg4[%multiple_of3A_4894, %dma_start3A_4900, %add3A_64, %dma_start3A_4901, %dma_start3A_4902] : memref<200x3x128x8x128xf32, #tpu.memory_space<hbm>> -> memref<8x3x1x8x128xf32, #tpu.memory_space<hbm>>
          %dma_start3A_4904 = tpu.memref_squeeze %dma_start3A_4903 : memref<8x3x1x8x128xf32, #tpu.memory_space<hbm>> -> memref<8x3x8x128xf32, #tpu.memory_space<hbm>>
          %dma_start3A_4905 = arith.constant 0 : i32
          %dma_start3A_4906 = arith.constant 0 : i32
          %dma_start3A_4907 = arith.constant 0 : i32
          %dma_start3A_4908 = tpu.memref_slice %arg4[%multiple_of3A_4894, %dma_start3A_4905, %add3A_64, %dma_start3A_4906, %dma_start3A_4907] : memref<200x3x128x8x128xf32, #tpu.memory_space<hbm>> -> memref<8x3x1x8x128xf32, #tpu.memory_space<hbm>>
          %dma_start3A_4909 = tpu.memref_squeeze %dma_start3A_4908 : memref<8x3x1x8x128xf32, #tpu.memory_space<hbm>> -> memref<8x3x8x128xf32, #tpu.memory_space<hbm>>
          %dma_start3A_4910 = arith.constant 0 : i32
          %dma_start3A_4911 = arith.constant 0 : i32
          %dma_start3A_4912 = arith.constant 0 : i32
          %dma_start3A_4913 = arith.constant 0 : i32
          %dma_start3A_4914 = tpu.memref_slice %arg7[%rem3A_130, %dma_start3A_4910, %dma_start3A_4911, %dma_start3A_4912, %dma_start3A_4913] : memref<2x8x3x8x128xf32, #tpu.memory_space<vmem>> -> memref<1x8x3x8x128xf32, #tpu.memory_space<vmem>>
          %dma_start3A_4915 = tpu.memref_squeeze %dma_start3A_4914 : memref<1x8x3x8x128xf32, #tpu.memory_space<vmem>> -> memref<8x3x8x128xf32, #tpu.memory_space<vmem>>
          tpu.enqueue_dma source(%dma_start3A_4915 : memref<8x3x8x128xf32, #tpu.memory_space<vmem>>) target(%dma_start3A_4909 : memref<8x3x8x128xf32, #tpu.memory_space<hbm>>) target_semaphore(%arg8 : memref<!tpu.dma_semaphore, #tpu.memory_space<semaphore_mem>>)
        } else {
        }
      }
      %scan3A_72 = arith.constant 100 : i32
      %dma_wait3A = arith.constant 0 : i32
      %dma_wait3A_73 = arith.constant 0 : i32
      %dma_wait3A_74 = arith.constant 0 : i32
      %dma_wait3A_75 = arith.constant 0 : i32
      %dma_wait3A_76 = arith.constant 0 : i32
      %dma_wait3A_77 = arith.constant 0 : i32
      %dma_wait3A_78 = tpu.memref_slice %arg7[%dma_wait3A, %dma_wait3A_74, %dma_wait3A_75, %dma_wait3A_76, %dma_wait3A_77] : memref<2x8x3x8x128xf32, #tpu.memory_space<vmem>> -> memref<1x8x3x8x128xf32, #tpu.memory_space<vmem>>
      %dma_wait3A_79 = tpu.memref_squeeze %dma_wait3A_78 : memref<1x8x3x8x128xf32, #tpu.memory_space<vmem>> -> memref<8x3x8x128xf32, #tpu.memory_space<vmem>>
      %dma_wait3A_80 = arith.constant 0 : i32
      %dma_wait3A_81 = arith.constant 0 : i32
      %dma_wait3A_82 = arith.constant 0 : i32
      %dma_wait3A_83 = arith.constant 0 : i32
      %dma_wait3A_84 = tpu.memref_slice %arg4[%dma_wait3A_80, %dma_wait3A_81, %dma_wait3A_73, %dma_wait3A_82, %dma_wait3A_83] : memref<200x3x128x8x128xf32, #tpu.memory_space<hbm>> -> memref<8x3x1x8x128xf32, #tpu.memory_space<hbm>>
      %dma_wait3A_85 = tpu.memref_squeeze %dma_wait3A_84 : memref<8x3x1x8x128xf32, #tpu.memory_space<hbm>> -> memref<8x3x8x128xf32, #tpu.memory_space<hbm>>
      %dma_wait3A_86 = arith.constant 0 : i32
      %dma_wait3A_87 = arith.constant 0 : i32
      %dma_wait3A_88 = arith.constant 0 : i32
      %dma_wait3A_89 = arith.constant 0 : i32
      %dma_wait3A_90 = tpu.memref_slice %arg4[%dma_wait3A_86, %dma_wait3A_87, %dma_wait3A_73, %dma_wait3A_88, %dma_wait3A_89] : memref<200x3x128x8x128xf32, #tpu.memory_space<hbm>> -> memref<8x3x1x8x128xf32, #tpu.memory_space<hbm>>
      %dma_wait3A_91 = tpu.memref_squeeze %dma_wait3A_90 : memref<8x3x1x8x128xf32, #tpu.memory_space<hbm>> -> memref<8x3x8x128xf32, #tpu.memory_space<hbm>>
      %dma_wait3A_92 = arith.constant 0 : i32
      %dma_wait3A_93 = arith.constant 0 : i32
      %dma_wait3A_94 = arith.constant 0 : i32
      %dma_wait3A_95 = arith.constant 0 : i32
      %dma_wait3A_96 = tpu.memref_slice %arg7[%dma_wait3A, %dma_wait3A_92, %dma_wait3A_93, %dma_wait3A_94, %dma_wait3A_95] : memref<2x8x3x8x128xf32, #tpu.memory_space<vmem>> -> memref<1x8x3x8x128xf32, #tpu.memory_space<vmem>>
      %dma_wait3A_97 = tpu.memref_squeeze %dma_wait3A_96 : memref<1x8x3x8x128xf32, #tpu.memory_space<vmem>> -> memref<8x3x8x128xf32, #tpu.memory_space<vmem>>
      tpu.wait_dma2 semaphore(%arg8 : memref<!tpu.dma_semaphore, #tpu.memory_space<semaphore_mem>>) src(%dma_wait3A_97 : memref<8x3x8x128xf32, #tpu.memory_space<vmem>>) dst(%dma_wait3A_91 : memref<8x3x8x128xf32, #tpu.memory_space<hbm>>)
      %dma_wait3A_98 = arith.constant 0 : i32
      %dma_wait3A_99 = arith.constant 0 : i32
      %dma_wait3A_100 = arith.constant 0 : i32
      %dma_wait3A_101 = arith.constant 0 : i32
      %dma_wait3A_102 = arith.constant 0 : i32
      %dma_wait3A_103 = arith.constant 0 : i32
      %dma_wait3A_104 = tpu.memref_slice %arg7[%dma_wait3A_98, %dma_wait3A_100, %dma_wait3A_101, %dma_wait3A_102, %dma_wait3A_103] : memref<2x8x3x8x128xf32, #tpu.memory_space<vmem>> -> memref<1x8x3x8x128xf32, #tpu.memory_space<vmem>>
      %dma_wait3A_105 = tpu.memref_squeeze %dma_wait3A_104 : memref<1x8x3x8x128xf32, #tpu.memory_space<vmem>> -> memref<8x3x8x128xf32, #tpu.memory_space<vmem>>
      %dma_wait3A_106 = arith.constant 0 : i32
      %dma_wait3A_107 = arith.constant 0 : i32
      %dma_wait3A_108 = arith.constant 0 : i32
      %dma_wait3A_109 = arith.constant 0 : i32
      %dma_wait3A_110 = tpu.memref_slice %arg4[%dma_wait3A_106, %dma_wait3A_107, %dma_wait3A_99, %dma_wait3A_108, %dma_wait3A_109] : memref<200x3x128x8x128xf32, #tpu.memory_space<hbm>> -> memref<8x3x1x8x128xf32, #tpu.memory_space<hbm>>
      %dma_wait3A_111 = tpu.memref_squeeze %dma_wait3A_110 : memref<8x3x1x8x128xf32, #tpu.memory_space<hbm>> -> memref<8x3x8x128xf32, #tpu.memory_space<hbm>>
      %dma_wait3A_112 = arith.constant 0 : i32
      %dma_wait3A_113 = arith.constant 0 : i32
      %dma_wait3A_114 = arith.constant 0 : i32
      %dma_wait3A_115 = arith.constant 0 : i32
      %dma_wait3A_116 = tpu.memref_slice %arg4[%dma_wait3A_112, %dma_wait3A_113, %dma_wait3A_99, %dma_wait3A_114, %dma_wait3A_115] : memref<200x3x128x8x128xf32, #tpu.memory_space<hbm>> -> memref<8x3x1x8x128xf32, #tpu.memory_space<hbm>>
      %dma_wait3A_117 = tpu.memref_squeeze %dma_wait3A_116 : memref<8x3x1x8x128xf32, #tpu.memory_space<hbm>> -> memref<8x3x8x128xf32, #tpu.memory_space<hbm>>
      %dma_wait3A_118 = arith.constant 0 : i32
      %dma_wait3A_119 = arith.constant 0 : i32
      %dma_wait3A_120 = arith.constant 0 : i32
      %dma_wait3A_121 = arith.constant 0 : i32
      %dma_wait3A_122 = tpu.memref_slice %arg7[%dma_wait3A_98, %dma_wait3A_118, %dma_wait3A_119, %dma_wait3A_120, %dma_wait3A_121] : memref<2x8x3x8x128xf32, #tpu.memory_space<vmem>> -> memref<1x8x3x8x128xf32, #tpu.memory_space<vmem>>
      %dma_wait3A_123 = tpu.memref_squeeze %dma_wait3A_122 : memref<1x8x3x8x128xf32, #tpu.memory_space<vmem>> -> memref<8x3x8x128xf32, #tpu.memory_space<vmem>>
      tpu.wait_dma2 semaphore(%arg8 : memref<!tpu.dma_semaphore, #tpu.memory_space<semaphore_mem>>) src(%dma_wait3A_123 : memref<8x3x8x128xf32, #tpu.memory_space<vmem>>) dst(%dma_wait3A_117 : memref<8x3x8x128xf32, #tpu.memory_space<hbm>>)
    }
    %scan3A_60 = arith.constant 4 : i32
    return
  }
}

</mosaic_0001>

<sc_bundles>
// kernel: kernel.3.cloned.1.call-start
scs
__scs_entry_jumppad:
0x0: {  	(pc) =	sbr.rel $0x88, $3  }
0x1: {  	(tag) =	ssettag $0x0;
	lr =	simm.s32 $0x1  }
0x2: {  	[smem:$0x3F9F] =	sst lr;
	_ =	strace $0xD0000000  }
0x3: {  	_ = 	snop  }
0x4: {  	_ = 	snop  }
0x5: {  	_ = 	snop  }
0x6: {  	_ = 	snop  }
0x7: {  	_ = 	snop  }
__scs_overlays_trampoline_lowered:
0x8: {  	[smem:$0x3FAE] =	sst s0  }
0x9: {  	[smem:$0x3FAF] =	sst s1  }
0xa: {  	[smem:$0x3FB0] =	sst s2  }
0xb: {  	[smem:$0x3FB1] =	sst s3  }
0xc: {  	[smem:$0x3FB2] =	sst s4  }
0xd: {  	[smem:$0x3FB3] =	sst s5  }
0xe: {  	[smem:$0x3FB4] =	sst s6  }
0xf: {  	[smem:$0x3FB5] =	sst s7  }
0x10: {  	[smem:$0x3FB6] =	sst s8  }
0x11: {  	[smem:$0x3FB7] =	sst s9;
	s0 =	simm.s32 @!p0 $0x0  }
0x12: {  	s1 =	sld [smem:$0x3F9D];
	s0 =	simm.s32 @p0 $0x1  }
0x13: {  	[smem:$0x3FB8] =	sst s0;
	s0 =	simm.s32 @!p1 $0x0  }
0x14: {  	s2 =	sld [smem:$0x3F9C];
	s0 =	simm.s32 @p1 $0x1  }
0x15: {  	[smem:$0x3FB9] =	sst s0;
	s0 =	simm.s32 @!p2 $0x0  }
0x16: {  	s3 =	sld [smem:$0x3FDB];
	s0 =	simm.s32 @p2 $0x1  }
0x17: {  	s4 =	simm.s32 $0x1BF5;
	[smem:$0x3FBB] =	sst s0  }
0x18: {  	s0 =	sld [smem:$0x3F9E];
	_ =	swait.ge [sflag:s4], $0x0  }
0x19: {  	s7 =	sld [smem:$0x3F9F]  }
0x1a: {  	s8 =	sadd.s32 $0xFFFFE003, lr  }
0x1b: {  	s9 =	sadd.s32 $0xFFFFFEF7, lr;
	s5 =	simm.s32 $0xFFFFFFFF;
	p2 =	slt.u32 s8, $0xFFFFF086  }
0x1c: {  	p1 =	slt.u32 s9, $0xF7A;
	s5 =	simm.s32 @!p2 $0x0  }
0x1d: {  	s5 =	simm.s32 @p1 $0x1;
	p0 =	seq.s32 s7, s2  }
0x1e: {  	s7 =	smul.u32 @!p0 $0xF7A, s2;
	p2 =	seq.s32 @!p0 s5, $0x0  }
0x1f: {  	s9 =	smul.u32 $0xF7A, s1;
	s8 =	simm.s32 @!p0 $0x1BF5;
	p2 =	por !p2, p0  }
0x20: {  	[sflag:s8] =	ssyncset.s32 @!p0 $0xFFFFF086;
	s6 =	sadd.s32 @!p0 s3, s7;
	s7 =	simm.s32 @!p0 $0x108  }
0x21: {  	s3 =	sadd.s32 s3, s9;
	s6 =	sadd.s32 @!p0 $0x88, s6;
	s7 =	simm.s32 @p2 $0x1082  }
0x22: {  	[simem:s7], [sflag:s8] =	dma.local @!p0 [hbm:s6], $0xF7A  }
0x23: {  	s9 =	sor.u32 $0xD0000000, s2;
	s6 =	simm.s32 $0x108;
	_ =	swait.ge @!p0 [sflag:s8], $0x0  }
0x24: {  	s3 =	sadd.s32 $0x88, s3;
	s6 =	simm.s32 @!p1 $0x1082;
	[sflag:s4] =	ssyncset.s32 $0xFFFFF086  }
0x25: {  	[simem:s6], [sflag:s4] =	dma.local [hbm:s3], $0xF7A  }
0x26: {  	[smem:$0x3F9F] =	sst s1;
	(tag) =	ssettag s2;
	_ =	strace s9  }
0x27: {  	s1 =	sld [smem:$0x3FAF]  }
0x28: {  	s2 =	sld [smem:$0x3FB0]  }
0x29: {  	s4 =	sld [smem:$0x3FB2]  }
0x2a: {  	p0 =	seq.s32 s5, $0x0;
	s5 =	sld [smem:$0x3FB3]  }
0x2b: {  	s6 =	sld [smem:$0x3FB4]  }
0x2c: {  	s7 =	sld [smem:$0x3FB5]  }
0x2d: {  	s3 =	simm.s32 $0x108;
	s8 =	sld [smem:$0x3FB6]  }
0x2e: {  	s3 =	simm.s32 @!p0 $0x1082;
	s9 =	sld [smem:$0x3FB7]  }
0x2f: {  	lr =	sadd.s32 s0, s3;
	s0 =	sld [smem:$0x3FAE]  }
0x30: {  	s3 =	sld [smem:$0x3FB1]  }
0x31: {  	[smem:$0x3FBA] =	sst s10  }
0x32: {  	s10 =	sld [smem:$0x3FB8];
	_ =	sdelay $0x3  }
0x33: {  	p0 =	seq.s32 s10, $0x1;
	s10 =	sld [smem:$0x3FBA];
	_ =	sdelay $0x3  }
0x34: {  	[smem:$0x3FBA] =	sst s10  }
0x35: {  	s10 =	sld [smem:$0x3FB9];
	_ =	sdelay $0x3  }
0x36: {  	p1 =	seq.s32 s10, $0x1;
	s10 =	sld [smem:$0x3FBA];
	_ =	sdelay $0x3  }
0x37: {  	[smem:$0x3FBA] =	sst s10  }
0x38: {  	s10 =	sld [smem:$0x3FBB]  }
0x39: {  	_ = 	snop;
	(pc) =	sbr.ind lr, $3  }
0x3a: {  	_ = 	snop  }
0x3b: {  	_ = 	snop  }
0x3c: {  	p2 =	seq.s32 s10, $0x1;
	s10 =	sld [smem:$0x3FBA]  }
0x3d: {  	_ =	shalt  }
0x3e: {  	_ =	shalt  }
0x3f: {  	_ =	shalt  }
0x40: {  	_ =	shalt  }
0x41: {  	_ =	shalt  }
0x42: {  	_ =	shalt  }
0x43: {  	_ =	shalt  }
0x44: {  	_ =	shalt  }
0x45: {  	_ =	shalt  }
0x46: {  	_ =	shalt  }
0x47: {  	_ =	shalt  }
0x48: {  	_ =	shalt  }
0x49: {  	_ =	shalt  }
0x4a: {  	_ =	shalt  }
0x4b: {  	_ =	shalt  }
0x4c: {  	_ =	shalt  }
0x4d: {  	_ =	shalt  }
0x4e: {  	_ =	shalt  }
0x4f: {  	_ =	shalt  }
0x50: {  	_ =	shalt  }
0x51: {  	_ =	shalt  }
0x52: {  	_ =	shalt  }
0x53: {  	_ =	shalt  }
0x54: {  	_ =	shalt  }
0x55: {  	_ =	shalt  }
0x56: {  	_ =	shalt  }
0x57: {  	_ =	shalt  }
0x58: {  	_ =	shalt  }
0x59: {  	_ =	shalt  }
0x5a: {  	_ =	shalt  }
0x5b: {  	_ =	shalt  }
0x5c: {  	_ =	shalt  }
0x5d: {  	_ =	shalt  }
0x5e: {  	_ =	shalt  }
0x5f: {  	_ =	shalt  }
0x60: {  	_ =	shalt  }
0x61: {  	_ =	shalt  }
0x62: {  	_ =	shalt  }
0x63: {  	_ =	shalt  }
0x64: {  	_ =	shalt  }
0x65: {  	_ =	shalt  }
0x66: {  	_ =	shalt  }
0x67: {  	_ =	shalt  }
0x68: {  	_ =	shalt  }
0x69: {  	_ =	shalt  }
0x6a: {  	_ =	shalt  }
0x6b: {  	_ =	shalt  }
0x6c: {  	_ =	shalt  }
0x6d: {  	_ =	shalt  }
0x6e: {  	_ =	shalt  }
0x6f: {  	_ =	shalt  }
0x70: {  	_ =	shalt  }
0x71: {  	_ =	shalt  }
0x72: {  	_ =	shalt  }
0x73: {  	_ =	shalt  }
0x74: {  	_ =	shalt  }
0x75: {  	_ =	shalt  }
0x76: {  	_ =	shalt  }
0x77: {  	_ =	shalt  }
0x78: {  	_ =	shalt  }
0x79: {  	_ =	shalt  }
0x7a: {  	_ =	shalt  }
0x7b: {  	_ =	shalt  }
0x7c: {  	_ =	shalt  }
0x7d: {  	_ =	shalt  }
0x7e: {  	_ =	shalt  }
0x7f: {  	_ =	shalt  }
0x80: {  	_ =	shalt  }
0x81: {  	_ =	shalt  }
0x82: {  	_ =	shalt  }
0x83: {  	_ =	shalt  }
0x84: {  	_ =	shalt  }
0x85: {  	_ =	shalt  }
0x86: {  	_ =	shalt  }
0x87: {  	_ =	shalt  }
.Lfunc_end0:
.L_simem_size_0:
called_computation_lowered:
.L_overlay_start_0:
0x88: {  	s2 =	sld [smem:$0x3FD9]  }
0x89: {  	s3 =	sld [smem:$0x3FFE];
	_ =	sdelay $0x1  }
0x8a: {  	s1 =	srdreg.scid  }
0x8b: {  	s0 =	sand.u32 $0x1, s1  }
0x8c: {  	s17 =	sshll.u32 s0, $0xA;
	s2 =	sadd.s32 s3, s2  }
0x8d: {  	s2 =	sadd.s32 s2, s17  }
0x8e: {  	[smem:$0x3FC6] =	sst s2  }
0x8f: {  	_ = 	snop  }
0x90: {  	s2 =	sld [smem:$0x3FD0];
	(tm) =	ssettm $0x1  }
0x91: {  	s18 =	sld [smem:$0x3FFB];
	_ =	sdelay $0x3  }
0x92: {  	_ =	strace s18  }
0x93: {  	s3 =	sld [smem:$0x3FFC];
	_ =	sdelay $0x3  }
0x94: {  	_ =	strace s3  }
0x95: {  	s3 =	sld [smem:$0x3FFD];
	_ =	sdelay $0x3  }
0x96: {  	_ =	strace s3  }
0x97: {  	_ =	strace $0x8FFFFFFF  }
0x98: {  	s19 =	sld [smem:$0x3FDB];
	_ =	sdelay $0x1  }
0x99: {  	s4 =	simm.s32 $_scs_section_size  }
0x9a: {  	s5 =	simm.s32 $_size__tile_overlayer_lowered;
	s6 =	simm.s32 $_tile_overlayer_lowered  }
0x9b: {  	s22 =	simm.s32 $0x1BFF;
	s21 =	sshll.u32 s6, $0x1;
	s3 =	sadd.s32 s4, s19  }
0x9c: {  	s7 =	simm.s32 $0x0;
	s20 =	sshll.u32 s5, $0x1;
	s5 =	sadd.s32 s21, s3  }
0x9d: {  	[timem:s7], [sflag:s22] =	dma.local [hbm:s5], s20  }
0x9e: {  	_ =	swait.ge [sflag:s22], s20  }
0x9f: {  	s4 =	ssub.s32 $0x0, s20;
	[sflag:s22] =	ssyncset.done $0x0  }
0xa0: {  	[sflag:s22] =	ssyncadd.s32 s4;
	_ =	sdelay $0x1  }
0xa1: {  	s23 =	simm.s32 $0x1B8B  }
0xa2: {  	_ =	swait.ge [sflag:s23], $0x1  }
0xa3: {  	[sflag:s23] =	ssyncset.done $0x0  }
0xa4: {  	s25 =	simm.s32 $0x1B8E;
	s24 =	sld [smem:$0x3FFE];
	[sflag:s23] =	ssyncadd.s32 $0xFFFFFFFF  }
0xa5: {  	s26 =	simm.s32 $execute0_lowered;
	[smem:$0x3FD2] =	sst s25  }
0xa6: {  	s5 =	sshll.u32 s26, $0x1;
	_ =	strace $0x80000046;
	[dreg:$0x1] =	wrdreg $0xFFFFFFFF  }
0xa7: {  	s28 =	simm.s32 $_size_execute0_lowered;
	s3 =	sadd.s32 s3, s5;
	[dreg:$0x0] =	wrdreg $0x0  }
0xa8: {  	s5 =	sshll.u32 s28, $0x1;
	[dreg:$0x2] =	wrdreg s3  }
0xa9: {  	[dreg:$0x3] =	wrdreg s5  }
0xaa: {  	[dreg:$0x4] =	wrdreg $0xC0  }
0xab: {  	_ =	task [dreg:s7], $0x5FFFF  }
0xac: {  	[dreg:$0x1] =	wrdreg $0xFFFFFFFF  }
0xad: {  	[dreg:$0x0] =	wrdreg $0x60  }
0xae: {  	[dreg:$0x2] =	wrdreg s24  }
0xaf: {  	[dreg:$0x3] =	wrdreg s2  }
0xb0: {  	[dreg:$0x4] =	wrdreg $0x9  }
0xb1: {  	_ =	task.clear_ibuf [dreg:s7], $0x5FFFF;
	_ =	strace $0x90000046  }
0xb2: {  	s29 =	simm.s32 $0x9;
	_ =	strace $0x80000048  }
0xb3: {  	_ =	swait.ge [sflag:s29], $0x1  }
0xb4: {  	[sflag:s29] =	ssyncadd.s32 $0xFFFFFFFF  }
0xb5: {  	_ =	strace $0x90000048  }
0xb6: {  	_ =	sfence  }
0xb7: {  	s30 =	sld [smem:$0x0];
	_ =	sdelay $0x2  }
0xb8: {  	s31 =	sshll.u32 s1, $0xD;
	s1 =	sshrl.u32 s1, $0x2  }
0xb9: {  	s3 =	sand.u32 $0x4000, s31;
	s1 =	sadd.s32 s1, s30  }
0xba: {  	s0 =	sor.u32 s3, s0;
	s1 =	sshll.u32 s1, $0x11  }
0xbb: {  	s0 =	sor.u32 s1, s0  }
0xbc: {  	s0 =	sadd.s32 $0x8F2B, s0  }
0xbd: {  	[sflag:s0] =	ssyncadd.remote.s32 $0x1  }
0xbe: {  	_ =	sfence.sel $0xFFFF  }
0xbf: {  	[dreg:$0x0] =	wrdreg $0xFFFFFFFF;
	(pc) =	sbr.abs _section_cstart, $3  }
0xc0: {  	[dreg:$0x1] =	wrdreg $0xFFFFFFFF  }
0xc1: {  	_ =	task.clear_ibuf [dreg:s7], $0x2FFFF;
	_ =	strace $0x9FFFFFFF  }
0xc2: {  	(tm) =	ssettm $0x7FFFFFFF  }
0xc3: {  	_ =	shalt  }
tec
execute0_lowered:
.L_overlay_start_1:
0x0: {  	(tag) =	ssettag $0x1  }
0x1: {  	s5 =	rddreg [dreg:$0x0]  }
0x2: {  	s1 =	rddreg [dreg:$0x1]  }
0x3: {  	s0 =	rddreg [dreg:$0x2];
	s2 =	simm.s32 $0x0;
	s3 =	srdreg.scid  }
0x4: {  	[smem:$0x7FF] =	sst s2;
	s6 =	sand.u32 $0x1, s3;
	s4 =	sadd.s32 $0x400, s5  }
0x5: {  	v0 =	vlaneseq.u32;
	s3 =	stileid.u32;
	s5 =	sadd.s32 $0x600, s5;
	_ =	strace $0x80000047  }
0x6: {  	v0 =	vmul.u32 $0xC8, v0;
	s7 =	ssub.s32 $0x2, s6;
	s9 =	sshll.u32 s3, $0x3;
	s10 =	sshll.u32 s6, $0x2  }
0x7: {  	s11 =	sshll.u32 s3, $0xD;
	s12 =	sshll.u32 s6, $0xC;
	s8 =	sshrl.u32 s7, $0x1  }
0x8: {  	s6 =	sor.u32 s10, s9;
	s31 =	sor.u32 s12, s11;
	v1 =	vadd.s32 $0xC80, v0;
	s9 =	simm.s32 $0x2  }
0x9: {  	v2 =	vadd.s32 $0x1900, v0;
	v3 =	vadd.s32 $0x2580, v0;
	v4 =	vadd.s32 $0x3200, v0;
	s10 =	simm.s32 $0x240;
	s11 =	simm.s32 $0x1;
	s7 =	ssub.s32 s7, s8  }
0xa: {  	v5 =	vadd.s32 $0x3E80, v0;
	v6 =	vadd.s32 $0x4B00, v0;
	v7 =	vadd.s32 $0x5780, v0;
	s12 =	simm.s32 $0x0;
	s8 =	sor.u32 $0xFFDC0000, s31;
	s7 =	smax.u32 s7, $0x1  }
.LBB2_1:
0xb: {  	[tilespmem:s2], [sflag:$0x2] =	stream.linear.gather [hbm4b:s4+s2], $0x240, $0x38;
	[tilespmem:$0x12640] =	vst v63  }
0xc: {  	_ =	swait.ge [sflag:s9], $0x240  }
0xd: {  	[sflag:s9] =	ssyncset.done $0x0  }
0xe: {  	s13 =	smov.u32 s8;
	s14 =	simm.s32 $0x0;
	[sflag:s9] =	ssyncadd.s32 $0xFFFFFDC0  }
.LBB2_2:
0xf: {  	s15 =	sadd.s32 s6, s14  }
0x10: {  	s15 =	smul.u32 $0xC80, s15;
	_ =	sdelay $0x1  }
0x11: {  	s16 =	sadd.s32 s5, s15;
	s15 =	simm.s32 $0x0  }
0x12: {  	[tilespmem:s10], [sflag:$0x2] =	stream.linear.gather [hbm4b:s16+s15], $0x6400, $0x38;
	[tilespmem:$0x12640] =	vst v63  }
0x13: {  	_ =	swait.ge [sflag:s9], $0x6400  }
0x14: {  	[sflag:s9] =	ssyncset.done $0x0  }
0x15: {  	s17 =	simm.s32 $0x0;
	s16 =	smov.u32 s13;
	[sflag:s9] =	ssyncadd.s32 $0xFFFF9C00  }
.LBB2_3:
0x16: {  	s18 =	sand.u32 $0x6, s15;
	p0 =	slt.u32 s17, $0x8;
	v8 =	vmov s15;
	v9 =	vadd.s32 s15, v0  }
0x17: {  	v10 =	vadd.s32 s15, v1;
	p1 =	sne.s32 @!p0 s18, $0x0;
	v9 =	vand.u32 $0x1FF8, v9;
	v8 =	vand.u32 $0x6, v8  }
0x18: {  	v10 =	vand.u32 $0x3FF8, v10;
	p0 =	por p1, p0;
	v9 =	vor.u32 v8, v9  }
0x19: {  	v10 =	vor.u32 v8, v10;
	s19 =	simm.s32 @!p0 $0x1  }
0x1a: {  	_ =	swait.ge @!p0 [sflag:s19], $0x6000  }
0x1b: {  	v11 =	vadd.s32 s15, v2;
	[sflag:s19] =	ssyncset.done @!p0 $0x0  }
0x1c: {  	v12 =	vadd.s32 s15, v3;
	v13 =	vadd.s32 s15, v4;
	v11 =	vand.u32 $0x7FF8, v11;
	[sflag:s19] =	ssyncadd.s32 @!p0 $0xFFFFA000  }
0x1d: {  	v14 =	vadd.s32 s15, v5;
	v12 =	vand.u32 $0x7FF8, v12;
	v11 =	vor.u32 v8, v11;
	v9 =	vld.idx.msk [tilespmem:v9+s10+$0x0], $0xffff  }
0x1e: {  	v15 =	vadd.s32 s15, v6;
	v13 =	vand.u32 $0x7FF8, v13;
	v12 =	vor.u32 v8, v12;
	v17 =	vld.idx.msk [tilespmem:v10+s10+$0x0], $0xffff  }
0x1f: {  	v16 =	vadd.s32 s15, v7;
	v14 =	vand.u32 $0xFFF8, v14;
	v13 =	vor.u32 v8, v13  }
0x20: {  	v15 =	vand.u32 $0x7FF8, v15;
	v51 =	vand.u32 $0xFFF8, v16;
	v14 =	vor.u32 v8, v14  }
0x21: {  	v15 =	vor.u32 v8, v15;
	v8 =	vor.u32 v8, v51  }
0x22: {  	v18 =	vld.idx.msk [tilespmem:v11+s10+$0x0], $0xffff;
	v52 =	vmul.u32 $0x18, v9  }
0x23: {  	v12 =	vld.idx.msk [tilespmem:v12+s10+$0x0], $0xffff;
	v17 =	vmul.u32 $0x18, v17  }
0x24: {  	v11 =	vld.idx.msk [tilespmem:v13+s10+$0x0], $0xffff  }
0x25: {  	v10 =	vld.idx.msk [tilespmem:v14+s10+$0x0], $0xffff;
	v53 =	vor.u32 $0x1, v52  }
0x26: {  	v8 =	vld.idx.msk [tilespmem:v8+s10+$0x0], $0xffff;
	v54 =	vor.u32 $0x2, v52  }
0x27: {  	v9 =	vld.idx.msk [tilespmem:v15+s10+$0x0], $0xffff;
	v55 =	vor.u32 $0x3, v52  }
0x28: {  	v19 =	vor.u32 $0x4, v52;
	v20 =	vld.idx.msk [tilespmem:v52+s2+$0x0], $0xffff  }
0x29: {  	v21 =	vor.u32 $0x5, v52;
	v41 =	vld.idx.msk [tilespmem:v17+s2+$0x0], $0xffff  }
0x2a: {  	v22 =	vor.u32 $0x6, v52;
	v13 =	vld.idx.msk [tilespmem:v53+s2+$0x0], $0xffff  }
0x2b: {  	v23 =	vor.u32 $0x7, v52;
	v14 =	vld.idx.msk [tilespmem:v54+s2+$0x0], $0xffff  }
0x2c: {  	v24 =	vadd.s32 $0x8, v52;
	v15 =	vld.idx.msk [tilespmem:v55+s2+$0x0], $0xffff  }
0x2d: {  	v25 =	vadd.s32 $0x9, v52;
	v19 =	vld.idx.msk [tilespmem:v19+s2+$0x0], $0xffff  }
0x2e: {  	v26 =	vadd.s32 $0xA, v52;
	v21 =	vld.idx.msk [tilespmem:v21+s2+$0x0], $0xffff  }
0x2f: {  	v27 =	vadd.s32 $0xB, v52;
	v22 =	vld.idx.msk [tilespmem:v22+s2+$0x0], $0xffff  }
0x30: {  	v28 =	vadd.s32 $0xC, v52;
	v23 =	vld.idx.msk [tilespmem:v23+s2+$0x0], $0xffff  }
0x31: {  	v29 =	vadd.s32 $0xD, v52;
	v24 =	vld.idx.msk [tilespmem:v24+s2+$0x0], $0xffff  }
0x32: {  	v30 =	vadd.s32 $0xE, v52;
	v25 =	vld.idx.msk [tilespmem:v25+s2+$0x0], $0xffff  }
0x33: {  	v31 =	vadd.s32 $0xF, v52;
	v26 =	vld.idx.msk [tilespmem:v26+s2+$0x0], $0xffff  }
0x34: {  	v32 =	vadd.s32 $0x10, v52;
	v27 =	vld.idx.msk [tilespmem:v27+s2+$0x0], $0xffff  }
0x35: {  	v33 =	vadd.s32 $0x11, v52;
	v28 =	vld.idx.msk [tilespmem:v28+s2+$0x0], $0xffff  }
0x36: {  	v34 =	vadd.s32 $0x12, v52;
	v29 =	vld.idx.msk [tilespmem:v29+s2+$0x0], $0xffff  }
0x37: {  	v35 =	vadd.s32 $0x13, v52;
	v30 =	vld.idx.msk [tilespmem:v30+s2+$0x0], $0xffff  }
0x38: {  	v36 =	vadd.s32 $0x14, v52;
	v31 =	vld.idx.msk [tilespmem:v31+s2+$0x0], $0xffff  }
0x39: {  	v37 =	vadd.s32 $0x15, v52;
	v32 =	vld.idx.msk [tilespmem:v32+s2+$0x0], $0xffff  }
0x3a: {  	v38 =	vadd.s32 $0x16, v52;
	v33 =	vld.idx.msk [tilespmem:v33+s2+$0x0], $0xffff  }
0x3b: {  	v16 =	vadd.s32 $0x17, v52;
	v34 =	vld.idx.msk [tilespmem:v34+s2+$0x0], $0xffff  }
0x3c: {  	s31 =	sand.u32 $0x4, s17;
	s20 =	smul.u32 $0x3000, s18;
	v39 =	vor.u32 $0x1, v17;
	v35 =	vld.idx.msk [tilespmem:v35+s2+$0x0], $0xffff  }
0x3d: {  	p0 =	seq.s32 s31, $0x0;
	s19 =	simm.s32 $0x6640;
	v40 =	vor.u32 $0x2, v17;
	v36 =	vld.idx.msk [tilespmem:v36+s2+$0x0], $0xffff  }
0x3e: {  	s20 =	sshrl.u32 s20, $0x2;
	s19 =	simm.s32 @!p0 $0xC640;
	v56 =	vor.u32 $0x3, v17;
	v37 =	vld.idx.msk [tilespmem:v37+s2+$0x0], $0xffff  }
0x3f: {  	s20 =	sadd.s32 s20, s19;
	v57 =	vor.u32 $0x4, v17;
	v38 =	vld.idx.msk [tilespmem:v38+s2+$0x0], $0xffff  }
0x40: {  	v58 =	vor.u32 $0x5, v17;
	v16 =	vld.idx.msk [tilespmem:v16+s2+$0x0], $0xffff;
	[tilespmem:s20+$0x0] =	vst v20  }
0x41: {  	v59 =	vor.u32 $0x6, v17;
	v39 =	vld.idx.msk [tilespmem:v39+s2+$0x0], $0xffff;
	[tilespmem:s20+$0x80] =	vst v13  }
0x42: {  	v60 =	vor.u32 $0x7, v17;
	v40 =	vld.idx.msk [tilespmem:v40+s2+$0x0], $0xffff;
	[tilespmem:s20+$0x100] =	vst v14  }
0x43: {  	v61 =	vadd.s32 $0x8, v17;
	v20 =	vld.idx.msk [tilespmem:v56+s2+$0x0], $0xffff;
	[tilespmem:s20+$0x180] =	vst v15  }
0x44: {  	v62 =	vadd.s32 $0x9, v17;
	v13 =	vld.idx.msk [tilespmem:v57+s2+$0x0], $0xffff;
	[tilespmem:s20+$0x200] =	vst v19  }
0x45: {  	v63 =	vadd.s32 $0xA, v17;
	v14 =	vld.idx.msk [tilespmem:v58+s2+$0x0], $0xffff;
	[tilespmem:s20+$0x280] =	vst v21  }
0x46: {  	v42 =	vadd.s32 $0xB, v17;
	v15 =	vld.idx.msk [tilespmem:v59+s2+$0x0], $0xffff;
	[tilespmem:s20+$0x300] =	vst v22  }
0x47: {  	v43 =	vadd.s32 $0xC, v17;
	v19 =	vld.idx.msk [tilespmem:v60+s2+$0x0], $0xffff;
	[tilespmem:s20+$0x380] =	vst v23  }
0x48: {  	v44 =	vadd.s32 $0xD, v17;
	v21 =	vld.idx.msk [tilespmem:v61+s2+$0x0], $0xffff;
	[tilespmem:s20+$0x400] =	vst v24  }
0x49: {  	v45 =	vadd.s32 $0xE, v17;
	v22 =	vld.idx.msk [tilespmem:v62+s2+$0x0], $0xffff;
	[tilespmem:s20+$0x480] =	vst v25  }
0x4a: {  	v46 =	vadd.s32 $0xF, v17;
	v23 =	vld.idx.msk [tilespmem:v63+s2+$0x0], $0xffff;
	[tilespmem:s20+$0x500] =	vst v26  }
0x4b: {  	v47 =	vadd.s32 $0x10, v17;
	v24 =	vld.idx.msk [tilespmem:v42+s2+$0x0], $0xffff;
	[tilespmem:s20+$0x580] =	vst v27  }
0x4c: {  	v48 =	vadd.s32 $0x11, v17;
	v25 =	vld.idx.msk [tilespmem:v43+s2+$0x0], $0xffff;
	[tilespmem:s20+$0x600] =	vst v28  }
0x4d: {  	v49 =	vadd.s32 $0x12, v17;
	v26 =	vld.idx.msk [tilespmem:v44+s2+$0x0], $0xffff;
	[tilespmem:s20+$0x680] =	vst v29  }
0x4e: {  	v50 =	vadd.s32 $0x13, v17;
	v27 =	vld.idx.msk [tilespmem:v45+s2+$0x0], $0xffff;
	[tilespmem:s20+$0x700] =	vst v30  }
0x4f: {  	v51 =	vadd.s32 $0x14, v17;
	v28 =	vld.idx.msk [tilespmem:v46+s2+$0x0], $0xffff;
	[tilespmem:s20+$0x780] =	vst v31  }
0x50: {  	v52 =	vadd.s32 $0x15, v17;
	v29 =	vld.idx.msk [tilespmem:v47+s2+$0x0], $0xffff;
	[tilespmem:s20+$0x800] =	vst v32  }
0x51: {  	v53 =	vadd.s32 $0x16, v17;
	v30 =	vld.idx.msk [tilespmem:v48+s2+$0x0], $0xffff;
	[tilespmem:s20+$0x880] =	vst v33  }
0x52: {  	v18 =	vmul.u32 $0x18, v18;
	v17 =	vadd.s32 $0x17, v17;
	v31 =	vld.idx.msk [tilespmem:v49+s2+$0x0], $0xffff;
	[tilespmem:s20+$0x900] =	vst v34  }
0x53: {  	v32 =	vld.idx.msk [tilespmem:v50+s2+$0x0], $0xffff;
	[tilespmem:s20+$0x980] =	vst v35  }
0x54: {  	v54 =	vor.u32 $0x1, v18;
	v33 =	vld.idx.msk [tilespmem:v51+s2+$0x0], $0xffff;
	[tilespmem:s20+$0xA00] =	vst v36  }
0x55: {  	v55 =	vor.u32 $0x2, v18;
	v34 =	vld.idx.msk [tilespmem:v52+s2+$0x0], $0xffff;
	[tilespmem:s20+$0xA80] =	vst v37  }
0x56: {  	v56 =	vor.u32 $0x3, v18;
	v35 =	vld.idx.msk [tilespmem:v53+s2+$0x0], $0xffff;
	[tilespmem:s20+$0xB00] =	vst v38  }
0x57: {  	v57 =	vor.u32 $0x4, v18;
	v17 =	vld.idx.msk [tilespmem:v17+s2+$0x0], $0xffff;
	[tilespmem:s20+$0xB80] =	vst v16  }
0x58: {  	v58 =	vor.u32 $0x5, v18;
	v37 =	vld.idx.msk [tilespmem:v18+s2+$0x0], $0xffff;
	[tilespmem:s20+$0x10] =	vst v41  }
0x59: {  	v59 =	vor.u32 $0x6, v18;
	v36 =	vld.idx.msk [tilespmem:v54+s2+$0x0], $0xffff;
	[tilespmem:s20+$0x90] =	vst v39  }
0x5a: {  	v60 =	vor.u32 $0x7, v18;
	v16 =	vld.idx.msk [tilespmem:v55+s2+$0x0], $0xffff;
	[tilespmem:s20+$0x110] =	vst v40  }
0x5b: {  	v61 =	vadd.s32 $0x8, v18;
	v38 =	vld.idx.msk [tilespmem:v56+s2+$0x0], $0xffff;
	[tilespmem:s20+$0x190] =	vst v20  }
0x5c: {  	v62 =	vadd.s32 $0x9, v18;
	v39 =	vld.idx.msk [tilespmem:v57+s2+$0x0], $0xffff;
	[tilespmem:s20+$0x210] =	vst v13  }
0x5d: {  	v63 =	vadd.s32 $0xA, v18;
	v40 =	vld.idx.msk [tilespmem:v58+s2+$0x0], $0xffff;
	[tilespmem:s20+$0x290] =	vst v14  }
0x5e: {  	v41 =	vadd.s32 $0xB, v18;
	v20 =	vld.idx.msk [tilespmem:v59+s2+$0x0], $0xffff;
	[tilespmem:s20+$0x310] =	vst v15  }
0x5f: {  	v42 =	vadd.s32 $0xC, v18;
	v13 =	vld.idx.msk [tilespmem:v60+s2+$0x0], $0xffff;
	[tilespmem:s20+$0x390] =	vst v19  }
0x60: {  	v43 =	vadd.s32 $0xD, v18;
	v14 =	vld.idx.msk [tilespmem:v61+s2+$0x0], $0xffff;
	[tilespmem:s20+$0x410] =	vst v21  }
0x61: {  	v44 =	vadd.s32 $0xE, v18;
	v15 =	vld.idx.msk [tilespmem:v62+s2+$0x0], $0xffff;
	[tilespmem:s20+$0x490] =	vst v22  }
0x62: {  	v45 =	vadd.s32 $0xF, v18;
	v19 =	vld.idx.msk [tilespmem:v63+s2+$0x0], $0xffff;
	[tilespmem:s20+$0x510] =	vst v23  }
0x63: {  	v46 =	vadd.s32 $0x10, v18;
	v21 =	vld.idx.msk [tilespmem:v41+s2+$0x0], $0xffff;
	[tilespmem:s20+$0x590] =	vst v24  }
0x64: {  	v47 =	vadd.s32 $0x11, v18;
	v22 =	vld.idx.msk [tilespmem:v42+s2+$0x0], $0xffff;
	[tilespmem:s20+$0x610] =	vst v25  }
0x65: {  	v48 =	vadd.s32 $0x12, v18;
	v23 =	vld.idx.msk [tilespmem:v43+s2+$0x0], $0xffff;
	[tilespmem:s20+$0x690] =	vst v26  }
0x66: {  	v49 =	vadd.s32 $0x13, v18;
	v24 =	vld.idx.msk [tilespmem:v44+s2+$0x0], $0xffff;
	[tilespmem:s20+$0x710] =	vst v27  }
0x67: {  	v50 =	vadd.s32 $0x14, v18;
	v25 =	vld.idx.msk [tilespmem:v45+s2+$0x0], $0xffff;
	[tilespmem:s20+$0x790] =	vst v28  }
0x68: {  	v51 =	vadd.s32 $0x15, v18;
	v26 =	vld.idx.msk [tilespmem:v46+s2+$0x0], $0xffff;
	[tilespmem:s20+$0x810] =	vst v29  }
0x69: {  	v52 =	vadd.s32 $0x16, v18;
	v27 =	vld.idx.msk [tilespmem:v47+s2+$0x0], $0xffff;
	[tilespmem:s20+$0x890] =	vst v30  }
0x6a: {  	v12 =	vmul.u32 $0x18, v12;
	v18 =	vadd.s32 $0x17, v18;
	v28 =	vld.idx.msk [tilespmem:v48+s2+$0x0], $0xffff;
	[tilespmem:s20+$0x910] =	vst v31  }
0x6b: {  	v29 =	vld.idx.msk [tilespmem:v49+s2+$0x0], $0xffff;
	[tilespmem:s20+$0x990] =	vst v32  }
0x6c: {  	v53 =	vor.u32 $0x1, v12;
	v30 =	vld.idx.msk [tilespmem:v50+s2+$0x0], $0xffff;
	[tilespmem:s20+$0xA10] =	vst v33  }
0x6d: {  	v54 =	vor.u32 $0x2, v12;
	v31 =	vld.idx.msk [tilespmem:v51+s2+$0x0], $0xffff;
	[tilespmem:s20+$0xA90] =	vst v34  }
0x6e: {  	v55 =	vor.u32 $0x3, v12;
	v32 =	vld.idx.msk [tilespmem:v52+s2+$0x0], $0xffff;
	[tilespmem:s20+$0xB10] =	vst v35  }
0x6f: {  	v56 =	vor.u32 $0x4, v12;
	v18 =	vld.idx.msk [tilespmem:v18+s2+$0x0], $0xffff;
	[tilespmem:s20+$0xB90] =	vst v17  }
0x70: {  	v57 =	vor.u32 $0x5, v12;
	v34 =	vld.idx.msk [tilespmem:v12+s2+$0x0], $0xffff;
	[tilespmem:s20+$0x20] =	vst v37  }
0x71: {  	v58 =	vor.u32 $0x6, v12;
	v33 =	vld.idx.msk [tilespmem:v53+s2+$0x0], $0xffff;
	[tilespmem:s20+$0xA0] =	vst v36  }
0x72: {  	v59 =	vor.u32 $0x7, v12;
	v17 =	vld.idx.msk [tilespmem:v54+s2+$0x0], $0xffff;
	[tilespmem:s20+$0x120] =	vst v16  }
0x73: {  	v60 =	vadd.s32 $0x8, v12;
	v35 =	vld.idx.msk [tilespmem:v55+s2+$0x0], $0xffff;
	[tilespmem:s20+$0x1A0] =	vst v38  }
0x74: {  	v61 =	vadd.s32 $0x9, v12;
	v36 =	vld.idx.msk [tilespmem:v56+s2+$0x0], $0xffff;
	[tilespmem:s20+$0x220] =	vst v39  }
0x75: {  	v62 =	vadd.s32 $0xA, v12;
	v16 =	vld.idx.msk [tilespmem:v57+s2+$0x0], $0xffff;
	[tilespmem:s20+$0x2A0] =	vst v40  }
0x76: {  	v63 =	vadd.s32 $0xB, v12;
	v37 =	vld.idx.msk [tilespmem:v58+s2+$0x0], $0xffff;
	[tilespmem:s20+$0x320] =	vst v20  }
0x77: {  	v40 =	vadd.s32 $0xC, v12;
	v38 =	vld.idx.msk [tilespmem:v59+s2+$0x0], $0xffff;
	[tilespmem:s20+$0x3A0] =	vst v13  }
0x78: {  	v41 =	vadd.s32 $0xD, v12;
	v39 =	vld.idx.msk [tilespmem:v60+s2+$0x0], $0xffff;
	[tilespmem:s20+$0x420] =	vst v14  }
0x79: {  	v42 =	vadd.s32 $0xE, v12;
	v20 =	vld.idx.msk [tilespmem:v61+s2+$0x0], $0xffff;
	[tilespmem:s20+$0x4A0] =	vst v15  }
0x7a: {  	v43 =	vadd.s32 $0xF, v12;
	v13 =	vld.idx.msk [tilespmem:v62+s2+$0x0], $0xffff;
	[tilespmem:s20+$0x520] =	vst v19  }
0x7b: {  	v44 =	vadd.s32 $0x10, v12;
	v14 =	vld.idx.msk [tilespmem:v63+s2+$0x0], $0xffff;
	[tilespmem:s20+$0x5A0] =	vst v21  }
0x7c: {  	v45 =	vadd.s32 $0x11, v12;
	v15 =	vld.idx.msk [tilespmem:v40+s2+$0x0], $0xffff;
	[tilespmem:s20+$0x620] =	vst v22  }
0x7d: {  	v46 =	vadd.s32 $0x12, v12;
	v19 =	vld.idx.msk [tilespmem:v41+s2+$0x0], $0xffff;
	[tilespmem:s20+$0x6A0] =	vst v23  }
0x7e: {  	v47 =	vadd.s32 $0x13, v12;
	v21 =	vld.idx.msk [tilespmem:v42+s2+$0x0], $0xffff;
	[tilespmem:s20+$0x720] =	vst v24  }
0x7f: {  	v48 =	vadd.s32 $0x14, v12;
	v22 =	vld.idx.msk [tilespmem:v43+s2+$0x0], $0xffff;
	[tilespmem:s20+$0x7A0] =	vst v25  }
0x80: {  	v49 =	vadd.s32 $0x15, v12;
	v23 =	vld.idx.msk [tilespmem:v44+s2+$0x0], $0xffff;
	[tilespmem:s20+$0x820] =	vst v26  }
0x81: {  	v50 =	vadd.s32 $0x16, v12;
	v24 =	vld.idx.msk [tilespmem:v45+s2+$0x0], $0xffff;
	[tilespmem:s20+$0x8A0] =	vst v27  }
0x82: {  	v11 =	vmul.u32 $0x18, v11;
	v12 =	vadd.s32 $0x17, v12;
	v25 =	vld.idx.msk [tilespmem:v46+s2+$0x0], $0xffff;
	[tilespmem:s20+$0x920] =	vst v28  }
0x83: {  	v26 =	vld.idx.msk [tilespmem:v47+s2+$0x0], $0xffff;
	[tilespmem:s20+$0x9A0] =	vst v29  }
0x84: {  	v51 =	vor.u32 $0x1, v11;
	v27 =	vld.idx.msk [tilespmem:v48+s2+$0x0], $0xffff;
	[tilespmem:s20+$0xA20] =	vst v30  }
0x85: {  	v52 =	vor.u32 $0x2, v11;
	v28 =	vld.idx.msk [tilespmem:v49+s2+$0x0], $0xffff;
	[tilespmem:s20+$0xAA0] =	vst v31  }
0x86: {  	v53 =	vor.u32 $0x3, v11;
	v29 =	vld.idx.msk [tilespmem:v50+s2+$0x0], $0xffff;
	[tilespmem:s20+$0xB20] =	vst v32  }
0x87: {  	v54 =	vor.u32 $0x4, v11;
	v12 =	vld.idx.msk [tilespmem:v12+s2+$0x0], $0xffff;
	[tilespmem:s20+$0xBA0] =	vst v18  }
0x88: {  	v55 =	vor.u32 $0x5, v11;
	v31 =	vld.idx.msk [tilespmem:v11+s2+$0x0], $0xffff;
	[tilespmem:s20+$0x30] =	vst v34  }
0x89: {  	v56 =	vor.u32 $0x6, v11;
	v30 =	vld.idx.msk [tilespmem:v51+s2+$0x0], $0xffff;
	[tilespmem:s20+$0xB0] =	vst v33  }
0x8a: {  	v57 =	vor.u32 $0x7, v11;
	v18 =	vld.idx.msk [tilespmem:v52+s2+$0x0], $0xffff;
	[tilespmem:s20+$0x130] =	vst v17  }
0x8b: {  	v58 =	vadd.s32 $0x8, v11;
	v32 =	vld.idx.msk [tilespmem:v53+s2+$0x0], $0xffff;
	[tilespmem:s20+$0x1B0] =	vst v35  }
0x8c: {  	v59 =	vadd.s32 $0x9, v11;
	v33 =	vld.idx.msk [tilespmem:v54+s2+$0x0], $0xffff;
	[tilespmem:s20+$0x230] =	vst v36  }
0x8d: {  	v60 =	vadd.s32 $0xA, v11;
	v17 =	vld.idx.msk [tilespmem:v55+s2+$0x0], $0xffff;
	[tilespmem:s20+$0x2B0] =	vst v16  }
0x8e: {  	v61 =	vadd.s32 $0xB, v11;
	v34 =	vld.idx.msk [tilespmem:v56+s2+$0x0], $0xffff;
	[tilespmem:s20+$0x330] =	vst v37  }
0x8f: {  	v62 =	vadd.s32 $0xC, v11;
	v35 =	vld.idx.msk [tilespmem:v57+s2+$0x0], $0xffff;
	[tilespmem:s20+$0x3B0] =	vst v38  }
0x90: {  	v63 =	vadd.s32 $0xD, v11;
	v16 =	vld.idx.msk [tilespmem:v58+s2+$0x0], $0xffff;
	[tilespmem:s20+$0x430] =	vst v39  }
0x91: {  	v39 =	vadd.s32 $0xE, v11;
	v36 =	vld.idx.msk [tilespmem:v59+s2+$0x0], $0xffff;
	[tilespmem:s20+$0x4B0] =	vst v20  }
0x92: {  	v40 =	vadd.s32 $0xF, v11;
	v37 =	vld.idx.msk [tilespmem:v60+s2+$0x0], $0xffff;
	[tilespmem:s20+$0x530] =	vst v13  }
0x93: {  	v41 =	vadd.s32 $0x10, v11;
	v38 =	vld.idx.msk [tilespmem:v61+s2+$0x0], $0xffff;
	[tilespmem:s20+$0x5B0] =	vst v14  }
0x94: {  	v42 =	vadd.s32 $0x11, v11;
	v20 =	vld.idx.msk [tilespmem:v62+s2+$0x0], $0xffff;
	[tilespmem:s20+$0x630] =	vst v15  }
0x95: {  	v43 =	vadd.s32 $0x12, v11;
	v13 =	vld.idx.msk [tilespmem:v63+s2+$0x0], $0xffff;
	[tilespmem:s20+$0x6B0] =	vst v19  }
0x96: {  	v44 =	vadd.s32 $0x13, v11;
	v14 =	vld.idx.msk [tilespmem:v39+s2+$0x0], $0xffff;
	[tilespmem:s20+$0x730] =	vst v21  }
0x97: {  	v45 =	vadd.s32 $0x14, v11;
	v15 =	vld.idx.msk [tilespmem:v40+s2+$0x0], $0xffff;
	[tilespmem:s20+$0x7B0] =	vst v22  }
0x98: {  	v46 =	vadd.s32 $0x15, v11;
	v19 =	vld.idx.msk [tilespmem:v41+s2+$0x0], $0xffff;
	[tilespmem:s20+$0x830] =	vst v23  }
0x99: {  	v47 =	vadd.s32 $0x16, v11;
	v21 =	vld.idx.msk [tilespmem:v42+s2+$0x0], $0xffff;
	[tilespmem:s20+$0x8B0] =	vst v24  }
0x9a: {  	v10 =	vmul.u32 $0x18, v10;
	v11 =	vadd.s32 $0x17, v11;
	v22 =	vld.idx.msk [tilespmem:v43+s2+$0x0], $0xffff;
	[tilespmem:s20+$0x930] =	vst v25  }
0x9b: {  	v23 =	vld.idx.msk [tilespmem:v44+s2+$0x0], $0xffff;
	[tilespmem:s20+$0x9B0] =	vst v26  }
0x9c: {  	v48 =	vor.u32 $0x1, v10;
	v24 =	vld.idx.msk [tilespmem:v45+s2+$0x0], $0xffff;
	[tilespmem:s20+$0xA30] =	vst v27  }
0x9d: {  	v49 =	vor.u32 $0x2, v10;
	v25 =	vld.idx.msk [tilespmem:v46+s2+$0x0], $0xffff;
	[tilespmem:s20+$0xAB0] =	vst v28  }
0x9e: {  	v50 =	vor.u32 $0x3, v10;
	v26 =	vld.idx.msk [tilespmem:v47+s2+$0x0], $0xffff;
	[tilespmem:s20+$0xB30] =	vst v29  }
0x9f: {  	v51 =	vor.u32 $0x4, v10;
	v11 =	vld.idx.msk [tilespmem:v11+s2+$0x0], $0xffff;
	[tilespmem:s20+$0xBB0] =	vst v12  }
0xa0: {  	v52 =	vor.u32 $0x5, v10;
	v28 =	vld.idx.msk [tilespmem:v10+s2+$0x0], $0xffff;
	[tilespmem:s20+$0x40] =	vst v31  }
0xa1: {  	v53 =	vor.u32 $0x6, v10;
	v27 =	vld.idx.msk [tilespmem:v48+s2+$0x0], $0xffff;
	[tilespmem:s20+$0xC0] =	vst v30  }
0xa2: {  	v54 =	vor.u32 $0x7, v10;
	v12 =	vld.idx.msk [tilespmem:v49+s2+$0x0], $0xffff;
	[tilespmem:s20+$0x140] =	vst v18  }
0xa3: {  	v55 =	vadd.s32 $0x8, v10;
	v29 =	vld.idx.msk [tilespmem:v50+s2+$0x0], $0xffff;
	[tilespmem:s20+$0x1C0] =	vst v32  }
0xa4: {  	v56 =	vadd.s32 $0x9, v10;
	v30 =	vld.idx.msk [tilespmem:v51+s2+$0x0], $0xffff;
	[tilespmem:s20+$0x240] =	vst v33  }
0xa5: {  	v57 =	vadd.s32 $0xA, v10;
	v18 =	vld.idx.msk [tilespmem:v52+s2+$0x0], $0xffff;
	[tilespmem:s20+$0x2C0] =	vst v17  }
0xa6: {  	v58 =	vadd.s32 $0xB, v10;
	v31 =	vld.idx.msk [tilespmem:v53+s2+$0x0], $0xffff;
	[tilespmem:s20+$0x340] =	vst v34  }
0xa7: {  	v59 =	vadd.s32 $0xC, v10;
	v32 =	vld.idx.msk [tilespmem:v54+s2+$0x0], $0xffff;
	[tilespmem:s20+$0x3C0] =	vst v35  }
0xa8: {  	v60 =	vadd.s32 $0xD, v10;
	v17 =	vld.idx.msk [tilespmem:v55+s2+$0x0], $0xffff;
	[tilespmem:s20+$0x440] =	vst v16  }
0xa9: {  	v61 =	vadd.s32 $0xE, v10;
	v33 =	vld.idx.msk [tilespmem:v56+s2+$0x0], $0xffff;
	[tilespmem:s20+$0x4C0] =	vst v36  }
0xaa: {  	v62 =	vadd.s32 $0xF, v10;
	v34 =	vld.idx.msk [tilespmem:v57+s2+$0x0], $0xffff;
	[tilespmem:s20+$0x540] =	vst v37  }
0xab: {  	v63 =	vadd.s32 $0x10, v10;
	v16 =	vld.idx.msk [tilespmem:v58+s2+$0x0], $0xffff;
	[tilespmem:s20+$0x5C0] =	vst v38  }
0xac: {  	v38 =	vadd.s32 $0x11, v10;
	v35 =	vld.idx.msk [tilespmem:v59+s2+$0x0], $0xffff;
	[tilespmem:s20+$0x640] =	vst v20  }
0xad: {  	v39 =	vadd.s32 $0x12, v10;
	v36 =	vld.idx.msk [tilespmem:v60+s2+$0x0], $0xffff;
	[tilespmem:s20+$0x6C0] =	vst v13  }
0xae: {  	v40 =	vadd.s32 $0x13, v10;
	v37 =	vld.idx.msk [tilespmem:v61+s2+$0x0], $0xffff;
	[tilespmem:s20+$0x740] =	vst v14  }
0xaf: {  	v41 =	vadd.s32 $0x14, v10;
	v20 =	vld.idx.msk [tilespmem:v62+s2+$0x0], $0xffff;
	[tilespmem:s20+$0x7C0] =	vst v15  }
0xb0: {  	v42 =	vadd.s32 $0x15, v10;
	v13 =	vld.idx.msk [tilespmem:v63+s2+$0x0], $0xffff;
	[tilespmem:s20+$0x840] =	vst v19  }
0xb1: {  	v43 =	vadd.s32 $0x16, v10;
	v14 =	vld.idx.msk [tilespmem:v38+s2+$0x0], $0xffff;
	[tilespmem:s20+$0x8C0] =	vst v21  }
0xb2: {  	v9 =	vmul.u32 $0x18, v9;
	v10 =	vadd.s32 $0x17, v10;
	v15 =	vld.idx.msk [tilespmem:v39+s2+$0x0], $0xffff;
	[tilespmem:s20+$0x940] =	vst v22  }
0xb3: {  	v19 =	vld.idx.msk [tilespmem:v40+s2+$0x0], $0xffff;
	[tilespmem:s20+$0x9C0] =	vst v23  }
0xb4: {  	v44 =	vor.u32 $0x1, v9;
	v21 =	vld.idx.msk [tilespmem:v41+s2+$0x0], $0xffff;
	[tilespmem:s20+$0xA40] =	vst v24  }
0xb5: {  	v45 =	vor.u32 $0x2, v9;
	v22 =	vld.idx.msk [tilespmem:v42+s2+$0x0], $0xffff;
	[tilespmem:s20+$0xAC0] =	vst v25  }
0xb6: {  	v46 =	vor.u32 $0x3, v9;
	v23 =	vld.idx.msk [tilespmem:v43+s2+$0x0], $0xffff;
	[tilespmem:s20+$0xB40] =	vst v26  }
0xb7: {  	v47 =	vor.u32 $0x4, v9;
	v10 =	vld.idx.msk [tilespmem:v10+s2+$0x0], $0xffff;
	[tilespmem:s20+$0xBC0] =	vst v11  }
0xb8: {  	v48 =	vor.u32 $0x5, v9;
	v25 =	vld.idx.msk [tilespmem:v9+s2+$0x0], $0xffff;
	[tilespmem:s20+$0x50] =	vst v28  }
0xb9: {  	v49 =	vor.u32 $0x6, v9;
	v24 =	vld.idx.msk [tilespmem:v44+s2+$0x0], $0xffff;
	[tilespmem:s20+$0xD0] =	vst v27  }
0xba: {  	v50 =	vor.u32 $0x7, v9;
	v11 =	vld.idx.msk [tilespmem:v45+s2+$0x0], $0xffff;
	[tilespmem:s20+$0x150] =	vst v12  }
0xbb: {  	v51 =	vadd.s32 $0x8, v9;
	v26 =	vld.idx.msk [tilespmem:v46+s2+$0x0], $0xffff;
	[tilespmem:s20+$0x1D0] =	vst v29  }
0xbc: {  	v52 =	vadd.s32 $0x9, v9;
	v27 =	vld.idx.msk [tilespmem:v47+s2+$0x0], $0xffff;
	[tilespmem:s20+$0x250] =	vst v30  }
0xbd: {  	v53 =	vadd.s32 $0xA, v9;
	v12 =	vld.idx.msk [tilespmem:v48+s2+$0x0], $0xffff;
	[tilespmem:s20+$0x2D0] =	vst v18  }
0xbe: {  	v54 =	vadd.s32 $0xB, v9;
	v28 =	vld.idx.msk [tilespmem:v49+s2+$0x0], $0xffff;
	[tilespmem:s20+$0x350] =	vst v31  }
0xbf: {  	v55 =	vadd.s32 $0xC, v9;
	v29 =	vld.idx.msk [tilespmem:v50+s2+$0x0], $0xffff;
	[tilespmem:s20+$0x3D0] =	vst v32  }
0xc0: {  	v56 =	vadd.s32 $0xD, v9;
	v18 =	vld.idx.msk [tilespmem:v51+s2+$0x0], $0xffff;
	[tilespmem:s20+$0x450] =	vst v17  }
0xc1: {  	v57 =	vadd.s32 $0xE, v9;
	v30 =	vld.idx.msk [tilespmem:v52+s2+$0x0], $0xffff;
	[tilespmem:s20+$0x4D0] =	vst v33  }
0xc2: {  	v58 =	vadd.s32 $0xF, v9;
	v31 =	vld.idx.msk [tilespmem:v53+s2+$0x0], $0xffff;
	[tilespmem:s20+$0x550] =	vst v34  }
0xc3: {  	v59 =	vadd.s32 $0x10, v9;
	v17 =	vld.idx.msk [tilespmem:v54+s2+$0x0], $0xffff;
	[tilespmem:s20+$0x5D0] =	vst v16  }
0xc4: {  	v60 =	vadd.s32 $0x11, v9;
	v32 =	vld.idx.msk [tilespmem:v55+s2+$0x0], $0xffff;
	[tilespmem:s20+$0x650] =	vst v35  }
0xc5: {  	v61 =	vadd.s32 $0x12, v9;
	v33 =	vld.idx.msk [tilespmem:v56+s2+$0x0], $0xffff;
	[tilespmem:s20+$0x6D0] =	vst v36  }
0xc6: {  	v62 =	vadd.s32 $0x13, v9;
	v16 =	vld.idx.msk [tilespmem:v57+s2+$0x0], $0xffff;
	[tilespmem:s20+$0x750] =	vst v37  }
0xc7: {  	v63 =	vadd.s32 $0x14, v9;
	v34 =	vld.idx.msk [tilespmem:v58+s2+$0x0], $0xffff;
	[tilespmem:s20+$0x7D0] =	vst v20  }
0xc8: {  	v37 =	vadd.s32 $0x15, v9;
	v35 =	vld.idx.msk [tilespmem:v59+s2+$0x0], $0xffff;
	[tilespmem:s20+$0x850] =	vst v13  }
0xc9: {  	v38 =	vadd.s32 $0x16, v9;
	v36 =	vld.idx.msk [tilespmem:v60+s2+$0x0], $0xffff;
	[tilespmem:s20+$0x8D0] =	vst v14  }
0xca: {  	v8 =	vmul.u32 $0x18, v8;
	v9 =	vadd.s32 $0x17, v9;
	v20 =	vld.idx.msk [tilespmem:v61+s2+$0x0], $0xffff;
	[tilespmem:s20+$0x950] =	vst v15  }
0xcb: {  	v13 =	vld.idx.msk [tilespmem:v62+s2+$0x0], $0xffff;
	[tilespmem:s20+$0x9D0] =	vst v19  }
0xcc: {  	v39 =	vor.u32 $0x1, v8;
	v14 =	vld.idx.msk [tilespmem:v63+s2+$0x0], $0xffff;
	[tilespmem:s20+$0xA50] =	vst v21  }
0xcd: {  	v40 =	vor.u32 $0x2, v8;
	v15 =	vld.idx.msk [tilespmem:v37+s2+$0x0], $0xffff;
	[tilespmem:s20+$0xAD0] =	vst v22  }
0xce: {  	v41 =	vor.u32 $0x3, v8;
	v19 =	vld.idx.msk [tilespmem:v38+s2+$0x0], $0xffff;
	[tilespmem:s20+$0xB50] =	vst v23  }
0xcf: {  	v42 =	vor.u32 $0x4, v8;
	v9 =	vld.idx.msk [tilespmem:v9+s2+$0x0], $0xffff;
	[tilespmem:s20+$0xBD0] =	vst v10  }
0xd0: {  	v43 =	vor.u32 $0x5, v8;
	v22 =	vld.idx.msk [tilespmem:v8+s2+$0x0], $0xffff;
	[tilespmem:s20+$0x60] =	vst v25  }
0xd1: {  	v44 =	vor.u32 $0x6, v8;
	v21 =	vld.idx.msk [tilespmem:v39+s2+$0x0], $0xffff;
	[tilespmem:s20+$0xE0] =	vst v24  }
0xd2: {  	v45 =	vor.u32 $0x7, v8;
	v25 =	vld.idx.msk [tilespmem:v40+s2+$0x0], $0xffff;
	[tilespmem:s20+$0x160] =	vst v11  }
0xd3: {  	v46 =	vadd.s32 $0x8, v8;
	v23 =	vld.idx.msk [tilespmem:v41+s2+$0x0], $0xffff;
	[tilespmem:s20+$0x1E0] =	vst v26  }
0xd4: {  	v47 =	vadd.s32 $0x9, v8;
	v24 =	vld.idx.msk [tilespmem:v42+s2+$0x0], $0xffff;
	[tilespmem:s20+$0x260] =	vst v27  }
0xd5: {  	v48 =	vadd.s32 $0xA, v8;
	v27 =	vld.idx.msk [tilespmem:v43+s2+$0x0], $0xffff;
	[tilespmem:s20+$0x2E0] =	vst v12  }
0xd6: {  	v49 =	vadd.s32 $0xB, v8;
	v37 =	vld.idx.msk [tilespmem:v44+s2+$0x0], $0xffff;
	[tilespmem:s20+$0x360] =	vst v28  }
0xd7: {  	v50 =	vadd.s32 $0xC, v8;
	v26 =	vld.idx.msk [tilespmem:v45+s2+$0x0], $0xffff;
	[tilespmem:s20+$0x3E0] =	vst v29  }
0xd8: {  	v51 =	vadd.s32 $0xD, v8;
	v28 =	vld.idx.msk [tilespmem:v46+s2+$0x0], $0xffff;
	[tilespmem:s20+$0x460] =	vst v18  }
0xd9: {  	v52 =	vadd.s32 $0xE, v8;
	v18 =	vld.idx.msk [tilespmem:v47+s2+$0x0], $0xffff;
	[tilespmem:s20+$0x4E0] =	vst v30  }
0xda: {  	v53 =	vadd.s32 $0xF, v8;
	v29 =	vld.idx.msk [tilespmem:v48+s2+$0x0], $0xffff;
	[tilespmem:s20+$0x560] =	vst v31  }
0xdb: {  	v54 =	vadd.s32 $0x10, v8;
	v30 =	vld.idx.msk [tilespmem:v49+s2+$0x0], $0xffff;
	[tilespmem:s20+$0x5E0] =	vst v17  }
0xdc: {  	v55 =	vadd.s32 $0x11, v8;
	v17 =	vld.idx.msk [tilespmem:v50+s2+$0x0], $0xffff;
	[tilespmem:s20+$0x660] =	vst v32  }
0xdd: {  	v56 =	vadd.s32 $0x12, v8;
	v31 =	vld.idx.msk [tilespmem:v51+s2+$0x0], $0xffff;
	[tilespmem:s20+$0x6E0] =	vst v33  }
0xde: {  	v57 =	vadd.s32 $0x13, v8;
	v32 =	vld.idx.msk [tilespmem:v52+s2+$0x0], $0xffff;
	[tilespmem:s20+$0x760] =	vst v16  }
0xdf: {  	v58 =	vadd.s32 $0x14, v8;
	v16 =	vld.idx.msk [tilespmem:v53+s2+$0x0], $0xffff;
	[tilespmem:s20+$0x7E0] =	vst v34  }
0xe0: {  	v59 =	vadd.s32 $0x15, v8;
	v33 =	vld.idx.msk [tilespmem:v54+s2+$0x0], $0xffff;
	[tilespmem:s20+$0x860] =	vst v35  }
0xe1: {  	v60 =	vadd.s32 $0x16, v8;
	v34 =	vld.idx.msk [tilespmem:v55+s2+$0x0], $0xffff;
	[tilespmem:s20+$0x8E0] =	vst v36  }
0xe2: {  	s21 =	sadd.s32 $0x1, s15;
	v8 =	vadd.s32 $0x17, v8;
	v35 =	vld.idx.msk [tilespmem:v56+s2+$0x0], $0xffff;
	[tilespmem:s20+$0x960] =	vst v20  }
0xe3: {  	v61 =	vadd.s32 s21, v0;
	v20 =	vld.idx.msk [tilespmem:v57+s2+$0x0], $0xffff;
	[tilespmem:s20+$0x9E0] =	vst v13  }
0xe4: {  	v36 =	vld.idx.msk [tilespmem:v58+s2+$0x0], $0xffff;
	[tilespmem:s20+$0xA60] =	vst v14  }
0xe5: {  	v14 =	vld.idx.msk [tilespmem:v59+s2+$0x0], $0xffff;
	[tilespmem:s20+$0xAE0] =	vst v15  }
0xe6: {  	v15 =	vld.idx.msk [tilespmem:v60+s2+$0x0], $0xffff;
	[tilespmem:s20+$0xB60] =	vst v19  }
0xe7: {  	v19 =	vld.idx.msk [tilespmem:v8+s2+$0x0], $0xffff;
	[tilespmem:s20+$0xBE0] =	vst v9;
	v8 =	vadd.s32 s21, v1  }
0xe8: {  	v62 =	vadd.s32 s21, v2;
	v9 =	vld.idx.msk [tilespmem:v61+s10+$0x0], $0xffff  }
0xe9: {  	v63 =	vadd.s32 s21, v3  }
0xea: {  	v45 =	vadd.s32 s21, v4  }
0xeb: {  	v46 =	vadd.s32 s21, v5  }
0xec: {  	v40 =	vld.idx.msk [tilespmem:v8+s10+$0x0], $0xffff;
	v8 =	vadd.s32 s21, v6  }
0xed: {  	v42 =	vadd.s32 s21, v7;
	v13 =	vld.idx.msk [tilespmem:v62+s10+$0x0], $0xffff;
	v41 =	vmul.u32 $0x18, v9  }
0xee: {  	v12 =	vld.idx.msk [tilespmem:v63+s10+$0x0], $0xffff  }
0xef: {  	v11 =	vld.idx.msk [tilespmem:v45+s10+$0x0], $0xffff;
	v47 =	vor.u32 $0x1, v41  }
0xf0: {  	v10 =	vld.idx.msk [tilespmem:v46+s10+$0x0], $0xffff;
	v48 =	vor.u32 $0x2, v41  }
0xf1: {  	v49 =	vor.u32 $0x3, v41;
	v9 =	vld.idx.msk [tilespmem:v8+s10+$0x0], $0xffff  }
0xf2: {  	v50 =	vor.u32 $0x4, v41;
	v8 =	vld.idx.msk [tilespmem:v42+s10+$0x0], $0xffff  }
0xf3: {  	v51 =	vor.u32 $0x5, v41;
	v42 =	vld.idx.msk [tilespmem:v41+s2+$0x0], $0xffff;
	[tilespmem:s20+$0x70] =	vst v22  }
0xf4: {  	v52 =	vor.u32 $0x6, v41;
	v38 =	vld.idx.msk [tilespmem:v47+s2+$0x0], $0xffff;
	[tilespmem:s20+$0xF0] =	vst v21  }
0xf5: {  	v53 =	vor.u32 $0x7, v41;
	v39 =	vld.idx.msk [tilespmem:v48+s2+$0x0], $0xffff;
	[tilespmem:s20+$0x170] =	vst v25  }
0xf6: {  	v54 =	vadd.s32 $0x8, v41;
	v22 =	vld.idx.msk [tilespmem:v49+s2+$0x0], $0xffff;
	[tilespmem:s20+$0x1F0] =	vst v23  }
0xf7: {  	v55 =	vadd.s32 $0x9, v41;
	v21 =	vld.idx.msk [tilespmem:v50+s2+$0x0], $0xffff;
	[tilespmem:s20+$0x270] =	vst v24  }
0xf8: {  	v56 =	vadd.s32 $0xA, v41;
	v25 =	vld.idx.msk [tilespmem:v51+s2+$0x0], $0xffff;
	[tilespmem:s20+$0x2F0] =	vst v27  }
0xf9: {  	v57 =	vadd.s32 $0xB, v41;
	v23 =	vld.idx.msk [tilespmem:v52+s2+$0x0], $0xffff;
	[tilespmem:s20+$0x370] =	vst v37  }
0xfa: {  	v58 =	vadd.s32 $0xC, v41;
	v24 =	vld.idx.msk [tilespmem:v53+s2+$0x0], $0xffff;
	[tilespmem:s20+$0x3F0] =	vst v26  }
0xfb: {  	v59 =	vadd.s32 $0xD, v41;
	v27 =	vld.idx.msk [tilespmem:v54+s2+$0x0], $0xffff;
	[tilespmem:s20+$0x470] =	vst v28  }
0xfc: {  	v60 =	vadd.s32 $0xE, v41;
	v37 =	vld.idx.msk [tilespmem:v55+s2+$0x0], $0xffff;
	[tilespmem:s20+$0x4F0] =	vst v18  }
0xfd: {  	v61 =	vadd.s32 $0xF, v41;
	v26 =	vld.idx.msk [tilespmem:v56+s2+$0x0], $0xffff;
	[tilespmem:s20+$0x570] =	vst v29  }
0xfe: {  	v62 =	vadd.s32 $0x10, v41;
	v28 =	vld.idx.msk [tilespmem:v57+s2+$0x0], $0xffff;
	[tilespmem:s20+$0x5F0] =	vst v30  }
0xff: {  	v63 =	vadd.s32 $0x11, v41;
	v18 =	vld.idx.msk [tilespmem:v58+s2+$0x0], $0xffff;
	[tilespmem:s20+$0x670] =	vst v17  }
0x100: {  	v43 =	vadd.s32 $0x12, v41;
	v29 =	vld.idx.msk [tilespmem:v59+s2+$0x0], $0xffff;
	[tilespmem:s20+$0x6F0] =	vst v31  }
0x101: {  	v44 =	vadd.s32 $0x13, v41;
	v30 =	vld.idx.msk [tilespmem:v60+s2+$0x0], $0xffff;
	[tilespmem:s20+$0x770] =	vst v32  }
0x102: {  	v45 =	vadd.s32 $0x14, v41;
	v17 =	vld.idx.msk [tilespmem:v61+s2+$0x0], $0xffff;
	[tilespmem:s20+$0x7F0] =	vst v16  }
0x103: {  	v46 =	vadd.s32 $0x15, v41;
	v31 =	vld.idx.msk [tilespmem:v62+s2+$0x0], $0xffff;
	[tilespmem:s20+$0x870] =	vst v33  }
0x104: {  	v47 =	vadd.s32 $0x16, v41;
	v32 =	vld.idx.msk [tilespmem:v63+s2+$0x0], $0xffff;
	[tilespmem:s20+$0x8F0] =	vst v34  }
0x105: {  	v40 =	vmul.u32 $0x18, v40;
	v48 =	vadd.s32 $0x17, v41;
	v16 =	vld.idx.msk [tilespmem:v43+s2+$0x0], $0xffff;
	[tilespmem:s20+$0x970] =	vst v35  }
0x106: {  	v33 =	vld.idx.msk [tilespmem:v44+s2+$0x0], $0xffff;
	[tilespmem:s20+$0x9F0] =	vst v20  }
0x107: {  	v49 =	vor.u32 $0x1, v40;
	v34 =	vld.idx.msk [tilespmem:v45+s2+$0x0], $0xffff;
	[tilespmem:s20+$0xA70] =	vst v36  }
0x108: {  	v50 =	vor.u32 $0x2, v40;
	v35 =	vld.idx.msk [tilespmem:v46+s2+$0x0], $0xffff;
	[tilespmem:s20+$0xAF0] =	vst v14  }
0x109: {  	v51 =	vor.u32 $0x3, v40;
	v14 =	vld.idx.msk [tilespmem:v47+s2+$0x0], $0xffff;
	[tilespmem:s20+$0xB70] =	vst v15  }
0x10a: {  	v52 =	vor.u32 $0x4, v40;
	v20 =	vld.idx.msk [tilespmem:v48+s2+$0x0], $0xffff;
	[tilespmem:s20+$0xBF0] =	vst v19  }
0x10b: {  	v53 =	vor.u32 $0x5, v40;
	v36 =	vld.idx.msk [tilespmem:v40+s2+$0x0], $0xffff;
	[tilespmem:s20+$0xC00] =	vst v42  }
0x10c: {  	v54 =	vor.u32 $0x6, v40;
	v15 =	vld.idx.msk [tilespmem:v49+s2+$0x0], $0xffff;
	[tilespmem:s20+$0xC80] =	vst v38  }
0x10d: {  	v55 =	vor.u32 $0x7, v40;
	v19 =	vld.idx.msk [tilespmem:v50+s2+$0x0], $0xffff;
	[tilespmem:s20+$0xD00] =	vst v39  }
0x10e: {  	v56 =	vadd.s32 $0x8, v40;
	v41 =	vld.idx.msk [tilespmem:v51+s2+$0x0], $0xffff;
	[tilespmem:s20+$0xD80] =	vst v22  }
0x10f: {  	v57 =	vadd.s32 $0x9, v40;
	v38 =	vld.idx.msk [tilespmem:v52+s2+$0x0], $0xffff;
	[tilespmem:s20+$0xE00] =	vst v21  }
0x110: {  	v58 =	vadd.s32 $0xA, v40;
	v39 =	vld.idx.msk [tilespmem:v53+s2+$0x0], $0xffff;
	[tilespmem:s20+$0xE80] =	vst v25  }
0x111: {  	v59 =	vadd.s32 $0xB, v40;
	v22 =	vld.idx.msk [tilespmem:v54+s2+$0x0], $0xffff;
	[tilespmem:s20+$0xF00] =	vst v23  }
0x112: {  	v60 =	vadd.s32 $0xC, v40;
	v21 =	vld.idx.msk [tilespmem:v55+s2+$0x0], $0xffff;
	[tilespmem:s20+$0xF80] =	vst v24  }
0x113: {  	v61 =	vadd.s32 $0xD, v40;
	v25 =	vld.idx.msk [tilespmem:v56+s2+$0x0], $0xffff;
	[tilespmem:s20+$0x1000] =	vst v27  }
0x114: {  	v62 =	vadd.s32 $0xE, v40;
	v23 =	vld.idx.msk [tilespmem:v57+s2+$0x0], $0xffff;
	[tilespmem:s20+$0x1080] =	vst v37  }
0x115: {  	v63 =	vadd.s32 $0xF, v40;
	v24 =	vld.idx.msk [tilespmem:v58+s2+$0x0], $0xffff;
	[tilespmem:s20+$0x1100] =	vst v26  }
0x116: {  	v42 =	vadd.s32 $0x10, v40;
	v27 =	vld.idx.msk [tilespmem:v59+s2+$0x0], $0xffff;
	[tilespmem:s20+$0x1180] =	vst v28  }
0x117: {  	v43 =	vadd.s32 $0x11, v40;
	v37 =	vld.idx.msk [tilespmem:v60+s2+$0x0], $0xffff;
	[tilespmem:s20+$0x1200] =	vst v18  }
0x118: {  	v44 =	vadd.s32 $0x12, v40;
	v26 =	vld.idx.msk [tilespmem:v61+s2+$0x0], $0xffff;
	[tilespmem:s20+$0x1280] =	vst v29  }
0x119: {  	v45 =	vadd.s32 $0x13, v40;
	v28 =	vld.idx.msk [tilespmem:v62+s2+$0x0], $0xffff;
	[tilespmem:s20+$0x1300] =	vst v30  }
0x11a: {  	v46 =	vadd.s32 $0x14, v40;
	v18 =	vld.idx.msk [tilespmem:v63+s2+$0x0], $0xffff;
	[tilespmem:s20+$0x1380] =	vst v17  }
0x11b: {  	v47 =	vadd.s32 $0x15, v40;
	v29 =	vld.idx.msk [tilespmem:v42+s2+$0x0], $0xffff;
	[tilespmem:s20+$0x1400] =	vst v31  }
0x11c: {  	v48 =	vadd.s32 $0x16, v40;
	v30 =	vld.idx.msk [tilespmem:v43+s2+$0x0], $0xffff;
	[tilespmem:s20+$0x1480] =	vst v32  }
0x11d: {  	v13 =	vmul.u32 $0x18, v13;
	v49 =	vadd.s32 $0x17, v40;
	v17 =	vld.idx.msk [tilespmem:v44+s2+$0x0], $0xffff;
	[tilespmem:s20+$0x1500] =	vst v16  }
0x11e: {  	v31 =	vld.idx.msk [tilespmem:v45+s2+$0x0], $0xffff;
	[tilespmem:s20+$0x1580] =	vst v33  }
0x11f: {  	v50 =	vor.u32 $0x1, v13;
	v32 =	vld.idx.msk [tilespmem:v46+s2+$0x0], $0xffff;
	[tilespmem:s20+$0x1600] =	vst v34  }
0x120: {  	v51 =	vor.u32 $0x2, v13;
	v16 =	vld.idx.msk [tilespmem:v47+s2+$0x0], $0xffff;
	[tilespmem:s20+$0x1680] =	vst v35  }
0x121: {  	v52 =	vor.u32 $0x3, v13;
	v33 =	vld.idx.msk [tilespmem:v48+s2+$0x0], $0xffff;
	[tilespmem:s20+$0x1700] =	vst v14  }
0x122: {  	v53 =	vor.u32 $0x4, v13;
	v34 =	vld.idx.msk [tilespmem:v49+s2+$0x0], $0xffff;
	[tilespmem:s20+$0x1780] =	vst v20  }
0x123: {  	v54 =	vor.u32 $0x5, v13;
	v35 =	vld.idx.msk [tilespmem:v13+s2+$0x0], $0xffff;
	[tilespmem:s20+$0xC10] =	vst v36  }
0x124: {  	v55 =	vor.u32 $0x6, v13;
	v14 =	vld.idx.msk [tilespmem:v50+s2+$0x0], $0xffff;
	[tilespmem:s20+$0xC90] =	vst v15  }
0x125: {  	v56 =	vor.u32 $0x7, v13;
	v20 =	vld.idx.msk [tilespmem:v51+s2+$0x0], $0xffff;
	[tilespmem:s20+$0xD10] =	vst v19  }
0x126: {  	v57 =	vadd.s32 $0x8, v13;
	v36 =	vld.idx.msk [tilespmem:v52+s2+$0x0], $0xffff;
	[tilespmem:s20+$0xD90] =	vst v41  }
0x127: {  	v58 =	vadd.s32 $0x9, v13;
	v15 =	vld.idx.msk [tilespmem:v53+s2+$0x0], $0xffff;
	[tilespmem:s20+$0xE10] =	vst v38  }
0x128: {  	v59 =	vadd.s32 $0xA, v13;
	v19 =	vld.idx.msk [tilespmem:v54+s2+$0x0], $0xffff;
	[tilespmem:s20+$0xE90] =	vst v39  }
0x129: {  	v60 =	vadd.s32 $0xB, v13;
	v40 =	vld.idx.msk [tilespmem:v55+s2+$0x0], $0xffff;
	[tilespmem:s20+$0xF10] =	vst v22  }
0x12a: {  	v61 =	vadd.s32 $0xC, v13;
	v38 =	vld.idx.msk [tilespmem:v56+s2+$0x0], $0xffff;
	[tilespmem:s20+$0xF90] =	vst v21  }
0x12b: {  	v62 =	vadd.s32 $0xD, v13;
	v39 =	vld.idx.msk [tilespmem:v57+s2+$0x0], $0xffff;
	[tilespmem:s20+$0x1010] =	vst v25  }
0x12c: {  	v63 =	vadd.s32 $0xE, v13;
	v22 =	vld.idx.msk [tilespmem:v58+s2+$0x0], $0xffff;
	[tilespmem:s20+$0x1090] =	vst v23  }
0x12d: {  	v41 =	vadd.s32 $0xF, v13;
	v21 =	vld.idx.msk [tilespmem:v59+s2+$0x0], $0xffff;
	[tilespmem:s20+$0x1110] =	vst v24  }
0x12e: {  	v42 =	vadd.s32 $0x10, v13;
	v25 =	vld.idx.msk [tilespmem:v60+s2+$0x0], $0xffff;
	[tilespmem:s20+$0x1190] =	vst v27  }
0x12f: {  	v43 =	vadd.s32 $0x11, v13;
	v23 =	vld.idx.msk [tilespmem:v61+s2+$0x0], $0xffff;
	[tilespmem:s20+$0x1210] =	vst v37  }
0x130: {  	v44 =	vadd.s32 $0x12, v13;
	v24 =	vld.idx.msk [tilespmem:v62+s2+$0x0], $0xffff;
	[tilespmem:s20+$0x1290] =	vst v26  }
0x131: {  	v45 =	vadd.s32 $0x13, v13;
	v27 =	vld.idx.msk [tilespmem:v63+s2+$0x0], $0xffff;
	[tilespmem:s20+$0x1310] =	vst v28  }
0x132: {  	v46 =	vadd.s32 $0x14, v13;
	v37 =	vld.idx.msk [tilespmem:v41+s2+$0x0], $0xffff;
	[tilespmem:s20+$0x1390] =	vst v18  }
0x133: {  	v47 =	vadd.s32 $0x15, v13;
	v26 =	vld.idx.msk [tilespmem:v42+s2+$0x0], $0xffff;
	[tilespmem:s20+$0x1410] =	vst v29  }
0x134: {  	v48 =	vadd.s32 $0x16, v13;
	v28 =	vld.idx.msk [tilespmem:v43+s2+$0x0], $0xffff;
	[tilespmem:s20+$0x1490] =	vst v30  }
0x135: {  	v12 =	vmul.u32 $0x18, v12;
	v13 =	vadd.s32 $0x17, v13;
	v18 =	vld.idx.msk [tilespmem:v44+s2+$0x0], $0xffff;
	[tilespmem:s20+$0x1510] =	vst v17  }
0x136: {  	v29 =	vld.idx.msk [tilespmem:v45+s2+$0x0], $0xffff;
	[tilespmem:s20+$0x1590] =	vst v31  }
0x137: {  	v49 =	vor.u32 $0x1, v12;
	v30 =	vld.idx.msk [tilespmem:v46+s2+$0x0], $0xffff;
	[tilespmem:s20+$0x1610] =	vst v32  }
0x138: {  	v50 =	vor.u32 $0x2, v12;
	v17 =	vld.idx.msk [tilespmem:v47+s2+$0x0], $0xffff;
	[tilespmem:s20+$0x1690] =	vst v16  }
0x139: {  	v51 =	vor.u32 $0x3, v12;
	v16 =	vld.idx.msk [tilespmem:v48+s2+$0x0], $0xffff;
	[tilespmem:s20+$0x1710] =	vst v33  }
0x13a: {  	v52 =	vor.u32 $0x4, v12;
	v13 =	vld.idx.msk [tilespmem:v13+s2+$0x0], $0xffff;
	[tilespmem:s20+$0x1790] =	vst v34  }
0x13b: {  	v53 =	vor.u32 $0x5, v12;
	v33 =	vld.idx.msk [tilespmem:v12+s2+$0x0], $0xffff;
	[tilespmem:s20+$0xC20] =	vst v35  }
0x13c: {  	v54 =	vor.u32 $0x6, v12;
	v31 =	vld.idx.msk [tilespmem:v49+s2+$0x0], $0xffff;
	[tilespmem:s20+$0xCA0] =	vst v14  }
0x13d: {  	v55 =	vor.u32 $0x7, v12;
	v32 =	vld.idx.msk [tilespmem:v50+s2+$0x0], $0xffff;
	[tilespmem:s20+$0xD20] =	vst v20  }
0x13e: {  	v56 =	vadd.s32 $0x8, v12;
	v34 =	vld.idx.msk [tilespmem:v51+s2+$0x0], $0xffff;
	[tilespmem:s20+$0xDA0] =	vst v36  }
0x13f: {  	v57 =	vadd.s32 $0x9, v12;
	v14 =	vld.idx.msk [tilespmem:v52+s2+$0x0], $0xffff;
	[tilespmem:s20+$0xE20] =	vst v15  }
0x140: {  	v58 =	vadd.s32 $0xA, v12;
	v20 =	vld.idx.msk [tilespmem:v53+s2+$0x0], $0xffff;
	[tilespmem:s20+$0xEA0] =	vst v19  }
0x141: {  	v59 =	vadd.s32 $0xB, v12;
	v35 =	vld.idx.msk [tilespmem:v54+s2+$0x0], $0xffff;
	[tilespmem:s20+$0xF20] =	vst v40  }
0x142: {  	v60 =	vadd.s32 $0xC, v12;
	v15 =	vld.idx.msk [tilespmem:v55+s2+$0x0], $0xffff;
	[tilespmem:s20+$0xFA0] =	vst v38  }
0x143: {  	v61 =	vadd.s32 $0xD, v12;
	v19 =	vld.idx.msk [tilespmem:v56+s2+$0x0], $0xffff;
	[tilespmem:s20+$0x1020] =	vst v39  }
0x144: {  	v62 =	vadd.s32 $0xE, v12;
	v36 =	vld.idx.msk [tilespmem:v57+s2+$0x0], $0xffff;
	[tilespmem:s20+$0x10A0] =	vst v22  }
0x145: {  	v63 =	vadd.s32 $0xF, v12;
	v38 =	vld.idx.msk [tilespmem:v58+s2+$0x0], $0xffff;
	[tilespmem:s20+$0x1120] =	vst v21  }
0x146: {  	v40 =	vadd.s32 $0x10, v12;
	v39 =	vld.idx.msk [tilespmem:v59+s2+$0x0], $0xffff;
	[tilespmem:s20+$0x11A0] =	vst v25  }
0x147: {  	v41 =	vadd.s32 $0x11, v12;
	v22 =	vld.idx.msk [tilespmem:v60+s2+$0x0], $0xffff;
	[tilespmem:s20+$0x1220] =	vst v23  }
0x148: {  	v42 =	vadd.s32 $0x12, v12;
	v21 =	vld.idx.msk [tilespmem:v61+s2+$0x0], $0xffff;
	[tilespmem:s20+$0x12A0] =	vst v24  }
0x149: {  	v43 =	vadd.s32 $0x13, v12;
	v25 =	vld.idx.msk [tilespmem:v62+s2+$0x0], $0xffff;
	[tilespmem:s20+$0x1320] =	vst v27  }
0x14a: {  	v44 =	vadd.s32 $0x14, v12;
	v23 =	vld.idx.msk [tilespmem:v63+s2+$0x0], $0xffff;
	[tilespmem:s20+$0x13A0] =	vst v37  }
0x14b: {  	v45 =	vadd.s32 $0x15, v12;
	v24 =	vld.idx.msk [tilespmem:v40+s2+$0x0], $0xffff;
	[tilespmem:s20+$0x1420] =	vst v26  }
0x14c: {  	v46 =	vadd.s32 $0x16, v12;
	v27 =	vld.idx.msk [tilespmem:v41+s2+$0x0], $0xffff;
	[tilespmem:s20+$0x14A0] =	vst v28  }
0x14d: {  	v11 =	vmul.u32 $0x18, v11;
	v12 =	vadd.s32 $0x17, v12;
	v37 =	vld.idx.msk [tilespmem:v42+s2+$0x0], $0xffff;
	[tilespmem:s20+$0x1520] =	vst v18  }
0x14e: {  	v26 =	vld.idx.msk [tilespmem:v43+s2+$0x0], $0xffff;
	[tilespmem:s20+$0x15A0] =	vst v29  }
0x14f: {  	v47 =	vor.u32 $0x1, v11;
	v28 =	vld.idx.msk [tilespmem:v44+s2+$0x0], $0xffff;
	[tilespmem:s20+$0x1620] =	vst v30  }
0x150: {  	v48 =	vor.u32 $0x2, v11;
	v18 =	vld.idx.msk [tilespmem:v45+s2+$0x0], $0xffff;
	[tilespmem:s20+$0x16A0] =	vst v17  }
0x151: {  	v50 =	vor.u32 $0x3, v11;
	v17 =	vld.idx.msk [tilespmem:v46+s2+$0x0], $0xffff;
	[tilespmem:s20+$0x1720] =	vst v16  }
0x152: {  	v51 =	vor.u32 $0x4, v11;
	v12 =	vld.idx.msk [tilespmem:v12+s2+$0x0], $0xffff;
	[tilespmem:s20+$0x17A0] =	vst v13  }
0x153: {  	v52 =	vor.u32 $0x5, v11;
	v49 =	vld.idx.msk [tilespmem:v11+s2+$0x0], $0xffff;
	[tilespmem:s20+$0xC30] =	vst v33  }
0x154: {  	v53 =	vor.u32 $0x6, v11;
	v16 =	vld.idx.msk [tilespmem:v47+s2+$0x0], $0xffff;
	[tilespmem:s20+$0xCB0] =	vst v31  }
0x155: {  	v54 =	vor.u32 $0x7, v11;
	v13 =	vld.idx.msk [tilespmem:v48+s2+$0x0], $0xffff;
	[tilespmem:s20+$0xD30] =	vst v32  }
0x156: {  	v55 =	vadd.s32 $0x8, v11;
	v30 =	vld.idx.msk [tilespmem:v50+s2+$0x0], $0xffff;
	[tilespmem:s20+$0xDB0] =	vst v34  }
0x157: {  	v56 =	vadd.s32 $0x9, v11;
	v31 =	vld.idx.msk [tilespmem:v51+s2+$0x0], $0xffff;
	[tilespmem:s20+$0xE30] =	vst v14  }
0x158: {  	v57 =	vadd.s32 $0xA, v11;
	v32 =	vld.idx.msk [tilespmem:v52+s2+$0x0], $0xffff;
	[tilespmem:s20+$0xEB0] =	vst v20  }
0x159: {  	v58 =	vadd.s32 $0xB, v11;
	v33 =	vld.idx.msk [tilespmem:v53+s2+$0x0], $0xffff;
	[tilespmem:s20+$0xF30] =	vst v35  }
0x15a: {  	v59 =	vadd.s32 $0xC, v11;
	v14 =	vld.idx.msk [tilespmem:v54+s2+$0x0], $0xffff;
	[tilespmem:s20+$0xFB0] =	vst v15  }
0x15b: {  	v60 =	vadd.s32 $0xD, v11;
	v20 =	vld.idx.msk [tilespmem:v55+s2+$0x0], $0xffff;
	[tilespmem:s20+$0x1030] =	vst v19  }
0x15c: {  	v61 =	vadd.s32 $0xE, v11;
	v34 =	vld.idx.msk [tilespmem:v56+s2+$0x0], $0xffff;
	[tilespmem:s20+$0x10B0] =	vst v36  }
0x15d: {  	v62 =	vadd.s32 $0xF, v11;
	v15 =	vld.idx.msk [tilespmem:v57+s2+$0x0], $0xffff;
	[tilespmem:s20+$0x1130] =	vst v38  }
0x15e: {  	v63 =	vadd.s32 $0x10, v11;
	v19 =	vld.idx.msk [tilespmem:v58+s2+$0x0], $0xffff;
	[tilespmem:s20+$0x11B0] =	vst v39  }
0x15f: {  	v39 =	vadd.s32 $0x11, v11;
	v35 =	vld.idx.msk [tilespmem:v59+s2+$0x0], $0xffff;
	[tilespmem:s20+$0x1230] =	vst v22  }
0x160: {  	v40 =	vadd.s32 $0x12, v11;
	v36 =	vld.idx.msk [tilespmem:v60+s2+$0x0], $0xffff;
	[tilespmem:s20+$0x12B0] =	vst v21  }
0x161: {  	v41 =	vadd.s32 $0x13, v11;
	v38 =	vld.idx.msk [tilespmem:v61+s2+$0x0], $0xffff;
	[tilespmem:s20+$0x1330] =	vst v25  }
0x162: {  	v42 =	vadd.s32 $0x14, v11;
	v22 =	vld.idx.msk [tilespmem:v62+s2+$0x0], $0xffff;
	[tilespmem:s20+$0x13B0] =	vst v23  }
0x163: {  	v43 =	vadd.s32 $0x15, v11;
	v21 =	vld.idx.msk [tilespmem:v63+s2+$0x0], $0xffff;
	[tilespmem:s20+$0x1430] =	vst v24  }
0x164: {  	v44 =	vadd.s32 $0x16, v11;
	v25 =	vld.idx.msk [tilespmem:v39+s2+$0x0], $0xffff;
	[tilespmem:s20+$0x14B0] =	vst v27  }
0x165: {  	v10 =	vmul.u32 $0x18, v10;
	v11 =	vadd.s32 $0x17, v11;
	v23 =	vld.idx.msk [tilespmem:v40+s2+$0x0], $0xffff;
	[tilespmem:s20+$0x1530] =	vst v37  }
0x166: {  	v24 =	vld.idx.msk [tilespmem:v41+s2+$0x0], $0xffff;
	[tilespmem:s20+$0x15B0] =	vst v26  }
0x167: {  	v27 =	vld.idx.msk [tilespmem:v42+s2+$0x0], $0xffff;
	[tilespmem:s20+$0x1630] =	vst v28  }
0x168: {  	v45 =	vor.u32 $0x1, v10;
	v28 =	vld.idx.msk [tilespmem:v43+s2+$0x0], $0xffff;
	[tilespmem:s20+$0x16B0] =	vst v18  }
0x169: {  	v46 =	vor.u32 $0x2, v10;
	v18 =	vld.idx.msk [tilespmem:v44+s2+$0x0], $0xffff;
	[tilespmem:s20+$0x1730] =	vst v17  }
0x16a: {  	v48 =	vor.u32 $0x3, v10;
	v11 =	vld.idx.msk [tilespmem:v11+s2+$0x0], $0xffff;
	[tilespmem:s20+$0x17B0] =	vst v12  }
0x16b: {  	v47 =	vld.idx.msk [tilespmem:v10+s2+$0x0], $0xffff;
	[tilespmem:s20+$0xC40] =	vst v49;
	v49 =	vor.u32 $0x4, v10  }
0x16c: {  	v50 =	vor.u32 $0x5, v10  }
0x16d: {  	v51 =	vor.u32 $0x6, v10;
	v17 =	vld.idx.msk [tilespmem:v45+s2+$0x0], $0xffff;
	[tilespmem:s20+$0xCC0] =	vst v16  }
0x16e: {  	v52 =	vor.u32 $0x7, v10;
	v12 =	vld.idx.msk [tilespmem:v46+s2+$0x0], $0xffff;
	[tilespmem:s20+$0xD40] =	vst v13  }
0x16f: {  	v53 =	vadd.s32 $0x8, v10;
	v29 =	vld.idx.msk [tilespmem:v48+s2+$0x0], $0xffff;
	[tilespmem:s20+$0xDC0] =	vst v30  }
0x170: {  	v54 =	vadd.s32 $0x9, v10;
	v16 =	vld.idx.msk [tilespmem:v49+s2+$0x0], $0xffff;
	[tilespmem:s20+$0xE40] =	vst v31  }
0x171: {  	v55 =	vadd.s32 $0xA, v10;
	v13 =	vld.idx.msk [tilespmem:v50+s2+$0x0], $0xffff;
	[tilespmem:s20+$0xEC0] =	vst v32  }
0x172: {  	v56 =	vadd.s32 $0xB, v10;
	v30 =	vld.idx.msk [tilespmem:v51+s2+$0x0], $0xffff;
	[tilespmem:s20+$0xF40] =	vst v33  }
0x173: {  	v57 =	vadd.s32 $0xC, v10;
	v31 =	vld.idx.msk [tilespmem:v52+s2+$0x0], $0xffff;
	[tilespmem:s20+$0xFC0] =	vst v14  }
0x174: {  	v58 =	vadd.s32 $0xD, v10;
	v32 =	vld.idx.msk [tilespmem:v53+s2+$0x0], $0xffff;
	[tilespmem:s20+$0x1040] =	vst v20  }
0x175: {  	v59 =	vadd.s32 $0xE, v10;
	v33 =	vld.idx.msk [tilespmem:v54+s2+$0x0], $0xffff;
	[tilespmem:s20+$0x10C0] =	vst v34  }
0x176: {  	v60 =	vadd.s32 $0xF, v10;
	v14 =	vld.idx.msk [tilespmem:v55+s2+$0x0], $0xffff;
	[tilespmem:s20+$0x1140] =	vst v15  }
0x177: {  	v61 =	vadd.s32 $0x10, v10;
	v20 =	vld.idx.msk [tilespmem:v56+s2+$0x0], $0xffff;
	[tilespmem:s20+$0x11C0] =	vst v19  }
0x178: {  	v62 =	vadd.s32 $0x11, v10;
	v34 =	vld.idx.msk [tilespmem:v57+s2+$0x0], $0xffff;
	[tilespmem:s20+$0x1240] =	vst v35  }
0x179: {  	v63 =	vadd.s32 $0x12, v10;
	v15 =	vld.idx.msk [tilespmem:v58+s2+$0x0], $0xffff;
	[tilespmem:s20+$0x12C0] =	vst v36  }
0x17a: {  	v40 =	vadd.s32 $0x13, v10;
	v19 =	vld.idx.msk [tilespmem:v59+s2+$0x0], $0xffff;
	[tilespmem:s20+$0x1340] =	vst v38  }
0x17b: {  	v41 =	vadd.s32 $0x14, v10;
	v35 =	vld.idx.msk [tilespmem:v60+s2+$0x0], $0xffff;
	[tilespmem:s20+$0x13C0] =	vst v22  }
0x17c: {  	v42 =	vadd.s32 $0x15, v10;
	v36 =	vld.idx.msk [tilespmem:v61+s2+$0x0], $0xffff;
	[tilespmem:s20+$0x1440] =	vst v21  }
0x17d: {  	v43 =	vadd.s32 $0x16, v10;
	v37 =	vld.idx.msk [tilespmem:v62+s2+$0x0], $0xffff;
	[tilespmem:s20+$0x14C0] =	vst v25  }
0x17e: {  	v9 =	vmul.u32 $0x18, v9;
	v10 =	vadd.s32 $0x17, v10;
	v22 =	vld.idx.msk [tilespmem:v63+s2+$0x0], $0xffff;
	[tilespmem:s20+$0x1540] =	vst v23  }
0x17f: {  	v21 =	vld.idx.msk [tilespmem:v40+s2+$0x0], $0xffff;
	[tilespmem:s20+$0x15C0] =	vst v24  }
0x180: {  	v25 =	vld.idx.msk [tilespmem:v41+s2+$0x0], $0xffff;
	[tilespmem:s20+$0x1640] =	vst v27  }
0x181: {  	v44 =	vor.u32 $0x1, v9;
	v23 =	vld.idx.msk [tilespmem:v42+s2+$0x0], $0xffff;
	[tilespmem:s20+$0x16C0] =	vst v28  }
0x182: {  	v45 =	vor.u32 $0x2, v9;
	v24 =	vld.idx.msk [tilespmem:v43+s2+$0x0], $0xffff;
	[tilespmem:s20+$0x1740] =	vst v18  }
0x183: {  	v46 =	vor.u32 $0x3, v9;
	v10 =	vld.idx.msk [tilespmem:v10+s2+$0x0], $0xffff;
	[tilespmem:s20+$0x17C0] =	vst v11  }
0x184: {  	v27 =	vld.idx.msk [tilespmem:v9+s2+$0x0], $0xffff;
	[tilespmem:s20+$0xC50] =	vst v47;
	v47 =	vor.u32 $0x4, v9  }
0x185: {  	v48 =	vor.u32 $0x5, v9  }
0x186: {  	v49 =	vor.u32 $0x6, v9;
	v18 =	vld.idx.msk [tilespmem:v44+s2+$0x0], $0xffff;
	[tilespmem:s20+$0xCD0] =	vst v17  }
0x187: {  	v50 =	vor.u32 $0x7, v9;
	v11 =	vld.idx.msk [tilespmem:v45+s2+$0x0], $0xffff;
	[tilespmem:s20+$0xD50] =	vst v12  }
0x188: {  	v51 =	vadd.s32 $0x8, v9;
	v26 =	vld.idx.msk [tilespmem:v46+s2+$0x0], $0xffff;
	[tilespmem:s20+$0xDD0] =	vst v29  }
0x189: {  	v52 =	vadd.s32 $0x9, v9;
	v17 =	vld.idx.msk [tilespmem:v47+s2+$0x0], $0xffff;
	[tilespmem:s20+$0xE50] =	vst v16  }
0x18a: {  	v53 =	vadd.s32 $0xA, v9;
	v12 =	vld.idx.msk [tilespmem:v48+s2+$0x0], $0xffff;
	[tilespmem:s20+$0xED0] =	vst v13  }
0x18b: {  	v54 =	vadd.s32 $0xB, v9;
	v28 =	vld.idx.msk [tilespmem:v49+s2+$0x0], $0xffff;
	[tilespmem:s20+$0xF50] =	vst v30  }
0x18c: {  	v55 =	vadd.s32 $0xC, v9;
	v16 =	vld.idx.msk [tilespmem:v50+s2+$0x0], $0xffff;
	[tilespmem:s20+$0xFD0] =	vst v31  }
0x18d: {  	v56 =	vadd.s32 $0xD, v9;
	v13 =	vld.idx.msk [tilespmem:v51+s2+$0x0], $0xffff;
	[tilespmem:s20+$0x1050] =	vst v32  }
0x18e: {  	v57 =	vadd.s32 $0xE, v9;
	v29 =	vld.idx.msk [tilespmem:v52+s2+$0x0], $0xffff;
	[tilespmem:s20+$0x10D0] =	vst v33  }
0x18f: {  	v58 =	vadd.s32 $0xF, v9;
	v30 =	vld.idx.msk [tilespmem:v53+s2+$0x0], $0xffff;
	[tilespmem:s20+$0x1150] =	vst v14  }
0x190: {  	v59 =	vadd.s32 $0x10, v9;
	v31 =	vld.idx.msk [tilespmem:v54+s2+$0x0], $0xffff;
	[tilespmem:s20+$0x11D0] =	vst v20  }
0x191: {  	v60 =	vadd.s32 $0x11, v9;
	v32 =	vld.idx.msk [tilespmem:v55+s2+$0x0], $0xffff;
	[tilespmem:s20+$0x1250] =	vst v34  }
0x192: {  	v61 =	vadd.s32 $0x12, v9;
	v14 =	vld.idx.msk [tilespmem:v56+s2+$0x0], $0xffff;
	[tilespmem:s20+$0x12D0] =	vst v15  }
0x193: {  	v62 =	vadd.s32 $0x13, v9;
	v20 =	vld.idx.msk [tilespmem:v57+s2+$0x0], $0xffff;
	[tilespmem:s20+$0x1350] =	vst v19  }
0x194: {  	v63 =	vadd.s32 $0x14, v9;
	v33 =	vld.idx.msk [tilespmem:v58+s2+$0x0], $0xffff;
	[tilespmem:s20+$0x13D0] =	vst v35  }
0x195: {  	v40 =	vadd.s32 $0x15, v9;
	v15 =	vld.idx.msk [tilespmem:v59+s2+$0x0], $0xffff;
	[tilespmem:s20+$0x1450] =	vst v36  }
0x196: {  	v41 =	vadd.s32 $0x16, v9;
	v19 =	vld.idx.msk [tilespmem:v60+s2+$0x0], $0xffff;
	[tilespmem:s20+$0x14D0] =	vst v37  }
0x197: {  	v8 =	vmul.u32 $0x18, v8;
	v9 =	vadd.s32 $0x17, v9;
	v34 =	vld.idx.msk [tilespmem:v61+s2+$0x0], $0xffff;
	[tilespmem:s20+$0x1550] =	vst v22  }
0x198: {  	v35 =	vld.idx.msk [tilespmem:v62+s2+$0x0], $0xffff;
	[tilespmem:s20+$0x15D0] =	vst v21  }
0x199: {  	v42 =	vor.u32 $0x1, v8;
	v36 =	vld.idx.msk [tilespmem:v63+s2+$0x0], $0xffff;
	[tilespmem:s20+$0x1650] =	vst v25  }
0x19a: {  	v43 =	vor.u32 $0x2, v8;
	v22 =	vld.idx.msk [tilespmem:v40+s2+$0x0], $0xffff;
	[tilespmem:s20+$0x16D0] =	vst v23  }
0x19b: {  	v44 =	vor.u32 $0x3, v8;
	v21 =	vld.idx.msk [tilespmem:v41+s2+$0x0], $0xffff;
	[tilespmem:s20+$0x1750] =	vst v24  }
0x19c: {  	v45 =	vor.u32 $0x4, v8;
	v9 =	vld.idx.msk [tilespmem:v9+s2+$0x0], $0xffff;
	[tilespmem:s20+$0x17D0] =	vst v10  }
0x19d: {  	v46 =	vor.u32 $0x5, v8;
	v24 =	vld.idx.msk [tilespmem:v8+s2+$0x0], $0xffff;
	[tilespmem:s20+$0xC60] =	vst v27  }
0x19e: {  	v47 =	vor.u32 $0x6, v8;
	v23 =	vld.idx.msk [tilespmem:v42+s2+$0x0], $0xffff;
	[tilespmem:s20+$0xCE0] =	vst v18  }
0x19f: {  	v48 =	vor.u32 $0x7, v8;
	v10 =	vld.idx.msk [tilespmem:v43+s2+$0x0], $0xffff;
	[tilespmem:s20+$0xD60] =	vst v11  }
0x1a0: {  	v49 =	vadd.s32 $0x8, v8;
	v25 =	vld.idx.msk [tilespmem:v44+s2+$0x0], $0xffff;
	[tilespmem:s20+$0xDE0] =	vst v26  }
0x1a1: {  	v50 =	vadd.s32 $0x9, v8;
	v18 =	vld.idx.msk [tilespmem:v45+s2+$0x0], $0xffff;
	[tilespmem:s20+$0xE60] =	vst v17  }
0x1a2: {  	v51 =	vadd.s32 $0xA, v8;
	v11 =	vld.idx.msk [tilespmem:v46+s2+$0x0], $0xffff;
	[tilespmem:s20+$0xEE0] =	vst v12  }
0x1a3: {  	v52 =	vadd.s32 $0xB, v8;
	v26 =	vld.idx.msk [tilespmem:v47+s2+$0x0], $0xffff;
	[tilespmem:s20+$0xF60] =	vst v28  }
0x1a4: {  	v53 =	vadd.s32 $0xC, v8;
	v17 =	vld.idx.msk [tilespmem:v48+s2+$0x0], $0xffff;
	[tilespmem:s20+$0xFE0] =	vst v16  }
0x1a5: {  	v54 =	vadd.s32 $0xD, v8;
	v12 =	vld.idx.msk [tilespmem:v49+s2+$0x0], $0xffff;
	[tilespmem:s20+$0x1060] =	vst v13  }
0x1a6: {  	v55 =	vadd.s32 $0xE, v8;
	v27 =	vld.idx.msk [tilespmem:v50+s2+$0x0], $0xffff;
	[tilespmem:s20+$0x10E0] =	vst v29  }
0x1a7: {  	v56 =	vadd.s32 $0xF, v8;
	v16 =	vld.idx.msk [tilespmem:v51+s2+$0x0], $0xffff;
	[tilespmem:s20+$0x1160] =	vst v30  }
0x1a8: {  	v57 =	vadd.s32 $0x10, v8;
	v13 =	vld.idx.msk [tilespmem:v52+s2+$0x0], $0xffff;
	[tilespmem:s20+$0x11E0] =	vst v31  }
0x1a9: {  	v58 =	vadd.s32 $0x11, v8;
	v28 =	vld.idx.msk [tilespmem:v53+s2+$0x0], $0xffff;
	[tilespmem:s20+$0x1260] =	vst v32  }
0x1aa: {  	v59 =	vadd.s32 $0x12, v8;
	v29 =	vld.idx.msk [tilespmem:v54+s2+$0x0], $0xffff;
	[tilespmem:s20+$0x12E0] =	vst v14  }
0x1ab: {  	v60 =	vadd.s32 $0x13, v8;
	v30 =	vld.idx.msk [tilespmem:v55+s2+$0x0], $0xffff;
	[tilespmem:s20+$0x1360] =	vst v20  }
0x1ac: {  	v61 =	vadd.s32 $0x14, v8;
	v31 =	vld.idx.msk [tilespmem:v56+s2+$0x0], $0xffff;
	[tilespmem:s20+$0x13E0] =	vst v33  }
0x1ad: {  	v62 =	vadd.s32 $0x15, v8;
	v14 =	vld.idx.msk [tilespmem:v57+s2+$0x0], $0xffff;
	[tilespmem:s20+$0x1460] =	vst v15  }
0x1ae: {  	v63 =	vadd.s32 $0x16, v8;
	v20 =	vld.idx.msk [tilespmem:v58+s2+$0x0], $0xffff;
	[tilespmem:s20+$0x14E0] =	vst v19  }
0x1af: {  	v8 =	vadd.s32 $0x17, v8;
	v32 =	vld.idx.msk [tilespmem:v59+s2+$0x0], $0xffff;
	[tilespmem:s20+$0x1560] =	vst v34  }
0x1b0: {  	v15 =	vld.idx.msk [tilespmem:v60+s2+$0x0], $0xffff;
	[tilespmem:s20+$0x15E0] =	vst v35  }
0x1b1: {  	v19 =	vld.idx.msk [tilespmem:v61+s2+$0x0], $0xffff;
	[tilespmem:s20+$0x1660] =	vst v36  }
0x1b2: {  	v33 =	vld.idx.msk [tilespmem:v62+s2+$0x0], $0xffff;
	[tilespmem:s20+$0x16E0] =	vst v22  }
0x1b3: {  	v22 =	vld.idx.msk [tilespmem:v63+s2+$0x0], $0xffff;
	[tilespmem:s20+$0x1760] =	vst v21  }
0x1b4: {  	v8 =	vld.idx.msk [tilespmem:v8+s2+$0x0], $0xffff;
	[tilespmem:s20+$0x17E0] =	vst v9  }
0x1b5: {  	[tilespmem:s20+$0xC70] =	vst v24  }
0x1b6: {  	[tilespmem:s20+$0xCF0] =	vst v23  }
0x1b7: {  	[tilespmem:s20+$0xD70] =	vst v10  }
0x1b8: {  	[tilespmem:s20+$0xDF0] =	vst v25  }
0x1b9: {  	[tilespmem:s20+$0xE70] =	vst v18  }
0x1ba: {  	[tilespmem:s20+$0xEF0] =	vst v11  }
0x1bb: {  	[tilespmem:s20+$0xF70] =	vst v26  }
0x1bc: {  	[tilespmem:s20+$0xFF0] =	vst v17  }
0x1bd: {  	[tilespmem:s20+$0x1070] =	vst v12  }
0x1be: {  	[tilespmem:s20+$0x10F0] =	vst v27  }
0x1bf: {  	[tilespmem:s20+$0x1170] =	vst v16  }
0x1c0: {  	[tilespmem:s20+$0x11F0] =	vst v13  }
0x1c1: {  	[tilespmem:s20+$0x1270] =	vst v28  }
0x1c2: {  	[tilespmem:s20+$0x12F0] =	vst v29  }
0x1c3: {  	[tilespmem:s20+$0x1370] =	vst v30  }
0x1c4: {  	[tilespmem:s20+$0x13F0] =	vst v31  }
0x1c5: {  	[tilespmem:s20+$0x1470] =	vst v14  }
0x1c6: {  	[tilespmem:s20+$0x14F0] =	vst v20  }
0x1c7: {  	[tilespmem:s20+$0x1570] =	vst v32  }
0x1c8: {  	[tilespmem:s20+$0x15F0] =	vst v15  }
0x1c9: {  	[tilespmem:s20+$0x1670] =	vst v19  }
0x1ca: {  	p0 =	sne.s32 s18, $0x6;
	[tilespmem:s20+$0x16F0] =	vst v33  }
0x1cb: {  	s17 =	sadd.s32 $0x1, s17;
	s18 =	sshrl.u32 @!p0 s16, $0x3;
	[tilespmem:s20+$0x1770] =	vst v22  }
0x1cc: {  	s18 =	sadd.s32 @!p0 s1, s18;
	s21 =	simm.s32 @!p0 $0x20000;
	[tilespmem:s20+$0x17F0] =	vst v8;
	s20 =	simm.s32 @!p0 $0x400  }
0x1cd: {  	[hbm4b:s18+s20] =	stream.strided.scatter @!p0 [tilespmem:s19], [sflag:$0x1], $0x6000, s21, s20, $0x38;
	[tilespmem:$0x12640] =	vst v63  }
0x1ce: {  	p0 =	sne.s32 s17, $0x64  }
.Ltmp0:
0x1cf: {  	_ = 	snop;
	(pc) =	sbr.rel @p0 .LBB2_3-.Ltmp0, $2  }
0x1d0: {  	_ =	sdelay $0x2  }
0x1d1: {  	s15 =	sadd.s32 $0x2, s15;
	s16 =	sadd.s32 $0xC0000, s16  }
0x1d2: {  	s14 =	sadd.s32 $0x1, s14  }
0x1d3: {  	_ =	swait.ge [sflag:s11], $0x6000;
	p0 =	sne.s32 s14, $0x4  }
.Ltmp1:
0x1d4: {  	[sflag:s11] =	ssyncset.done $0x0;
	(pc) =	sbr.rel @p0 .LBB2_2-.Ltmp1, $4  }
0x1d5: {  	[sflag:s11] =	ssyncadd.s32 $0xFFFFA000  }
0x1d6: {  	_ =	swait.ge [sflag:s11], $0x6000  }
0x1d7: {  	[sflag:s11] =	ssyncset.done $0x0  }
0x1d8: {  	s13 =	sadd.s32 $0x400, s13;
	[sflag:s11] =	ssyncadd.s32 $0xFFFFA000  }
0x1d9: {  	s12 =	sadd.s32 $0x1, s12  }
0x1da: {  	p0 =	sne.s32 s12, s7  }
.Ltmp2:
0x1db: {  	_ = 	snop;
	(pc) =	sbr.rel @p0 .LBB2_1-.Ltmp2, $1  }
0x1dc: {  	_ =	sdelay $0x3  }
0x1dd: {  	_ =	sfence.sel $0x180000  }
0x1de: {  	[bflag:$0x0] =	sbarrier.arrive $0xFFFF  }
0x1df: {  	p0 =	sne.s32 s3, $0x0;
	_ =	strace $0x90000047  }
0x1e0: {  	s0 =	sadd.s32 @!p0 $0x100000, s0;
	[bflag:$0x2] =	sbarrier.arrive $0xFFFF  }
0x1e1: {  	[sflag:s0] =	ssyncadd.tile.s32 @!p0 $0x1;
	_ =	shalt  }
.Lfunc_end2:
_tile_overlayer_lowered:
.L_overlay_start_2:
0x1e2: {  	(tag) =	ssettag $0x2  }
0x1e3: {  	s0 =	rddreg [dreg:$0x0];
	s2 =	stileid.u32  }
0x1e4: {  	s1 =	rddreg [dreg:$0x1];
	p0 =	sne.s32 s2, $0x0  }
0x1e5: {  	s3 =	rddreg [dreg:$0x2];
	[bflag:$0x3] =	sbarrier.arrive $0xFFFF;
	s2 =	simm.s32 @!p0 $0x1C02  }
0x1e6: {  	[timem:s3], [sflag:s2] =	dma.local @!p0 [hbm:s0], s1  }
0x1e7: {  	s0 =	simm.s32 @!p0 $0x2  }
0x1e8: {  	_ =	swait.ge @!p0 [sflag:s0], s1  }
0x1e9: {  	s1 =	ssub.s32 @!p0 $0x0, s1;
	[sflag:s0] =	ssyncset.done @!p0 $0x0  }
0x1ea: {  	[sflag:s0] =	ssyncadd.s32 @!p0 s1  }
0x1eb: {  	[bflag:$0x3] =	sbarrier.arrive $0xFFFF  }
0x1ec: {  	_ =	shalt  }

</sc_bundles>
